<compile_context>
chip_gen: v7x
topology: tpu7x:2x2x1
jax: 0.10.2.dev20260603
libtpu: 0.0.44.dev20260713+nightly
codegen_flags: <defaults>
</compile_context>

<pallas_src>
import dataclasses

import jax
import jax.numpy as jnp
from jax import lax
from jax.experimental import pallas as pl
from jax.experimental.pallas import tpu as pltpu
from jax.experimental.pallas import tpu_sc as plsc

_INV_CELL = 64.0
_C = 1536
_L = 16
_UNROLL = 2
_NMAIN = 999936
_NTAIL = 64


def _emit_group(pos_vmem, sf_vmem, gf_vmem, s):
    px = pos_vmem[0, s]
    py = pos_vmem[1, s]
    pz = pos_vmem[2, s]

    rx = px * _INV_CELL
    ry = py * _INV_CELL
    rz = pz * _INV_CELL
    fx = rx - rx.astype(jnp.int32).astype(jnp.float32)
    fy = ry - ry.astype(jnp.int32).astype(jnp.float32)
    fz = rz - rz.astype(jnp.int32).astype(jnp.float32)
    ox = 1.0 - fx
    oy = 1.0 - fy
    oz = 1.0 - fz
    dxp = jnp.sign(fx) * _INV_CELL
    dyp = jnp.sign(fy) * _INV_CELL
    dzp = jnp.sign(fz) * _INV_CELL

    bx = (ox, fx)
    by = (oy, fy)
    bz = (oz, fz)
    dbx = (-dxp, dxp)
    dby = (-dyp, dyp)
    dbz = (-dzp, dzp)

    bxy = {(i, j): bx[i] * by[j] for i in (0, 1) for j in (0, 1)}
    bxz = {(i, k): bx[i] * bz[k] for i in (0, 1) for k in (0, 1)}
    byz = {(j, k): by[j] * bz[k] for j in (0, 1) for k in (0, 1)}

    for w in range(8):
        i, j, k = (w >> 2) & 1, (w >> 1) & 1, w & 1
        sf_vmem[w, s] = bxy[(i, j)] * bz[k]
        gf_vmem[w, s] = dbx[i] * byz[(j, k)]
        gf_vmem[8 + w, s] = dby[j] * bxz[(i, k)]
        gf_vmem[16 + w, s] = dbz[k] * bxy[(i, j)]


def _block_body(pos_vmem, sf_vmem, gf_vmem):
    @pl.loop(0, _C, step=_L * _UNROLL)
    def _(g):
        for u in range(_UNROLL):
            _emit_group(pos_vmem, sf_vmem, gf_vmem, pl.ds(g + u * _L, _L))


def kernel(position_stack):
    n = position_stack.shape[0]
    assert n == _NMAIN + _NTAIL
    mesh = plsc.VectorSubcoreMesh(core_axis_name="core", subcore_axis_name="subcore")
    cp = pltpu.CompilerParams()
    if "needs_layout_passes" in pltpu.CompilerParams.__dataclass_fields__:
        cp = dataclasses.replace(cp, needs_layout_passes=False)

    @pl.kernel(
        out_type=[
            jax.ShapeDtypeStruct((8, n), jnp.float32),
            jax.ShapeDtypeStruct((24, n), jnp.float32),
        ],
        mesh=mesh,
        compiler_params=cp,
        scratch_types=[
            pltpu.VMEM((3, _NTAIL), jnp.float32),
            pltpu.VMEM((8, _NTAIL), jnp.float32),
            pltpu.VMEM((24, _NTAIL), jnp.float32),
        ],
    )
    def run(pos_hbm, sf_hbm, gf_hbm, tp_v, ts_v, tg_v):
        pltpu.emit_pipeline(
            _block_body,
            grid=(_NMAIN // _C,),
            in_specs=[pl.BlockSpec((3, _C), lambda i: (0, i))],
            out_specs=[
                pl.BlockSpec((8, _C), lambda i: (0, i)),
                pl.BlockSpec((24, _C), lambda i: (0, i)),
            ],
            core_axis_name=("core", "subcore"),
            dimension_semantics=(pltpu.PARALLEL,),
        )(pos_hbm, sf_hbm, gf_hbm)

        wid = lax.axis_index("subcore") * 2 + lax.axis_index("core")

        @pl.when(wid == 0)
        def _():
            pltpu.sync_copy(pos_hbm.at[:, pl.ds(_NMAIN, _NTAIL)], tp_v)

            @pl.loop(0, _NTAIL, step=_L)
            def _(g):
                _emit_group(tp_v, ts_v, tg_v, pl.ds(g, _L))

            pltpu.sync_copy(ts_v, sf_hbm.at[:, pl.ds(_NMAIN, _NTAIL)])
            pltpu.sync_copy(tg_v, gf_hbm.at[:, pl.ds(_NMAIN, _NTAIL)])

    sf, gf = run(position_stack.T)
    return sf.T, gf.reshape(3, 8, n).transpose(2, 1, 0)

# --- scband reference (transcript-rebuilt; emitter-appended) ---
"""Pipeline reference for scband-linear-shape-function-68779606278320 (READ-ONLY COPY).

The authoritative reference and input builder live on the scoring server;
editing this copy changes nothing except your own understanding.
"""

import jax, jax.numpy as jnp
import numpy as np

DIM = 3
WINDOW_SIZE = 8
NUM_POINTS = 1000000
ORIGIN = jnp.array([0.0, 0.0, 0.0], dtype=jnp.float32)
INV_CELL_SIZE = 64.0

# window offsets: the 2^3 = 8 neighbor grid nodes of the particle's base cell
_OFFSETS = jnp.array([[i, j, k] for i in (0, 1) for j in (0, 1) for k in (0, 1)], dtype=jnp.float32)


def setup_inputs(seed: int = 0) -> dict:
    key = jax.random.key(seed)
    position_stack = jax.random.uniform(key, (NUM_POINTS, DIM), dtype=jnp.float32)
    return {"position_stack": position_stack}


def reference(position_stack):
    # rel_pos in grid-index units
    rel_pos = (position_stack - ORIGIN) * INV_CELL_SIZE            # [N, 3]
    base = jnp.floor(rel_pos)                                       # [N, 3]
    grid_pos = base[:, None, :] + _OFFSETS[None, :, :]              # [N, W, 3]
    dist = rel_pos[:, None, :] - grid_pos                           # [N, W, 3]
    abs_dist = jnp.abs(dist)
    basis = jnp.where(abs_dist < 1.0, 1.0 - abs_dist, 0.0)          # [N, W, 3]
    dbasis = jnp.where(abs_dist < 1.0, -jnp.sign(dist) * INV_CELL_SIZE, 0.0)
    # shape function value: product of 1D basis over dims
    shapef_stack = jnp.prod(basis, axis=-1)                         # [N, W]
    # gradient (dim == 3 branch of the original code)
    gx = dbasis[..., 0] * basis[..., 1] * basis[..., 2]
    gy = dbasis[..., 1] * basis[..., 0] * basis[..., 2]
    gz = dbasis[..., 2] * basis[..., 0] * basis[..., 1]
    shapef_grad_stack = jnp.stack([gx, gy, gz], axis=-1)            # [N, W, 3]
    # original writes each (p_id, w_id) entry into zero-initialized carries via
    # .at[w_id].set(...); dense vectorized computation above is equivalent.
    return shapef_stack, shapef_grad_stack

if __name__ == "__main__":
    import jax
    _d = setup_inputs()
    print(jax.jit(kernel)(*tuple(_d.values())))

</pallas_src>

<mosaic_0001>
#map = affine_map<(d0, d1) -> (0, 0)>
module attributes {stable_mosaic.version = 14 : i64} {
  func.func @run(%arg0: i32, %arg1: i32, %arg2: memref<3x1000000xf32, #tpu.memory_space<hbm>>, %arg3: memref<8x1000000xf32, #tpu.memory_space<hbm>>, %arg4: memref<24x1000000xf32, #tpu.memory_space<hbm>>, %arg5: memref<3x64xf32, #tpu.memory_space<vmem>>, %arg6: memref<8x64xf32, #tpu.memory_space<vmem>>, %arg7: memref<24x64xf32, #tpu.memory_space<vmem>>) attributes {dimension_semantics = [#tpu.dimension_semantics<core_parallel>, #tpu.dimension_semantics<subcore_parallel>], iteration_bounds = array<i64: 2, 16>, scalar_prefetch = 0 : i64, scratch_operands = 3 : i64, tpu.core_type = #tpu.core_type<sc_vector_subcore>, window_params = [{transform_indices = #map}, {transform_indices = #map}, {transform_indices = #map}]} {
    %mul3A = arith.constant 1 : i32
    %mul3A_0 = arith.muli %arg1, %mul3A : i32
    %add3A = arith.constant 0 : i32
    %add3A_1 = arith.addi %add3A, %mul3A_0 : i32
    %mul3A_2 = arith.constant 16 : i32
    %mul3A_3 = arith.muli %arg0, %mul3A_2 : i32
    %add3A_4 = arith.addi %add3A_1, %mul3A_3 : i32
    %lt3A = arith.constant 11 : i32
    %lt3A_5 = arith.cmpi slt, %add3A_4, %lt3A : i32
    %jit3A = arith.constant 21 : i32
    %jit3A_6 = arith.constant 20 : i32
    %select_n3A = arith.select %lt3A_5, %jit3A, %jit3A_6 : i32
    %lt3A_7 = arith.constant 11 : i32
    %lt3A_8 = arith.cmpi slt, %add3A_4, %lt3A_7 : i32
    %mul3A_9 = arith.muli %add3A_4, %select_n3A : i32
    %mul3A_10 = arith.constant 20 : i32
    %mul3A_11 = arith.muli %add3A_4, %mul3A_10 : i32
    %add3A_12 = arith.constant 11 : i32
    %add3A_13 = arith.addi %mul3A_11, %add3A_12 : i32
    %select_n3A_14 = arith.select %lt3A_8, %mul3A_9, %add3A_13 : i32
    %mul3A_15 = arith.constant 1 : i32
    %mul3A_16 = arith.muli %mul3A_15, %select_n3A : i32
    "tpu.region"() ({
      %run_scoped3A = memref.alloca() : memref<2x3x1536xf32, #tpu.memory_space<vmem>>
      %run_scoped3A_22 = tpu.sem_alloc : memref<2x!tpu.dma_semaphore, #tpu.memory_space<semaphore_mem>>
      %run_scoped3A_23 = memref.alloca() : memref<2x8x1536xf32, #tpu.memory_space<vmem>>
      %run_scoped3A_24 = tpu.sem_alloc : memref<2x!tpu.dma_semaphore, #tpu.memory_space<semaphore_mem>>
      %run_scoped3A_25 = memref.alloca() : memref<2x24x1536xf32, #tpu.memory_space<vmem>>
      %run_scoped3A_26 = tpu.sem_alloc : memref<2x!tpu.dma_semaphore, #tpu.memory_space<semaphore_mem>>
      %gt3A = arith.constant 0 : i32
      %gt3A_27 = arith.cmpi sgt, %mul3A_16, %gt3A : i32
      %convert_element_type3A_28 = arith.extui %gt3A_27 : i1 to i32
      %cond3A_29 = arith.constant 0 : i32
      %cond3A_30 = arith.cmpi ne, %convert_element_type3A_28, %cond3A_29 : i32
      scf.if %cond3A_30 {
        %mul3A_31 = arith.constant 1 : i32
        %mul3A_32 = arith.muli %mul3A_31, %select_n3A : i32
        %sub3A = arith.constant 1 : i32
        %sub3A_33 = arith.subi %mul3A_32, %sub3A : i32
        %eq3A_34 = arith.constant 0 : i32
        %eq3A_35 = arith.cmpi eq, %sub3A_33, %eq3A_34 : i32
        %add3A_36 = arith.constant 0 : i32
        %add3A_37 = arith.addi %add3A_36, %select_n3A_14 : i32
        %select_n3A_38 = arith.constant true
        %select_n3A_39 = arith.constant 0 : i32
        %select_n3A_40 = arith.constant -1 : i32
        %select_n3A_41 = arith.select %select_n3A_38, %select_n3A_40, %select_n3A_39 : i32
        %eq3A_42 = arith.constant -1 : i32
        %eq3A_43 = arith.cmpi eq, %select_n3A_41, %eq3A_42 : i32
        %sub3A_44 = arith.constant 1 : i32
        %sub3A_45 = arith.subi %select_n3A, %sub3A_44 : i32
        %select_n3A_46 = arith.select %eq3A_43, %sub3A_45, %select_n3A_41 : i32
        %add3A_47 = arith.addi %select_n3A_46, %select_n3A_14 : i32
        %select_n3A_48 = arith.constant true
        %select_n3A_49 = arith.constant 0 : i32
        %select_n3A_50 = arith.constant 1 : i32
        %select_n3A_51 = arith.select %select_n3A_48, %select_n3A_50, %select_n3A_49 : i32
        %eq3A_52 = arith.cmpi eq, %select_n3A_51, %select_n3A : i32
        %select_n3A_53 = arith.constant 0 : i32
        %select_n3A_54 = arith.select %eq3A_52, %select_n3A_53, %select_n3A_51 : i32
        %add3A_55 = arith.addi %select_n3A_54, %select_n3A_14 : i32
        %add3A_56 = arith.constant 1 : i32
        %add3A_57 = arith.addi %select_n3A_54, %add3A_56 : i32
        %select_n3A_58 = arith.constant true
        %select_n3A_59 = arith.select %select_n3A_58, %add3A_57, %select_n3A_54 : i32
        %eq3A_60 = arith.cmpi eq, %select_n3A_59, %select_n3A : i32
        %select_n3A_61 = arith.constant 0 : i32
        %select_n3A_62 = arith.select %eq3A_60, %select_n3A_61, %select_n3A_59 : i32
        %add3A_63 = arith.addi %select_n3A_62, %select_n3A_14 : i32
        "tpu.trace_start"() <{level = 10 : i32, message = "ep_initialize_0"}> : () -> ()
        %rem3A = arith.constant 0 : i32
        %rem3A_64 = arith.constant 2 : i32
        %rem3A_65 = arith.remui %rem3A, %rem3A_64 : i32
        %mul3A_66 = arith.constant 1536 : i32
        %mul3A_67 = arith.muli %mul3A_66, %add3A_37 : i32
        %eq3A_68 = arith.constant 651 : i32
        %eq3A_69 = arith.cmpi eq, %add3A_37, %eq3A_68 : i32
        %jit3A_70 = arith.constant 128 : i32
        %jit3A_71 = arith.constant 1536 : i32
        %select_n3A_72 = arith.select %eq3A_69, %jit3A_70, %jit3A_71 : i32
        %multiple_of3A = tpu.assume_multiple %select_n3A_72, 128 : i32
        %mul3A_73 = arith.constant 1536 : i32
        %mul3A_74 = arith.muli %add3A_37, %mul3A_73 : i32
        %dma_start3A = arith.constant 0 : i32
        %dma_start3A_75 = arith.constant 0 : i32
        %dma_start3A_76 = tpu.memref_slice %run_scoped3A[%rem3A_65, %dma_start3A, %dma_start3A_75] <%multiple_of3A> : memref<2x3x1536xf32, #tpu.memory_space<vmem>> -> memref<1x3x?xf32, #tpu.memory_space<vmem>>
        %dma_start3A_77 = tpu.memref_squeeze %dma_start3A_76 : memref<1x3x?xf32, #tpu.memory_space<vmem>> -> memref<3x?xf32, #tpu.memory_space<vmem>>
        %dma_start3A_78 = arith.constant 0 : i32
        %dma_start3A_79 = tpu.memref_slice %arg2[%dma_start3A_78, %mul3A_74] <%multiple_of3A> : memref<3x1000000xf32, #tpu.memory_space<hbm>> -> memref<3x?xf32, #tpu.memory_space<hbm>>
        %dma_start3A_80 = tpu.memref_slice %run_scoped3A_22[%rem3A_65] : memref<2x!tpu.dma_semaphore, #tpu.memory_space<semaphore_mem>> -> memref<1x!tpu.dma_semaphore, #tpu.memory_space<semaphore_mem>>
        %dma_start3A_81 = tpu.memref_squeeze %dma_start3A_80 : memref<1x!tpu.dma_semaphore, #tpu.memory_space<semaphore_mem>> -> memref<!tpu.dma_semaphore, #tpu.memory_space<semaphore_mem>>
        %dma_start3A_82 = arith.constant 0 : i32
        %dma_start3A_83 = arith.constant 0 : i32
        %dma_start3A_84 = tpu.memref_slice %run_scoped3A[%rem3A_65, %dma_start3A_82, %dma_start3A_83] <%multiple_of3A> : memref<2x3x1536xf32, #tpu.memory_space<vmem>> -> memref<1x3x?xf32, #tpu.memory_space<vmem>>
        %dma_start3A_85 = tpu.memref_squeeze %dma_start3A_84 : memref<1x3x?xf32, #tpu.memory_space<vmem>> -> memref<3x?xf32, #tpu.memory_space<vmem>>
        %dma_start3A_86 = arith.constant 0 : i32
        %dma_start3A_87 = tpu.memref_slice %arg2[%dma_start3A_86, %mul3A_74] <%multiple_of3A> : memref<3x1000000xf32, #tpu.memory_space<hbm>> -> memref<3x?xf32, #tpu.memory_space<hbm>>
        tpu.enqueue_dma source(%dma_start3A_87 : memref<3x?xf32, #tpu.memory_space<hbm>>) target(%dma_start3A_85 : memref<3x?xf32, #tpu.memory_space<vmem>>) target_semaphore(%dma_start3A_81 : memref<!tpu.dma_semaphore, #tpu.memory_space<semaphore_mem>>)
        %add3A_88 = arith.constant 0 : i32
        %add3A_89 = arith.constant 1 : i32
        %add3A_90 = arith.addi %add3A_88, %add3A_89 : i32
        %select_n3A_91 = arith.constant true
        %select_n3A_92 = arith.constant 0 : i32
        %select_n3A_93 = arith.select %select_n3A_91, %add3A_90, %select_n3A_92 : i32
        %while3A = arith.constant 0 : i32
        %while3A_94 = arith.constant 0 : i32
        %while3A_95 = arith.constant 0 : i32
        %while3A_96 = arith.constant 0 : i32
        %while3A_97 = arith.constant 0 : i32
        %while3A_98 = arith.constant 0 : i32
        %while3A_99 = arith.constant 0 : i32
        "tpu.trace_stop"() : () -> ()
        %while3A_100 = arith.subi %mul3A_16, %while3A : i32
        %while3A_101 = arith.addi %while3A, %while3A_100 : i32
        %while3A_102 = arith.constant 1 : i32
        %while3A_103 = arith.divsi %while3A_100, %while3A_102 : i32
        %while3A_104 = arith.muli %while3A_103, %while3A_102 : i32
        %while3A_105 = arith.addi %while3A, %while3A_104 : i32
        %while3A_106 = arith.constant 1 : i32
        %while3A_107:7 = scf.for %while3A_164 = %while3A to %while3A_105 step %while3A_106 iter_args(%while3A_165 = %select_n3A_93, %while3A_166 = %while3A_94, %while3A_167 = %while3A_95, %while3A_168 = %while3A_96, %while3A_169 = %while3A_97, %while3A_170 = %while3A_98, %while3A_171 = %while3A_99) -> (i32, i32, i32, i32, i32, i32, i32)  : i32 {
          %mul3A_172 = arith.constant 1 : i32
          %mul3A_173 = arith.muli %mul3A_172, %select_n3A : i32
          %eq3A_174 = arith.constant 0 : i32
          %eq3A_175 = arith.cmpi eq, %while3A_164, %eq3A_174 : i32
          %sub3A_176 = arith.constant 1 : i32
          %sub3A_177 = arith.subi %mul3A_173, %sub3A_176 : i32
          %eq3A_178 = arith.cmpi eq, %while3A_164, %sub3A_177 : i32
          %add3A_179 = arith.addi %while3A_171, %select_n3A_14 : i32
          %sub3A_180 = arith.constant 1 : i32
          %sub3A_181 = arith.subi %while3A_171, %sub3A_180 : i32
          %select_n3A_182 = arith.constant true
          %select_n3A_183 = arith.select %select_n3A_182, %sub3A_181, %while3A_171 : i32
          %eq3A_184 = arith.constant -1 : i32
          %eq3A_185 = arith.cmpi eq, %select_n3A_183, %eq3A_184 : i32
          %sub3A_186 = arith.constant 1 : i32
          %sub3A_187 = arith.subi %select_n3A, %sub3A_186 : i32
          %select_n3A_188 = arith.select %eq3A_185, %sub3A_187, %select_n3A_183 : i32
          %add3A_189 = arith.addi %select_n3A_188, %select_n3A_14 : i32
          %add3A_190 = arith.constant 1 : i32
          %add3A_191 = arith.addi %while3A_171, %add3A_190 : i32
          %select_n3A_192 = arith.constant true
          %select_n3A_193 = arith.select %select_n3A_192, %add3A_191, %while3A_171 : i32
          %eq3A_194 = arith.cmpi eq, %select_n3A_193, %select_n3A : i32
          %select_n3A_195 = arith.constant 0 : i32
          %select_n3A_196 = arith.select %eq3A_194, %select_n3A_195, %select_n3A_193 : i32
          %add3A_197 = arith.addi %select_n3A_196, %select_n3A_14 : i32
          %add3A_198 = arith.constant 1 : i32
          %add3A_199 = arith.addi %select_n3A_196, %add3A_198 : i32
          %select_n3A_200 = arith.constant true
          %select_n3A_201 = arith.select %select_n3A_200, %add3A_199, %select_n3A_196 : i32
          %eq3A_202 = arith.cmpi eq, %select_n3A_201, %select_n3A : i32
          %select_n3A_203 = arith.constant 0 : i32
          %select_n3A_204 = arith.select %eq3A_202, %select_n3A_203, %select_n3A_201 : i32
          %add3A_205 = arith.addi %select_n3A_204, %select_n3A_14 : i32
          %ne3A = arith.cmpi ne, %add3A_179, %add3A_197 : i32
          %or3A = arith.constant false
          %or3A_206 = arith.ori %or3A, %ne3A : i1
          %sub3A_207 = arith.constant 2 : i32
          %sub3A_208 = arith.subi %mul3A_173, %sub3A_207 : i32
          %add3A_209 = arith.constant 1 : i32
          %add3A_210 = arith.addi %sub3A_208, %add3A_209 : i32
          %ge3A = arith.cmpi sge, %while3A_164, %add3A_210 : i32
          %not3A = arith.constant true
          %not3A_211 = arith.xori %ge3A, %not3A : i1
          %and3A = arith.andi %or3A_206, %not3A_211 : i1
          %convert_element_type3A_212 = arith.extui %and3A : i1 to i32
          %cond3A_213 = arith.constant 0 : i32
          %cond3A_214 = arith.cmpi ne, %convert_element_type3A_212, %cond3A_213 : i32
          scf.if %cond3A_214 {
            "tpu.trace_start"() <{level = 10 : i32, message = "ep_copy_in"}> : () -> ()
            %rem3A_359 = arith.constant 2 : i32
            %rem3A_360 = arith.remui %while3A_165, %rem3A_359 : i32
            %mul3A_361 = arith.constant 1536 : i32
            %mul3A_362 = arith.muli %mul3A_361, %add3A_197 : i32
            %eq3A_363 = arith.constant 651 : i32
            %eq3A_364 = arith.cmpi eq, %add3A_197, %eq3A_363 : i32
            %jit3A_365 = arith.constant 128 : i32
            %jit3A_366 = arith.constant 1536 : i32
            %select_n3A_367 = arith.select %eq3A_364, %jit3A_365, %jit3A_366 : i32
            %multiple_of3A_368 = tpu.assume_multiple %select_n3A_367, 128 : i32
            %mul3A_369 = arith.constant 1536 : i32
            %mul3A_370 = arith.muli %add3A_197, %mul3A_369 : i32
            %dma_start3A_371 = arith.constant 0 : i32
            %dma_start3A_372 = arith.constant 0 : i32
            %dma_start3A_373 = tpu.memref_slice %run_scoped3A[%rem3A_360, %dma_start3A_371, %dma_start3A_372] <%multiple_of3A_368> : memref<2x3x1536xf32, #tpu.memory_space<vmem>> -> memref<1x3x?xf32, #tpu.memory_space<vmem>>
            %dma_start3A_374 = tpu.memref_squeeze %dma_start3A_373 : memref<1x3x?xf32, #tpu.memory_space<vmem>> -> memref<3x?xf32, #tpu.memory_space<vmem>>
            %dma_start3A_375 = arith.constant 0 : i32
            %dma_start3A_376 = tpu.memref_slice %arg2[%dma_start3A_375, %mul3A_370] <%multiple_of3A_368> : memref<3x1000000xf32, #tpu.memory_space<hbm>> -> memref<3x?xf32, #tpu.memory_space<hbm>>
            %dma_start3A_377 = tpu.memref_slice %run_scoped3A_22[%rem3A_360] : memref<2x!tpu.dma_semaphore, #tpu.memory_space<semaphore_mem>> -> memref<1x!tpu.dma_semaphore, #tpu.memory_space<semaphore_mem>>
            %dma_start3A_378 = tpu.memref_squeeze %dma_start3A_377 : memref<1x!tpu.dma_semaphore, #tpu.memory_space<semaphore_mem>> -> memref<!tpu.dma_semaphore, #tpu.memory_space<semaphore_mem>>
            %dma_start3A_379 = arith.constant 0 : i32
            %dma_start3A_380 = arith.constant 0 : i32
            %dma_start3A_381 = tpu.memref_slice %run_scoped3A[%rem3A_360, %dma_start3A_379, %dma_start3A_380] <%multiple_of3A_368> : memref<2x3x1536xf32, #tpu.memory_space<vmem>> -> memref<1x3x?xf32, #tpu.memory_space<vmem>>
            %dma_start3A_382 = tpu.memref_squeeze %dma_start3A_381 : memref<1x3x?xf32, #tpu.memory_space<vmem>> -> memref<3x?xf32, #tpu.memory_space<vmem>>
            %dma_start3A_383 = arith.constant 0 : i32
            %dma_start3A_384 = tpu.memref_slice %arg2[%dma_start3A_383, %mul3A_370] <%multiple_of3A_368> : memref<3x1000000xf32, #tpu.memory_space<hbm>> -> memref<3x?xf32, #tpu.memory_space<hbm>>
            tpu.enqueue_dma source(%dma_start3A_384 : memref<3x?xf32, #tpu.memory_space<hbm>>) target(%dma_start3A_382 : memref<3x?xf32, #tpu.memory_space<vmem>>) target_semaphore(%dma_start3A_378 : memref<!tpu.dma_semaphore, #tpu.memory_space<semaphore_mem>>)
            "tpu.trace_stop"() : () -> ()
          } else {
          }
          %and3A_215 = arith.constant true
          %and3A_216 = arith.andi %and3A, %and3A_215 : i1
          %add3A_217 = arith.constant 1 : i32
          %add3A_218 = arith.addi %while3A_165, %add3A_217 : i32
          %select_n3A_219 = arith.select %and3A_216, %add3A_218, %while3A_165 : i32
          %ne3A_220 = arith.cmpi ne, %add3A_179, %add3A_197 : i32
          %or3A_221 = arith.constant false
          %or3A_222 = arith.ori %or3A_221, %ne3A_220 : i1
          %sub3A_223 = arith.constant 2 : i32
          %sub3A_224 = arith.subi %mul3A_173, %sub3A_223 : i32
          %add3A_225 = arith.constant 1 : i32
          %add3A_226 = arith.addi %sub3A_224, %add3A_225 : i32
          %ge3A_227 = arith.cmpi sge, %while3A_164, %add3A_226 : i32
          %not3A_228 = arith.constant true
          %not3A_229 = arith.xori %ge3A_227, %not3A_228 : i1
          %and3A_230 = arith.andi %or3A_222, %not3A_229 : i1
          %ne3A_231 = arith.cmpi ne, %add3A_179, %add3A_197 : i32
          %or3A_232 = arith.constant false
          %or3A_233 = arith.ori %or3A_232, %ne3A_231 : i1
          %sub3A_234 = arith.constant 2 : i32
          %sub3A_235 = arith.subi %mul3A_173, %sub3A_234 : i32
          %add3A_236 = arith.constant 1 : i32
          %add3A_237 = arith.addi %sub3A_235, %add3A_236 : i32
          %ge3A_238 = arith.cmpi sge, %while3A_164, %add3A_237 : i32
          %not3A_239 = arith.constant true
          %not3A_240 = arith.xori %ge3A_238, %not3A_239 : i1
          %and3A_241 = arith.andi %or3A_233, %not3A_240 : i1
          %ne3A_242 = arith.cmpi ne, %add3A_179, %add3A_189 : i32
          %or3A_243 = arith.constant false
          %or3A_244 = arith.ori %or3A_243, %ne3A_242 : i1
          %or3A_245 = arith.ori %or3A_244, %eq3A_175 : i1
          %convert_element_type3A_246 = arith.extui %or3A_245 : i1 to i32
          %cond3A_247 = arith.constant 0 : i32
          %cond3A_248 = arith.cmpi ne, %convert_element_type3A_246, %cond3A_247 : i32
          scf.if %cond3A_248 {
            "tpu.trace_start"() <{level = 10 : i32, message = "ep_wait_in"}> : () -> ()
            %mul3A_359 = arith.constant 1536 : i32
            %mul3A_360 = arith.muli %mul3A_359, %add3A_179 : i32
            %eq3A_361 = arith.constant 651 : i32
            %eq3A_362 = arith.cmpi eq, %add3A_179, %eq3A_361 : i32
            %jit3A_363 = arith.constant 128 : i32
            %jit3A_364 = arith.constant 1536 : i32
            %select_n3A_365 = arith.select %eq3A_362, %jit3A_363, %jit3A_364 : i32
            %multiple_of3A_366 = tpu.assume_multiple %select_n3A_365, 128 : i32
            %mul3A_367 = arith.constant 1536 : i32
            %mul3A_368 = arith.muli %add3A_179, %mul3A_367 : i32
            %rem3A_369 = arith.constant 2 : i32
            %rem3A_370 = arith.remui %while3A_166, %rem3A_369 : i32
            %dma_wait3A = arith.constant 0 : i32
            %dma_wait3A_371 = arith.constant 0 : i32
            %dma_wait3A_372 = tpu.memref_slice %run_scoped3A[%rem3A_370, %dma_wait3A, %dma_wait3A_371] <%multiple_of3A_366> : memref<2x3x1536xf32, #tpu.memory_space<vmem>> -> memref<1x3x?xf32, #tpu.memory_space<vmem>>
            %dma_wait3A_373 = tpu.memref_squeeze %dma_wait3A_372 : memref<1x3x?xf32, #tpu.memory_space<vmem>> -> memref<3x?xf32, #tpu.memory_space<vmem>>
            %dma_wait3A_374 = arith.constant 0 : i32
            %dma_wait3A_375 = tpu.memref_slice %arg2[%dma_wait3A_374, %mul3A_368] <%multiple_of3A_366> : memref<3x1000000xf32, #tpu.memory_space<hbm>> -> memref<3x?xf32, #tpu.memory_space<hbm>>
            %dma_wait3A_376 = tpu.memref_slice %run_scoped3A_22[%rem3A_370] : memref<2x!tpu.dma_semaphore, #tpu.memory_space<semaphore_mem>> -> memref<1x!tpu.dma_semaphore, #tpu.memory_space<semaphore_mem>>
            %dma_wait3A_377 = tpu.memref_squeeze %dma_wait3A_376 : memref<1x!tpu.dma_semaphore, #tpu.memory_space<semaphore_mem>> -> memref<!tpu.dma_semaphore, #tpu.memory_space<semaphore_mem>>
            %dma_wait3A_378 = arith.constant 0 : i32
            %dma_wait3A_379 = arith.constant 0 : i32
            %dma_wait3A_380 = tpu.memref_slice %run_scoped3A[%rem3A_370, %dma_wait3A_378, %dma_wait3A_379] <%multiple_of3A_366> : memref<2x3x1536xf32, #tpu.memory_space<vmem>> -> memref<1x3x?xf32, #tpu.memory_space<vmem>>
            %dma_wait3A_381 = tpu.memref_squeeze %dma_wait3A_380 : memref<1x3x?xf32, #tpu.memory_space<vmem>> -> memref<3x?xf32, #tpu.memory_space<vmem>>
            %dma_wait3A_382 = arith.constant 0 : i32
            %dma_wait3A_383 = tpu.memref_slice %arg2[%dma_wait3A_382, %mul3A_368] <%multiple_of3A_366> : memref<3x1000000xf32, #tpu.memory_space<hbm>> -> memref<3x?xf32, #tpu.memory_space<hbm>>
            tpu.wait_dma2 semaphore(%dma_wait3A_377 : memref<!tpu.dma_semaphore, #tpu.memory_space<semaphore_mem>>) src(%dma_wait3A_383 : memref<3x?xf32, #tpu.memory_space<hbm>>) dst(%dma_wait3A_381 : memref<3x?xf32, #tpu.memory_space<vmem>>)
            "tpu.trace_stop"() : () -> ()
          } else {
          }
          %ne3A_249 = arith.cmpi ne, %add3A_179, %add3A_189 : i32
          %or3A_250 = arith.constant false
          %or3A_251 = arith.ori %or3A_250, %ne3A_249 : i1
          %or3A_252 = arith.ori %or3A_251, %eq3A_175 : i1
          %convert_element_type3A_253 = arith.extui %or3A_252 : i1 to i32
          %cond3A_254 = arith.constant 0 : i32
          %cond3A_255 = arith.cmpi ne, %convert_element_type3A_253, %cond3A_254 : i32
          scf.if %cond3A_255 {
          } else {
          }
          %ne3A_256 = arith.cmpi ne, %add3A_179, %add3A_189 : i32
          %or3A_257 = arith.constant false
          %or3A_258 = arith.ori %or3A_257, %ne3A_256 : i1
          %or3A_259 = arith.ori %or3A_258, %eq3A_175 : i1
          %convert_element_type3A_260 = arith.extui %or3A_259 : i1 to i32
          %cond3A_261 = arith.constant 0 : i32
          %cond3A_262 = arith.cmpi ne, %convert_element_type3A_260, %cond3A_261 : i32
          scf.if %cond3A_262 {
          } else {
          }
          %rem3A_263 = arith.constant 2 : i32
          %rem3A_264 = arith.remui %while3A_166, %rem3A_263 : i32
          %rem3A_265 = arith.constant 2 : i32
          %rem3A_266 = arith.remui %while3A_167, %rem3A_265 : i32
          %rem3A_267 = arith.constant 2 : i32
          %rem3A_268 = arith.remui %while3A_169, %rem3A_267 : i32
          "tpu.trace_start"() <{level = 10 : i32, message = "ep_run_kernel"}> : () -> ()
          %scan3A = arith.constant 0 : i32
          %scan3A_269 = arith.constant 48 : i32
          %scan3A_270 = arith.addi %scan3A, %scan3A_269 : i32
          %scan3A_271 = arith.constant 1 : i32
          scf.for %scan3A_359 = %scan3A to %scan3A_270 step %scan3A_271  : i32 {
            %mul3A_360 = arith.constant 32 : i32
            %mul3A_361 = arith.muli %scan3A_359, %mul3A_360 : i32
            %add3A_362 = arith.constant 0 : i32
            %add3A_363 = arith.addi %add3A_362, %mul3A_361 : i32
            %add3A_364 = arith.constant 0 : i32
            %add3A_365 = arith.addi %add3A_363, %add3A_364 : i32
            %get3A = arith.constant 0 : i32
            %get3A_366 = arith.constant 0 : i32
            %get3A_367 = arith.constant 0 : i32
            %get3A_368 = tpu.memref_slice %run_scoped3A[%rem3A_264, %get3A_366, %get3A_367] : memref<2x3x1536xf32, #tpu.memory_space<vmem>> -> memref<1x3x1536xf32, #tpu.memory_space<vmem>>
            %get3A_369 = tpu.memref_squeeze %get3A_368 : memref<1x3x1536xf32, #tpu.memory_space<vmem>> -> memref<3x1536xf32, #tpu.memory_space<vmem>>
            %get3A_370 = arith.index_cast %get3A : i32 to index
            %get3A_371 = arith.index_cast %add3A_365 : i32 to index
            %get3A_372 = tpu.vector_load %get3A_369[%get3A_370, %get3A_371] {strides = array<i32>} : memref<3x1536xf32, #tpu.memory_space<vmem>>, vector<16xf32>,
            %get3A_373 = arith.constant 1 : i32
            %get3A_374 = arith.constant 0 : i32
            %get3A_375 = arith.constant 0 : i32
            %get3A_376 = tpu.memref_slice %run_scoped3A[%rem3A_264, %get3A_374, %get3A_375] : memref<2x3x1536xf32, #tpu.memory_space<vmem>> -> memref<1x3x1536xf32, #tpu.memory_space<vmem>>
            %get3A_377 = tpu.memref_squeeze %get3A_376 : memref<1x3x1536xf32, #tpu.memory_space<vmem>> -> memref<3x1536xf32, #tpu.memory_space<vmem>>
            %get3A_378 = arith.index_cast %get3A_373 : i32 to index
            %get3A_379 = arith.index_cast %add3A_365 : i32 to index
            %get3A_380 = tpu.vector_load %get3A_377[%get3A_378, %get3A_379] {strides = array<i32>} : memref<3x1536xf32, #tpu.memory_space<vmem>>, vector<16xf32>,
            %get3A_381 = arith.constant 2 : i32
            %get3A_382 = arith.constant 0 : i32
            %get3A_383 = arith.constant 0 : i32
            %get3A_384 = tpu.memref_slice %run_scoped3A[%rem3A_264, %get3A_382, %get3A_383] : memref<2x3x1536xf32, #tpu.memory_space<vmem>> -> memref<1x3x1536xf32, #tpu.memory_space<vmem>>
            %get3A_385 = tpu.memref_squeeze %get3A_384 : memref<1x3x1536xf32, #tpu.memory_space<vmem>> -> memref<3x1536xf32, #tpu.memory_space<vmem>>
            %get3A_386 = arith.index_cast %get3A_381 : i32 to index
            %get3A_387 = arith.index_cast %add3A_365 : i32 to index
            %get3A_388 = tpu.vector_load %get3A_385[%get3A_386, %get3A_387] {strides = array<i32>} : memref<3x1536xf32, #tpu.memory_space<vmem>>, vector<16xf32>,
            %mul3A_389 = arith.constant 6.400000e+01 : f32
            %mul3A_390 = vector.broadcast %mul3A_389 : f32 to vector<16xf32>
            %mul3A_391 = arith.mulf %get3A_372, %mul3A_390 : vector<16xf32>
            %mul3A_392 = arith.constant 6.400000e+01 : f32
            %mul3A_393 = vector.broadcast %mul3A_392 : f32 to vector<16xf32>
            %mul3A_394 = arith.mulf %get3A_380, %mul3A_393 : vector<16xf32>
            %mul3A_395 = arith.constant 6.400000e+01 : f32
            %mul3A_396 = vector.broadcast %mul3A_395 : f32 to vector<16xf32>
            %mul3A_397 = arith.mulf %get3A_388, %mul3A_396 : vector<16xf32>
            %convert_element_type3A_398 = arith.fptosi %mul3A_391 : vector<16xf32> to vector<16xi32>
            %convert_element_type3A_399 = arith.sitofp %convert_element_type3A_398 : vector<16xi32> to vector<16xf32>
            %sub3A_400 = arith.subf %mul3A_391, %convert_element_type3A_399 : vector<16xf32>
            %convert_element_type3A_401 = arith.fptosi %mul3A_394 : vector<16xf32> to vector<16xi32>
            %convert_element_type3A_402 = arith.sitofp %convert_element_type3A_401 : vector<16xi32> to vector<16xf32>
            %sub3A_403 = arith.subf %mul3A_394, %convert_element_type3A_402 : vector<16xf32>
            %convert_element_type3A_404 = arith.fptosi %mul3A_397 : vector<16xf32> to vector<16xi32>
            %convert_element_type3A_405 = arith.sitofp %convert_element_type3A_404 : vector<16xi32> to vector<16xf32>
            %sub3A_406 = arith.subf %mul3A_397, %convert_element_type3A_405 : vector<16xf32>
            %sub3A_407 = arith.constant 1.000000e+00 : f32
            %sub3A_408 = vector.broadcast %sub3A_407 : f32 to vector<16xf32>
            %sub3A_409 = arith.subf %sub3A_408, %sub3A_400 : vector<16xf32>
            %sub3A_410 = arith.constant 1.000000e+00 : f32
            %sub3A_411 = vector.broadcast %sub3A_410 : f32 to vector<16xf32>
            %sub3A_412 = arith.subf %sub3A_411, %sub3A_403 : vector<16xf32>
            %sub3A_413 = arith.constant 1.000000e+00 : f32
            %sub3A_414 = vector.broadcast %sub3A_413 : f32 to vector<16xf32>
            %sub3A_415 = arith.subf %sub3A_414, %sub3A_406 : vector<16xf32>
            %sign3A = tpu.bitcast %sub3A_400 : vector<16xf32> -> vector<16xi32>
            %sign3A_416 = arith.constant -2147483648 : i32
            %sign3A_417 = vector.broadcast %sign3A_416 : i32 to vector<16xi32>
            %sign3A_418 = arith.andi %sign3A, %sign3A_417 : vector<16xi32>
            %sign3A_419 = arith.constant 1065353216 : i32
            %sign3A_420 = vector.broadcast %sign3A_419 : i32 to vector<16xi32>
            %sign3A_421 = arith.ori %sign3A_420, %sign3A_418 : vector<16xi32>
            %sign3A_422 = tpu.bitcast %sign3A_421 : vector<16xi32> -> vector<16xf32>
            %sign3A_423 = math.absf %sub3A_400 : vector<16xf32>
            %sign3A_424 = arith.constant 0.000000e+00 : f32
            %sign3A_425 = vector.broadcast %sign3A_424 : f32 to vector<16xf32>
            %sign3A_426 = arith.cmpf ogt, %sign3A_423, %sign3A_425 : vector<16xf32>
            %sign3A_427 = arith.select %sign3A_426, %sign3A_422, %sub3A_400 : vector<16xi1>, vector<16xf32>
            %mul3A_428 = arith.constant 6.400000e+01 : f32
            %mul3A_429 = vector.broadcast %mul3A_428 : f32 to vector<16xf32>
            %mul3A_430 = arith.mulf %sign3A_427, %mul3A_429 : vector<16xf32>
            %sign3A_431 = tpu.bitcast %sub3A_403 : vector<16xf32> -> vector<16xi32>
            %sign3A_432 = arith.constant -2147483648 : i32
            %sign3A_433 = vector.broadcast %sign3A_432 : i32 to vector<16xi32>
            %sign3A_434 = arith.andi %sign3A_431, %sign3A_433 : vector<16xi32>
            %sign3A_435 = arith.constant 1065353216 : i32
            %sign3A_436 = vector.broadcast %sign3A_435 : i32 to vector<16xi32>
            %sign3A_437 = arith.ori %sign3A_436, %sign3A_434 : vector<16xi32>
            %sign3A_438 = tpu.bitcast %sign3A_437 : vector<16xi32> -> vector<16xf32>
            %sign3A_439 = math.absf %sub3A_403 : vector<16xf32>
            %sign3A_440 = arith.constant 0.000000e+00 : f32
            %sign3A_441 = vector.broadcast %sign3A_440 : f32 to vector<16xf32>
            %sign3A_442 = arith.cmpf ogt, %sign3A_439, %sign3A_441 : vector<16xf32>
            %sign3A_443 = arith.select %sign3A_442, %sign3A_438, %sub3A_403 : vector<16xi1>, vector<16xf32>
            %mul3A_444 = arith.constant 6.400000e+01 : f32
            %mul3A_445 = vector.broadcast %mul3A_444 : f32 to vector<16xf32>
            %mul3A_446 = arith.mulf %sign3A_443, %mul3A_445 : vector<16xf32>
            %sign3A_447 = tpu.bitcast %sub3A_406 : vector<16xf32> -> vector<16xi32>
            %sign3A_448 = arith.constant -2147483648 : i32
            %sign3A_449 = vector.broadcast %sign3A_448 : i32 to vector<16xi32>
            %sign3A_450 = arith.andi %sign3A_447, %sign3A_449 : vector<16xi32>
            %sign3A_451 = arith.constant 1065353216 : i32
            %sign3A_452 = vector.broadcast %sign3A_451 : i32 to vector<16xi32>
            %sign3A_453 = arith.ori %sign3A_452, %sign3A_450 : vector<16xi32>
            %sign3A_454 = tpu.bitcast %sign3A_453 : vector<16xi32> -> vector<16xf32>
            %sign3A_455 = math.absf %sub3A_406 : vector<16xf32>
            %sign3A_456 = arith.constant 0.000000e+00 : f32
            %sign3A_457 = vector.broadcast %sign3A_456 : f32 to vector<16xf32>
            %sign3A_458 = arith.cmpf ogt, %sign3A_455, %sign3A_457 : vector<16xf32>
            %sign3A_459 = arith.select %sign3A_458, %sign3A_454, %sub3A_406 : vector<16xi1>, vector<16xf32>
            %mul3A_460 = arith.constant 6.400000e+01 : f32
            %mul3A_461 = vector.broadcast %mul3A_460 : f32 to vector<16xf32>
            %mul3A_462 = arith.mulf %sign3A_459, %mul3A_461 : vector<16xf32>
            %neg3A = arith.constant 0.000000e+00 : f32
            %neg3A_463 = vector.broadcast %neg3A : f32 to vector<16xf32>
            %neg3A_464 = arith.subf %neg3A_463, %mul3A_430 : vector<16xf32>
            %neg3A_465 = arith.constant 0.000000e+00 : f32
            %neg3A_466 = vector.broadcast %neg3A_465 : f32 to vector<16xf32>
            %neg3A_467 = arith.subf %neg3A_466, %mul3A_446 : vector<16xf32>
            %neg3A_468 = arith.constant 0.000000e+00 : f32
            %neg3A_469 = vector.broadcast %neg3A_468 : f32 to vector<16xf32>
            %neg3A_470 = arith.subf %neg3A_469, %mul3A_462 : vector<16xf32>
            %mul3A_471 = arith.mulf %sub3A_409, %sub3A_412 : vector<16xf32>
            %mul3A_472 = arith.mulf %sub3A_409, %sub3A_403 : vector<16xf32>
            %mul3A_473 = arith.mulf %sub3A_400, %sub3A_412 : vector<16xf32>
            %mul3A_474 = arith.mulf %sub3A_400, %sub3A_403 : vector<16xf32>
            %mul3A_475 = arith.mulf %sub3A_409, %sub3A_415 : vector<16xf32>
            %mul3A_476 = arith.mulf %sub3A_409, %sub3A_406 : vector<16xf32>
            %mul3A_477 = arith.mulf %sub3A_400, %sub3A_415 : vector<16xf32>
            %mul3A_478 = arith.mulf %sub3A_400, %sub3A_406 : vector<16xf32>
            %mul3A_479 = arith.mulf %sub3A_412, %sub3A_415 : vector<16xf32>
            %mul3A_480 = arith.mulf %sub3A_412, %sub3A_406 : vector<16xf32>
            %mul3A_481 = arith.mulf %sub3A_403, %sub3A_415 : vector<16xf32>
            %mul3A_482 = arith.mulf %sub3A_403, %sub3A_406 : vector<16xf32>
            %mul3A_483 = arith.mulf %mul3A_471, %sub3A_415 : vector<16xf32>
            %swap3A = arith.constant 0 : i32
            %swap3A_484 = arith.constant 0 : i32
            %swap3A_485 = arith.constant 0 : i32
            %swap3A_486 = tpu.memref_slice %run_scoped3A_23[%rem3A_266, %swap3A_484, %swap3A_485] : memref<2x8x1536xf32, #tpu.memory_space<vmem>> -> memref<1x8x1536xf32, #tpu.memory_space<vmem>>
            %swap3A_487 = tpu.memref_squeeze %swap3A_486 : memref<1x8x1536xf32, #tpu.memory_space<vmem>> -> memref<8x1536xf32, #tpu.memory_space<vmem>>
            %swap3A_488 = arith.index_cast %swap3A : i32 to index
            %swap3A_489 = arith.index_cast %add3A_365 : i32 to index
            %swap3A_490 = tpu.vector_load %swap3A_487[%swap3A_488, %swap3A_489] {strides = array<i32>} : memref<8x1536xf32, #tpu.memory_space<vmem>>, vector<16xf32>,
            tpu.vector_store %swap3A_487[%swap3A_488, %swap3A_489], %mul3A_483 {strides = array<i32>} : memref<8x1536xf32, #tpu.memory_space<vmem>>, vector<16xf32>,
            %mul3A_491 = arith.mulf %neg3A_464, %mul3A_479 : vector<16xf32>
            %swap3A_492 = arith.constant 0 : i32
            %swap3A_493 = arith.constant 0 : i32
            %swap3A_494 = arith.constant 0 : i32
            %swap3A_495 = tpu.memref_slice %run_scoped3A_25[%rem3A_268, %swap3A_493, %swap3A_494] : memref<2x24x1536xf32, #tpu.memory_space<vmem>> -> memref<1x24x1536xf32, #tpu.memory_space<vmem>>
            %swap3A_496 = tpu.memref_squeeze %swap3A_495 : memref<1x24x1536xf32, #tpu.memory_space<vmem>> -> memref<24x1536xf32, #tpu.memory_space<vmem>>
            %swap3A_497 = arith.index_cast %swap3A_492 : i32 to index
            %swap3A_498 = arith.index_cast %add3A_365 : i32 to index
            %swap3A_499 = tpu.vector_load %swap3A_496[%swap3A_497, %swap3A_498] {strides = array<i32>} : memref<24x1536xf32, #tpu.memory_space<vmem>>, vector<16xf32>,
            tpu.vector_store %swap3A_496[%swap3A_497, %swap3A_498], %mul3A_491 {strides = array<i32>} : memref<24x1536xf32, #tpu.memory_space<vmem>>, vector<16xf32>,
            %mul3A_500 = arith.mulf %neg3A_467, %mul3A_475 : vector<16xf32>
            %swap3A_501 = arith.constant 8 : i32
            %swap3A_502 = arith.constant 0 : i32
            %swap3A_503 = arith.constant 0 : i32
            %swap3A_504 = tpu.memref_slice %run_scoped3A_25[%rem3A_268, %swap3A_502, %swap3A_503] : memref<2x24x1536xf32, #tpu.memory_space<vmem>> -> memref<1x24x1536xf32, #tpu.memory_space<vmem>>
            %swap3A_505 = tpu.memref_squeeze %swap3A_504 : memref<1x24x1536xf32, #tpu.memory_space<vmem>> -> memref<24x1536xf32, #tpu.memory_space<vmem>>
            %swap3A_506 = arith.index_cast %swap3A_501 : i32 to index
            %swap3A_507 = arith.index_cast %add3A_365 : i32 to index
            %swap3A_508 = tpu.vector_load %swap3A_505[%swap3A_506, %swap3A_507] {strides = array<i32>} : memref<24x1536xf32, #tpu.memory_space<vmem>>, vector<16xf32>,
            tpu.vector_store %swap3A_505[%swap3A_506, %swap3A_507], %mul3A_500 {strides = array<i32>} : memref<24x1536xf32, #tpu.memory_space<vmem>>, vector<16xf32>,
            %mul3A_509 = arith.mulf %neg3A_470, %mul3A_471 : vector<16xf32>
            %swap3A_510 = arith.constant 16 : i32
            %swap3A_511 = arith.constant 0 : i32
            %swap3A_512 = arith.constant 0 : i32
            %swap3A_513 = tpu.memref_slice %run_scoped3A_25[%rem3A_268, %swap3A_511, %swap3A_512] : memref<2x24x1536xf32, #tpu.memory_space<vmem>> -> memref<1x24x1536xf32, #tpu.memory_space<vmem>>
            %swap3A_514 = tpu.memref_squeeze %swap3A_513 : memref<1x24x1536xf32, #tpu.memory_space<vmem>> -> memref<24x1536xf32, #tpu.memory_space<vmem>>
            %swap3A_515 = arith.index_cast %swap3A_510 : i32 to index
            %swap3A_516 = arith.index_cast %add3A_365 : i32 to index
            %swap3A_517 = tpu.vector_load %swap3A_514[%swap3A_515, %swap3A_516] {strides = array<i32>} : memref<24x1536xf32, #tpu.memory_space<vmem>>, vector<16xf32>,
            tpu.vector_store %swap3A_514[%swap3A_515, %swap3A_516], %mul3A_509 {strides = array<i32>} : memref<24x1536xf32, #tpu.memory_space<vmem>>, vector<16xf32>,
            %mul3A_518 = arith.mulf %mul3A_471, %sub3A_406 : vector<16xf32>
            %swap3A_519 = arith.constant 1 : i32
            %swap3A_520 = arith.constant 0 : i32
            %swap3A_521 = arith.constant 0 : i32
            %swap3A_522 = tpu.memref_slice %run_scoped3A_23[%rem3A_266, %swap3A_520, %swap3A_521] : memref<2x8x1536xf32, #tpu.memory_space<vmem>> -> memref<1x8x1536xf32, #tpu.memory_space<vmem>>
            %swap3A_523 = tpu.memref_squeeze %swap3A_522 : memref<1x8x1536xf32, #tpu.memory_space<vmem>> -> memref<8x1536xf32, #tpu.memory_space<vmem>>
            %swap3A_524 = arith.index_cast %swap3A_519 : i32 to index
            %swap3A_525 = arith.index_cast %add3A_365 : i32 to index
            %swap3A_526 = tpu.vector_load %swap3A_523[%swap3A_524, %swap3A_525] {strides = array<i32>} : memref<8x1536xf32, #tpu.memory_space<vmem>>, vector<16xf32>,
            tpu.vector_store %swap3A_523[%swap3A_524, %swap3A_525], %mul3A_518 {strides = array<i32>} : memref<8x1536xf32, #tpu.memory_space<vmem>>, vector<16xf32>,
            %mul3A_527 = arith.mulf %neg3A_464, %mul3A_480 : vector<16xf32>
            %swap3A_528 = arith.constant 1 : i32
            %swap3A_529 = arith.constant 0 : i32
            %swap3A_530 = arith.constant 0 : i32
            %swap3A_531 = tpu.memref_slice %run_scoped3A_25[%rem3A_268, %swap3A_529, %swap3A_530] : memref<2x24x1536xf32, #tpu.memory_space<vmem>> -> memref<1x24x1536xf32, #tpu.memory_space<vmem>>
            %swap3A_532 = tpu.memref_squeeze %swap3A_531 : memref<1x24x1536xf32, #tpu.memory_space<vmem>> -> memref<24x1536xf32, #tpu.memory_space<vmem>>
            %swap3A_533 = arith.index_cast %swap3A_528 : i32 to index
            %swap3A_534 = arith.index_cast %add3A_365 : i32 to index
            %swap3A_535 = tpu.vector_load %swap3A_532[%swap3A_533, %swap3A_534] {strides = array<i32>} : memref<24x1536xf32, #tpu.memory_space<vmem>>, vector<16xf32>,
            tpu.vector_store %swap3A_532[%swap3A_533, %swap3A_534], %mul3A_527 {strides = array<i32>} : memref<24x1536xf32, #tpu.memory_space<vmem>>, vector<16xf32>,
            %mul3A_536 = arith.mulf %neg3A_467, %mul3A_476 : vector<16xf32>
            %swap3A_537 = arith.constant 9 : i32
            %swap3A_538 = arith.constant 0 : i32
            %swap3A_539 = arith.constant 0 : i32
            %swap3A_540 = tpu.memref_slice %run_scoped3A_25[%rem3A_268, %swap3A_538, %swap3A_539] : memref<2x24x1536xf32, #tpu.memory_space<vmem>> -> memref<1x24x1536xf32, #tpu.memory_space<vmem>>
            %swap3A_541 = tpu.memref_squeeze %swap3A_540 : memref<1x24x1536xf32, #tpu.memory_space<vmem>> -> memref<24x1536xf32, #tpu.memory_space<vmem>>
            %swap3A_542 = arith.index_cast %swap3A_537 : i32 to index
            %swap3A_543 = arith.index_cast %add3A_365 : i32 to index
            %swap3A_544 = tpu.vector_load %swap3A_541[%swap3A_542, %swap3A_543] {strides = array<i32>} : memref<24x1536xf32, #tpu.memory_space<vmem>>, vector<16xf32>,
            tpu.vector_store %swap3A_541[%swap3A_542, %swap3A_543], %mul3A_536 {strides = array<i32>} : memref<24x1536xf32, #tpu.memory_space<vmem>>, vector<16xf32>,
            %mul3A_545 = arith.mulf %mul3A_462, %mul3A_471 : vector<16xf32>
            %swap3A_546 = arith.constant 17 : i32
            %swap3A_547 = arith.constant 0 : i32
            %swap3A_548 = arith.constant 0 : i32
            %swap3A_549 = tpu.memref_slice %run_scoped3A_25[%rem3A_268, %swap3A_547, %swap3A_548] : memref<2x24x1536xf32, #tpu.memory_space<vmem>> -> memref<1x24x1536xf32, #tpu.memory_space<vmem>>
            %swap3A_550 = tpu.memref_squeeze %swap3A_549 : memref<1x24x1536xf32, #tpu.memory_space<vmem>> -> memref<24x1536xf32, #tpu.memory_space<vmem>>
            %swap3A_551 = arith.index_cast %swap3A_546 : i32 to index
            %swap3A_552 = arith.index_cast %add3A_365 : i32 to index
            %swap3A_553 = tpu.vector_load %swap3A_550[%swap3A_551, %swap3A_552] {strides = array<i32>} : memref<24x1536xf32, #tpu.memory_space<vmem>>, vector<16xf32>,
            tpu.vector_store %swap3A_550[%swap3A_551, %swap3A_552], %mul3A_545 {strides = array<i32>} : memref<24x1536xf32, #tpu.memory_space<vmem>>, vector<16xf32>,
            %mul3A_554 = arith.mulf %mul3A_472, %sub3A_415 : vector<16xf32>
            %swap3A_555 = arith.constant 2 : i32
            %swap3A_556 = arith.constant 0 : i32
            %swap3A_557 = arith.constant 0 : i32
            %swap3A_558 = tpu.memref_slice %run_scoped3A_23[%rem3A_266, %swap3A_556, %swap3A_557] : memref<2x8x1536xf32, #tpu.memory_space<vmem>> -> memref<1x8x1536xf32, #tpu.memory_space<vmem>>
            %swap3A_559 = tpu.memref_squeeze %swap3A_558 : memref<1x8x1536xf32, #tpu.memory_space<vmem>> -> memref<8x1536xf32, #tpu.memory_space<vmem>>
            %swap3A_560 = arith.index_cast %swap3A_555 : i32 to index
            %swap3A_561 = arith.index_cast %add3A_365 : i32 to index
            %swap3A_562 = tpu.vector_load %swap3A_559[%swap3A_560, %swap3A_561] {strides = array<i32>} : memref<8x1536xf32, #tpu.memory_space<vmem>>, vector<16xf32>,
            tpu.vector_store %swap3A_559[%swap3A_560, %swap3A_561], %mul3A_554 {strides = array<i32>} : memref<8x1536xf32, #tpu.memory_space<vmem>>, vector<16xf32>,
            %mul3A_563 = arith.mulf %neg3A_464, %mul3A_481 : vector<16xf32>
            %swap3A_564 = arith.constant 2 : i32
            %swap3A_565 = arith.constant 0 : i32
            %swap3A_566 = arith.constant 0 : i32
            %swap3A_567 = tpu.memref_slice %run_scoped3A_25[%rem3A_268, %swap3A_565, %swap3A_566] : memref<2x24x1536xf32, #tpu.memory_space<vmem>> -> memref<1x24x1536xf32, #tpu.memory_space<vmem>>
            %swap3A_568 = tpu.memref_squeeze %swap3A_567 : memref<1x24x1536xf32, #tpu.memory_space<vmem>> -> memref<24x1536xf32, #tpu.memory_space<vmem>>
            %swap3A_569 = arith.index_cast %swap3A_564 : i32 to index
            %swap3A_570 = arith.index_cast %add3A_365 : i32 to index
            %swap3A_571 = tpu.vector_load %swap3A_568[%swap3A_569, %swap3A_570] {strides = array<i32>} : memref<24x1536xf32, #tpu.memory_space<vmem>>, vector<16xf32>,
            tpu.vector_store %swap3A_568[%swap3A_569, %swap3A_570], %mul3A_563 {strides = array<i32>} : memref<24x1536xf32, #tpu.memory_space<vmem>>, vector<16xf32>,
            %mul3A_572 = arith.mulf %mul3A_446, %mul3A_475 : vector<16xf32>
            %swap3A_573 = arith.constant 10 : i32
            %swap3A_574 = arith.constant 0 : i32
            %swap3A_575 = arith.constant 0 : i32
            %swap3A_576 = tpu.memref_slice %run_scoped3A_25[%rem3A_268, %swap3A_574, %swap3A_575] : memref<2x24x1536xf32, #tpu.memory_space<vmem>> -> memref<1x24x1536xf32, #tpu.memory_space<vmem>>
            %swap3A_577 = tpu.memref_squeeze %swap3A_576 : memref<1x24x1536xf32, #tpu.memory_space<vmem>> -> memref<24x1536xf32, #tpu.memory_space<vmem>>
            %swap3A_578 = arith.index_cast %swap3A_573 : i32 to index
            %swap3A_579 = arith.index_cast %add3A_365 : i32 to index
            %swap3A_580 = tpu.vector_load %swap3A_577[%swap3A_578, %swap3A_579] {strides = array<i32>} : memref<24x1536xf32, #tpu.memory_space<vmem>>, vector<16xf32>,
            tpu.vector_store %swap3A_577[%swap3A_578, %swap3A_579], %mul3A_572 {strides = array<i32>} : memref<24x1536xf32, #tpu.memory_space<vmem>>, vector<16xf32>,
            %mul3A_581 = arith.mulf %neg3A_470, %mul3A_472 : vector<16xf32>
            %swap3A_582 = arith.constant 18 : i32
            %swap3A_583 = arith.constant 0 : i32
            %swap3A_584 = arith.constant 0 : i32
            %swap3A_585 = tpu.memref_slice %run_scoped3A_25[%rem3A_268, %swap3A_583, %swap3A_584] : memref<2x24x1536xf32, #tpu.memory_space<vmem>> -> memref<1x24x1536xf32, #tpu.memory_space<vmem>>
            %swap3A_586 = tpu.memref_squeeze %swap3A_585 : memref<1x24x1536xf32, #tpu.memory_space<vmem>> -> memref<24x1536xf32, #tpu.memory_space<vmem>>
            %swap3A_587 = arith.index_cast %swap3A_582 : i32 to index
            %swap3A_588 = arith.index_cast %add3A_365 : i32 to index
            %swap3A_589 = tpu.vector_load %swap3A_586[%swap3A_587, %swap3A_588] {strides = array<i32>} : memref<24x1536xf32, #tpu.memory_space<vmem>>, vector<16xf32>,
            tpu.vector_store %swap3A_586[%swap3A_587, %swap3A_588], %mul3A_581 {strides = array<i32>} : memref<24x1536xf32, #tpu.memory_space<vmem>>, vector<16xf32>,
            %mul3A_590 = arith.mulf %mul3A_472, %sub3A_406 : vector<16xf32>
            %swap3A_591 = arith.constant 3 : i32
            %swap3A_592 = arith.constant 0 : i32
            %swap3A_593 = arith.constant 0 : i32
            %swap3A_594 = tpu.memref_slice %run_scoped3A_23[%rem3A_266, %swap3A_592, %swap3A_593] : memref<2x8x1536xf32, #tpu.memory_space<vmem>> -> memref<1x8x1536xf32, #tpu.memory_space<vmem>>
            %swap3A_595 = tpu.memref_squeeze %swap3A_594 : memref<1x8x1536xf32, #tpu.memory_space<vmem>> -> memref<8x1536xf32, #tpu.memory_space<vmem>>
            %swap3A_596 = arith.index_cast %swap3A_591 : i32 to index
            %swap3A_597 = arith.index_cast %add3A_365 : i32 to index
            %swap3A_598 = tpu.vector_load %swap3A_595[%swap3A_596, %swap3A_597] {strides = array<i32>} : memref<8x1536xf32, #tpu.memory_space<vmem>>, vector<16xf32>,
            tpu.vector_store %swap3A_595[%swap3A_596, %swap3A_597], %mul3A_590 {strides = array<i32>} : memref<8x1536xf32, #tpu.memory_space<vmem>>, vector<16xf32>,
            %mul3A_599 = arith.mulf %neg3A_464, %mul3A_482 : vector<16xf32>
            %swap3A_600 = arith.constant 3 : i32
            %swap3A_601 = arith.constant 0 : i32
            %swap3A_602 = arith.constant 0 : i32
            %swap3A_603 = tpu.memref_slice %run_scoped3A_25[%rem3A_268, %swap3A_601, %swap3A_602] : memref<2x24x1536xf32, #tpu.memory_space<vmem>> -> memref<1x24x1536xf32, #tpu.memory_space<vmem>>
            %swap3A_604 = tpu.memref_squeeze %swap3A_603 : memref<1x24x1536xf32, #tpu.memory_space<vmem>> -> memref<24x1536xf32, #tpu.memory_space<vmem>>
            %swap3A_605 = arith.index_cast %swap3A_600 : i32 to index
            %swap3A_606 = arith.index_cast %add3A_365 : i32 to index
            %swap3A_607 = tpu.vector_load %swap3A_604[%swap3A_605, %swap3A_606] {strides = array<i32>} : memref<24x1536xf32, #tpu.memory_space<vmem>>, vector<16xf32>,
            tpu.vector_store %swap3A_604[%swap3A_605, %swap3A_606], %mul3A_599 {strides = array<i32>} : memref<24x1536xf32, #tpu.memory_space<vmem>>, vector<16xf32>,
            %mul3A_608 = arith.mulf %mul3A_446, %mul3A_476 : vector<16xf32>
            %swap3A_609 = arith.constant 11 : i32
            %swap3A_610 = arith.constant 0 : i32
            %swap3A_611 = arith.constant 0 : i32
            %swap3A_612 = tpu.memref_slice %run_scoped3A_25[%rem3A_268, %swap3A_610, %swap3A_611] : memref<2x24x1536xf32, #tpu.memory_space<vmem>> -> memref<1x24x1536xf32, #tpu.memory_space<vmem>>
            %swap3A_613 = tpu.memref_squeeze %swap3A_612 : memref<1x24x1536xf32, #tpu.memory_space<vmem>> -> memref<24x1536xf32, #tpu.memory_space<vmem>>
            %swap3A_614 = arith.index_cast %swap3A_609 : i32 to index
            %swap3A_615 = arith.index_cast %add3A_365 : i32 to index
            %swap3A_616 = tpu.vector_load %swap3A_613[%swap3A_614, %swap3A_615] {strides = array<i32>} : memref<24x1536xf32, #tpu.memory_space<vmem>>, vector<16xf32>,
            tpu.vector_store %swap3A_613[%swap3A_614, %swap3A_615], %mul3A_608 {strides = array<i32>} : memref<24x1536xf32, #tpu.memory_space<vmem>>, vector<16xf32>,
            %mul3A_617 = arith.mulf %mul3A_462, %mul3A_472 : vector<16xf32>
            %swap3A_618 = arith.constant 19 : i32
            %swap3A_619 = arith.constant 0 : i32
            %swap3A_620 = arith.constant 0 : i32
            %swap3A_621 = tpu.memref_slice %run_scoped3A_25[%rem3A_268, %swap3A_619, %swap3A_620] : memref<2x24x1536xf32, #tpu.memory_space<vmem>> -> memref<1x24x1536xf32, #tpu.memory_space<vmem>>
            %swap3A_622 = tpu.memref_squeeze %swap3A_621 : memref<1x24x1536xf32, #tpu.memory_space<vmem>> -> memref<24x1536xf32, #tpu.memory_space<vmem>>
            %swap3A_623 = arith.index_cast %swap3A_618 : i32 to index
            %swap3A_624 = arith.index_cast %add3A_365 : i32 to index
            %swap3A_625 = tpu.vector_load %swap3A_622[%swap3A_623, %swap3A_624] {strides = array<i32>} : memref<24x1536xf32, #tpu.memory_space<vmem>>, vector<16xf32>,
            tpu.vector_store %swap3A_622[%swap3A_623, %swap3A_624], %mul3A_617 {strides = array<i32>} : memref<24x1536xf32, #tpu.memory_space<vmem>>, vector<16xf32>,
            %mul3A_626 = arith.mulf %mul3A_473, %sub3A_415 : vector<16xf32>
            %swap3A_627 = arith.constant 4 : i32
            %swap3A_628 = arith.constant 0 : i32
            %swap3A_629 = arith.constant 0 : i32
            %swap3A_630 = tpu.memref_slice %run_scoped3A_23[%rem3A_266, %swap3A_628, %swap3A_629] : memref<2x8x1536xf32, #tpu.memory_space<vmem>> -> memref<1x8x1536xf32, #tpu.memory_space<vmem>>
            %swap3A_631 = tpu.memref_squeeze %swap3A_630 : memref<1x8x1536xf32, #tpu.memory_space<vmem>> -> memref<8x1536xf32, #tpu.memory_space<vmem>>
            %swap3A_632 = arith.index_cast %swap3A_627 : i32 to index
            %swap3A_633 = arith.index_cast %add3A_365 : i32 to index
            %swap3A_634 = tpu.vector_load %swap3A_631[%swap3A_632, %swap3A_633] {strides = array<i32>} : memref<8x1536xf32, #tpu.memory_space<vmem>>, vector<16xf32>,
            tpu.vector_store %swap3A_631[%swap3A_632, %swap3A_633], %mul3A_626 {strides = array<i32>} : memref<8x1536xf32, #tpu.memory_space<vmem>>, vector<16xf32>,
            %mul3A_635 = arith.mulf %mul3A_430, %mul3A_479 : vector<16xf32>
            %swap3A_636 = arith.constant 4 : i32
            %swap3A_637 = arith.constant 0 : i32
            %swap3A_638 = arith.constant 0 : i32
            %swap3A_639 = tpu.memref_slice %run_scoped3A_25[%rem3A_268, %swap3A_637, %swap3A_638] : memref<2x24x1536xf32, #tpu.memory_space<vmem>> -> memref<1x24x1536xf32, #tpu.memory_space<vmem>>
            %swap3A_640 = tpu.memref_squeeze %swap3A_639 : memref<1x24x1536xf32, #tpu.memory_space<vmem>> -> memref<24x1536xf32, #tpu.memory_space<vmem>>
            %swap3A_641 = arith.index_cast %swap3A_636 : i32 to index
            %swap3A_642 = arith.index_cast %add3A_365 : i32 to index
            %swap3A_643 = tpu.vector_load %swap3A_640[%swap3A_641, %swap3A_642] {strides = array<i32>} : memref<24x1536xf32, #tpu.memory_space<vmem>>, vector<16xf32>,
            tpu.vector_store %swap3A_640[%swap3A_641, %swap3A_642], %mul3A_635 {strides = array<i32>} : memref<24x1536xf32, #tpu.memory_space<vmem>>, vector<16xf32>,
            %mul3A_644 = arith.mulf %neg3A_467, %mul3A_477 : vector<16xf32>
            %swap3A_645 = arith.constant 12 : i32
            %swap3A_646 = arith.constant 0 : i32
            %swap3A_647 = arith.constant 0 : i32
            %swap3A_648 = tpu.memref_slice %run_scoped3A_25[%rem3A_268, %swap3A_646, %swap3A_647] : memref<2x24x1536xf32, #tpu.memory_space<vmem>> -> memref<1x24x1536xf32, #tpu.memory_space<vmem>>
            %swap3A_649 = tpu.memref_squeeze %swap3A_648 : memref<1x24x1536xf32, #tpu.memory_space<vmem>> -> memref<24x1536xf32, #tpu.memory_space<vmem>>
            %swap3A_650 = arith.index_cast %swap3A_645 : i32 to index
            %swap3A_651 = arith.index_cast %add3A_365 : i32 to index
            %swap3A_652 = tpu.vector_load %swap3A_649[%swap3A_650, %swap3A_651] {strides = array<i32>} : memref<24x1536xf32, #tpu.memory_space<vmem>>, vector<16xf32>,
            tpu.vector_store %swap3A_649[%swap3A_650, %swap3A_651], %mul3A_644 {strides = array<i32>} : memref<24x1536xf32, #tpu.memory_space<vmem>>, vector<16xf32>,
            %mul3A_653 = arith.mulf %neg3A_470, %mul3A_473 : vector<16xf32>
            %swap3A_654 = arith.constant 20 : i32
            %swap3A_655 = arith.constant 0 : i32
            %swap3A_656 = arith.constant 0 : i32
            %swap3A_657 = tpu.memref_slice %run_scoped3A_25[%rem3A_268, %swap3A_655, %swap3A_656] : memref<2x24x1536xf32, #tpu.memory_space<vmem>> -> memref<1x24x1536xf32, #tpu.memory_space<vmem>>
            %swap3A_658 = tpu.memref_squeeze %swap3A_657 : memref<1x24x1536xf32, #tpu.memory_space<vmem>> -> memref<24x1536xf32, #tpu.memory_space<vmem>>
            %swap3A_659 = arith.index_cast %swap3A_654 : i32 to index
            %swap3A_660 = arith.index_cast %add3A_365 : i32 to index
            %swap3A_661 = tpu.vector_load %swap3A_658[%swap3A_659, %swap3A_660] {strides = array<i32>} : memref<24x1536xf32, #tpu.memory_space<vmem>>, vector<16xf32>,
            tpu.vector_store %swap3A_658[%swap3A_659, %swap3A_660], %mul3A_653 {strides = array<i32>} : memref<24x1536xf32, #tpu.memory_space<vmem>>, vector<16xf32>,
            %mul3A_662 = arith.mulf %mul3A_473, %sub3A_406 : vector<16xf32>
            %swap3A_663 = arith.constant 5 : i32
            %swap3A_664 = arith.constant 0 : i32
            %swap3A_665 = arith.constant 0 : i32
            %swap3A_666 = tpu.memref_slice %run_scoped3A_23[%rem3A_266, %swap3A_664, %swap3A_665] : memref<2x8x1536xf32, #tpu.memory_space<vmem>> -> memref<1x8x1536xf32, #tpu.memory_space<vmem>>
            %swap3A_667 = tpu.memref_squeeze %swap3A_666 : memref<1x8x1536xf32, #tpu.memory_space<vmem>> -> memref<8x1536xf32, #tpu.memory_space<vmem>>
            %swap3A_668 = arith.index_cast %swap3A_663 : i32 to index
            %swap3A_669 = arith.index_cast %add3A_365 : i32 to index
            %swap3A_670 = tpu.vector_load %swap3A_667[%swap3A_668, %swap3A_669] {strides = array<i32>} : memref<8x1536xf32, #tpu.memory_space<vmem>>, vector<16xf32>,
            tpu.vector_store %swap3A_667[%swap3A_668, %swap3A_669], %mul3A_662 {strides = array<i32>} : memref<8x1536xf32, #tpu.memory_space<vmem>>, vector<16xf32>,
            %mul3A_671 = arith.mulf %mul3A_430, %mul3A_480 : vector<16xf32>
            %swap3A_672 = arith.constant 5 : i32
            %swap3A_673 = arith.constant 0 : i32
            %swap3A_674 = arith.constant 0 : i32
            %swap3A_675 = tpu.memref_slice %run_scoped3A_25[%rem3A_268, %swap3A_673, %swap3A_674] : memref<2x24x1536xf32, #tpu.memory_space<vmem>> -> memref<1x24x1536xf32, #tpu.memory_space<vmem>>
            %swap3A_676 = tpu.memref_squeeze %swap3A_675 : memref<1x24x1536xf32, #tpu.memory_space<vmem>> -> memref<24x1536xf32, #tpu.memory_space<vmem>>
            %swap3A_677 = arith.index_cast %swap3A_672 : i32 to index
            %swap3A_678 = arith.index_cast %add3A_365 : i32 to index
            %swap3A_679 = tpu.vector_load %swap3A_676[%swap3A_677, %swap3A_678] {strides = array<i32>} : memref<24x1536xf32, #tpu.memory_space<vmem>>, vector<16xf32>,
            tpu.vector_store %swap3A_676[%swap3A_677, %swap3A_678], %mul3A_671 {strides = array<i32>} : memref<24x1536xf32, #tpu.memory_space<vmem>>, vector<16xf32>,
            %mul3A_680 = arith.mulf %neg3A_467, %mul3A_478 : vector<16xf32>
            %swap3A_681 = arith.constant 13 : i32
            %swap3A_682 = arith.constant 0 : i32
            %swap3A_683 = arith.constant 0 : i32
            %swap3A_684 = tpu.memref_slice %run_scoped3A_25[%rem3A_268, %swap3A_682, %swap3A_683] : memref<2x24x1536xf32, #tpu.memory_space<vmem>> -> memref<1x24x1536xf32, #tpu.memory_space<vmem>>
            %swap3A_685 = tpu.memref_squeeze %swap3A_684 : memref<1x24x1536xf32, #tpu.memory_space<vmem>> -> memref<24x1536xf32, #tpu.memory_space<vmem>>
            %swap3A_686 = arith.index_cast %swap3A_681 : i32 to index
            %swap3A_687 = arith.index_cast %add3A_365 : i32 to index
            %swap3A_688 = tpu.vector_load %swap3A_685[%swap3A_686, %swap3A_687] {strides = array<i32>} : memref<24x1536xf32, #tpu.memory_space<vmem>>, vector<16xf32>,
            tpu.vector_store %swap3A_685[%swap3A_686, %swap3A_687], %mul3A_680 {strides = array<i32>} : memref<24x1536xf32, #tpu.memory_space<vmem>>, vector<16xf32>,
            %mul3A_689 = arith.mulf %mul3A_462, %mul3A_473 : vector<16xf32>
            %swap3A_690 = arith.constant 21 : i32
            %swap3A_691 = arith.constant 0 : i32
            %swap3A_692 = arith.constant 0 : i32
            %swap3A_693 = tpu.memref_slice %run_scoped3A_25[%rem3A_268, %swap3A_691, %swap3A_692] : memref<2x24x1536xf32, #tpu.memory_space<vmem>> -> memref<1x24x1536xf32, #tpu.memory_space<vmem>>
            %swap3A_694 = tpu.memref_squeeze %swap3A_693 : memref<1x24x1536xf32, #tpu.memory_space<vmem>> -> memref<24x1536xf32, #tpu.memory_space<vmem>>
            %swap3A_695 = arith.index_cast %swap3A_690 : i32 to index
            %swap3A_696 = arith.index_cast %add3A_365 : i32 to index
            %swap3A_697 = tpu.vector_load %swap3A_694[%swap3A_695, %swap3A_696] {strides = array<i32>} : memref<24x1536xf32, #tpu.memory_space<vmem>>, vector<16xf32>,
            tpu.vector_store %swap3A_694[%swap3A_695, %swap3A_696], %mul3A_689 {strides = array<i32>} : memref<24x1536xf32, #tpu.memory_space<vmem>>, vector<16xf32>,
            %mul3A_698 = arith.mulf %mul3A_474, %sub3A_415 : vector<16xf32>
            %swap3A_699 = arith.constant 6 : i32
            %swap3A_700 = arith.constant 0 : i32
            %swap3A_701 = arith.constant 0 : i32
            %swap3A_702 = tpu.memref_slice %run_scoped3A_23[%rem3A_266, %swap3A_700, %swap3A_701] : memref<2x8x1536xf32, #tpu.memory_space<vmem>> -> memref<1x8x1536xf32, #tpu.memory_space<vmem>>
            %swap3A_703 = tpu.memref_squeeze %swap3A_702 : memref<1x8x1536xf32, #tpu.memory_space<vmem>> -> memref<8x1536xf32, #tpu.memory_space<vmem>>
            %swap3A_704 = arith.index_cast %swap3A_699 : i32 to index
            %swap3A_705 = arith.index_cast %add3A_365 : i32 to index
            %swap3A_706 = tpu.vector_load %swap3A_703[%swap3A_704, %swap3A_705] {strides = array<i32>} : memref<8x1536xf32, #tpu.memory_space<vmem>>, vector<16xf32>,
            tpu.vector_store %swap3A_703[%swap3A_704, %swap3A_705], %mul3A_698 {strides = array<i32>} : memref<8x1536xf32, #tpu.memory_space<vmem>>, vector<16xf32>,
            %mul3A_707 = arith.mulf %mul3A_430, %mul3A_481 : vector<16xf32>
            %swap3A_708 = arith.constant 6 : i32
            %swap3A_709 = arith.constant 0 : i32
            %swap3A_710 = arith.constant 0 : i32
            %swap3A_711 = tpu.memref_slice %run_scoped3A_25[%rem3A_268, %swap3A_709, %swap3A_710] : memref<2x24x1536xf32, #tpu.memory_space<vmem>> -> memref<1x24x1536xf32, #tpu.memory_space<vmem>>
            %swap3A_712 = tpu.memref_squeeze %swap3A_711 : memref<1x24x1536xf32, #tpu.memory_space<vmem>> -> memref<24x1536xf32, #tpu.memory_space<vmem>>
            %swap3A_713 = arith.index_cast %swap3A_708 : i32 to index
            %swap3A_714 = arith.index_cast %add3A_365 : i32 to index
            %swap3A_715 = tpu.vector_load %swap3A_712[%swap3A_713, %swap3A_714] {strides = array<i32>} : memref<24x1536xf32, #tpu.memory_space<vmem>>, vector<16xf32>,
            tpu.vector_store %swap3A_712[%swap3A_713, %swap3A_714], %mul3A_707 {strides = array<i32>} : memref<24x1536xf32, #tpu.memory_space<vmem>>, vector<16xf32>,
            %mul3A_716 = arith.mulf %mul3A_446, %mul3A_477 : vector<16xf32>
            %swap3A_717 = arith.constant 14 : i32
            %swap3A_718 = arith.constant 0 : i32
            %swap3A_719 = arith.constant 0 : i32
            %swap3A_720 = tpu.memref_slice %run_scoped3A_25[%rem3A_268, %swap3A_718, %swap3A_719] : memref<2x24x1536xf32, #tpu.memory_space<vmem>> -> memref<1x24x1536xf32, #tpu.memory_space<vmem>>
            %swap3A_721 = tpu.memref_squeeze %swap3A_720 : memref<1x24x1536xf32, #tpu.memory_space<vmem>> -> memref<24x1536xf32, #tpu.memory_space<vmem>>
            %swap3A_722 = arith.index_cast %swap3A_717 : i32 to index
            %swap3A_723 = arith.index_cast %add3A_365 : i32 to index
            %swap3A_724 = tpu.vector_load %swap3A_721[%swap3A_722, %swap3A_723] {strides = array<i32>} : memref<24x1536xf32, #tpu.memory_space<vmem>>, vector<16xf32>,
            tpu.vector_store %swap3A_721[%swap3A_722, %swap3A_723], %mul3A_716 {strides = array<i32>} : memref<24x1536xf32, #tpu.memory_space<vmem>>, vector<16xf32>,
            %mul3A_725 = arith.mulf %neg3A_470, %mul3A_474 : vector<16xf32>
            %swap3A_726 = arith.constant 22 : i32
            %swap3A_727 = arith.constant 0 : i32
            %swap3A_728 = arith.constant 0 : i32
            %swap3A_729 = tpu.memref_slice %run_scoped3A_25[%rem3A_268, %swap3A_727, %swap3A_728] : memref<2x24x1536xf32, #tpu.memory_space<vmem>> -> memref<1x24x1536xf32, #tpu.memory_space<vmem>>
            %swap3A_730 = tpu.memref_squeeze %swap3A_729 : memref<1x24x1536xf32, #tpu.memory_space<vmem>> -> memref<24x1536xf32, #tpu.memory_space<vmem>>
            %swap3A_731 = arith.index_cast %swap3A_726 : i32 to index
            %swap3A_732 = arith.index_cast %add3A_365 : i32 to index
            %swap3A_733 = tpu.vector_load %swap3A_730[%swap3A_731, %swap3A_732] {strides = array<i32>} : memref<24x1536xf32, #tpu.memory_space<vmem>>, vector<16xf32>,
            tpu.vector_store %swap3A_730[%swap3A_731, %swap3A_732], %mul3A_725 {strides = array<i32>} : memref<24x1536xf32, #tpu.memory_space<vmem>>, vector<16xf32>,
            %mul3A_734 = arith.mulf %mul3A_474, %sub3A_406 : vector<16xf32>
            %swap3A_735 = arith.constant 7 : i32
            %swap3A_736 = arith.constant 0 : i32
            %swap3A_737 = arith.constant 0 : i32
            %swap3A_738 = tpu.memref_slice %run_scoped3A_23[%rem3A_266, %swap3A_736, %swap3A_737] : memref<2x8x1536xf32, #tpu.memory_space<vmem>> -> memref<1x8x1536xf32, #tpu.memory_space<vmem>>
            %swap3A_739 = tpu.memref_squeeze %swap3A_738 : memref<1x8x1536xf32, #tpu.memory_space<vmem>> -> memref<8x1536xf32, #tpu.memory_space<vmem>>
            %swap3A_740 = arith.index_cast %swap3A_735 : i32 to index
            %swap3A_741 = arith.index_cast %add3A_365 : i32 to index
            %swap3A_742 = tpu.vector_load %swap3A_739[%swap3A_740, %swap3A_741] {strides = array<i32>} : memref<8x1536xf32, #tpu.memory_space<vmem>>, vector<16xf32>,
            tpu.vector_store %swap3A_739[%swap3A_740, %swap3A_741], %mul3A_734 {strides = array<i32>} : memref<8x1536xf32, #tpu.memory_space<vmem>>, vector<16xf32>,
            %mul3A_743 = arith.mulf %mul3A_430, %mul3A_482 : vector<16xf32>
            %swap3A_744 = arith.constant 7 : i32
            %swap3A_745 = arith.constant 0 : i32
            %swap3A_746 = arith.constant 0 : i32
            %swap3A_747 = tpu.memref_slice %run_scoped3A_25[%rem3A_268, %swap3A_745, %swap3A_746] : memref<2x24x1536xf32, #tpu.memory_space<vmem>> -> memref<1x24x1536xf32, #tpu.memory_space<vmem>>
            %swap3A_748 = tpu.memref_squeeze %swap3A_747 : memref<1x24x1536xf32, #tpu.memory_space<vmem>> -> memref<24x1536xf32, #tpu.memory_space<vmem>>
            %swap3A_749 = arith.index_cast %swap3A_744 : i32 to index
            %swap3A_750 = arith.index_cast %add3A_365 : i32 to index
            %swap3A_751 = tpu.vector_load %swap3A_748[%swap3A_749, %swap3A_750] {strides = array<i32>} : memref<24x1536xf32, #tpu.memory_space<vmem>>, vector<16xf32>,
            tpu.vector_store %swap3A_748[%swap3A_749, %swap3A_750], %mul3A_743 {strides = array<i32>} : memref<24x1536xf32, #tpu.memory_space<vmem>>, vector<16xf32>,
            %mul3A_752 = arith.mulf %mul3A_446, %mul3A_478 : vector<16xf32>
            %swap3A_753 = arith.constant 15 : i32
            %swap3A_754 = arith.constant 0 : i32
            %swap3A_755 = arith.constant 0 : i32
            %swap3A_756 = tpu.memref_slice %run_scoped3A_25[%rem3A_268, %swap3A_754, %swap3A_755] : memref<2x24x1536xf32, #tpu.memory_space<vmem>> -> memref<1x24x1536xf32, #tpu.memory_space<vmem>>
            %swap3A_757 = tpu.memref_squeeze %swap3A_756 : memref<1x24x1536xf32, #tpu.memory_space<vmem>> -> memref<24x1536xf32, #tpu.memory_space<vmem>>
            %swap3A_758 = arith.index_cast %swap3A_753 : i32 to index
            %swap3A_759 = arith.index_cast %add3A_365 : i32 to index
            %swap3A_760 = tpu.vector_load %swap3A_757[%swap3A_758, %swap3A_759] {strides = array<i32>} : memref<24x1536xf32, #tpu.memory_space<vmem>>, vector<16xf32>,
            tpu.vector_store %swap3A_757[%swap3A_758, %swap3A_759], %mul3A_752 {strides = array<i32>} : memref<24x1536xf32, #tpu.memory_space<vmem>>, vector<16xf32>,
            %mul3A_761 = arith.mulf %mul3A_462, %mul3A_474 : vector<16xf32>
            %swap3A_762 = arith.constant 23 : i32
            %swap3A_763 = arith.constant 0 : i32
            %swap3A_764 = arith.constant 0 : i32
            %swap3A_765 = tpu.memref_slice %run_scoped3A_25[%rem3A_268, %swap3A_763, %swap3A_764] : memref<2x24x1536xf32, #tpu.memory_space<vmem>> -> memref<1x24x1536xf32, #tpu.memory_space<vmem>>
            %swap3A_766 = tpu.memref_squeeze %swap3A_765 : memref<1x24x1536xf32, #tpu.memory_space<vmem>> -> memref<24x1536xf32, #tpu.memory_space<vmem>>
            %swap3A_767 = arith.index_cast %swap3A_762 : i32 to index
            %swap3A_768 = arith.index_cast %add3A_365 : i32 to index
            %swap3A_769 = tpu.vector_load %swap3A_766[%swap3A_767, %swap3A_768] {strides = array<i32>} : memref<24x1536xf32, #tpu.memory_space<vmem>>, vector<16xf32>,
            tpu.vector_store %swap3A_766[%swap3A_767, %swap3A_768], %mul3A_761 {strides = array<i32>} : memref<24x1536xf32, #tpu.memory_space<vmem>>, vector<16xf32>,
            %add3A_770 = arith.constant 16 : i32
            %add3A_771 = arith.addi %add3A_363, %add3A_770 : i32
            %get3A_772 = arith.constant 0 : i32
            %get3A_773 = arith.constant 0 : i32
            %get3A_774 = arith.constant 0 : i32
            %get3A_775 = tpu.memref_slice %run_scoped3A[%rem3A_264, %get3A_773, %get3A_774] : memref<2x3x1536xf32, #tpu.memory_space<vmem>> -> memref<1x3x1536xf32, #tpu.memory_space<vmem>>
            %get3A_776 = tpu.memref_squeeze %get3A_775 : memref<1x3x1536xf32, #tpu.memory_space<vmem>> -> memref<3x1536xf32, #tpu.memory_space<vmem>>
            %get3A_777 = arith.index_cast %get3A_772 : i32 to index
            %get3A_778 = arith.index_cast %add3A_771 : i32 to index
            %get3A_779 = tpu.vector_load %get3A_776[%get3A_777, %get3A_778] {strides = array<i32>} : memref<3x1536xf32, #tpu.memory_space<vmem>>, vector<16xf32>,
            %get3A_780 = arith.constant 1 : i32
            %get3A_781 = arith.constant 0 : i32
            %get3A_782 = arith.constant 0 : i32
            %get3A_783 = tpu.memref_slice %run_scoped3A[%rem3A_264, %get3A_781, %get3A_782] : memref<2x3x1536xf32, #tpu.memory_space<vmem>> -> memref<1x3x1536xf32, #tpu.memory_space<vmem>>
            %get3A_784 = tpu.memref_squeeze %get3A_783 : memref<1x3x1536xf32, #tpu.memory_space<vmem>> -> memref<3x1536xf32, #tpu.memory_space<vmem>>
            %get3A_785 = arith.index_cast %get3A_780 : i32 to index
            %get3A_786 = arith.index_cast %add3A_771 : i32 to index
            %get3A_787 = tpu.vector_load %get3A_784[%get3A_785, %get3A_786] {strides = array<i32>} : memref<3x1536xf32, #tpu.memory_space<vmem>>, vector<16xf32>,
            %get3A_788 = arith.constant 2 : i32
            %get3A_789 = arith.constant 0 : i32
            %get3A_790 = arith.constant 0 : i32
            %get3A_791 = tpu.memref_slice %run_scoped3A[%rem3A_264, %get3A_789, %get3A_790] : memref<2x3x1536xf32, #tpu.memory_space<vmem>> -> memref<1x3x1536xf32, #tpu.memory_space<vmem>>
            %get3A_792 = tpu.memref_squeeze %get3A_791 : memref<1x3x1536xf32, #tpu.memory_space<vmem>> -> memref<3x1536xf32, #tpu.memory_space<vmem>>
            %get3A_793 = arith.index_cast %get3A_788 : i32 to index
            %get3A_794 = arith.index_cast %add3A_771 : i32 to index
            %get3A_795 = tpu.vector_load %get3A_792[%get3A_793, %get3A_794] {strides = array<i32>} : memref<3x1536xf32, #tpu.memory_space<vmem>>, vector<16xf32>,
            %mul3A_796 = arith.constant 6.400000e+01 : f32
            %mul3A_797 = vector.broadcast %mul3A_796 : f32 to vector<16xf32>
            %mul3A_798 = arith.mulf %get3A_779, %mul3A_797 : vector<16xf32>
            %mul3A_799 = arith.constant 6.400000e+01 : f32
            %mul3A_800 = vector.broadcast %mul3A_799 : f32 to vector<16xf32>
            %mul3A_801 = arith.mulf %get3A_787, %mul3A_800 : vector<16xf32>
            %mul3A_802 = arith.constant 6.400000e+01 : f32
            %mul3A_803 = vector.broadcast %mul3A_802 : f32 to vector<16xf32>
            %mul3A_804 = arith.mulf %get3A_795, %mul3A_803 : vector<16xf32>
            %convert_element_type3A_805 = arith.fptosi %mul3A_798 : vector<16xf32> to vector<16xi32>
            %convert_element_type3A_806 = arith.sitofp %convert_element_type3A_805 : vector<16xi32> to vector<16xf32>
            %sub3A_807 = arith.subf %mul3A_798, %convert_element_type3A_806 : vector<16xf32>
            %convert_element_type3A_808 = arith.fptosi %mul3A_801 : vector<16xf32> to vector<16xi32>
            %convert_element_type3A_809 = arith.sitofp %convert_element_type3A_808 : vector<16xi32> to vector<16xf32>
            %sub3A_810 = arith.subf %mul3A_801, %convert_element_type3A_809 : vector<16xf32>
            %convert_element_type3A_811 = arith.fptosi %mul3A_804 : vector<16xf32> to vector<16xi32>
            %convert_element_type3A_812 = arith.sitofp %convert_element_type3A_811 : vector<16xi32> to vector<16xf32>
            %sub3A_813 = arith.subf %mul3A_804, %convert_element_type3A_812 : vector<16xf32>
            %sub3A_814 = arith.constant 1.000000e+00 : f32
            %sub3A_815 = vector.broadcast %sub3A_814 : f32 to vector<16xf32>
            %sub3A_816 = arith.subf %sub3A_815, %sub3A_807 : vector<16xf32>
            %sub3A_817 = arith.constant 1.000000e+00 : f32
            %sub3A_818 = vector.broadcast %sub3A_817 : f32 to vector<16xf32>
            %sub3A_819 = arith.subf %sub3A_818, %sub3A_810 : vector<16xf32>
            %sub3A_820 = arith.constant 1.000000e+00 : f32
            %sub3A_821 = vector.broadcast %sub3A_820 : f32 to vector<16xf32>
            %sub3A_822 = arith.subf %sub3A_821, %sub3A_813 : vector<16xf32>
            %sign3A_823 = tpu.bitcast %sub3A_807 : vector<16xf32> -> vector<16xi32>
            %sign3A_824 = arith.constant -2147483648 : i32
            %sign3A_825 = vector.broadcast %sign3A_824 : i32 to vector<16xi32>
            %sign3A_826 = arith.andi %sign3A_823, %sign3A_825 : vector<16xi32>
            %sign3A_827 = arith.constant 1065353216 : i32
            %sign3A_828 = vector.broadcast %sign3A_827 : i32 to vector<16xi32>
            %sign3A_829 = arith.ori %sign3A_828, %sign3A_826 : vector<16xi32>
            %sign3A_830 = tpu.bitcast %sign3A_829 : vector<16xi32> -> vector<16xf32>
            %sign3A_831 = math.absf %sub3A_807 : vector<16xf32>
            %sign3A_832 = arith.constant 0.000000e+00 : f32
            %sign3A_833 = vector.broadcast %sign3A_832 : f32 to vector<16xf32>
            %sign3A_834 = arith.cmpf ogt, %sign3A_831, %sign3A_833 : vector<16xf32>
            %sign3A_835 = arith.select %sign3A_834, %sign3A_830, %sub3A_807 : vector<16xi1>, vector<16xf32>
            %mul3A_836 = arith.constant 6.400000e+01 : f32
            %mul3A_837 = vector.broadcast %mul3A_836 : f32 to vector<16xf32>
            %mul3A_838 = arith.mulf %sign3A_835, %mul3A_837 : vector<16xf32>
            %sign3A_839 = tpu.bitcast %sub3A_810 : vector<16xf32> -> vector<16xi32>
            %sign3A_840 = arith.constant -2147483648 : i32
            %sign3A_841 = vector.broadcast %sign3A_840 : i32 to vector<16xi32>
            %sign3A_842 = arith.andi %sign3A_839, %sign3A_841 : vector<16xi32>
            %sign3A_843 = arith.constant 1065353216 : i32
            %sign3A_844 = vector.broadcast %sign3A_843 : i32 to vector<16xi32>
            %sign3A_845 = arith.ori %sign3A_844, %sign3A_842 : vector<16xi32>
            %sign3A_846 = tpu.bitcast %sign3A_845 : vector<16xi32> -> vector<16xf32>
            %sign3A_847 = math.absf %sub3A_810 : vector<16xf32>
            %sign3A_848 = arith.constant 0.000000e+00 : f32
            %sign3A_849 = vector.broadcast %sign3A_848 : f32 to vector<16xf32>
            %sign3A_850 = arith.cmpf ogt, %sign3A_847, %sign3A_849 : vector<16xf32>
            %sign3A_851 = arith.select %sign3A_850, %sign3A_846, %sub3A_810 : vector<16xi1>, vector<16xf32>
            %mul3A_852 = arith.constant 6.400000e+01 : f32
            %mul3A_853 = vector.broadcast %mul3A_852 : f32 to vector<16xf32>
            %mul3A_854 = arith.mulf %sign3A_851, %mul3A_853 : vector<16xf32>
            %sign3A_855 = tpu.bitcast %sub3A_813 : vector<16xf32> -> vector<16xi32>
            %sign3A_856 = arith.constant -2147483648 : i32
            %sign3A_857 = vector.broadcast %sign3A_856 : i32 to vector<16xi32>
            %sign3A_858 = arith.andi %sign3A_855, %sign3A_857 : vector<16xi32>
            %sign3A_859 = arith.constant 1065353216 : i32
            %sign3A_860 = vector.broadcast %sign3A_859 : i32 to vector<16xi32>
            %sign3A_861 = arith.ori %sign3A_860, %sign3A_858 : vector<16xi32>
            %sign3A_862 = tpu.bitcast %sign3A_861 : vector<16xi32> -> vector<16xf32>
            %sign3A_863 = math.absf %sub3A_813 : vector<16xf32>
            %sign3A_864 = arith.constant 0.000000e+00 : f32
            %sign3A_865 = vector.broadcast %sign3A_864 : f32 to vector<16xf32>
            %sign3A_866 = arith.cmpf ogt, %sign3A_863, %sign3A_865 : vector<16xf32>
            %sign3A_867 = arith.select %sign3A_866, %sign3A_862, %sub3A_813 : vector<16xi1>, vector<16xf32>
            %mul3A_868 = arith.constant 6.400000e+01 : f32
            %mul3A_869 = vector.broadcast %mul3A_868 : f32 to vector<16xf32>
            %mul3A_870 = arith.mulf %sign3A_867, %mul3A_869 : vector<16xf32>
            %neg3A_871 = arith.constant 0.000000e+00 : f32
            %neg3A_872 = vector.broadcast %neg3A_871 : f32 to vector<16xf32>
            %neg3A_873 = arith.subf %neg3A_872, %mul3A_838 : vector<16xf32>
            %neg3A_874 = arith.constant 0.000000e+00 : f32
            %neg3A_875 = vector.broadcast %neg3A_874 : f32 to vector<16xf32>
            %neg3A_876 = arith.subf %neg3A_875, %mul3A_854 : vector<16xf32>
            %neg3A_877 = arith.constant 0.000000e+00 : f32
            %neg3A_878 = vector.broadcast %neg3A_877 : f32 to vector<16xf32>
            %neg3A_879 = arith.subf %neg3A_878, %mul3A_870 : vector<16xf32>
            %mul3A_880 = arith.mulf %sub3A_816, %sub3A_819 : vector<16xf32>
            %mul3A_881 = arith.mulf %sub3A_816, %sub3A_810 : vector<16xf32>
            %mul3A_882 = arith.mulf %sub3A_807, %sub3A_819 : vector<16xf32>
            %mul3A_883 = arith.mulf %sub3A_807, %sub3A_810 : vector<16xf32>
            %mul3A_884 = arith.mulf %sub3A_816, %sub3A_822 : vector<16xf32>
            %mul3A_885 = arith.mulf %sub3A_816, %sub3A_813 : vector<16xf32>
            %mul3A_886 = arith.mulf %sub3A_807, %sub3A_822 : vector<16xf32>
            %mul3A_887 = arith.mulf %sub3A_807, %sub3A_813 : vector<16xf32>
            %mul3A_888 = arith.mulf %sub3A_819, %sub3A_822 : vector<16xf32>
            %mul3A_889 = arith.mulf %sub3A_819, %sub3A_813 : vector<16xf32>
            %mul3A_890 = arith.mulf %sub3A_810, %sub3A_822 : vector<16xf32>
            %mul3A_891 = arith.mulf %sub3A_810, %sub3A_813 : vector<16xf32>
            %mul3A_892 = arith.mulf %mul3A_880, %sub3A_822 : vector<16xf32>
            %swap3A_893 = arith.constant 0 : i32
            %swap3A_894 = arith.constant 0 : i32
            %swap3A_895 = arith.constant 0 : i32
            %swap3A_896 = tpu.memref_slice %run_scoped3A_23[%rem3A_266, %swap3A_894, %swap3A_895] : memref<2x8x1536xf32, #tpu.memory_space<vmem>> -> memref<1x8x1536xf32, #tpu.memory_space<vmem>>
            %swap3A_897 = tpu.memref_squeeze %swap3A_896 : memref<1x8x1536xf32, #tpu.memory_space<vmem>> -> memref<8x1536xf32, #tpu.memory_space<vmem>>
            %swap3A_898 = arith.index_cast %swap3A_893 : i32 to index
            %swap3A_899 = arith.index_cast %add3A_771 : i32 to index
            %swap3A_900 = tpu.vector_load %swap3A_897[%swap3A_898, %swap3A_899] {strides = array<i32>} : memref<8x1536xf32, #tpu.memory_space<vmem>>, vector<16xf32>,
            tpu.vector_store %swap3A_897[%swap3A_898, %swap3A_899], %mul3A_892 {strides = array<i32>} : memref<8x1536xf32, #tpu.memory_space<vmem>>, vector<16xf32>,
            %mul3A_901 = arith.mulf %neg3A_873, %mul3A_888 : vector<16xf32>
            %swap3A_902 = arith.constant 0 : i32
            %swap3A_903 = arith.constant 0 : i32
            %swap3A_904 = arith.constant 0 : i32
            %swap3A_905 = tpu.memref_slice %run_scoped3A_25[%rem3A_268, %swap3A_903, %swap3A_904] : memref<2x24x1536xf32, #tpu.memory_space<vmem>> -> memref<1x24x1536xf32, #tpu.memory_space<vmem>>
            %swap3A_906 = tpu.memref_squeeze %swap3A_905 : memref<1x24x1536xf32, #tpu.memory_space<vmem>> -> memref<24x1536xf32, #tpu.memory_space<vmem>>
            %swap3A_907 = arith.index_cast %swap3A_902 : i32 to index
            %swap3A_908 = arith.index_cast %add3A_771 : i32 to index
            %swap3A_909 = tpu.vector_load %swap3A_906[%swap3A_907, %swap3A_908] {strides = array<i32>} : memref<24x1536xf32, #tpu.memory_space<vmem>>, vector<16xf32>,
            tpu.vector_store %swap3A_906[%swap3A_907, %swap3A_908], %mul3A_901 {strides = array<i32>} : memref<24x1536xf32, #tpu.memory_space<vmem>>, vector<16xf32>,
            %mul3A_910 = arith.mulf %neg3A_876, %mul3A_884 : vector<16xf32>
            %swap3A_911 = arith.constant 8 : i32
            %swap3A_912 = arith.constant 0 : i32
            %swap3A_913 = arith.constant 0 : i32
            %swap3A_914 = tpu.memref_slice %run_scoped3A_25[%rem3A_268, %swap3A_912, %swap3A_913] : memref<2x24x1536xf32, #tpu.memory_space<vmem>> -> memref<1x24x1536xf32, #tpu.memory_space<vmem>>
            %swap3A_915 = tpu.memref_squeeze %swap3A_914 : memref<1x24x1536xf32, #tpu.memory_space<vmem>> -> memref<24x1536xf32, #tpu.memory_space<vmem>>
            %swap3A_916 = arith.index_cast %swap3A_911 : i32 to index
            %swap3A_917 = arith.index_cast %add3A_771 : i32 to index
            %swap3A_918 = tpu.vector_load %swap3A_915[%swap3A_916, %swap3A_917] {strides = array<i32>} : memref<24x1536xf32, #tpu.memory_space<vmem>>, vector<16xf32>,
            tpu.vector_store %swap3A_915[%swap3A_916, %swap3A_917], %mul3A_910 {strides = array<i32>} : memref<24x1536xf32, #tpu.memory_space<vmem>>, vector<16xf32>,
            %mul3A_919 = arith.mulf %neg3A_879, %mul3A_880 : vector<16xf32>
            %swap3A_920 = arith.constant 16 : i32
            %swap3A_921 = arith.constant 0 : i32
            %swap3A_922 = arith.constant 0 : i32
            %swap3A_923 = tpu.memref_slice %run_scoped3A_25[%rem3A_268, %swap3A_921, %swap3A_922] : memref<2x24x1536xf32, #tpu.memory_space<vmem>> -> memref<1x24x1536xf32, #tpu.memory_space<vmem>>
            %swap3A_924 = tpu.memref_squeeze %swap3A_923 : memref<1x24x1536xf32, #tpu.memory_space<vmem>> -> memref<24x1536xf32, #tpu.memory_space<vmem>>
            %swap3A_925 = arith.index_cast %swap3A_920 : i32 to index
            %swap3A_926 = arith.index_cast %add3A_771 : i32 to index
            %swap3A_927 = tpu.vector_load %swap3A_924[%swap3A_925, %swap3A_926] {strides = array<i32>} : memref<24x1536xf32, #tpu.memory_space<vmem>>, vector<16xf32>,
            tpu.vector_store %swap3A_924[%swap3A_925, %swap3A_926], %mul3A_919 {strides = array<i32>} : memref<24x1536xf32, #tpu.memory_space<vmem>>, vector<16xf32>,
            %mul3A_928 = arith.mulf %mul3A_880, %sub3A_813 : vector<16xf32>
            %swap3A_929 = arith.constant 1 : i32
            %swap3A_930 = arith.constant 0 : i32
            %swap3A_931 = arith.constant 0 : i32
            %swap3A_932 = tpu.memref_slice %run_scoped3A_23[%rem3A_266, %swap3A_930, %swap3A_931] : memref<2x8x1536xf32, #tpu.memory_space<vmem>> -> memref<1x8x1536xf32, #tpu.memory_space<vmem>>
            %swap3A_933 = tpu.memref_squeeze %swap3A_932 : memref<1x8x1536xf32, #tpu.memory_space<vmem>> -> memref<8x1536xf32, #tpu.memory_space<vmem>>
            %swap3A_934 = arith.index_cast %swap3A_929 : i32 to index
            %swap3A_935 = arith.index_cast %add3A_771 : i32 to index
            %swap3A_936 = tpu.vector_load %swap3A_933[%swap3A_934, %swap3A_935] {strides = array<i32>} : memref<8x1536xf32, #tpu.memory_space<vmem>>, vector<16xf32>,
            tpu.vector_store %swap3A_933[%swap3A_934, %swap3A_935], %mul3A_928 {strides = array<i32>} : memref<8x1536xf32, #tpu.memory_space<vmem>>, vector<16xf32>,
            %mul3A_937 = arith.mulf %neg3A_873, %mul3A_889 : vector<16xf32>
            %swap3A_938 = arith.constant 1 : i32
            %swap3A_939 = arith.constant 0 : i32
            %swap3A_940 = arith.constant 0 : i32
            %swap3A_941 = tpu.memref_slice %run_scoped3A_25[%rem3A_268, %swap3A_939, %swap3A_940] : memref<2x24x1536xf32, #tpu.memory_space<vmem>> -> memref<1x24x1536xf32, #tpu.memory_space<vmem>>
            %swap3A_942 = tpu.memref_squeeze %swap3A_941 : memref<1x24x1536xf32, #tpu.memory_space<vmem>> -> memref<24x1536xf32, #tpu.memory_space<vmem>>
            %swap3A_943 = arith.index_cast %swap3A_938 : i32 to index
            %swap3A_944 = arith.index_cast %add3A_771 : i32 to index
            %swap3A_945 = tpu.vector_load %swap3A_942[%swap3A_943, %swap3A_944] {strides = array<i32>} : memref<24x1536xf32, #tpu.memory_space<vmem>>, vector<16xf32>,
            tpu.vector_store %swap3A_942[%swap3A_943, %swap3A_944], %mul3A_937 {strides = array<i32>} : memref<24x1536xf32, #tpu.memory_space<vmem>>, vector<16xf32>,
            %mul3A_946 = arith.mulf %neg3A_876, %mul3A_885 : vector<16xf32>
            %swap3A_947 = arith.constant 9 : i32
            %swap3A_948 = arith.constant 0 : i32
            %swap3A_949 = arith.constant 0 : i32
            %swap3A_950 = tpu.memref_slice %run_scoped3A_25[%rem3A_268, %swap3A_948, %swap3A_949] : memref<2x24x1536xf32, #tpu.memory_space<vmem>> -> memref<1x24x1536xf32, #tpu.memory_space<vmem>>
            %swap3A_951 = tpu.memref_squeeze %swap3A_950 : memref<1x24x1536xf32, #tpu.memory_space<vmem>> -> memref<24x1536xf32, #tpu.memory_space<vmem>>
            %swap3A_952 = arith.index_cast %swap3A_947 : i32 to index
            %swap3A_953 = arith.index_cast %add3A_771 : i32 to index
            %swap3A_954 = tpu.vector_load %swap3A_951[%swap3A_952, %swap3A_953] {strides = array<i32>} : memref<24x1536xf32, #tpu.memory_space<vmem>>, vector<16xf32>,
            tpu.vector_store %swap3A_951[%swap3A_952, %swap3A_953], %mul3A_946 {strides = array<i32>} : memref<24x1536xf32, #tpu.memory_space<vmem>>, vector<16xf32>,
            %mul3A_955 = arith.mulf %mul3A_870, %mul3A_880 : vector<16xf32>
            %swap3A_956 = arith.constant 17 : i32
            %swap3A_957 = arith.constant 0 : i32
            %swap3A_958 = arith.constant 0 : i32
            %swap3A_959 = tpu.memref_slice %run_scoped3A_25[%rem3A_268, %swap3A_957, %swap3A_958] : memref<2x24x1536xf32, #tpu.memory_space<vmem>> -> memref<1x24x1536xf32, #tpu.memory_space<vmem>>
            %swap3A_960 = tpu.memref_squeeze %swap3A_959 : memref<1x24x1536xf32, #tpu.memory_space<vmem>> -> memref<24x1536xf32, #tpu.memory_space<vmem>>
            %swap3A_961 = arith.index_cast %swap3A_956 : i32 to index
            %swap3A_962 = arith.index_cast %add3A_771 : i32 to index
            %swap3A_963 = tpu.vector_load %swap3A_960[%swap3A_961, %swap3A_962] {strides = array<i32>} : memref<24x1536xf32, #tpu.memory_space<vmem>>, vector<16xf32>,
            tpu.vector_store %swap3A_960[%swap3A_961, %swap3A_962], %mul3A_955 {strides = array<i32>} : memref<24x1536xf32, #tpu.memory_space<vmem>>, vector<16xf32>,
            %mul3A_964 = arith.mulf %mul3A_881, %sub3A_822 : vector<16xf32>
            %swap3A_965 = arith.constant 2 : i32
            %swap3A_966 = arith.constant 0 : i32
            %swap3A_967 = arith.constant 0 : i32
            %swap3A_968 = tpu.memref_slice %run_scoped3A_23[%rem3A_266, %swap3A_966, %swap3A_967] : memref<2x8x1536xf32, #tpu.memory_space<vmem>> -> memref<1x8x1536xf32, #tpu.memory_space<vmem>>
            %swap3A_969 = tpu.memref_squeeze %swap3A_968 : memref<1x8x1536xf32, #tpu.memory_space<vmem>> -> memref<8x1536xf32, #tpu.memory_space<vmem>>
            %swap3A_970 = arith.index_cast %swap3A_965 : i32 to index
            %swap3A_971 = arith.index_cast %add3A_771 : i32 to index
            %swap3A_972 = tpu.vector_load %swap3A_969[%swap3A_970, %swap3A_971] {strides = array<i32>} : memref<8x1536xf32, #tpu.memory_space<vmem>>, vector<16xf32>,
            tpu.vector_store %swap3A_969[%swap3A_970, %swap3A_971], %mul3A_964 {strides = array<i32>} : memref<8x1536xf32, #tpu.memory_space<vmem>>, vector<16xf32>,
            %mul3A_973 = arith.mulf %neg3A_873, %mul3A_890 : vector<16xf32>
            %swap3A_974 = arith.constant 2 : i32
            %swap3A_975 = arith.constant 0 : i32
            %swap3A_976 = arith.constant 0 : i32
            %swap3A_977 = tpu.memref_slice %run_scoped3A_25[%rem3A_268, %swap3A_975, %swap3A_976] : memref<2x24x1536xf32, #tpu.memory_space<vmem>> -> memref<1x24x1536xf32, #tpu.memory_space<vmem>>
            %swap3A_978 = tpu.memref_squeeze %swap3A_977 : memref<1x24x1536xf32, #tpu.memory_space<vmem>> -> memref<24x1536xf32, #tpu.memory_space<vmem>>
            %swap3A_979 = arith.index_cast %swap3A_974 : i32 to index
            %swap3A_980 = arith.index_cast %add3A_771 : i32 to index
            %swap3A_981 = tpu.vector_load %swap3A_978[%swap3A_979, %swap3A_980] {strides = array<i32>} : memref<24x1536xf32, #tpu.memory_space<vmem>>, vector<16xf32>,
            tpu.vector_store %swap3A_978[%swap3A_979, %swap3A_980], %mul3A_973 {strides = array<i32>} : memref<24x1536xf32, #tpu.memory_space<vmem>>, vector<16xf32>,
            %mul3A_982 = arith.mulf %mul3A_854, %mul3A_884 : vector<16xf32>
            %swap3A_983 = arith.constant 10 : i32
            %swap3A_984 = arith.constant 0 : i32
            %swap3A_985 = arith.constant 0 : i32
            %swap3A_986 = tpu.memref_slice %run_scoped3A_25[%rem3A_268, %swap3A_984, %swap3A_985] : memref<2x24x1536xf32, #tpu.memory_space<vmem>> -> memref<1x24x1536xf32, #tpu.memory_space<vmem>>
            %swap3A_987 = tpu.memref_squeeze %swap3A_986 : memref<1x24x1536xf32, #tpu.memory_space<vmem>> -> memref<24x1536xf32, #tpu.memory_space<vmem>>
            %swap3A_988 = arith.index_cast %swap3A_983 : i32 to index
            %swap3A_989 = arith.index_cast %add3A_771 : i32 to index
            %swap3A_990 = tpu.vector_load %swap3A_987[%swap3A_988, %swap3A_989] {strides = array<i32>} : memref<24x1536xf32, #tpu.memory_space<vmem>>, vector<16xf32>,
            tpu.vector_store %swap3A_987[%swap3A_988, %swap3A_989], %mul3A_982 {strides = array<i32>} : memref<24x1536xf32, #tpu.memory_space<vmem>>, vector<16xf32>,
            %mul3A_991 = arith.mulf %neg3A_879, %mul3A_881 : vector<16xf32>
            %swap3A_992 = arith.constant 18 : i32
            %swap3A_993 = arith.constant 0 : i32
            %swap3A_994 = arith.constant 0 : i32
            %swap3A_995 = tpu.memref_slice %run_scoped3A_25[%rem3A_268, %swap3A_993, %swap3A_994] : memref<2x24x1536xf32, #tpu.memory_space<vmem>> -> memref<1x24x1536xf32, #tpu.memory_space<vmem>>
            %swap3A_996 = tpu.memref_squeeze %swap3A_995 : memref<1x24x1536xf32, #tpu.memory_space<vmem>> -> memref<24x1536xf32, #tpu.memory_space<vmem>>
            %swap3A_997 = arith.index_cast %swap3A_992 : i32 to index
            %swap3A_998 = arith.index_cast %add3A_771 : i32 to index
            %swap3A_999 = tpu.vector_load %swap3A_996[%swap3A_997, %swap3A_998] {strides = array<i32>} : memref<24x1536xf32, #tpu.memory_space<vmem>>, vector<16xf32>,
            tpu.vector_store %swap3A_996[%swap3A_997, %swap3A_998], %mul3A_991 {strides = array<i32>} : memref<24x1536xf32, #tpu.memory_space<vmem>>, vector<16xf32>,
            %mul3A_1000 = arith.mulf %mul3A_881, %sub3A_813 : vector<16xf32>
            %swap3A_1001 = arith.constant 3 : i32
            %swap3A_1002 = arith.constant 0 : i32
            %swap3A_1003 = arith.constant 0 : i32
            %swap3A_1004 = tpu.memref_slice %run_scoped3A_23[%rem3A_266, %swap3A_1002, %swap3A_1003] : memref<2x8x1536xf32, #tpu.memory_space<vmem>> -> memref<1x8x1536xf32, #tpu.memory_space<vmem>>
            %swap3A_1005 = tpu.memref_squeeze %swap3A_1004 : memref<1x8x1536xf32, #tpu.memory_space<vmem>> -> memref<8x1536xf32, #tpu.memory_space<vmem>>
            %swap3A_1006 = arith.index_cast %swap3A_1001 : i32 to index
            %swap3A_1007 = arith.index_cast %add3A_771 : i32 to index
            %swap3A_1008 = tpu.vector_load %swap3A_1005[%swap3A_1006, %swap3A_1007] {strides = array<i32>} : memref<8x1536xf32, #tpu.memory_space<vmem>>, vector<16xf32>,
            tpu.vector_store %swap3A_1005[%swap3A_1006, %swap3A_1007], %mul3A_1000 {strides = array<i32>} : memref<8x1536xf32, #tpu.memory_space<vmem>>, vector<16xf32>,
            %mul3A_1009 = arith.mulf %neg3A_873, %mul3A_891 : vector<16xf32>
            %swap3A_1010 = arith.constant 3 : i32
            %swap3A_1011 = arith.constant 0 : i32
            %swap3A_1012 = arith.constant 0 : i32
            %swap3A_1013 = tpu.memref_slice %run_scoped3A_25[%rem3A_268, %swap3A_1011, %swap3A_1012] : memref<2x24x1536xf32, #tpu.memory_space<vmem>> -> memref<1x24x1536xf32, #tpu.memory_space<vmem>>
            %swap3A_1014 = tpu.memref_squeeze %swap3A_1013 : memref<1x24x1536xf32, #tpu.memory_space<vmem>> -> memref<24x1536xf32, #tpu.memory_space<vmem>>
            %swap3A_1015 = arith.index_cast %swap3A_1010 : i32 to index
            %swap3A_1016 = arith.index_cast %add3A_771 : i32 to index
            %swap3A_1017 = tpu.vector_load %swap3A_1014[%swap3A_1015, %swap3A_1016] {strides = array<i32>} : memref<24x1536xf32, #tpu.memory_space<vmem>>, vector<16xf32>,
            tpu.vector_store %swap3A_1014[%swap3A_1015, %swap3A_1016], %mul3A_1009 {strides = array<i32>} : memref<24x1536xf32, #tpu.memory_space<vmem>>, vector<16xf32>,
            %mul3A_1018 = arith.mulf %mul3A_854, %mul3A_885 : vector<16xf32>
            %swap3A_1019 = arith.constant 11 : i32
            %swap3A_1020 = arith.constant 0 : i32
            %swap3A_1021 = arith.constant 0 : i32
            %swap3A_1022 = tpu.memref_slice %run_scoped3A_25[%rem3A_268, %swap3A_1020, %swap3A_1021] : memref<2x24x1536xf32, #tpu.memory_space<vmem>> -> memref<1x24x1536xf32, #tpu.memory_space<vmem>>
            %swap3A_1023 = tpu.memref_squeeze %swap3A_1022 : memref<1x24x1536xf32, #tpu.memory_space<vmem>> -> memref<24x1536xf32, #tpu.memory_space<vmem>>
            %swap3A_1024 = arith.index_cast %swap3A_1019 : i32 to index
            %swap3A_1025 = arith.index_cast %add3A_771 : i32 to index
            %swap3A_1026 = tpu.vector_load %swap3A_1023[%swap3A_1024, %swap3A_1025] {strides = array<i32>} : memref<24x1536xf32, #tpu.memory_space<vmem>>, vector<16xf32>,
            tpu.vector_store %swap3A_1023[%swap3A_1024, %swap3A_1025], %mul3A_1018 {strides = array<i32>} : memref<24x1536xf32, #tpu.memory_space<vmem>>, vector<16xf32>,
            %mul3A_1027 = arith.mulf %mul3A_870, %mul3A_881 : vector<16xf32>
            %swap3A_1028 = arith.constant 19 : i32
            %swap3A_1029 = arith.constant 0 : i32
            %swap3A_1030 = arith.constant 0 : i32
            %swap3A_1031 = tpu.memref_slice %run_scoped3A_25[%rem3A_268, %swap3A_1029, %swap3A_1030] : memref<2x24x1536xf32, #tpu.memory_space<vmem>> -> memref<1x24x1536xf32, #tpu.memory_space<vmem>>
            %swap3A_1032 = tpu.memref_squeeze %swap3A_1031 : memref<1x24x1536xf32, #tpu.memory_space<vmem>> -> memref<24x1536xf32, #tpu.memory_space<vmem>>
            %swap3A_1033 = arith.index_cast %swap3A_1028 : i32 to index
            %swap3A_1034 = arith.index_cast %add3A_771 : i32 to index
            %swap3A_1035 = tpu.vector_load %swap3A_1032[%swap3A_1033, %swap3A_1034] {strides = array<i32>} : memref<24x1536xf32, #tpu.memory_space<vmem>>, vector<16xf32>,
            tpu.vector_store %swap3A_1032[%swap3A_1033, %swap3A_1034], %mul3A_1027 {strides = array<i32>} : memref<24x1536xf32, #tpu.memory_space<vmem>>, vector<16xf32>,
            %mul3A_1036 = arith.mulf %mul3A_882, %sub3A_822 : vector<16xf32>
            %swap3A_1037 = arith.constant 4 : i32
            %swap3A_1038 = arith.constant 0 : i32
            %swap3A_1039 = arith.constant 0 : i32
            %swap3A_1040 = tpu.memref_slice %run_scoped3A_23[%rem3A_266, %swap3A_1038, %swap3A_1039] : memref<2x8x1536xf32, #tpu.memory_space<vmem>> -> memref<1x8x1536xf32, #tpu.memory_space<vmem>>
            %swap3A_1041 = tpu.memref_squeeze %swap3A_1040 : memref<1x8x1536xf32, #tpu.memory_space<vmem>> -> memref<8x1536xf32, #tpu.memory_space<vmem>>
            %swap3A_1042 = arith.index_cast %swap3A_1037 : i32 to index
            %swap3A_1043 = arith.index_cast %add3A_771 : i32 to index
            %swap3A_1044 = tpu.vector_load %swap3A_1041[%swap3A_1042, %swap3A_1043] {strides = array<i32>} : memref<8x1536xf32, #tpu.memory_space<vmem>>, vector<16xf32>,
            tpu.vector_store %swap3A_1041[%swap3A_1042, %swap3A_1043], %mul3A_1036 {strides = array<i32>} : memref<8x1536xf32, #tpu.memory_space<vmem>>, vector<16xf32>,
            %mul3A_1045 = arith.mulf %mul3A_838, %mul3A_888 : vector<16xf32>
            %swap3A_1046 = arith.constant 4 : i32
            %swap3A_1047 = arith.constant 0 : i32
            %swap3A_1048 = arith.constant 0 : i32
            %swap3A_1049 = tpu.memref_slice %run_scoped3A_25[%rem3A_268, %swap3A_1047, %swap3A_1048] : memref<2x24x1536xf32, #tpu.memory_space<vmem>> -> memref<1x24x1536xf32, #tpu.memory_space<vmem>>
            %swap3A_1050 = tpu.memref_squeeze %swap3A_1049 : memref<1x24x1536xf32, #tpu.memory_space<vmem>> -> memref<24x1536xf32, #tpu.memory_space<vmem>>
            %swap3A_1051 = arith.index_cast %swap3A_1046 : i32 to index
            %swap3A_1052 = arith.index_cast %add3A_771 : i32 to index
            %swap3A_1053 = tpu.vector_load %swap3A_1050[%swap3A_1051, %swap3A_1052] {strides = array<i32>} : memref<24x1536xf32, #tpu.memory_space<vmem>>, vector<16xf32>,
            tpu.vector_store %swap3A_1050[%swap3A_1051, %swap3A_1052], %mul3A_1045 {strides = array<i32>} : memref<24x1536xf32, #tpu.memory_space<vmem>>, vector<16xf32>,
            %mul3A_1054 = arith.mulf %neg3A_876, %mul3A_886 : vector<16xf32>
            %swap3A_1055 = arith.constant 12 : i32
            %swap3A_1056 = arith.constant 0 : i32
            %swap3A_1057 = arith.constant 0 : i32
            %swap3A_1058 = tpu.memref_slice %run_scoped3A_25[%rem3A_268, %swap3A_1056, %swap3A_1057] : memref<2x24x1536xf32, #tpu.memory_space<vmem>> -> memref<1x24x1536xf32, #tpu.memory_space<vmem>>
            %swap3A_1059 = tpu.memref_squeeze %swap3A_1058 : memref<1x24x1536xf32, #tpu.memory_space<vmem>> -> memref<24x1536xf32, #tpu.memory_space<vmem>>
            %swap3A_1060 = arith.index_cast %swap3A_1055 : i32 to index
            %swap3A_1061 = arith.index_cast %add3A_771 : i32 to index
            %swap3A_1062 = tpu.vector_load %swap3A_1059[%swap3A_1060, %swap3A_1061] {strides = array<i32>} : memref<24x1536xf32, #tpu.memory_space<vmem>>, vector<16xf32>,
            tpu.vector_store %swap3A_1059[%swap3A_1060, %swap3A_1061], %mul3A_1054 {strides = array<i32>} : memref<24x1536xf32, #tpu.memory_space<vmem>>, vector<16xf32>,
            %mul3A_1063 = arith.mulf %neg3A_879, %mul3A_882 : vector<16xf32>
            %swap3A_1064 = arith.constant 20 : i32
            %swap3A_1065 = arith.constant 0 : i32
            %swap3A_1066 = arith.constant 0 : i32
            %swap3A_1067 = tpu.memref_slice %run_scoped3A_25[%rem3A_268, %swap3A_1065, %swap3A_1066] : memref<2x24x1536xf32, #tpu.memory_space<vmem>> -> memref<1x24x1536xf32, #tpu.memory_space<vmem>>
            %swap3A_1068 = tpu.memref_squeeze %swap3A_1067 : memref<1x24x1536xf32, #tpu.memory_space<vmem>> -> memref<24x1536xf32, #tpu.memory_space<vmem>>
            %swap3A_1069 = arith.index_cast %swap3A_1064 : i32 to index
            %swap3A_1070 = arith.index_cast %add3A_771 : i32 to index
            %swap3A_1071 = tpu.vector_load %swap3A_1068[%swap3A_1069, %swap3A_1070] {strides = array<i32>} : memref<24x1536xf32, #tpu.memory_space<vmem>>, vector<16xf32>,
            tpu.vector_store %swap3A_1068[%swap3A_1069, %swap3A_1070], %mul3A_1063 {strides = array<i32>} : memref<24x1536xf32, #tpu.memory_space<vmem>>, vector<16xf32>,
            %mul3A_1072 = arith.mulf %mul3A_882, %sub3A_813 : vector<16xf32>
            %swap3A_1073 = arith.constant 5 : i32
            %swap3A_1074 = arith.constant 0 : i32
            %swap3A_1075 = arith.constant 0 : i32
            %swap3A_1076 = tpu.memref_slice %run_scoped3A_23[%rem3A_266, %swap3A_1074, %swap3A_1075] : memref<2x8x1536xf32, #tpu.memory_space<vmem>> -> memref<1x8x1536xf32, #tpu.memory_space<vmem>>
            %swap3A_1077 = tpu.memref_squeeze %swap3A_1076 : memref<1x8x1536xf32, #tpu.memory_space<vmem>> -> memref<8x1536xf32, #tpu.memory_space<vmem>>
            %swap3A_1078 = arith.index_cast %swap3A_1073 : i32 to index
            %swap3A_1079 = arith.index_cast %add3A_771 : i32 to index
            %swap3A_1080 = tpu.vector_load %swap3A_1077[%swap3A_1078, %swap3A_1079] {strides = array<i32>} : memref<8x1536xf32, #tpu.memory_space<vmem>>, vector<16xf32>,
            tpu.vector_store %swap3A_1077[%swap3A_1078, %swap3A_1079], %mul3A_1072 {strides = array<i32>} : memref<8x1536xf32, #tpu.memory_space<vmem>>, vector<16xf32>,
            %mul3A_1081 = arith.mulf %mul3A_838, %mul3A_889 : vector<16xf32>
            %swap3A_1082 = arith.constant 5 : i32
            %swap3A_1083 = arith.constant 0 : i32
            %swap3A_1084 = arith.constant 0 : i32
            %swap3A_1085 = tpu.memref_slice %run_scoped3A_25[%rem3A_268, %swap3A_1083, %swap3A_1084] : memref<2x24x1536xf32, #tpu.memory_space<vmem>> -> memref<1x24x1536xf32, #tpu.memory_space<vmem>>
            %swap3A_1086 = tpu.memref_squeeze %swap3A_1085 : memref<1x24x1536xf32, #tpu.memory_space<vmem>> -> memref<24x1536xf32, #tpu.memory_space<vmem>>
            %swap3A_1087 = arith.index_cast %swap3A_1082 : i32 to index
            %swap3A_1088 = arith.index_cast %add3A_771 : i32 to index
            %swap3A_1089 = tpu.vector_load %swap3A_1086[%swap3A_1087, %swap3A_1088] {strides = array<i32>} : memref<24x1536xf32, #tpu.memory_space<vmem>>, vector<16xf32>,
            tpu.vector_store %swap3A_1086[%swap3A_1087, %swap3A_1088], %mul3A_1081 {strides = array<i32>} : memref<24x1536xf32, #tpu.memory_space<vmem>>, vector<16xf32>,
            %mul3A_1090 = arith.mulf %neg3A_876, %mul3A_887 : vector<16xf32>
            %swap3A_1091 = arith.constant 13 : i32
            %swap3A_1092 = arith.constant 0 : i32
            %swap3A_1093 = arith.constant 0 : i32
            %swap3A_1094 = tpu.memref_slice %run_scoped3A_25[%rem3A_268, %swap3A_1092, %swap3A_1093] : memref<2x24x1536xf32, #tpu.memory_space<vmem>> -> memref<1x24x1536xf32, #tpu.memory_space<vmem>>
            %swap3A_1095 = tpu.memref_squeeze %swap3A_1094 : memref<1x24x1536xf32, #tpu.memory_space<vmem>> -> memref<24x1536xf32, #tpu.memory_space<vmem>>
            %swap3A_1096 = arith.index_cast %swap3A_1091 : i32 to index
            %swap3A_1097 = arith.index_cast %add3A_771 : i32 to index
            %swap3A_1098 = tpu.vector_load %swap3A_1095[%swap3A_1096, %swap3A_1097] {strides = array<i32>} : memref<24x1536xf32, #tpu.memory_space<vmem>>, vector<16xf32>,
            tpu.vector_store %swap3A_1095[%swap3A_1096, %swap3A_1097], %mul3A_1090 {strides = array<i32>} : memref<24x1536xf32, #tpu.memory_space<vmem>>, vector<16xf32>,
            %mul3A_1099 = arith.mulf %mul3A_870, %mul3A_882 : vector<16xf32>
            %swap3A_1100 = arith.constant 21 : i32
            %swap3A_1101 = arith.constant 0 : i32
            %swap3A_1102 = arith.constant 0 : i32
            %swap3A_1103 = tpu.memref_slice %run_scoped3A_25[%rem3A_268, %swap3A_1101, %swap3A_1102] : memref<2x24x1536xf32, #tpu.memory_space<vmem>> -> memref<1x24x1536xf32, #tpu.memory_space<vmem>>
            %swap3A_1104 = tpu.memref_squeeze %swap3A_1103 : memref<1x24x1536xf32, #tpu.memory_space<vmem>> -> memref<24x1536xf32, #tpu.memory_space<vmem>>
            %swap3A_1105 = arith.index_cast %swap3A_1100 : i32 to index
            %swap3A_1106 = arith.index_cast %add3A_771 : i32 to index
            %swap3A_1107 = tpu.vector_load %swap3A_1104[%swap3A_1105, %swap3A_1106] {strides = array<i32>} : memref<24x1536xf32, #tpu.memory_space<vmem>>, vector<16xf32>,
            tpu.vector_store %swap3A_1104[%swap3A_1105, %swap3A_1106], %mul3A_1099 {strides = array<i32>} : memref<24x1536xf32, #tpu.memory_space<vmem>>, vector<16xf32>,
            %mul3A_1108 = arith.mulf %mul3A_883, %sub3A_822 : vector<16xf32>
            %swap3A_1109 = arith.constant 6 : i32
            %swap3A_1110 = arith.constant 0 : i32
            %swap3A_1111 = arith.constant 0 : i32
            %swap3A_1112 = tpu.memref_slice %run_scoped3A_23[%rem3A_266, %swap3A_1110, %swap3A_1111] : memref<2x8x1536xf32, #tpu.memory_space<vmem>> -> memref<1x8x1536xf32, #tpu.memory_space<vmem>>
            %swap3A_1113 = tpu.memref_squeeze %swap3A_1112 : memref<1x8x1536xf32, #tpu.memory_space<vmem>> -> memref<8x1536xf32, #tpu.memory_space<vmem>>
            %swap3A_1114 = arith.index_cast %swap3A_1109 : i32 to index
            %swap3A_1115 = arith.index_cast %add3A_771 : i32 to index
            %swap3A_1116 = tpu.vector_load %swap3A_1113[%swap3A_1114, %swap3A_1115] {strides = array<i32>} : memref<8x1536xf32, #tpu.memory_space<vmem>>, vector<16xf32>,
            tpu.vector_store %swap3A_1113[%swap3A_1114, %swap3A_1115], %mul3A_1108 {strides = array<i32>} : memref<8x1536xf32, #tpu.memory_space<vmem>>, vector<16xf32>,
            %mul3A_1117 = arith.mulf %mul3A_838, %mul3A_890 : vector<16xf32>
            %swap3A_1118 = arith.constant 6 : i32
            %swap3A_1119 = arith.constant 0 : i32
            %swap3A_1120 = arith.constant 0 : i32
            %swap3A_1121 = tpu.memref_slice %run_scoped3A_25[%rem3A_268, %swap3A_1119, %swap3A_1120] : memref<2x24x1536xf32, #tpu.memory_space<vmem>> -> memref<1x24x1536xf32, #tpu.memory_space<vmem>>
            %swap3A_1122 = tpu.memref_squeeze %swap3A_1121 : memref<1x24x1536xf32, #tpu.memory_space<vmem>> -> memref<24x1536xf32, #tpu.memory_space<vmem>>
            %swap3A_1123 = arith.index_cast %swap3A_1118 : i32 to index
            %swap3A_1124 = arith.index_cast %add3A_771 : i32 to index
            %swap3A_1125 = tpu.vector_load %swap3A_1122[%swap3A_1123, %swap3A_1124] {strides = array<i32>} : memref<24x1536xf32, #tpu.memory_space<vmem>>, vector<16xf32>,
            tpu.vector_store %swap3A_1122[%swap3A_1123, %swap3A_1124], %mul3A_1117 {strides = array<i32>} : memref<24x1536xf32, #tpu.memory_space<vmem>>, vector<16xf32>,
            %mul3A_1126 = arith.mulf %mul3A_854, %mul3A_886 : vector<16xf32>
            %swap3A_1127 = arith.constant 14 : i32
            %swap3A_1128 = arith.constant 0 : i32
            %swap3A_1129 = arith.constant 0 : i32
            %swap3A_1130 = tpu.memref_slice %run_scoped3A_25[%rem3A_268, %swap3A_1128, %swap3A_1129] : memref<2x24x1536xf32, #tpu.memory_space<vmem>> -> memref<1x24x1536xf32, #tpu.memory_space<vmem>>
            %swap3A_1131 = tpu.memref_squeeze %swap3A_1130 : memref<1x24x1536xf32, #tpu.memory_space<vmem>> -> memref<24x1536xf32, #tpu.memory_space<vmem>>
            %swap3A_1132 = arith.index_cast %swap3A_1127 : i32 to index
            %swap3A_1133 = arith.index_cast %add3A_771 : i32 to index
            %swap3A_1134 = tpu.vector_load %swap3A_1131[%swap3A_1132, %swap3A_1133] {strides = array<i32>} : memref<24x1536xf32, #tpu.memory_space<vmem>>, vector<16xf32>,
            tpu.vector_store %swap3A_1131[%swap3A_1132, %swap3A_1133], %mul3A_1126 {strides = array<i32>} : memref<24x1536xf32, #tpu.memory_space<vmem>>, vector<16xf32>,
            %mul3A_1135 = arith.mulf %neg3A_879, %mul3A_883 : vector<16xf32>
            %swap3A_1136 = arith.constant 22 : i32
            %swap3A_1137 = arith.constant 0 : i32
            %swap3A_1138 = arith.constant 0 : i32
            %swap3A_1139 = tpu.memref_slice %run_scoped3A_25[%rem3A_268, %swap3A_1137, %swap3A_1138] : memref<2x24x1536xf32, #tpu.memory_space<vmem>> -> memref<1x24x1536xf32, #tpu.memory_space<vmem>>
            %swap3A_1140 = tpu.memref_squeeze %swap3A_1139 : memref<1x24x1536xf32, #tpu.memory_space<vmem>> -> memref<24x1536xf32, #tpu.memory_space<vmem>>
            %swap3A_1141 = arith.index_cast %swap3A_1136 : i32 to index
            %swap3A_1142 = arith.index_cast %add3A_771 : i32 to index
            %swap3A_1143 = tpu.vector_load %swap3A_1140[%swap3A_1141, %swap3A_1142] {strides = array<i32>} : memref<24x1536xf32, #tpu.memory_space<vmem>>, vector<16xf32>,
            tpu.vector_store %swap3A_1140[%swap3A_1141, %swap3A_1142], %mul3A_1135 {strides = array<i32>} : memref<24x1536xf32, #tpu.memory_space<vmem>>, vector<16xf32>,
            %mul3A_1144 = arith.mulf %mul3A_883, %sub3A_813 : vector<16xf32>
            %swap3A_1145 = arith.constant 7 : i32
            %swap3A_1146 = arith.constant 0 : i32
            %swap3A_1147 = arith.constant 0 : i32
            %swap3A_1148 = tpu.memref_slice %run_scoped3A_23[%rem3A_266, %swap3A_1146, %swap3A_1147] : memref<2x8x1536xf32, #tpu.memory_space<vmem>> -> memref<1x8x1536xf32, #tpu.memory_space<vmem>>
            %swap3A_1149 = tpu.memref_squeeze %swap3A_1148 : memref<1x8x1536xf32, #tpu.memory_space<vmem>> -> memref<8x1536xf32, #tpu.memory_space<vmem>>
            %swap3A_1150 = arith.index_cast %swap3A_1145 : i32 to index
            %swap3A_1151 = arith.index_cast %add3A_771 : i32 to index
            %swap3A_1152 = tpu.vector_load %swap3A_1149[%swap3A_1150, %swap3A_1151] {strides = array<i32>} : memref<8x1536xf32, #tpu.memory_space<vmem>>, vector<16xf32>,
            tpu.vector_store %swap3A_1149[%swap3A_1150, %swap3A_1151], %mul3A_1144 {strides = array<i32>} : memref<8x1536xf32, #tpu.memory_space<vmem>>, vector<16xf32>,
            %mul3A_1153 = arith.mulf %mul3A_838, %mul3A_891 : vector<16xf32>
            %swap3A_1154 = arith.constant 7 : i32
            %swap3A_1155 = arith.constant 0 : i32
            %swap3A_1156 = arith.constant 0 : i32
            %swap3A_1157 = tpu.memref_slice %run_scoped3A_25[%rem3A_268, %swap3A_1155, %swap3A_1156] : memref<2x24x1536xf32, #tpu.memory_space<vmem>> -> memref<1x24x1536xf32, #tpu.memory_space<vmem>>
            %swap3A_1158 = tpu.memref_squeeze %swap3A_1157 : memref<1x24x1536xf32, #tpu.memory_space<vmem>> -> memref<24x1536xf32, #tpu.memory_space<vmem>>
            %swap3A_1159 = arith.index_cast %swap3A_1154 : i32 to index
            %swap3A_1160 = arith.index_cast %add3A_771 : i32 to index
            %swap3A_1161 = tpu.vector_load %swap3A_1158[%swap3A_1159, %swap3A_1160] {strides = array<i32>} : memref<24x1536xf32, #tpu.memory_space<vmem>>, vector<16xf32>,
            tpu.vector_store %swap3A_1158[%swap3A_1159, %swap3A_1160], %mul3A_1153 {strides = array<i32>} : memref<24x1536xf32, #tpu.memory_space<vmem>>, vector<16xf32>,
            %mul3A_1162 = arith.mulf %mul3A_854, %mul3A_887 : vector<16xf32>
            %swap3A_1163 = arith.constant 15 : i32
            %swap3A_1164 = arith.constant 0 : i32
            %swap3A_1165 = arith.constant 0 : i32
            %swap3A_1166 = tpu.memref_slice %run_scoped3A_25[%rem3A_268, %swap3A_1164, %swap3A_1165] : memref<2x24x1536xf32, #tpu.memory_space<vmem>> -> memref<1x24x1536xf32, #tpu.memory_space<vmem>>
            %swap3A_1167 = tpu.memref_squeeze %swap3A_1166 : memref<1x24x1536xf32, #tpu.memory_space<vmem>> -> memref<24x1536xf32, #tpu.memory_space<vmem>>
            %swap3A_1168 = arith.index_cast %swap3A_1163 : i32 to index
            %swap3A_1169 = arith.index_cast %add3A_771 : i32 to index
            %swap3A_1170 = tpu.vector_load %swap3A_1167[%swap3A_1168, %swap3A_1169] {strides = array<i32>} : memref<24x1536xf32, #tpu.memory_space<vmem>>, vector<16xf32>,
            tpu.vector_store %swap3A_1167[%swap3A_1168, %swap3A_1169], %mul3A_1162 {strides = array<i32>} : memref<24x1536xf32, #tpu.memory_space<vmem>>, vector<16xf32>,
            %mul3A_1171 = arith.mulf %mul3A_870, %mul3A_883 : vector<16xf32>
            %swap3A_1172 = arith.constant 23 : i32
            %swap3A_1173 = arith.constant 0 : i32
            %swap3A_1174 = arith.constant 0 : i32
            %swap3A_1175 = tpu.memref_slice %run_scoped3A_25[%rem3A_268, %swap3A_1173, %swap3A_1174] : memref<2x24x1536xf32, #tpu.memory_space<vmem>> -> memref<1x24x1536xf32, #tpu.memory_space<vmem>>
            %swap3A_1176 = tpu.memref_squeeze %swap3A_1175 : memref<1x24x1536xf32, #tpu.memory_space<vmem>> -> memref<24x1536xf32, #tpu.memory_space<vmem>>
            %swap3A_1177 = arith.index_cast %swap3A_1172 : i32 to index
            %swap3A_1178 = arith.index_cast %add3A_771 : i32 to index
            %swap3A_1179 = tpu.vector_load %swap3A_1176[%swap3A_1177, %swap3A_1178] {strides = array<i32>} : memref<24x1536xf32, #tpu.memory_space<vmem>>, vector<16xf32>,
            tpu.vector_store %swap3A_1176[%swap3A_1177, %swap3A_1178], %mul3A_1171 {strides = array<i32>} : memref<24x1536xf32, #tpu.memory_space<vmem>>, vector<16xf32>,
          }
          %scan3A_272 = arith.constant 48 : i32
          "tpu.trace_stop"() : () -> ()
          %ne3A_273 = arith.cmpi ne, %add3A_179, %add3A_197 : i32
          %or3A_274 = arith.constant false
          %or3A_275 = arith.ori %or3A_274, %ne3A_273 : i1
          %or3A_276 = arith.ori %or3A_275, %eq3A_178 : i1
          %convert_element_type3A_277 = arith.extui %or3A_276 : i1 to i32
          %cond3A_278 = arith.constant 0 : i32
          %cond3A_279 = arith.cmpi ne, %convert_element_type3A_277, %cond3A_278 : i32
          scf.if %cond3A_279 {
          } else {
          }
          %and3A_280 = arith.constant false
          %and3A_281 = arith.andi %or3A_276, %and3A_280 : i1
          %ne3A_282 = arith.cmpi ne, %add3A_179, %add3A_197 : i32
          %or3A_283 = arith.constant false
          %or3A_284 = arith.ori %or3A_283, %ne3A_282 : i1
          %or3A_285 = arith.ori %or3A_284, %eq3A_178 : i1
          %convert_element_type3A_286 = arith.extui %or3A_285 : i1 to i32
          %cond3A_287 = arith.constant 0 : i32
          %cond3A_288 = arith.cmpi ne, %convert_element_type3A_286, %cond3A_287 : i32
          scf.if %cond3A_288 {
            "tpu.trace_start"() <{level = 10 : i32, message = "ep_copy_out"}> : () -> ()
            %rem3A_359 = arith.constant 2 : i32
            %rem3A_360 = arith.remui %while3A_167, %rem3A_359 : i32
            %mul3A_361 = arith.constant 1536 : i32
            %mul3A_362 = arith.muli %mul3A_361, %add3A_179 : i32
            %eq3A_363 = arith.constant 651 : i32
            %eq3A_364 = arith.cmpi eq, %add3A_179, %eq3A_363 : i32
            %jit3A_365 = arith.constant 128 : i32
            %jit3A_366 = arith.constant 1536 : i32
            %select_n3A_367 = arith.select %eq3A_364, %jit3A_365, %jit3A_366 : i32
            %multiple_of3A_368 = tpu.assume_multiple %select_n3A_367, 128 : i32
            %mul3A_369 = arith.constant 1536 : i32
            %mul3A_370 = arith.muli %add3A_179, %mul3A_369 : i32
            %dma_start3A_371 = arith.constant 0 : i32
            %dma_start3A_372 = arith.constant 0 : i32
            %dma_start3A_373 = tpu.memref_slice %run_scoped3A_23[%rem3A_360, %dma_start3A_371, %dma_start3A_372] <%multiple_of3A_368> : memref<2x8x1536xf32, #tpu.memory_space<vmem>> -> memref<1x8x?xf32, #tpu.memory_space<vmem>>
            %dma_start3A_374 = tpu.memref_squeeze %dma_start3A_373 : memref<1x8x?xf32, #tpu.memory_space<vmem>> -> memref<8x?xf32, #tpu.memory_space<vmem>>
            %dma_start3A_375 = arith.constant 0 : i32
            %dma_start3A_376 = tpu.memref_slice %arg3[%dma_start3A_375, %mul3A_370] <%multiple_of3A_368> : memref<8x1000000xf32, #tpu.memory_space<hbm>> -> memref<8x?xf32, #tpu.memory_space<hbm>>
            %dma_start3A_377 = tpu.memref_slice %run_scoped3A_24[%rem3A_360] : memref<2x!tpu.dma_semaphore, #tpu.memory_space<semaphore_mem>> -> memref<1x!tpu.dma_semaphore, #tpu.memory_space<semaphore_mem>>
            %dma_start3A_378 = tpu.memref_squeeze %dma_start3A_377 : memref<1x!tpu.dma_semaphore, #tpu.memory_space<semaphore_mem>> -> memref<!tpu.dma_semaphore, #tpu.memory_space<semaphore_mem>>
            %dma_start3A_379 = arith.constant 0 : i32
            %dma_start3A_380 = tpu.memref_slice %arg3[%dma_start3A_379, %mul3A_370] <%multiple_of3A_368> : memref<8x1000000xf32, #tpu.memory_space<hbm>> -> memref<8x?xf32, #tpu.memory_space<hbm>>
            %dma_start3A_381 = arith.constant 0 : i32
            %dma_start3A_382 = arith.constant 0 : i32
            %dma_start3A_383 = tpu.memref_slice %run_scoped3A_23[%rem3A_360, %dma_start3A_381, %dma_start3A_382] <%multiple_of3A_368> : memref<2x8x1536xf32, #tpu.memory_space<vmem>> -> memref<1x8x?xf32, #tpu.memory_space<vmem>>
            %dma_start3A_384 = tpu.memref_squeeze %dma_start3A_383 : memref<1x8x?xf32, #tpu.memory_space<vmem>> -> memref<8x?xf32, #tpu.memory_space<vmem>>
            tpu.enqueue_dma source(%dma_start3A_384 : memref<8x?xf32, #tpu.memory_space<vmem>>) target(%dma_start3A_380 : memref<8x?xf32, #tpu.memory_space<hbm>>) target_semaphore(%dma_start3A_378 : memref<!tpu.dma_semaphore, #tpu.memory_space<semaphore_mem>>)
            "tpu.trace_stop"() : () -> ()
          } else {
          }
          %and3A_289 = arith.constant true
          %and3A_290 = arith.andi %or3A_285, %and3A_289 : i1
          %add3A_291 = arith.constant 1 : i32
          %add3A_292 = arith.addi %while3A_167, %add3A_291 : i32
          %select_n3A_293 = arith.select %and3A_290, %add3A_292, %while3A_167 : i32
          %ne3A_294 = arith.cmpi ne, %add3A_179, %add3A_197 : i32
          %or3A_295 = arith.constant false
          %or3A_296 = arith.ori %or3A_295, %ne3A_294 : i1
          %or3A_297 = arith.ori %or3A_296, %eq3A_178 : i1
          %convert_element_type3A_298 = arith.extui %or3A_297 : i1 to i32
          %cond3A_299 = arith.constant 0 : i32
          %cond3A_300 = arith.cmpi ne, %convert_element_type3A_298, %cond3A_299 : i32
          scf.if %cond3A_300 {
            "tpu.trace_start"() <{level = 10 : i32, message = "ep_copy_out"}> : () -> ()
            %rem3A_359 = arith.constant 2 : i32
            %rem3A_360 = arith.remui %while3A_169, %rem3A_359 : i32
            %mul3A_361 = arith.constant 1536 : i32
            %mul3A_362 = arith.muli %mul3A_361, %add3A_179 : i32
            %eq3A_363 = arith.constant 651 : i32
            %eq3A_364 = arith.cmpi eq, %add3A_179, %eq3A_363 : i32
            %jit3A_365 = arith.constant 128 : i32
            %jit3A_366 = arith.constant 1536 : i32
            %select_n3A_367 = arith.select %eq3A_364, %jit3A_365, %jit3A_366 : i32
            %multiple_of3A_368 = tpu.assume_multiple %select_n3A_367, 128 : i32
            %mul3A_369 = arith.constant 1536 : i32
            %mul3A_370 = arith.muli %add3A_179, %mul3A_369 : i32
            %dma_start3A_371 = arith.constant 0 : i32
            %dma_start3A_372 = arith.constant 0 : i32
            %dma_start3A_373 = tpu.memref_slice %run_scoped3A_25[%rem3A_360, %dma_start3A_371, %dma_start3A_372] <%multiple_of3A_368> : memref<2x24x1536xf32, #tpu.memory_space<vmem>> -> memref<1x24x?xf32, #tpu.memory_space<vmem>>
            %dma_start3A_374 = tpu.memref_squeeze %dma_start3A_373 : memref<1x24x?xf32, #tpu.memory_space<vmem>> -> memref<24x?xf32, #tpu.memory_space<vmem>>
            %dma_start3A_375 = arith.constant 0 : i32
            %dma_start3A_376 = tpu.memref_slice %arg4[%dma_start3A_375, %mul3A_370] <%multiple_of3A_368> : memref<24x1000000xf32, #tpu.memory_space<hbm>> -> memref<24x?xf32, #tpu.memory_space<hbm>>
            %dma_start3A_377 = tpu.memref_slice %run_scoped3A_26[%rem3A_360] : memref<2x!tpu.dma_semaphore, #tpu.memory_space<semaphore_mem>> -> memref<1x!tpu.dma_semaphore, #tpu.memory_space<semaphore_mem>>
            %dma_start3A_378 = tpu.memref_squeeze %dma_start3A_377 : memref<1x!tpu.dma_semaphore, #tpu.memory_space<semaphore_mem>> -> memref<!tpu.dma_semaphore, #tpu.memory_space<semaphore_mem>>
            %dma_start3A_379 = arith.constant 0 : i32
            %dma_start3A_380 = tpu.memref_slice %arg4[%dma_start3A_379, %mul3A_370] <%multiple_of3A_368> : memref<24x1000000xf32, #tpu.memory_space<hbm>> -> memref<24x?xf32, #tpu.memory_space<hbm>>
            %dma_start3A_381 = arith.constant 0 : i32
            %dma_start3A_382 = arith.constant 0 : i32
            %dma_start3A_383 = tpu.memref_slice %run_scoped3A_25[%rem3A_360, %dma_start3A_381, %dma_start3A_382] <%multiple_of3A_368> : memref<2x24x1536xf32, #tpu.memory_space<vmem>> -> memref<1x24x?xf32, #tpu.memory_space<vmem>>
            %dma_start3A_384 = tpu.memref_squeeze %dma_start3A_383 : memref<1x24x?xf32, #tpu.memory_space<vmem>> -> memref<24x?xf32, #tpu.memory_space<vmem>>
            tpu.enqueue_dma source(%dma_start3A_384 : memref<24x?xf32, #tpu.memory_space<vmem>>) target(%dma_start3A_380 : memref<24x?xf32, #tpu.memory_space<hbm>>) target_semaphore(%dma_start3A_378 : memref<!tpu.dma_semaphore, #tpu.memory_space<semaphore_mem>>)
            "tpu.trace_stop"() : () -> ()
          } else {
          }
          %and3A_301 = arith.constant true
          %and3A_302 = arith.andi %or3A_297, %and3A_301 : i1
          %add3A_303 = arith.constant 1 : i32
          %add3A_304 = arith.addi %while3A_169, %add3A_303 : i32
          %select_n3A_305 = arith.select %and3A_302, %add3A_304, %while3A_169 : i32
          %ne3A_306 = arith.cmpi ne, %add3A_179, %add3A_189 : i32
          %or3A_307 = arith.constant false
          %or3A_308 = arith.ori %or3A_307, %ne3A_306 : i1
          %not3A_309 = arith.constant true
          %not3A_310 = arith.xori %eq3A_175, %not3A_309 : i1
          %and3A_311 = arith.andi %or3A_308, %not3A_310 : i1
          %convert_element_type3A_312 = arith.extui %and3A_311 : i1 to i32
          %cond3A_313 = arith.constant 0 : i32
          %cond3A_314 = arith.cmpi ne, %convert_element_type3A_312, %cond3A_313 : i32
          scf.if %cond3A_314 {
          } else {
          }
          %and3A_315 = arith.constant false
          %and3A_316 = arith.andi %and3A_311, %and3A_315 : i1
          %ne3A_317 = arith.cmpi ne, %add3A_179, %add3A_189 : i32
          %or3A_318 = arith.constant false
          %or3A_319 = arith.ori %or3A_318, %ne3A_317 : i1
          %not3A_320 = arith.constant true
          %not3A_321 = arith.xori %eq3A_175, %not3A_320 : i1
          %and3A_322 = arith.andi %or3A_319, %not3A_321 : i1
          %convert_element_type3A_323 = arith.extui %and3A_322 : i1 to i32
          %cond3A_324 = arith.constant 0 : i32
          %cond3A_325 = arith.cmpi ne, %convert_element_type3A_323, %cond3A_324 : i32
          scf.if %cond3A_325 {
            "tpu.trace_start"() <{level = 10 : i32, message = "ep_wait_out"}> : () -> ()
            %rem3A_359 = arith.constant 2 : i32
            %rem3A_360 = arith.remui %while3A_168, %rem3A_359 : i32
            %mul3A_361 = arith.constant 1536 : i32
            %mul3A_362 = arith.muli %mul3A_361, %add3A_189 : i32
            %eq3A_363 = arith.constant 651 : i32
            %eq3A_364 = arith.cmpi eq, %add3A_189, %eq3A_363 : i32
            %jit3A_365 = arith.constant 128 : i32
            %jit3A_366 = arith.constant 1536 : i32
            %select_n3A_367 = arith.select %eq3A_364, %jit3A_365, %jit3A_366 : i32
            %multiple_of3A_368 = tpu.assume_multiple %select_n3A_367, 128 : i32
            %mul3A_369 = arith.constant 1536 : i32
            %mul3A_370 = arith.muli %add3A_189, %mul3A_369 : i32
            %dma_wait3A = arith.constant 0 : i32
            %dma_wait3A_371 = arith.constant 0 : i32
            %dma_wait3A_372 = tpu.memref_slice %run_scoped3A_23[%rem3A_360, %dma_wait3A, %dma_wait3A_371] <%multiple_of3A_368> : memref<2x8x1536xf32, #tpu.memory_space<vmem>> -> memref<1x8x?xf32, #tpu.memory_space<vmem>>
            %dma_wait3A_373 = tpu.memref_squeeze %dma_wait3A_372 : memref<1x8x?xf32, #tpu.memory_space<vmem>> -> memref<8x?xf32, #tpu.memory_space<vmem>>
            %dma_wait3A_374 = arith.constant 0 : i32
            %dma_wait3A_375 = tpu.memref_slice %arg3[%dma_wait3A_374, %mul3A_370] <%multiple_of3A_368> : memref<8x1000000xf32, #tpu.memory_space<hbm>> -> memref<8x?xf32, #tpu.memory_space<hbm>>
            %dma_wait3A_376 = tpu.memref_slice %run_scoped3A_24[%rem3A_360] : memref<2x!tpu.dma_semaphore, #tpu.memory_space<semaphore_mem>> -> memref<1x!tpu.dma_semaphore, #tpu.memory_space<semaphore_mem>>
            %dma_wait3A_377 = tpu.memref_squeeze %dma_wait3A_376 : memref<1x!tpu.dma_semaphore, #tpu.memory_space<semaphore_mem>> -> memref<!tpu.dma_semaphore, #tpu.memory_space<semaphore_mem>>
            %dma_wait3A_378 = arith.constant 0 : i32
            %dma_wait3A_379 = tpu.memref_slice %arg3[%dma_wait3A_378, %mul3A_370] <%multiple_of3A_368> : memref<8x1000000xf32, #tpu.memory_space<hbm>> -> memref<8x?xf32, #tpu.memory_space<hbm>>
            %dma_wait3A_380 = arith.constant 0 : i32
            %dma_wait3A_381 = arith.constant 0 : i32
            %dma_wait3A_382 = tpu.memref_slice %run_scoped3A_23[%rem3A_360, %dma_wait3A_380, %dma_wait3A_381] <%multiple_of3A_368> : memref<2x8x1536xf32, #tpu.memory_space<vmem>> -> memref<1x8x?xf32, #tpu.memory_space<vmem>>
            %dma_wait3A_383 = tpu.memref_squeeze %dma_wait3A_382 : memref<1x8x?xf32, #tpu.memory_space<vmem>> -> memref<8x?xf32, #tpu.memory_space<vmem>>
            tpu.wait_dma2 semaphore(%dma_wait3A_377 : memref<!tpu.dma_semaphore, #tpu.memory_space<semaphore_mem>>) src(%dma_wait3A_383 : memref<8x?xf32, #tpu.memory_space<vmem>>) dst(%dma_wait3A_379 : memref<8x?xf32, #tpu.memory_space<hbm>>)
            "tpu.trace_stop"() : () -> ()
          } else {
          }
          %and3A_326 = arith.constant true
          %and3A_327 = arith.andi %and3A_322, %and3A_326 : i1
          %add3A_328 = arith.constant 1 : i32
          %add3A_329 = arith.addi %while3A_168, %add3A_328 : i32
          %select_n3A_330 = arith.select %and3A_327, %add3A_329, %while3A_168 : i32
          %ne3A_331 = arith.cmpi ne, %add3A_179, %add3A_189 : i32
          %or3A_332 = arith.constant false
          %or3A_333 = arith.ori %or3A_332, %ne3A_331 : i1
          %not3A_334 = arith.constant true
          %not3A_335 = arith.xori %eq3A_175, %not3A_334 : i1
          %and3A_336 = arith.andi %or3A_333, %not3A_335 : i1
          %convert_element_type3A_337 = arith.extui %and3A_336 : i1 to i32
          %cond3A_338 = arith.constant 0 : i32
          %cond3A_339 = arith.cmpi ne, %convert_element_type3A_337, %cond3A_338 : i32
          scf.if %cond3A_339 {
            "tpu.trace_start"() <{level = 10 : i32, message = "ep_wait_out"}> : () -> ()
            %rem3A_359 = arith.constant 2 : i32
            %rem3A_360 = arith.remui %while3A_170, %rem3A_359 : i32
            %mul3A_361 = arith.constant 1536 : i32
            %mul3A_362 = arith.muli %mul3A_361, %add3A_189 : i32
            %eq3A_363 = arith.constant 651 : i32
            %eq3A_364 = arith.cmpi eq, %add3A_189, %eq3A_363 : i32
            %jit3A_365 = arith.constant 128 : i32
            %jit3A_366 = arith.constant 1536 : i32
            %select_n3A_367 = arith.select %eq3A_364, %jit3A_365, %jit3A_366 : i32
            %multiple_of3A_368 = tpu.assume_multiple %select_n3A_367, 128 : i32
            %mul3A_369 = arith.constant 1536 : i32
            %mul3A_370 = arith.muli %add3A_189, %mul3A_369 : i32
            %dma_wait3A = arith.constant 0 : i32
            %dma_wait3A_371 = arith.constant 0 : i32
            %dma_wait3A_372 = tpu.memref_slice %run_scoped3A_25[%rem3A_360, %dma_wait3A, %dma_wait3A_371] <%multiple_of3A_368> : memref<2x24x1536xf32, #tpu.memory_space<vmem>> -> memref<1x24x?xf32, #tpu.memory_space<vmem>>
            %dma_wait3A_373 = tpu.memref_squeeze %dma_wait3A_372 : memref<1x24x?xf32, #tpu.memory_space<vmem>> -> memref<24x?xf32, #tpu.memory_space<vmem>>
            %dma_wait3A_374 = arith.constant 0 : i32
            %dma_wait3A_375 = tpu.memref_slice %arg4[%dma_wait3A_374, %mul3A_370] <%multiple_of3A_368> : memref<24x1000000xf32, #tpu.memory_space<hbm>> -> memref<24x?xf32, #tpu.memory_space<hbm>>
            %dma_wait3A_376 = tpu.memref_slice %run_scoped3A_26[%rem3A_360] : memref<2x!tpu.dma_semaphore, #tpu.memory_space<semaphore_mem>> -> memref<1x!tpu.dma_semaphore, #tpu.memory_space<semaphore_mem>>
            %dma_wait3A_377 = tpu.memref_squeeze %dma_wait3A_376 : memref<1x!tpu.dma_semaphore, #tpu.memory_space<semaphore_mem>> -> memref<!tpu.dma_semaphore, #tpu.memory_space<semaphore_mem>>
            %dma_wait3A_378 = arith.constant 0 : i32
            %dma_wait3A_379 = tpu.memref_slice %arg4[%dma_wait3A_378, %mul3A_370] <%multiple_of3A_368> : memref<24x1000000xf32, #tpu.memory_space<hbm>> -> memref<24x?xf32, #tpu.memory_space<hbm>>
            %dma_wait3A_380 = arith.constant 0 : i32
            %dma_wait3A_381 = arith.constant 0 : i32
            %dma_wait3A_382 = tpu.memref_slice %run_scoped3A_25[%rem3A_360, %dma_wait3A_380, %dma_wait3A_381] <%multiple_of3A_368> : memref<2x24x1536xf32, #tpu.memory_space<vmem>> -> memref<1x24x?xf32, #tpu.memory_space<vmem>>
            %dma_wait3A_383 = tpu.memref_squeeze %dma_wait3A_382 : memref<1x24x?xf32, #tpu.memory_space<vmem>> -> memref<24x?xf32, #tpu.memory_space<vmem>>
            tpu.wait_dma2 semaphore(%dma_wait3A_377 : memref<!tpu.dma_semaphore, #tpu.memory_space<semaphore_mem>>) src(%dma_wait3A_383 : memref<24x?xf32, #tpu.memory_space<vmem>>) dst(%dma_wait3A_379 : memref<24x?xf32, #tpu.memory_space<hbm>>)
            "tpu.trace_stop"() : () -> ()
          } else {
          }
          %and3A_340 = arith.constant true
          %and3A_341 = arith.andi %and3A_336, %and3A_340 : i1
          %add3A_342 = arith.constant 1 : i32
          %add3A_343 = arith.addi %while3A_170, %add3A_342 : i32
          %select_n3A_344 = arith.select %and3A_341, %add3A_343, %while3A_170 : i32
          %ne3A_345 = arith.cmpi ne, %add3A_179, %add3A_197 : i32
          %or3A_346 = arith.constant false
          %or3A_347 = arith.ori %or3A_346, %ne3A_345 : i1
          %or3A_348 = arith.ori %or3A_347, %eq3A_178 : i1
          %add3A_349 = arith.constant 1 : i32
          %add3A_350 = arith.addi %while3A_166, %add3A_349 : i32
          %select_n3A_351 = arith.select %or3A_348, %add3A_350, %while3A_166 : i32
          %add3A_352 = arith.constant 1 : i32
          %add3A_353 = arith.addi %while3A_171, %add3A_352 : i32
          %select_n3A_354 = arith.constant true
          %select_n3A_355 = arith.select %select_n3A_354, %add3A_353, %while3A_171 : i32
          %eq3A_356 = arith.cmpi eq, %select_n3A_355, %select_n3A : i32
          %select_n3A_357 = arith.constant 0 : i32
          %select_n3A_358 = arith.select %eq3A_356, %select_n3A_357, %select_n3A_355 : i32
          scf.yield %select_n3A_219, %select_n3A_351, %select_n3A_293, %select_n3A_330, %select_n3A_305, %select_n3A_344, %select_n3A_358 : i32, i32, i32, i32, i32, i32, i32
        }
        %while3A_108 = arith.constant 1 : i32
        %while3A_109:7 = scf.for %while3A_164 = %while3A_105 to %while3A_101 step %while3A_108 iter_args(%while3A_165 = %while3A_107#0, %while3A_166 = %while3A_107#1, %while3A_167 = %while3A_107#2, %while3A_168 = %while3A_107#3, %while3A_169 = %while3A_107#4, %while3A_170 = %while3A_107#5, %while3A_171 = %while3A_107#6) -> (i32, i32, i32, i32, i32, i32, i32)  : i32 {
          %mul3A_172 = arith.constant 1 : i32
          %mul3A_173 = arith.muli %mul3A_172, %select_n3A : i32
          %eq3A_174 = arith.constant 0 : i32
          %eq3A_175 = arith.cmpi eq, %while3A_164, %eq3A_174 : i32
          %sub3A_176 = arith.constant 1 : i32
          %sub3A_177 = arith.subi %mul3A_173, %sub3A_176 : i32
          %eq3A_178 = arith.cmpi eq, %while3A_164, %sub3A_177 : i32
          %add3A_179 = arith.addi %while3A_171, %select_n3A_14 : i32
          %sub3A_180 = arith.constant 1 : i32
          %sub3A_181 = arith.subi %while3A_171, %sub3A_180 : i32
          %select_n3A_182 = arith.constant true
          %select_n3A_183 = arith.select %select_n3A_182, %sub3A_181, %while3A_171 : i32
          %eq3A_184 = arith.constant -1 : i32
          %eq3A_185 = arith.cmpi eq, %select_n3A_183, %eq3A_184 : i32
          %sub3A_186 = arith.constant 1 : i32
          %sub3A_187 = arith.subi %select_n3A, %sub3A_186 : i32
          %select_n3A_188 = arith.select %eq3A_185, %sub3A_187, %select_n3A_183 : i32
          %add3A_189 = arith.addi %select_n3A_188, %select_n3A_14 : i32
          %add3A_190 = arith.constant 1 : i32
          %add3A_191 = arith.addi %while3A_171, %add3A_190 : i32
          %select_n3A_192 = arith.constant true
          %select_n3A_193 = arith.select %select_n3A_192, %add3A_191, %while3A_171 : i32
          %eq3A_194 = arith.cmpi eq, %select_n3A_193, %select_n3A : i32
          %select_n3A_195 = arith.constant 0 : i32
          %select_n3A_196 = arith.select %eq3A_194, %select_n3A_195, %select_n3A_193 : i32
          %add3A_197 = arith.addi %select_n3A_196, %select_n3A_14 : i32
          %add3A_198 = arith.constant 1 : i32
          %add3A_199 = arith.addi %select_n3A_196, %add3A_198 : i32
          %select_n3A_200 = arith.constant true
          %select_n3A_201 = arith.select %select_n3A_200, %add3A_199, %select_n3A_196 : i32
          %eq3A_202 = arith.cmpi eq, %select_n3A_201, %select_n3A : i32
          %select_n3A_203 = arith.constant 0 : i32
          %select_n3A_204 = arith.select %eq3A_202, %select_n3A_203, %select_n3A_201 : i32
          %add3A_205 = arith.addi %select_n3A_204, %select_n3A_14 : i32
          %ne3A = arith.cmpi ne, %add3A_179, %add3A_197 : i32
          %or3A = arith.constant false
          %or3A_206 = arith.ori %or3A, %ne3A : i1
          %sub3A_207 = arith.constant 2 : i32
          %sub3A_208 = arith.subi %mul3A_173, %sub3A_207 : i32
          %add3A_209 = arith.constant 1 : i32
          %add3A_210 = arith.addi %sub3A_208, %add3A_209 : i32
          %ge3A = arith.cmpi sge, %while3A_164, %add3A_210 : i32
          %not3A = arith.constant true
          %not3A_211 = arith.xori %ge3A, %not3A : i1
          %and3A = arith.andi %or3A_206, %not3A_211 : i1
          %convert_element_type3A_212 = arith.extui %and3A : i1 to i32
          %cond3A_213 = arith.constant 0 : i32
          %cond3A_214 = arith.cmpi ne, %convert_element_type3A_212, %cond3A_213 : i32
          scf.if %cond3A_214 {
            "tpu.trace_start"() <{level = 10 : i32, message = "ep_copy_in"}> : () -> ()
            %rem3A_359 = arith.constant 2 : i32
            %rem3A_360 = arith.remui %while3A_165, %rem3A_359 : i32
            %mul3A_361 = arith.constant 1536 : i32
            %mul3A_362 = arith.muli %mul3A_361, %add3A_197 : i32
            %eq3A_363 = arith.constant 651 : i32
            %eq3A_364 = arith.cmpi eq, %add3A_197, %eq3A_363 : i32
            %jit3A_365 = arith.constant 128 : i32
            %jit3A_366 = arith.constant 1536 : i32
            %select_n3A_367 = arith.select %eq3A_364, %jit3A_365, %jit3A_366 : i32
            %multiple_of3A_368 = tpu.assume_multiple %select_n3A_367, 128 : i32
            %mul3A_369 = arith.constant 1536 : i32
            %mul3A_370 = arith.muli %add3A_197, %mul3A_369 : i32
            %dma_start3A_371 = arith.constant 0 : i32
            %dma_start3A_372 = arith.constant 0 : i32
            %dma_start3A_373 = tpu.memref_slice %run_scoped3A[%rem3A_360, %dma_start3A_371, %dma_start3A_372] <%multiple_of3A_368> : memref<2x3x1536xf32, #tpu.memory_space<vmem>> -> memref<1x3x?xf32, #tpu.memory_space<vmem>>
            %dma_start3A_374 = tpu.memref_squeeze %dma_start3A_373 : memref<1x3x?xf32, #tpu.memory_space<vmem>> -> memref<3x?xf32, #tpu.memory_space<vmem>>
            %dma_start3A_375 = arith.constant 0 : i32
            %dma_start3A_376 = tpu.memref_slice %arg2[%dma_start3A_375, %mul3A_370] <%multiple_of3A_368> : memref<3x1000000xf32, #tpu.memory_space<hbm>> -> memref<3x?xf32, #tpu.memory_space<hbm>>
            %dma_start3A_377 = tpu.memref_slice %run_scoped3A_22[%rem3A_360] : memref<2x!tpu.dma_semaphore, #tpu.memory_space<semaphore_mem>> -> memref<1x!tpu.dma_semaphore, #tpu.memory_space<semaphore_mem>>
            %dma_start3A_378 = tpu.memref_squeeze %dma_start3A_377 : memref<1x!tpu.dma_semaphore, #tpu.memory_space<semaphore_mem>> -> memref<!tpu.dma_semaphore, #tpu.memory_space<semaphore_mem>>
            %dma_start3A_379 = arith.constant 0 : i32
            %dma_start3A_380 = arith.constant 0 : i32
            %dma_start3A_381 = tpu.memref_slice %run_scoped3A[%rem3A_360, %dma_start3A_379, %dma_start3A_380] <%multiple_of3A_368> : memref<2x3x1536xf32, #tpu.memory_space<vmem>> -> memref<1x3x?xf32, #tpu.memory_space<vmem>>
            %dma_start3A_382 = tpu.memref_squeeze %dma_start3A_381 : memref<1x3x?xf32, #tpu.memory_space<vmem>> -> memref<3x?xf32, #tpu.memory_space<vmem>>
            %dma_start3A_383 = arith.constant 0 : i32
            %dma_start3A_384 = tpu.memref_slice %arg2[%dma_start3A_383, %mul3A_370] <%multiple_of3A_368> : memref<3x1000000xf32, #tpu.memory_space<hbm>> -> memref<3x?xf32, #tpu.memory_space<hbm>>
            tpu.enqueue_dma source(%dma_start3A_384 : memref<3x?xf32, #tpu.memory_space<hbm>>) target(%dma_start3A_382 : memref<3x?xf32, #tpu.memory_space<vmem>>) target_semaphore(%dma_start3A_378 : memref<!tpu.dma_semaphore, #tpu.memory_space<semaphore_mem>>)
            "tpu.trace_stop"() : () -> ()
          } else {
          }
          %and3A_215 = arith.constant true
          %and3A_216 = arith.andi %and3A, %and3A_215 : i1
          %add3A_217 = arith.constant 1 : i32
          %add3A_218 = arith.addi %while3A_165, %add3A_217 : i32
          %select_n3A_219 = arith.select %and3A_216, %add3A_218, %while3A_165 : i32
          %ne3A_220 = arith.cmpi ne, %add3A_179, %add3A_197 : i32
          %or3A_221 = arith.constant false
          %or3A_222 = arith.ori %or3A_221, %ne3A_220 : i1
          %sub3A_223 = arith.constant 2 : i32
          %sub3A_224 = arith.subi %mul3A_173, %sub3A_223 : i32
          %add3A_225 = arith.constant 1 : i32
          %add3A_226 = arith.addi %sub3A_224, %add3A_225 : i32
          %ge3A_227 = arith.cmpi sge, %while3A_164, %add3A_226 : i32
          %not3A_228 = arith.constant true
          %not3A_229 = arith.xori %ge3A_227, %not3A_228 : i1
          %and3A_230 = arith.andi %or3A_222, %not3A_229 : i1
          %ne3A_231 = arith.cmpi ne, %add3A_179, %add3A_197 : i32
          %or3A_232 = arith.constant false
          %or3A_233 = arith.ori %or3A_232, %ne3A_231 : i1
          %sub3A_234 = arith.constant 2 : i32
          %sub3A_235 = arith.subi %mul3A_173, %sub3A_234 : i32
          %add3A_236 = arith.constant 1 : i32
          %add3A_237 = arith.addi %sub3A_235, %add3A_236 : i32
          %ge3A_238 = arith.cmpi sge, %while3A_164, %add3A_237 : i32
          %not3A_239 = arith.constant true
          %not3A_240 = arith.xori %ge3A_238, %not3A_239 : i1
          %and3A_241 = arith.andi %or3A_233, %not3A_240 : i1
          %ne3A_242 = arith.cmpi ne, %add3A_179, %add3A_189 : i32
          %or3A_243 = arith.constant false
          %or3A_244 = arith.ori %or3A_243, %ne3A_242 : i1
          %or3A_245 = arith.ori %or3A_244, %eq3A_175 : i1
          %convert_element_type3A_246 = arith.extui %or3A_245 : i1 to i32
          %cond3A_247 = arith.constant 0 : i32
          %cond3A_248 = arith.cmpi ne, %convert_element_type3A_246, %cond3A_247 : i32
          scf.if %cond3A_248 {
            "tpu.trace_start"() <{level = 10 : i32, message = "ep_wait_in"}> : () -> ()
            %mul3A_359 = arith.constant 1536 : i32
            %mul3A_360 = arith.muli %mul3A_359, %add3A_179 : i32
            %eq3A_361 = arith.constant 651 : i32
            %eq3A_362 = arith.cmpi eq, %add3A_179, %eq3A_361 : i32
            %jit3A_363 = arith.constant 128 : i32
            %jit3A_364 = arith.constant 1536 : i32
            %select_n3A_365 = arith.select %eq3A_362, %jit3A_363, %jit3A_364 : i32
            %multiple_of3A_366 = tpu.assume_multiple %select_n3A_365, 128 : i32
            %mul3A_367 = arith.constant 1536 : i32
            %mul3A_368 = arith.muli %add3A_179, %mul3A_367 : i32
            %rem3A_369 = arith.constant 2 : i32
            %rem3A_370 = arith.remui %while3A_166, %rem3A_369 : i32
            %dma_wait3A = arith.constant 0 : i32
            %dma_wait3A_371 = arith.constant 0 : i32
            %dma_wait3A_372 = tpu.memref_slice %run_scoped3A[%rem3A_370, %dma_wait3A, %dma_wait3A_371] <%multiple_of3A_366> : memref<2x3x1536xf32, #tpu.memory_space<vmem>> -> memref<1x3x?xf32, #tpu.memory_space<vmem>>
            %dma_wait3A_373 = tpu.memref_squeeze %dma_wait3A_372 : memref<1x3x?xf32, #tpu.memory_space<vmem>> -> memref<3x?xf32, #tpu.memory_space<vmem>>
            %dma_wait3A_374 = arith.constant 0 : i32
            %dma_wait3A_375 = tpu.memref_slice %arg2[%dma_wait3A_374, %mul3A_368] <%multiple_of3A_366> : memref<3x1000000xf32, #tpu.memory_space<hbm>> -> memref<3x?xf32, #tpu.memory_space<hbm>>
            %dma_wait3A_376 = tpu.memref_slice %run_scoped3A_22[%rem3A_370] : memref<2x!tpu.dma_semaphore, #tpu.memory_space<semaphore_mem>> -> memref<1x!tpu.dma_semaphore, #tpu.memory_space<semaphore_mem>>
            %dma_wait3A_377 = tpu.memref_squeeze %dma_wait3A_376 : memref<1x!tpu.dma_semaphore, #tpu.memory_space<semaphore_mem>> -> memref<!tpu.dma_semaphore, #tpu.memory_space<semaphore_mem>>
            %dma_wait3A_378 = arith.constant 0 : i32
            %dma_wait3A_379 = arith.constant 0 : i32
            %dma_wait3A_380 = tpu.memref_slice %run_scoped3A[%rem3A_370, %dma_wait3A_378, %dma_wait3A_379] <%multiple_of3A_366> : memref<2x3x1536xf32, #tpu.memory_space<vmem>> -> memref<1x3x?xf32, #tpu.memory_space<vmem>>
            %dma_wait3A_381 = tpu.memref_squeeze %dma_wait3A_380 : memref<1x3x?xf32, #tpu.memory_space<vmem>> -> memref<3x?xf32, #tpu.memory_space<vmem>>
            %dma_wait3A_382 = arith.constant 0 : i32
            %dma_wait3A_383 = tpu.memref_slice %arg2[%dma_wait3A_382, %mul3A_368] <%multiple_of3A_366> : memref<3x1000000xf32, #tpu.memory_space<hbm>> -> memref<3x?xf32, #tpu.memory_space<hbm>>
            tpu.wait_dma2 semaphore(%dma_wait3A_377 : memref<!tpu.dma_semaphore, #tpu.memory_space<semaphore_mem>>) src(%dma_wait3A_383 : memref<3x?xf32, #tpu.memory_space<hbm>>) dst(%dma_wait3A_381 : memref<3x?xf32, #tpu.memory_space<vmem>>)
            "tpu.trace_stop"() : () -> ()
          } else {
          }
          %ne3A_249 = arith.cmpi ne, %add3A_179, %add3A_189 : i32
          %or3A_250 = arith.constant false
          %or3A_251 = arith.ori %or3A_250, %ne3A_249 : i1
          %or3A_252 = arith.ori %or3A_251, %eq3A_175 : i1
          %convert_element_type3A_253 = arith.extui %or3A_252 : i1 to i32
          %cond3A_254 = arith.constant 0 : i32
          %cond3A_255 = arith.cmpi ne, %convert_element_type3A_253, %cond3A_254 : i32
          scf.if %cond3A_255 {
          } else {
          }
          %ne3A_256 = arith.cmpi ne, %add3A_179, %add3A_189 : i32
          %or3A_257 = arith.constant false
          %or3A_258 = arith.ori %or3A_257, %ne3A_256 : i1
          %or3A_259 = arith.ori %or3A_258, %eq3A_175 : i1
          %convert_element_type3A_260 = arith.extui %or3A_259 : i1 to i32
          %cond3A_261 = arith.constant 0 : i32
          %cond3A_262 = arith.cmpi ne, %convert_element_type3A_260, %cond3A_261 : i32
          scf.if %cond3A_262 {
          } else {
          }
          %rem3A_263 = arith.constant 2 : i32
          %rem3A_264 = arith.remui %while3A_166, %rem3A_263 : i32
          %rem3A_265 = arith.constant 2 : i32
          %rem3A_266 = arith.remui %while3A_167, %rem3A_265 : i32
          %rem3A_267 = arith.constant 2 : i32
          %rem3A_268 = arith.remui %while3A_169, %rem3A_267 : i32
          "tpu.trace_start"() <{level = 10 : i32, message = "ep_run_kernel"}> : () -> ()
          %scan3A = arith.constant 0 : i32
          %scan3A_269 = arith.constant 48 : i32
          %scan3A_270 = arith.addi %scan3A, %scan3A_269 : i32
          %scan3A_271 = arith.constant 1 : i32
          scf.for %scan3A_359 = %scan3A to %scan3A_270 step %scan3A_271  : i32 {
            %mul3A_360 = arith.constant 32 : i32
            %mul3A_361 = arith.muli %scan3A_359, %mul3A_360 : i32
            %add3A_362 = arith.constant 0 : i32
            %add3A_363 = arith.addi %add3A_362, %mul3A_361 : i32
            %add3A_364 = arith.constant 0 : i32
            %add3A_365 = arith.addi %add3A_363, %add3A_364 : i32
            %get3A = arith.constant 0 : i32
            %get3A_366 = arith.constant 0 : i32
            %get3A_367 = arith.constant 0 : i32
            %get3A_368 = tpu.memref_slice %run_scoped3A[%rem3A_264, %get3A_366, %get3A_367] : memref<2x3x1536xf32, #tpu.memory_space<vmem>> -> memref<1x3x1536xf32, #tpu.memory_space<vmem>>
            %get3A_369 = tpu.memref_squeeze %get3A_368 : memref<1x3x1536xf32, #tpu.memory_space<vmem>> -> memref<3x1536xf32, #tpu.memory_space<vmem>>
            %get3A_370 = arith.index_cast %get3A : i32 to index
            %get3A_371 = arith.index_cast %add3A_365 : i32 to index
            %get3A_372 = tpu.vector_load %get3A_369[%get3A_370, %get3A_371] {strides = array<i32>} : memref<3x1536xf32, #tpu.memory_space<vmem>>, vector<16xf32>,
            %get3A_373 = arith.constant 1 : i32
            %get3A_374 = arith.constant 0 : i32
            %get3A_375 = arith.constant 0 : i32
            %get3A_376 = tpu.memref_slice %run_scoped3A[%rem3A_264, %get3A_374, %get3A_375] : memref<2x3x1536xf32, #tpu.memory_space<vmem>> -> memref<1x3x1536xf32, #tpu.memory_space<vmem>>
            %get3A_377 = tpu.memref_squeeze %get3A_376 : memref<1x3x1536xf32, #tpu.memory_space<vmem>> -> memref<3x1536xf32, #tpu.memory_space<vmem>>
            %get3A_378 = arith.index_cast %get3A_373 : i32 to index
            %get3A_379 = arith.index_cast %add3A_365 : i32 to index
            %get3A_380 = tpu.vector_load %get3A_377[%get3A_378, %get3A_379] {strides = array<i32>} : memref<3x1536xf32, #tpu.memory_space<vmem>>, vector<16xf32>,
            %get3A_381 = arith.constant 2 : i32
            %get3A_382 = arith.constant 0 : i32
            %get3A_383 = arith.constant 0 : i32
            %get3A_384 = tpu.memref_slice %run_scoped3A[%rem3A_264, %get3A_382, %get3A_383] : memref<2x3x1536xf32, #tpu.memory_space<vmem>> -> memref<1x3x1536xf32, #tpu.memory_space<vmem>>
            %get3A_385 = tpu.memref_squeeze %get3A_384 : memref<1x3x1536xf32, #tpu.memory_space<vmem>> -> memref<3x1536xf32, #tpu.memory_space<vmem>>
            %get3A_386 = arith.index_cast %get3A_381 : i32 to index
            %get3A_387 = arith.index_cast %add3A_365 : i32 to index
            %get3A_388 = tpu.vector_load %get3A_385[%get3A_386, %get3A_387] {strides = array<i32>} : memref<3x1536xf32, #tpu.memory_space<vmem>>, vector<16xf32>,
            %mul3A_389 = arith.constant 6.400000e+01 : f32
            %mul3A_390 = vector.broadcast %mul3A_389 : f32 to vector<16xf32>
            %mul3A_391 = arith.mulf %get3A_372, %mul3A_390 : vector<16xf32>
            %mul3A_392 = arith.constant 6.400000e+01 : f32
            %mul3A_393 = vector.broadcast %mul3A_392 : f32 to vector<16xf32>
            %mul3A_394 = arith.mulf %get3A_380, %mul3A_393 : vector<16xf32>
            %mul3A_395 = arith.constant 6.400000e+01 : f32
            %mul3A_396 = vector.broadcast %mul3A_395 : f32 to vector<16xf32>
            %mul3A_397 = arith.mulf %get3A_388, %mul3A_396 : vector<16xf32>
            %convert_element_type3A_398 = arith.fptosi %mul3A_391 : vector<16xf32> to vector<16xi32>
            %convert_element_type3A_399 = arith.sitofp %convert_element_type3A_398 : vector<16xi32> to vector<16xf32>
            %sub3A_400 = arith.subf %mul3A_391, %convert_element_type3A_399 : vector<16xf32>
            %convert_element_type3A_401 = arith.fptosi %mul3A_394 : vector<16xf32> to vector<16xi32>
            %convert_element_type3A_402 = arith.sitofp %convert_element_type3A_401 : vector<16xi32> to vector<16xf32>
            %sub3A_403 = arith.subf %mul3A_394, %convert_element_type3A_402 : vector<16xf32>
            %convert_element_type3A_404 = arith.fptosi %mul3A_397 : vector<16xf32> to vector<16xi32>
            %convert_element_type3A_405 = arith.sitofp %convert_element_type3A_404 : vector<16xi32> to vector<16xf32>
            %sub3A_406 = arith.subf %mul3A_397, %convert_element_type3A_405 : vector<16xf32>
            %sub3A_407 = arith.constant 1.000000e+00 : f32
            %sub3A_408 = vector.broadcast %sub3A_407 : f32 to vector<16xf32>
            %sub3A_409 = arith.subf %sub3A_408, %sub3A_400 : vector<16xf32>
            %sub3A_410 = arith.constant 1.000000e+00 : f32
            %sub3A_411 = vector.broadcast %sub3A_410 : f32 to vector<16xf32>
            %sub3A_412 = arith.subf %sub3A_411, %sub3A_403 : vector<16xf32>
            %sub3A_413 = arith.constant 1.000000e+00 : f32
            %sub3A_414 = vector.broadcast %sub3A_413 : f32 to vector<16xf32>
            %sub3A_415 = arith.subf %sub3A_414, %sub3A_406 : vector<16xf32>
            %sign3A = tpu.bitcast %sub3A_400 : vector<16xf32> -> vector<16xi32>
            %sign3A_416 = arith.constant -2147483648 : i32
            %sign3A_417 = vector.broadcast %sign3A_416 : i32 to vector<16xi32>
            %sign3A_418 = arith.andi %sign3A, %sign3A_417 : vector<16xi32>
            %sign3A_419 = arith.constant 1065353216 : i32
            %sign3A_420 = vector.broadcast %sign3A_419 : i32 to vector<16xi32>
            %sign3A_421 = arith.ori %sign3A_420, %sign3A_418 : vector<16xi32>
            %sign3A_422 = tpu.bitcast %sign3A_421 : vector<16xi32> -> vector<16xf32>
            %sign3A_423 = math.absf %sub3A_400 : vector<16xf32>
            %sign3A_424 = arith.constant 0.000000e+00 : f32
            %sign3A_425 = vector.broadcast %sign3A_424 : f32 to vector<16xf32>
            %sign3A_426 = arith.cmpf ogt, %sign3A_423, %sign3A_425 : vector<16xf32>
            %sign3A_427 = arith.select %sign3A_426, %sign3A_422, %sub3A_400 : vector<16xi1>, vector<16xf32>
            %mul3A_428 = arith.constant 6.400000e+01 : f32
            %mul3A_429 = vector.broadcast %mul3A_428 : f32 to vector<16xf32>
            %mul3A_430 = arith.mulf %sign3A_427, %mul3A_429 : vector<16xf32>
            %sign3A_431 = tpu.bitcast %sub3A_403 : vector<16xf32> -> vector<16xi32>
            %sign3A_432 = arith.constant -2147483648 : i32
            %sign3A_433 = vector.broadcast %sign3A_432 : i32 to vector<16xi32>
            %sign3A_434 = arith.andi %sign3A_431, %sign3A_433 : vector<16xi32>
            %sign3A_435 = arith.constant 1065353216 : i32
            %sign3A_436 = vector.broadcast %sign3A_435 : i32 to vector<16xi32>
            %sign3A_437 = arith.ori %sign3A_436, %sign3A_434 : vector<16xi32>
            %sign3A_438 = tpu.bitcast %sign3A_437 : vector<16xi32> -> vector<16xf32>
            %sign3A_439 = math.absf %sub3A_403 : vector<16xf32>
            %sign3A_440 = arith.constant 0.000000e+00 : f32
            %sign3A_441 = vector.broadcast %sign3A_440 : f32 to vector<16xf32>
            %sign3A_442 = arith.cmpf ogt, %sign3A_439, %sign3A_441 : vector<16xf32>
            %sign3A_443 = arith.select %sign3A_442, %sign3A_438, %sub3A_403 : vector<16xi1>, vector<16xf32>
            %mul3A_444 = arith.constant 6.400000e+01 : f32
            %mul3A_445 = vector.broadcast %mul3A_444 : f32 to vector<16xf32>
            %mul3A_446 = arith.mulf %sign3A_443, %mul3A_445 : vector<16xf32>
            %sign3A_447 = tpu.bitcast %sub3A_406 : vector<16xf32> -> vector<16xi32>
            %sign3A_448 = arith.constant -2147483648 : i32
            %sign3A_449 = vector.broadcast %sign3A_448 : i32 to vector<16xi32>
            %sign3A_450 = arith.andi %sign3A_447, %sign3A_449 : vector<16xi32>
            %sign3A_451 = arith.constant 1065353216 : i32
            %sign3A_452 = vector.broadcast %sign3A_451 : i32 to vector<16xi32>
            %sign3A_453 = arith.ori %sign3A_452, %sign3A_450 : vector<16xi32>
            %sign3A_454 = tpu.bitcast %sign3A_453 : vector<16xi32> -> vector<16xf32>
            %sign3A_455 = math.absf %sub3A_406 : vector<16xf32>
            %sign3A_456 = arith.constant 0.000000e+00 : f32
            %sign3A_457 = vector.broadcast %sign3A_456 : f32 to vector<16xf32>
            %sign3A_458 = arith.cmpf ogt, %sign3A_455, %sign3A_457 : vector<16xf32>
            %sign3A_459 = arith.select %sign3A_458, %sign3A_454, %sub3A_406 : vector<16xi1>, vector<16xf32>
            %mul3A_460 = arith.constant 6.400000e+01 : f32
            %mul3A_461 = vector.broadcast %mul3A_460 : f32 to vector<16xf32>
            %mul3A_462 = arith.mulf %sign3A_459, %mul3A_461 : vector<16xf32>
            %neg3A = arith.constant 0.000000e+00 : f32
            %neg3A_463 = vector.broadcast %neg3A : f32 to vector<16xf32>
            %neg3A_464 = arith.subf %neg3A_463, %mul3A_430 : vector<16xf32>
            %neg3A_465 = arith.constant 0.000000e+00 : f32
            %neg3A_466 = vector.broadcast %neg3A_465 : f32 to vector<16xf32>
            %neg3A_467 = arith.subf %neg3A_466, %mul3A_446 : vector<16xf32>
            %neg3A_468 = arith.constant 0.000000e+00 : f32
            %neg3A_469 = vector.broadcast %neg3A_468 : f32 to vector<16xf32>
            %neg3A_470 = arith.subf %neg3A_469, %mul3A_462 : vector<16xf32>
            %mul3A_471 = arith.mulf %sub3A_409, %sub3A_412 : vector<16xf32>
            %mul3A_472 = arith.mulf %sub3A_409, %sub3A_403 : vector<16xf32>
            %mul3A_473 = arith.mulf %sub3A_400, %sub3A_412 : vector<16xf32>
            %mul3A_474 = arith.mulf %sub3A_400, %sub3A_403 : vector<16xf32>
            %mul3A_475 = arith.mulf %sub3A_409, %sub3A_415 : vector<16xf32>
            %mul3A_476 = arith.mulf %sub3A_409, %sub3A_406 : vector<16xf32>
            %mul3A_477 = arith.mulf %sub3A_400, %sub3A_415 : vector<16xf32>
            %mul3A_478 = arith.mulf %sub3A_400, %sub3A_406 : vector<16xf32>
            %mul3A_479 = arith.mulf %sub3A_412, %sub3A_415 : vector<16xf32>
            %mul3A_480 = arith.mulf %sub3A_412, %sub3A_406 : vector<16xf32>
            %mul3A_481 = arith.mulf %sub3A_403, %sub3A_415 : vector<16xf32>
            %mul3A_482 = arith.mulf %sub3A_403, %sub3A_406 : vector<16xf32>
            %mul3A_483 = arith.mulf %mul3A_471, %sub3A_415 : vector<16xf32>
            %swap3A = arith.constant 0 : i32
            %swap3A_484 = arith.constant 0 : i32
            %swap3A_485 = arith.constant 0 : i32
            %swap3A_486 = tpu.memref_slice %run_scoped3A_23[%rem3A_266, %swap3A_484, %swap3A_485] : memref<2x8x1536xf32, #tpu.memory_space<vmem>> -> memref<1x8x1536xf32, #tpu.memory_space<vmem>>
            %swap3A_487 = tpu.memref_squeeze %swap3A_486 : memref<1x8x1536xf32, #tpu.memory_space<vmem>> -> memref<8x1536xf32, #tpu.memory_space<vmem>>
            %swap3A_488 = arith.index_cast %swap3A : i32 to index
            %swap3A_489 = arith.index_cast %add3A_365 : i32 to index
            %swap3A_490 = tpu.vector_load %swap3A_487[%swap3A_488, %swap3A_489] {strides = array<i32>} : memref<8x1536xf32, #tpu.memory_space<vmem>>, vector<16xf32>,
            tpu.vector_store %swap3A_487[%swap3A_488, %swap3A_489], %mul3A_483 {strides = array<i32>} : memref<8x1536xf32, #tpu.memory_space<vmem>>, vector<16xf32>,
            %mul3A_491 = arith.mulf %neg3A_464, %mul3A_479 : vector<16xf32>
            %swap3A_492 = arith.constant 0 : i32
            %swap3A_493 = arith.constant 0 : i32
            %swap3A_494 = arith.constant 0 : i32
            %swap3A_495 = tpu.memref_slice %run_scoped3A_25[%rem3A_268, %swap3A_493, %swap3A_494] : memref<2x24x1536xf32, #tpu.memory_space<vmem>> -> memref<1x24x1536xf32, #tpu.memory_space<vmem>>
            %swap3A_496 = tpu.memref_squeeze %swap3A_495 : memref<1x24x1536xf32, #tpu.memory_space<vmem>> -> memref<24x1536xf32, #tpu.memory_space<vmem>>
            %swap3A_497 = arith.index_cast %swap3A_492 : i32 to index
            %swap3A_498 = arith.index_cast %add3A_365 : i32 to index
            %swap3A_499 = tpu.vector_load %swap3A_496[%swap3A_497, %swap3A_498] {strides = array<i32>} : memref<24x1536xf32, #tpu.memory_space<vmem>>, vector<16xf32>,
            tpu.vector_store %swap3A_496[%swap3A_497, %swap3A_498], %mul3A_491 {strides = array<i32>} : memref<24x1536xf32, #tpu.memory_space<vmem>>, vector<16xf32>,
            %mul3A_500 = arith.mulf %neg3A_467, %mul3A_475 : vector<16xf32>
            %swap3A_501 = arith.constant 8 : i32
            %swap3A_502 = arith.constant 0 : i32
            %swap3A_503 = arith.constant 0 : i32
            %swap3A_504 = tpu.memref_slice %run_scoped3A_25[%rem3A_268, %swap3A_502, %swap3A_503] : memref<2x24x1536xf32, #tpu.memory_space<vmem>> -> memref<1x24x1536xf32, #tpu.memory_space<vmem>>
            %swap3A_505 = tpu.memref_squeeze %swap3A_504 : memref<1x24x1536xf32, #tpu.memory_space<vmem>> -> memref<24x1536xf32, #tpu.memory_space<vmem>>
            %swap3A_506 = arith.index_cast %swap3A_501 : i32 to index
            %swap3A_507 = arith.index_cast %add3A_365 : i32 to index
            %swap3A_508 = tpu.vector_load %swap3A_505[%swap3A_506, %swap3A_507] {strides = array<i32>} : memref<24x1536xf32, #tpu.memory_space<vmem>>, vector<16xf32>,
            tpu.vector_store %swap3A_505[%swap3A_506, %swap3A_507], %mul3A_500 {strides = array<i32>} : memref<24x1536xf32, #tpu.memory_space<vmem>>, vector<16xf32>,
            %mul3A_509 = arith.mulf %neg3A_470, %mul3A_471 : vector<16xf32>
            %swap3A_510 = arith.constant 16 : i32
            %swap3A_511 = arith.constant 0 : i32
            %swap3A_512 = arith.constant 0 : i32
            %swap3A_513 = tpu.memref_slice %run_scoped3A_25[%rem3A_268, %swap3A_511, %swap3A_512] : memref<2x24x1536xf32, #tpu.memory_space<vmem>> -> memref<1x24x1536xf32, #tpu.memory_space<vmem>>
            %swap3A_514 = tpu.memref_squeeze %swap3A_513 : memref<1x24x1536xf32, #tpu.memory_space<vmem>> -> memref<24x1536xf32, #tpu.memory_space<vmem>>
            %swap3A_515 = arith.index_cast %swap3A_510 : i32 to index
            %swap3A_516 = arith.index_cast %add3A_365 : i32 to index
            %swap3A_517 = tpu.vector_load %swap3A_514[%swap3A_515, %swap3A_516] {strides = array<i32>} : memref<24x1536xf32, #tpu.memory_space<vmem>>, vector<16xf32>,
            tpu.vector_store %swap3A_514[%swap3A_515, %swap3A_516], %mul3A_509 {strides = array<i32>} : memref<24x1536xf32, #tpu.memory_space<vmem>>, vector<16xf32>,
            %mul3A_518 = arith.mulf %mul3A_471, %sub3A_406 : vector<16xf32>
            %swap3A_519 = arith.constant 1 : i32
            %swap3A_520 = arith.constant 0 : i32
            %swap3A_521 = arith.constant 0 : i32
            %swap3A_522 = tpu.memref_slice %run_scoped3A_23[%rem3A_266, %swap3A_520, %swap3A_521] : memref<2x8x1536xf32, #tpu.memory_space<vmem>> -> memref<1x8x1536xf32, #tpu.memory_space<vmem>>
            %swap3A_523 = tpu.memref_squeeze %swap3A_522 : memref<1x8x1536xf32, #tpu.memory_space<vmem>> -> memref<8x1536xf32, #tpu.memory_space<vmem>>
            %swap3A_524 = arith.index_cast %swap3A_519 : i32 to index
            %swap3A_525 = arith.index_cast %add3A_365 : i32 to index
            %swap3A_526 = tpu.vector_load %swap3A_523[%swap3A_524, %swap3A_525] {strides = array<i32>} : memref<8x1536xf32, #tpu.memory_space<vmem>>, vector<16xf32>,
            tpu.vector_store %swap3A_523[%swap3A_524, %swap3A_525], %mul3A_518 {strides = array<i32>} : memref<8x1536xf32, #tpu.memory_space<vmem>>, vector<16xf32>,
            %mul3A_527 = arith.mulf %neg3A_464, %mul3A_480 : vector<16xf32>
            %swap3A_528 = arith.constant 1 : i32
            %swap3A_529 = arith.constant 0 : i32
            %swap3A_530 = arith.constant 0 : i32
            %swap3A_531 = tpu.memref_slice %run_scoped3A_25[%rem3A_268, %swap3A_529, %swap3A_530] : memref<2x24x1536xf32, #tpu.memory_space<vmem>> -> memref<1x24x1536xf32, #tpu.memory_space<vmem>>
            %swap3A_532 = tpu.memref_squeeze %swap3A_531 : memref<1x24x1536xf32, #tpu.memory_space<vmem>> -> memref<24x1536xf32, #tpu.memory_space<vmem>>
            %swap3A_533 = arith.index_cast %swap3A_528 : i32 to index
            %swap3A_534 = arith.index_cast %add3A_365 : i32 to index
            %swap3A_535 = tpu.vector_load %swap3A_532[%swap3A_533, %swap3A_534] {strides = array<i32>} : memref<24x1536xf32, #tpu.memory_space<vmem>>, vector<16xf32>,
            tpu.vector_store %swap3A_532[%swap3A_533, %swap3A_534], %mul3A_527 {strides = array<i32>} : memref<24x1536xf32, #tpu.memory_space<vmem>>, vector<16xf32>,
            %mul3A_536 = arith.mulf %neg3A_467, %mul3A_476 : vector<16xf32>
            %swap3A_537 = arith.constant 9 : i32
            %swap3A_538 = arith.constant 0 : i32
            %swap3A_539 = arith.constant 0 : i32
            %swap3A_540 = tpu.memref_slice %run_scoped3A_25[%rem3A_268, %swap3A_538, %swap3A_539] : memref<2x24x1536xf32, #tpu.memory_space<vmem>> -> memref<1x24x1536xf32, #tpu.memory_space<vmem>>
            %swap3A_541 = tpu.memref_squeeze %swap3A_540 : memref<1x24x1536xf32, #tpu.memory_space<vmem>> -> memref<24x1536xf32, #tpu.memory_space<vmem>>
            %swap3A_542 = arith.index_cast %swap3A_537 : i32 to index
            %swap3A_543 = arith.index_cast %add3A_365 : i32 to index
            %swap3A_544 = tpu.vector_load %swap3A_541[%swap3A_542, %swap3A_543] {strides = array<i32>} : memref<24x1536xf32, #tpu.memory_space<vmem>>, vector<16xf32>,
            tpu.vector_store %swap3A_541[%swap3A_542, %swap3A_543], %mul3A_536 {strides = array<i32>} : memref<24x1536xf32, #tpu.memory_space<vmem>>, vector<16xf32>,
            %mul3A_545 = arith.mulf %mul3A_462, %mul3A_471 : vector<16xf32>
            %swap3A_546 = arith.constant 17 : i32
            %swap3A_547 = arith.constant 0 : i32
            %swap3A_548 = arith.constant 0 : i32
            %swap3A_549 = tpu.memref_slice %run_scoped3A_25[%rem3A_268, %swap3A_547, %swap3A_548] : memref<2x24x1536xf32, #tpu.memory_space<vmem>> -> memref<1x24x1536xf32, #tpu.memory_space<vmem>>
            %swap3A_550 = tpu.memref_squeeze %swap3A_549 : memref<1x24x1536xf32, #tpu.memory_space<vmem>> -> memref<24x1536xf32, #tpu.memory_space<vmem>>
            %swap3A_551 = arith.index_cast %swap3A_546 : i32 to index
            %swap3A_552 = arith.index_cast %add3A_365 : i32 to index
            %swap3A_553 = tpu.vector_load %swap3A_550[%swap3A_551, %swap3A_552] {strides = array<i32>} : memref<24x1536xf32, #tpu.memory_space<vmem>>, vector<16xf32>,
            tpu.vector_store %swap3A_550[%swap3A_551, %swap3A_552], %mul3A_545 {strides = array<i32>} : memref<24x1536xf32, #tpu.memory_space<vmem>>, vector<16xf32>,
            %mul3A_554 = arith.mulf %mul3A_472, %sub3A_415 : vector<16xf32>
            %swap3A_555 = arith.constant 2 : i32
            %swap3A_556 = arith.constant 0 : i32
            %swap3A_557 = arith.constant 0 : i32
            %swap3A_558 = tpu.memref_slice %run_scoped3A_23[%rem3A_266, %swap3A_556, %swap3A_557] : memref<2x8x1536xf32, #tpu.memory_space<vmem>> -> memref<1x8x1536xf32, #tpu.memory_space<vmem>>
            %swap3A_559 = tpu.memref_squeeze %swap3A_558 : memref<1x8x1536xf32, #tpu.memory_space<vmem>> -> memref<8x1536xf32, #tpu.memory_space<vmem>>
            %swap3A_560 = arith.index_cast %swap3A_555 : i32 to index
            %swap3A_561 = arith.index_cast %add3A_365 : i32 to index
            %swap3A_562 = tpu.vector_load %swap3A_559[%swap3A_560, %swap3A_561] {strides = array<i32>} : memref<8x1536xf32, #tpu.memory_space<vmem>>, vector<16xf32>,
            tpu.vector_store %swap3A_559[%swap3A_560, %swap3A_561], %mul3A_554 {strides = array<i32>} : memref<8x1536xf32, #tpu.memory_space<vmem>>, vector<16xf32>,
            %mul3A_563 = arith.mulf %neg3A_464, %mul3A_481 : vector<16xf32>
            %swap3A_564 = arith.constant 2 : i32
            %swap3A_565 = arith.constant 0 : i32
            %swap3A_566 = arith.constant 0 : i32
            %swap3A_567 = tpu.memref_slice %run_scoped3A_25[%rem3A_268, %swap3A_565, %swap3A_566] : memref<2x24x1536xf32, #tpu.memory_space<vmem>> -> memref<1x24x1536xf32, #tpu.memory_space<vmem>>
            %swap3A_568 = tpu.memref_squeeze %swap3A_567 : memref<1x24x1536xf32, #tpu.memory_space<vmem>> -> memref<24x1536xf32, #tpu.memory_space<vmem>>
            %swap3A_569 = arith.index_cast %swap3A_564 : i32 to index
            %swap3A_570 = arith.index_cast %add3A_365 : i32 to index
            %swap3A_571 = tpu.vector_load %swap3A_568[%swap3A_569, %swap3A_570] {strides = array<i32>} : memref<24x1536xf32, #tpu.memory_space<vmem>>, vector<16xf32>,
            tpu.vector_store %swap3A_568[%swap3A_569, %swap3A_570], %mul3A_563 {strides = array<i32>} : memref<24x1536xf32, #tpu.memory_space<vmem>>, vector<16xf32>,
            %mul3A_572 = arith.mulf %mul3A_446, %mul3A_475 : vector<16xf32>
            %swap3A_573 = arith.constant 10 : i32
            %swap3A_574 = arith.constant 0 : i32
            %swap3A_575 = arith.constant 0 : i32
            %swap3A_576 = tpu.memref_slice %run_scoped3A_25[%rem3A_268, %swap3A_574, %swap3A_575] : memref<2x24x1536xf32, #tpu.memory_space<vmem>> -> memref<1x24x1536xf32, #tpu.memory_space<vmem>>
            %swap3A_577 = tpu.memref_squeeze %swap3A_576 : memref<1x24x1536xf32, #tpu.memory_space<vmem>> -> memref<24x1536xf32, #tpu.memory_space<vmem>>
            %swap3A_578 = arith.index_cast %swap3A_573 : i32 to index
            %swap3A_579 = arith.index_cast %add3A_365 : i32 to index
            %swap3A_580 = tpu.vector_load %swap3A_577[%swap3A_578, %swap3A_579] {strides = array<i32>} : memref<24x1536xf32, #tpu.memory_space<vmem>>, vector<16xf32>,
            tpu.vector_store %swap3A_577[%swap3A_578, %swap3A_579], %mul3A_572 {strides = array<i32>} : memref<24x1536xf32, #tpu.memory_space<vmem>>, vector<16xf32>,
            %mul3A_581 = arith.mulf %neg3A_470, %mul3A_472 : vector<16xf32>
            %swap3A_582 = arith.constant 18 : i32
            %swap3A_583 = arith.constant 0 : i32
            %swap3A_584 = arith.constant 0 : i32
            %swap3A_585 = tpu.memref_slice %run_scoped3A_25[%rem3A_268, %swap3A_583, %swap3A_584] : memref<2x24x1536xf32, #tpu.memory_space<vmem>> -> memref<1x24x1536xf32, #tpu.memory_space<vmem>>
            %swap3A_586 = tpu.memref_squeeze %swap3A_585 : memref<1x24x1536xf32, #tpu.memory_space<vmem>> -> memref<24x1536xf32, #tpu.memory_space<vmem>>
            %swap3A_587 = arith.index_cast %swap3A_582 : i32 to index
            %swap3A_588 = arith.index_cast %add3A_365 : i32 to index
            %swap3A_589 = tpu.vector_load %swap3A_586[%swap3A_587, %swap3A_588] {strides = array<i32>} : memref<24x1536xf32, #tpu.memory_space<vmem>>, vector<16xf32>,
            tpu.vector_store %swap3A_586[%swap3A_587, %swap3A_588], %mul3A_581 {strides = array<i32>} : memref<24x1536xf32, #tpu.memory_space<vmem>>, vector<16xf32>,
            %mul3A_590 = arith.mulf %mul3A_472, %sub3A_406 : vector<16xf32>
            %swap3A_591 = arith.constant 3 : i32
            %swap3A_592 = arith.constant 0 : i32
            %swap3A_593 = arith.constant 0 : i32
            %swap3A_594 = tpu.memref_slice %run_scoped3A_23[%rem3A_266, %swap3A_592, %swap3A_593] : memref<2x8x1536xf32, #tpu.memory_space<vmem>> -> memref<1x8x1536xf32, #tpu.memory_space<vmem>>
            %swap3A_595 = tpu.memref_squeeze %swap3A_594 : memref<1x8x1536xf32, #tpu.memory_space<vmem>> -> memref<8x1536xf32, #tpu.memory_space<vmem>>
            %swap3A_596 = arith.index_cast %swap3A_591 : i32 to index
            %swap3A_597 = arith.index_cast %add3A_365 : i32 to index
            %swap3A_598 = tpu.vector_load %swap3A_595[%swap3A_596, %swap3A_597] {strides = array<i32>} : memref<8x1536xf32, #tpu.memory_space<vmem>>, vector<16xf32>,
            tpu.vector_store %swap3A_595[%swap3A_596, %swap3A_597], %mul3A_590 {strides = array<i32>} : memref<8x1536xf32, #tpu.memory_space<vmem>>, vector<16xf32>,
            %mul3A_599 = arith.mulf %neg3A_464, %mul3A_482 : vector<16xf32>
            %swap3A_600 = arith.constant 3 : i32
            %swap3A_601 = arith.constant 0 : i32
            %swap3A_602 = arith.constant 0 : i32
            %swap3A_603 = tpu.memref_slice %run_scoped3A_25[%rem3A_268, %swap3A_601, %swap3A_602] : memref<2x24x1536xf32, #tpu.memory_space<vmem>> -> memref<1x24x1536xf32, #tpu.memory_space<vmem>>
            %swap3A_604 = tpu.memref_squeeze %swap3A_603 : memref<1x24x1536xf32, #tpu.memory_space<vmem>> -> memref<24x1536xf32, #tpu.memory_space<vmem>>
            %swap3A_605 = arith.index_cast %swap3A_600 : i32 to index
            %swap3A_606 = arith.index_cast %add3A_365 : i32 to index
            %swap3A_607 = tpu.vector_load %swap3A_604[%swap3A_605, %swap3A_606] {strides = array<i32>} : memref<24x1536xf32, #tpu.memory_space<vmem>>, vector<16xf32>,
            tpu.vector_store %swap3A_604[%swap3A_605, %swap3A_606], %mul3A_599 {strides = array<i32>} : memref<24x1536xf32, #tpu.memory_space<vmem>>, vector<16xf32>,
            %mul3A_608 = arith.mulf %mul3A_446, %mul3A_476 : vector<16xf32>
            %swap3A_609 = arith.constant 11 : i32
            %swap3A_610 = arith.constant 0 : i32
            %swap3A_611 = arith.constant 0 : i32
            %swap3A_612 = tpu.memref_slice %run_scoped3A_25[%rem3A_268, %swap3A_610, %swap3A_611] : memref<2x24x1536xf32, #tpu.memory_space<vmem>> -> memref<1x24x1536xf32, #tpu.memory_space<vmem>>
            %swap3A_613 = tpu.memref_squeeze %swap3A_612 : memref<1x24x1536xf32, #tpu.memory_space<vmem>> -> memref<24x1536xf32, #tpu.memory_space<vmem>>
            %swap3A_614 = arith.index_cast %swap3A_609 : i32 to index
            %swap3A_615 = arith.index_cast %add3A_365 : i32 to index
            %swap3A_616 = tpu.vector_load %swap3A_613[%swap3A_614, %swap3A_615] {strides = array<i32>} : memref<24x1536xf32, #tpu.memory_space<vmem>>, vector<16xf32>,
            tpu.vector_store %swap3A_613[%swap3A_614, %swap3A_615], %mul3A_608 {strides = array<i32>} : memref<24x1536xf32, #tpu.memory_space<vmem>>, vector<16xf32>,
            %mul3A_617 = arith.mulf %mul3A_462, %mul3A_472 : vector<16xf32>
            %swap3A_618 = arith.constant 19 : i32
            %swap3A_619 = arith.constant 0 : i32
            %swap3A_620 = arith.constant 0 : i32
            %swap3A_621 = tpu.memref_slice %run_scoped3A_25[%rem3A_268, %swap3A_619, %swap3A_620] : memref<2x24x1536xf32, #tpu.memory_space<vmem>> -> memref<1x24x1536xf32, #tpu.memory_space<vmem>>
            %swap3A_622 = tpu.memref_squeeze %swap3A_621 : memref<1x24x1536xf32, #tpu.memory_space<vmem>> -> memref<24x1536xf32, #tpu.memory_space<vmem>>
            %swap3A_623 = arith.index_cast %swap3A_618 : i32 to index
            %swap3A_624 = arith.index_cast %add3A_365 : i32 to index
            %swap3A_625 = tpu.vector_load %swap3A_622[%swap3A_623, %swap3A_624] {strides = array<i32>} : memref<24x1536xf32, #tpu.memory_space<vmem>>, vector<16xf32>,
            tpu.vector_store %swap3A_622[%swap3A_623, %swap3A_624], %mul3A_617 {strides = array<i32>} : memref<24x1536xf32, #tpu.memory_space<vmem>>, vector<16xf32>,
            %mul3A_626 = arith.mulf %mul3A_473, %sub3A_415 : vector<16xf32>
            %swap3A_627 = arith.constant 4 : i32
            %swap3A_628 = arith.constant 0 : i32
            %swap3A_629 = arith.constant 0 : i32
            %swap3A_630 = tpu.memref_slice %run_scoped3A_23[%rem3A_266, %swap3A_628, %swap3A_629] : memref<2x8x1536xf32, #tpu.memory_space<vmem>> -> memref<1x8x1536xf32, #tpu.memory_space<vmem>>
            %swap3A_631 = tpu.memref_squeeze %swap3A_630 : memref<1x8x1536xf32, #tpu.memory_space<vmem>> -> memref<8x1536xf32, #tpu.memory_space<vmem>>
            %swap3A_632 = arith.index_cast %swap3A_627 : i32 to index
            %swap3A_633 = arith.index_cast %add3A_365 : i32 to index
            %swap3A_634 = tpu.vector_load %swap3A_631[%swap3A_632, %swap3A_633] {strides = array<i32>} : memref<8x1536xf32, #tpu.memory_space<vmem>>, vector<16xf32>,
            tpu.vector_store %swap3A_631[%swap3A_632, %swap3A_633], %mul3A_626 {strides = array<i32>} : memref<8x1536xf32, #tpu.memory_space<vmem>>, vector<16xf32>,
            %mul3A_635 = arith.mulf %mul3A_430, %mul3A_479 : vector<16xf32>
            %swap3A_636 = arith.constant 4 : i32
            %swap3A_637 = arith.constant 0 : i32
            %swap3A_638 = arith.constant 0 : i32
            %swap3A_639 = tpu.memref_slice %run_scoped3A_25[%rem3A_268, %swap3A_637, %swap3A_638] : memref<2x24x1536xf32, #tpu.memory_space<vmem>> -> memref<1x24x1536xf32, #tpu.memory_space<vmem>>
            %swap3A_640 = tpu.memref_squeeze %swap3A_639 : memref<1x24x1536xf32, #tpu.memory_space<vmem>> -> memref<24x1536xf32, #tpu.memory_space<vmem>>
            %swap3A_641 = arith.index_cast %swap3A_636 : i32 to index
            %swap3A_642 = arith.index_cast %add3A_365 : i32 to index
            %swap3A_643 = tpu.vector_load %swap3A_640[%swap3A_641, %swap3A_642] {strides = array<i32>} : memref<24x1536xf32, #tpu.memory_space<vmem>>, vector<16xf32>,
            tpu.vector_store %swap3A_640[%swap3A_641, %swap3A_642], %mul3A_635 {strides = array<i32>} : memref<24x1536xf32, #tpu.memory_space<vmem>>, vector<16xf32>,
            %mul3A_644 = arith.mulf %neg3A_467, %mul3A_477 : vector<16xf32>
            %swap3A_645 = arith.constant 12 : i32
            %swap3A_646 = arith.constant 0 : i32
            %swap3A_647 = arith.constant 0 : i32
            %swap3A_648 = tpu.memref_slice %run_scoped3A_25[%rem3A_268, %swap3A_646, %swap3A_647] : memref<2x24x1536xf32, #tpu.memory_space<vmem>> -> memref<1x24x1536xf32, #tpu.memory_space<vmem>>
            %swap3A_649 = tpu.memref_squeeze %swap3A_648 : memref<1x24x1536xf32, #tpu.memory_space<vmem>> -> memref<24x1536xf32, #tpu.memory_space<vmem>>
            %swap3A_650 = arith.index_cast %swap3A_645 : i32 to index
            %swap3A_651 = arith.index_cast %add3A_365 : i32 to index
            %swap3A_652 = tpu.vector_load %swap3A_649[%swap3A_650, %swap3A_651] {strides = array<i32>} : memref<24x1536xf32, #tpu.memory_space<vmem>>, vector<16xf32>,
            tpu.vector_store %swap3A_649[%swap3A_650, %swap3A_651], %mul3A_644 {strides = array<i32>} : memref<24x1536xf32, #tpu.memory_space<vmem>>, vector<16xf32>,
            %mul3A_653 = arith.mulf %neg3A_470, %mul3A_473 : vector<16xf32>
            %swap3A_654 = arith.constant 20 : i32
            %swap3A_655 = arith.constant 0 : i32
            %swap3A_656 = arith.constant 0 : i32
            %swap3A_657 = tpu.memref_slice %run_scoped3A_25[%rem3A_268, %swap3A_655, %swap3A_656] : memref<2x24x1536xf32, #tpu.memory_space<vmem>> -> memref<1x24x1536xf32, #tpu.memory_space<vmem>>
            %swap3A_658 = tpu.memref_squeeze %swap3A_657 : memref<1x24x1536xf32, #tpu.memory_space<vmem>> -> memref<24x1536xf32, #tpu.memory_space<vmem>>
            %swap3A_659 = arith.index_cast %swap3A_654 : i32 to index
            %swap3A_660 = arith.index_cast %add3A_365 : i32 to index
            %swap3A_661 = tpu.vector_load %swap3A_658[%swap3A_659, %swap3A_660] {strides = array<i32>} : memref<24x1536xf32, #tpu.memory_space<vmem>>, vector<16xf32>,
            tpu.vector_store %swap3A_658[%swap3A_659, %swap3A_660], %mul3A_653 {strides = array<i32>} : memref<24x1536xf32, #tpu.memory_space<vmem>>, vector<16xf32>,
            %mul3A_662 = arith.mulf %mul3A_473, %sub3A_406 : vector<16xf32>
            %swap3A_663 = arith.constant 5 : i32
            %swap3A_664 = arith.constant 0 : i32
            %swap3A_665 = arith.constant 0 : i32
            %swap3A_666 = tpu.memref_slice %run_scoped3A_23[%rem3A_266, %swap3A_664, %swap3A_665] : memref<2x8x1536xf32, #tpu.memory_space<vmem>> -> memref<1x8x1536xf32, #tpu.memory_space<vmem>>
            %swap3A_667 = tpu.memref_squeeze %swap3A_666 : memref<1x8x1536xf32, #tpu.memory_space<vmem>> -> memref<8x1536xf32, #tpu.memory_space<vmem>>
            %swap3A_668 = arith.index_cast %swap3A_663 : i32 to index
            %swap3A_669 = arith.index_cast %add3A_365 : i32 to index
            %swap3A_670 = tpu.vector_load %swap3A_667[%swap3A_668, %swap3A_669] {strides = array<i32>} : memref<8x1536xf32, #tpu.memory_space<vmem>>, vector<16xf32>,
            tpu.vector_store %swap3A_667[%swap3A_668, %swap3A_669], %mul3A_662 {strides = array<i32>} : memref<8x1536xf32, #tpu.memory_space<vmem>>, vector<16xf32>,
            %mul3A_671 = arith.mulf %mul3A_430, %mul3A_480 : vector<16xf32>
            %swap3A_672 = arith.constant 5 : i32
            %swap3A_673 = arith.constant 0 : i32
            %swap3A_674 = arith.constant 0 : i32
            %swap3A_675 = tpu.memref_slice %run_scoped3A_25[%rem3A_268, %swap3A_673, %swap3A_674] : memref<2x24x1536xf32, #tpu.memory_space<vmem>> -> memref<1x24x1536xf32, #tpu.memory_space<vmem>>
            %swap3A_676 = tpu.memref_squeeze %swap3A_675 : memref<1x24x1536xf32, #tpu.memory_space<vmem>> -> memref<24x1536xf32, #tpu.memory_space<vmem>>
            %swap3A_677 = arith.index_cast %swap3A_672 : i32 to index
            %swap3A_678 = arith.index_cast %add3A_365 : i32 to index
            %swap3A_679 = tpu.vector_load %swap3A_676[%swap3A_677, %swap3A_678] {strides = array<i32>} : memref<24x1536xf32, #tpu.memory_space<vmem>>, vector<16xf32>,
            tpu.vector_store %swap3A_676[%swap3A_677, %swap3A_678], %mul3A_671 {strides = array<i32>} : memref<24x1536xf32, #tpu.memory_space<vmem>>, vector<16xf32>,
            %mul3A_680 = arith.mulf %neg3A_467, %mul3A_478 : vector<16xf32>
            %swap3A_681 = arith.constant 13 : i32
            %swap3A_682 = arith.constant 0 : i32
            %swap3A_683 = arith.constant 0 : i32
            %swap3A_684 = tpu.memref_slice %run_scoped3A_25[%rem3A_268, %swap3A_682, %swap3A_683] : memref<2x24x1536xf32, #tpu.memory_space<vmem>> -> memref<1x24x1536xf32, #tpu.memory_space<vmem>>
            %swap3A_685 = tpu.memref_squeeze %swap3A_684 : memref<1x24x1536xf32, #tpu.memory_space<vmem>> -> memref<24x1536xf32, #tpu.memory_space<vmem>>
            %swap3A_686 = arith.index_cast %swap3A_681 : i32 to index
            %swap3A_687 = arith.index_cast %add3A_365 : i32 to index
            %swap3A_688 = tpu.vector_load %swap3A_685[%swap3A_686, %swap3A_687] {strides = array<i32>} : memref<24x1536xf32, #tpu.memory_space<vmem>>, vector<16xf32>,
            tpu.vector_store %swap3A_685[%swap3A_686, %swap3A_687], %mul3A_680 {strides = array<i32>} : memref<24x1536xf32, #tpu.memory_space<vmem>>, vector<16xf32>,
            %mul3A_689 = arith.mulf %mul3A_462, %mul3A_473 : vector<16xf32>
            %swap3A_690 = arith.constant 21 : i32
            %swap3A_691 = arith.constant 0 : i32
            %swap3A_692 = arith.constant 0 : i32
            %swap3A_693 = tpu.memref_slice %run_scoped3A_25[%rem3A_268, %swap3A_691, %swap3A_692] : memref<2x24x1536xf32, #tpu.memory_space<vmem>> -> memref<1x24x1536xf32, #tpu.memory_space<vmem>>
            %swap3A_694 = tpu.memref_squeeze %swap3A_693 : memref<1x24x1536xf32, #tpu.memory_space<vmem>> -> memref<24x1536xf32, #tpu.memory_space<vmem>>
            %swap3A_695 = arith.index_cast %swap3A_690 : i32 to index
            %swap3A_696 = arith.index_cast %add3A_365 : i32 to index
            %swap3A_697 = tpu.vector_load %swap3A_694[%swap3A_695, %swap3A_696] {strides = array<i32>} : memref<24x1536xf32, #tpu.memory_space<vmem>>, vector<16xf32>,
            tpu.vector_store %swap3A_694[%swap3A_695, %swap3A_696], %mul3A_689 {strides = array<i32>} : memref<24x1536xf32, #tpu.memory_space<vmem>>, vector<16xf32>,
            %mul3A_698 = arith.mulf %mul3A_474, %sub3A_415 : vector<16xf32>
            %swap3A_699 = arith.constant 6 : i32
            %swap3A_700 = arith.constant 0 : i32
            %swap3A_701 = arith.constant 0 : i32
            %swap3A_702 = tpu.memref_slice %run_scoped3A_23[%rem3A_266, %swap3A_700, %swap3A_701] : memref<2x8x1536xf32, #tpu.memory_space<vmem>> -> memref<1x8x1536xf32, #tpu.memory_space<vmem>>
            %swap3A_703 = tpu.memref_squeeze %swap3A_702 : memref<1x8x1536xf32, #tpu.memory_space<vmem>> -> memref<8x1536xf32, #tpu.memory_space<vmem>>
            %swap3A_704 = arith.index_cast %swap3A_699 : i32 to index
            %swap3A_705 = arith.index_cast %add3A_365 : i32 to index
            %swap3A_706 = tpu.vector_load %swap3A_703[%swap3A_704, %swap3A_705] {strides = array<i32>} : memref<8x1536xf32, #tpu.memory_space<vmem>>, vector<16xf32>,
            tpu.vector_store %swap3A_703[%swap3A_704, %swap3A_705], %mul3A_698 {strides = array<i32>} : memref<8x1536xf32, #tpu.memory_space<vmem>>, vector<16xf32>,
            %mul3A_707 = arith.mulf %mul3A_430, %mul3A_481 : vector<16xf32>
            %swap3A_708 = arith.constant 6 : i32
            %swap3A_709 = arith.constant 0 : i32
            %swap3A_710 = arith.constant 0 : i32
            %swap3A_711 = tpu.memref_slice %run_scoped3A_25[%rem3A_268, %swap3A_709, %swap3A_710] : memref<2x24x1536xf32, #tpu.memory_space<vmem>> -> memref<1x24x1536xf32, #tpu.memory_space<vmem>>
            %swap3A_712 = tpu.memref_squeeze %swap3A_711 : memref<1x24x1536xf32, #tpu.memory_space<vmem>> -> memref<24x1536xf32, #tpu.memory_space<vmem>>
            %swap3A_713 = arith.index_cast %swap3A_708 : i32 to index
            %swap3A_714 = arith.index_cast %add3A_365 : i32 to index
            %swap3A_715 = tpu.vector_load %swap3A_712[%swap3A_713, %swap3A_714] {strides = array<i32>} : memref<24x1536xf32, #tpu.memory_space<vmem>>, vector<16xf32>,
            tpu.vector_store %swap3A_712[%swap3A_713, %swap3A_714], %mul3A_707 {strides = array<i32>} : memref<24x1536xf32, #tpu.memory_space<vmem>>, vector<16xf32>,
            %mul3A_716 = arith.mulf %mul3A_446, %mul3A_477 : vector<16xf32>
            %swap3A_717 = arith.constant 14 : i32
            %swap3A_718 = arith.constant 0 : i32
            %swap3A_719 = arith.constant 0 : i32
            %swap3A_720 = tpu.memref_slice %run_scoped3A_25[%rem3A_268, %swap3A_718, %swap3A_719] : memref<2x24x1536xf32, #tpu.memory_space<vmem>> -> memref<1x24x1536xf32, #tpu.memory_space<vmem>>
            %swap3A_721 = tpu.memref_squeeze %swap3A_720 : memref<1x24x1536xf32, #tpu.memory_space<vmem>> -> memref<24x1536xf32, #tpu.memory_space<vmem>>
            %swap3A_722 = arith.index_cast %swap3A_717 : i32 to index
            %swap3A_723 = arith.index_cast %add3A_365 : i32 to index
            %swap3A_724 = tpu.vector_load %swap3A_721[%swap3A_722, %swap3A_723] {strides = array<i32>} : memref<24x1536xf32, #tpu.memory_space<vmem>>, vector<16xf32>,
            tpu.vector_store %swap3A_721[%swap3A_722, %swap3A_723], %mul3A_716 {strides = array<i32>} : memref<24x1536xf32, #tpu.memory_space<vmem>>, vector<16xf32>,
            %mul3A_725 = arith.mulf %neg3A_470, %mul3A_474 : vector<16xf32>
            %swap3A_726 = arith.constant 22 : i32
            %swap3A_727 = arith.constant 0 : i32
            %swap3A_728 = arith.constant 0 : i32
            %swap3A_729 = tpu.memref_slice %run_scoped3A_25[%rem3A_268, %swap3A_727, %swap3A_728] : memref<2x24x1536xf32, #tpu.memory_space<vmem>> -> memref<1x24x1536xf32, #tpu.memory_space<vmem>>
            %swap3A_730 = tpu.memref_squeeze %swap3A_729 : memref<1x24x1536xf32, #tpu.memory_space<vmem>> -> memref<24x1536xf32, #tpu.memory_space<vmem>>
            %swap3A_731 = arith.index_cast %swap3A_726 : i32 to index
            %swap3A_732 = arith.index_cast %add3A_365 : i32 to index
            %swap3A_733 = tpu.vector_load %swap3A_730[%swap3A_731, %swap3A_732] {strides = array<i32>} : memref<24x1536xf32, #tpu.memory_space<vmem>>, vector<16xf32>,
            tpu.vector_store %swap3A_730[%swap3A_731, %swap3A_732], %mul3A_725 {strides = array<i32>} : memref<24x1536xf32, #tpu.memory_space<vmem>>, vector<16xf32>,
            %mul3A_734 = arith.mulf %mul3A_474, %sub3A_406 : vector<16xf32>
            %swap3A_735 = arith.constant 7 : i32
            %swap3A_736 = arith.constant 0 : i32
            %swap3A_737 = arith.constant 0 : i32
            %swap3A_738 = tpu.memref_slice %run_scoped3A_23[%rem3A_266, %swap3A_736, %swap3A_737] : memref<2x8x1536xf32, #tpu.memory_space<vmem>> -> memref<1x8x1536xf32, #tpu.memory_space<vmem>>
            %swap3A_739 = tpu.memref_squeeze %swap3A_738 : memref<1x8x1536xf32, #tpu.memory_space<vmem>> -> memref<8x1536xf32, #tpu.memory_space<vmem>>
            %swap3A_740 = arith.index_cast %swap3A_735 : i32 to index
            %swap3A_741 = arith.index_cast %add3A_365 : i32 to index
            %swap3A_742 = tpu.vector_load %swap3A_739[%swap3A_740, %swap3A_741] {strides = array<i32>} : memref<8x1536xf32, #tpu.memory_space<vmem>>, vector<16xf32>,
            tpu.vector_store %swap3A_739[%swap3A_740, %swap3A_741], %mul3A_734 {strides = array<i32>} : memref<8x1536xf32, #tpu.memory_space<vmem>>, vector<16xf32>,
            %mul3A_743 = arith.mulf %mul3A_430, %mul3A_482 : vector<16xf32>
            %swap3A_744 = arith.constant 7 : i32
            %swap3A_745 = arith.constant 0 : i32
            %swap3A_746 = arith.constant 0 : i32
            %swap3A_747 = tpu.memref_slice %run_scoped3A_25[%rem3A_268, %swap3A_745, %swap3A_746] : memref<2x24x1536xf32, #tpu.memory_space<vmem>> -> memref<1x24x1536xf32, #tpu.memory_space<vmem>>
            %swap3A_748 = tpu.memref_squeeze %swap3A_747 : memref<1x24x1536xf32, #tpu.memory_space<vmem>> -> memref<24x1536xf32, #tpu.memory_space<vmem>>
            %swap3A_749 = arith.index_cast %swap3A_744 : i32 to index
            %swap3A_750 = arith.index_cast %add3A_365 : i32 to index
            %swap3A_751 = tpu.vector_load %swap3A_748[%swap3A_749, %swap3A_750] {strides = array<i32>} : memref<24x1536xf32, #tpu.memory_space<vmem>>, vector<16xf32>,
            tpu.vector_store %swap3A_748[%swap3A_749, %swap3A_750], %mul3A_743 {strides = array<i32>} : memref<24x1536xf32, #tpu.memory_space<vmem>>, vector<16xf32>,
            %mul3A_752 = arith.mulf %mul3A_446, %mul3A_478 : vector<16xf32>
            %swap3A_753 = arith.constant 15 : i32
            %swap3A_754 = arith.constant 0 : i32
            %swap3A_755 = arith.constant 0 : i32
            %swap3A_756 = tpu.memref_slice %run_scoped3A_25[%rem3A_268, %swap3A_754, %swap3A_755] : memref<2x24x1536xf32, #tpu.memory_space<vmem>> -> memref<1x24x1536xf32, #tpu.memory_space<vmem>>
            %swap3A_757 = tpu.memref_squeeze %swap3A_756 : memref<1x24x1536xf32, #tpu.memory_space<vmem>> -> memref<24x1536xf32, #tpu.memory_space<vmem>>
            %swap3A_758 = arith.index_cast %swap3A_753 : i32 to index
            %swap3A_759 = arith.index_cast %add3A_365 : i32 to index
            %swap3A_760 = tpu.vector_load %swap3A_757[%swap3A_758, %swap3A_759] {strides = array<i32>} : memref<24x1536xf32, #tpu.memory_space<vmem>>, vector<16xf32>,
            tpu.vector_store %swap3A_757[%swap3A_758, %swap3A_759], %mul3A_752 {strides = array<i32>} : memref<24x1536xf32, #tpu.memory_space<vmem>>, vector<16xf32>,
            %mul3A_761 = arith.mulf %mul3A_462, %mul3A_474 : vector<16xf32>
            %swap3A_762 = arith.constant 23 : i32
            %swap3A_763 = arith.constant 0 : i32
            %swap3A_764 = arith.constant 0 : i32
            %swap3A_765 = tpu.memref_slice %run_scoped3A_25[%rem3A_268, %swap3A_763, %swap3A_764] : memref<2x24x1536xf32, #tpu.memory_space<vmem>> -> memref<1x24x1536xf32, #tpu.memory_space<vmem>>
            %swap3A_766 = tpu.memref_squeeze %swap3A_765 : memref<1x24x1536xf32, #tpu.memory_space<vmem>> -> memref<24x1536xf32, #tpu.memory_space<vmem>>
            %swap3A_767 = arith.index_cast %swap3A_762 : i32 to index
            %swap3A_768 = arith.index_cast %add3A_365 : i32 to index
            %swap3A_769 = tpu.vector_load %swap3A_766[%swap3A_767, %swap3A_768] {strides = array<i32>} : memref<24x1536xf32, #tpu.memory_space<vmem>>, vector<16xf32>,
            tpu.vector_store %swap3A_766[%swap3A_767, %swap3A_768], %mul3A_761 {strides = array<i32>} : memref<24x1536xf32, #tpu.memory_space<vmem>>, vector<16xf32>,
            %add3A_770 = arith.constant 16 : i32
            %add3A_771 = arith.addi %add3A_363, %add3A_770 : i32
            %get3A_772 = arith.constant 0 : i32
            %get3A_773 = arith.constant 0 : i32
            %get3A_774 = arith.constant 0 : i32
            %get3A_775 = tpu.memref_slice %run_scoped3A[%rem3A_264, %get3A_773, %get3A_774] : memref<2x3x1536xf32, #tpu.memory_space<vmem>> -> memref<1x3x1536xf32, #tpu.memory_space<vmem>>
            %get3A_776 = tpu.memref_squeeze %get3A_775 : memref<1x3x1536xf32, #tpu.memory_space<vmem>> -> memref<3x1536xf32, #tpu.memory_space<vmem>>
            %get3A_777 = arith.index_cast %get3A_772 : i32 to index
            %get3A_778 = arith.index_cast %add3A_771 : i32 to index
            %get3A_779 = tpu.vector_load %get3A_776[%get3A_777, %get3A_778] {strides = array<i32>} : memref<3x1536xf32, #tpu.memory_space<vmem>>, vector<16xf32>,
            %get3A_780 = arith.constant 1 : i32
            %get3A_781 = arith.constant 0 : i32
            %get3A_782 = arith.constant 0 : i32
            %get3A_783 = tpu.memref_slice %run_scoped3A[%rem3A_264, %get3A_781, %get3A_782] : memref<2x3x1536xf32, #tpu.memory_space<vmem>> -> memref<1x3x1536xf32, #tpu.memory_space<vmem>>
            %get3A_784 = tpu.memref_squeeze %get3A_783 : memref<1x3x1536xf32, #tpu.memory_space<vmem>> -> memref<3x1536xf32, #tpu.memory_space<vmem>>
            %get3A_785 = arith.index_cast %get3A_780 : i32 to index
            %get3A_786 = arith.index_cast %add3A_771 : i32 to index
            %get3A_787 = tpu.vector_load %get3A_784[%get3A_785, %get3A_786] {strides = array<i32>} : memref<3x1536xf32, #tpu.memory_space<vmem>>, vector<16xf32>,
            %get3A_788 = arith.constant 2 : i32
            %get3A_789 = arith.constant 0 : i32
            %get3A_790 = arith.constant 0 : i32
            %get3A_791 = tpu.memref_slice %run_scoped3A[%rem3A_264, %get3A_789, %get3A_790] : memref<2x3x1536xf32, #tpu.memory_space<vmem>> -> memref<1x3x1536xf32, #tpu.memory_space<vmem>>
            %get3A_792 = tpu.memref_squeeze %get3A_791 : memref<1x3x1536xf32, #tpu.memory_space<vmem>> -> memref<3x1536xf32, #tpu.memory_space<vmem>>
            %get3A_793 = arith.index_cast %get3A_788 : i32 to index
            %get3A_794 = arith.index_cast %add3A_771 : i32 to index
            %get3A_795 = tpu.vector_load %get3A_792[%get3A_793, %get3A_794] {strides = array<i32>} : memref<3x1536xf32, #tpu.memory_space<vmem>>, vector<16xf32>,
            %mul3A_796 = arith.constant 6.400000e+01 : f32
            %mul3A_797 = vector.broadcast %mul3A_796 : f32 to vector<16xf32>
            %mul3A_798 = arith.mulf %get3A_779, %mul3A_797 : vector<16xf32>
            %mul3A_799 = arith.constant 6.400000e+01 : f32
            %mul3A_800 = vector.broadcast %mul3A_799 : f32 to vector<16xf32>
            %mul3A_801 = arith.mulf %get3A_787, %mul3A_800 : vector<16xf32>
            %mul3A_802 = arith.constant 6.400000e+01 : f32
            %mul3A_803 = vector.broadcast %mul3A_802 : f32 to vector<16xf32>
            %mul3A_804 = arith.mulf %get3A_795, %mul3A_803 : vector<16xf32>
            %convert_element_type3A_805 = arith.fptosi %mul3A_798 : vector<16xf32> to vector<16xi32>
            %convert_element_type3A_806 = arith.sitofp %convert_element_type3A_805 : vector<16xi32> to vector<16xf32>
            %sub3A_807 = arith.subf %mul3A_798, %convert_element_type3A_806 : vector<16xf32>
            %convert_element_type3A_808 = arith.fptosi %mul3A_801 : vector<16xf32> to vector<16xi32>
            %convert_element_type3A_809 = arith.sitofp %convert_element_type3A_808 : vector<16xi32> to vector<16xf32>
            %sub3A_810 = arith.subf %mul3A_801, %convert_element_type3A_809 : vector<16xf32>
            %convert_element_type3A_811 = arith.fptosi %mul3A_804 : vector<16xf32> to vector<16xi32>
            %convert_element_type3A_812 = arith.sitofp %convert_element_type3A_811 : vector<16xi32> to vector<16xf32>
            %sub3A_813 = arith.subf %mul3A_804, %convert_element_type3A_812 : vector<16xf32>
            %sub3A_814 = arith.constant 1.000000e+00 : f32
            %sub3A_815 = vector.broadcast %sub3A_814 : f32 to vector<16xf32>
            %sub3A_816 = arith.subf %sub3A_815, %sub3A_807 : vector<16xf32>
            %sub3A_817 = arith.constant 1.000000e+00 : f32
            %sub3A_818 = vector.broadcast %sub3A_817 : f32 to vector<16xf32>
            %sub3A_819 = arith.subf %sub3A_818, %sub3A_810 : vector<16xf32>
            %sub3A_820 = arith.constant 1.000000e+00 : f32
            %sub3A_821 = vector.broadcast %sub3A_820 : f32 to vector<16xf32>
            %sub3A_822 = arith.subf %sub3A_821, %sub3A_813 : vector<16xf32>
            %sign3A_823 = tpu.bitcast %sub3A_807 : vector<16xf32> -> vector<16xi32>
            %sign3A_824 = arith.constant -2147483648 : i32
            %sign3A_825 = vector.broadcast %sign3A_824 : i32 to vector<16xi32>
            %sign3A_826 = arith.andi %sign3A_823, %sign3A_825 : vector<16xi32>
            %sign3A_827 = arith.constant 1065353216 : i32
            %sign3A_828 = vector.broadcast %sign3A_827 : i32 to vector<16xi32>
            %sign3A_829 = arith.ori %sign3A_828, %sign3A_826 : vector<16xi32>
            %sign3A_830 = tpu.bitcast %sign3A_829 : vector<16xi32> -> vector<16xf32>
            %sign3A_831 = math.absf %sub3A_807 : vector<16xf32>
            %sign3A_832 = arith.constant 0.000000e+00 : f32
            %sign3A_833 = vector.broadcast %sign3A_832 : f32 to vector<16xf32>
            %sign3A_834 = arith.cmpf ogt, %sign3A_831, %sign3A_833 : vector<16xf32>
            %sign3A_835 = arith.select %sign3A_834, %sign3A_830, %sub3A_807 : vector<16xi1>, vector<16xf32>
            %mul3A_836 = arith.constant 6.400000e+01 : f32
            %mul3A_837 = vector.broadcast %mul3A_836 : f32 to vector<16xf32>
            %mul3A_838 = arith.mulf %sign3A_835, %mul3A_837 : vector<16xf32>
            %sign3A_839 = tpu.bitcast %sub3A_810 : vector<16xf32> -> vector<16xi32>
            %sign3A_840 = arith.constant -2147483648 : i32
            %sign3A_841 = vector.broadcast %sign3A_840 : i32 to vector<16xi32>
            %sign3A_842 = arith.andi %sign3A_839, %sign3A_841 : vector<16xi32>
            %sign3A_843 = arith.constant 1065353216 : i32
            %sign3A_844 = vector.broadcast %sign3A_843 : i32 to vector<16xi32>
            %sign3A_845 = arith.ori %sign3A_844, %sign3A_842 : vector<16xi32>
            %sign3A_846 = tpu.bitcast %sign3A_845 : vector<16xi32> -> vector<16xf32>
            %sign3A_847 = math.absf %sub3A_810 : vector<16xf32>
            %sign3A_848 = arith.constant 0.000000e+00 : f32
            %sign3A_849 = vector.broadcast %sign3A_848 : f32 to vector<16xf32>
            %sign3A_850 = arith.cmpf ogt, %sign3A_847, %sign3A_849 : vector<16xf32>
            %sign3A_851 = arith.select %sign3A_850, %sign3A_846, %sub3A_810 : vector<16xi1>, vector<16xf32>
            %mul3A_852 = arith.constant 6.400000e+01 : f32
            %mul3A_853 = vector.broadcast %mul3A_852 : f32 to vector<16xf32>
            %mul3A_854 = arith.mulf %sign3A_851, %mul3A_853 : vector<16xf32>
            %sign3A_855 = tpu.bitcast %sub3A_813 : vector<16xf32> -> vector<16xi32>
            %sign3A_856 = arith.constant -2147483648 : i32
            %sign3A_857 = vector.broadcast %sign3A_856 : i32 to vector<16xi32>
            %sign3A_858 = arith.andi %sign3A_855, %sign3A_857 : vector<16xi32>
            %sign3A_859 = arith.constant 1065353216 : i32
            %sign3A_860 = vector.broadcast %sign3A_859 : i32 to vector<16xi32>
            %sign3A_861 = arith.ori %sign3A_860, %sign3A_858 : vector<16xi32>
            %sign3A_862 = tpu.bitcast %sign3A_861 : vector<16xi32> -> vector<16xf32>
            %sign3A_863 = math.absf %sub3A_813 : vector<16xf32>
            %sign3A_864 = arith.constant 0.000000e+00 : f32
            %sign3A_865 = vector.broadcast %sign3A_864 : f32 to vector<16xf32>
            %sign3A_866 = arith.cmpf ogt, %sign3A_863, %sign3A_865 : vector<16xf32>
            %sign3A_867 = arith.select %sign3A_866, %sign3A_862, %sub3A_813 : vector<16xi1>, vector<16xf32>
            %mul3A_868 = arith.constant 6.400000e+01 : f32
            %mul3A_869 = vector.broadcast %mul3A_868 : f32 to vector<16xf32>
            %mul3A_870 = arith.mulf %sign3A_867, %mul3A_869 : vector<16xf32>
            %neg3A_871 = arith.constant 0.000000e+00 : f32
            %neg3A_872 = vector.broadcast %neg3A_871 : f32 to vector<16xf32>
            %neg3A_873 = arith.subf %neg3A_872, %mul3A_838 : vector<16xf32>
            %neg3A_874 = arith.constant 0.000000e+00 : f32
            %neg3A_875 = vector.broadcast %neg3A_874 : f32 to vector<16xf32>
            %neg3A_876 = arith.subf %neg3A_875, %mul3A_854 : vector<16xf32>
            %neg3A_877 = arith.constant 0.000000e+00 : f32
            %neg3A_878 = vector.broadcast %neg3A_877 : f32 to vector<16xf32>
            %neg3A_879 = arith.subf %neg3A_878, %mul3A_870 : vector<16xf32>
            %mul3A_880 = arith.mulf %sub3A_816, %sub3A_819 : vector<16xf32>
            %mul3A_881 = arith.mulf %sub3A_816, %sub3A_810 : vector<16xf32>
            %mul3A_882 = arith.mulf %sub3A_807, %sub3A_819 : vector<16xf32>
            %mul3A_883 = arith.mulf %sub3A_807, %sub3A_810 : vector<16xf32>
            %mul3A_884 = arith.mulf %sub3A_816, %sub3A_822 : vector<16xf32>
            %mul3A_885 = arith.mulf %sub3A_816, %sub3A_813 : vector<16xf32>
            %mul3A_886 = arith.mulf %sub3A_807, %sub3A_822 : vector<16xf32>
            %mul3A_887 = arith.mulf %sub3A_807, %sub3A_813 : vector<16xf32>
            %mul3A_888 = arith.mulf %sub3A_819, %sub3A_822 : vector<16xf32>
            %mul3A_889 = arith.mulf %sub3A_819, %sub3A_813 : vector<16xf32>
            %mul3A_890 = arith.mulf %sub3A_810, %sub3A_822 : vector<16xf32>
            %mul3A_891 = arith.mulf %sub3A_810, %sub3A_813 : vector<16xf32>
            %mul3A_892 = arith.mulf %mul3A_880, %sub3A_822 : vector<16xf32>
            %swap3A_893 = arith.constant 0 : i32
            %swap3A_894 = arith.constant 0 : i32
            %swap3A_895 = arith.constant 0 : i32
            %swap3A_896 = tpu.memref_slice %run_scoped3A_23[%rem3A_266, %swap3A_894, %swap3A_895] : memref<2x8x1536xf32, #tpu.memory_space<vmem>> -> memref<1x8x1536xf32, #tpu.memory_space<vmem>>
            %swap3A_897 = tpu.memref_squeeze %swap3A_896 : memref<1x8x1536xf32, #tpu.memory_space<vmem>> -> memref<8x1536xf32, #tpu.memory_space<vmem>>
            %swap3A_898 = arith.index_cast %swap3A_893 : i32 to index
            %swap3A_899 = arith.index_cast %add3A_771 : i32 to index
            %swap3A_900 = tpu.vector_load %swap3A_897[%swap3A_898, %swap3A_899] {strides = array<i32>} : memref<8x1536xf32, #tpu.memory_space<vmem>>, vector<16xf32>,
            tpu.vector_store %swap3A_897[%swap3A_898, %swap3A_899], %mul3A_892 {strides = array<i32>} : memref<8x1536xf32, #tpu.memory_space<vmem>>, vector<16xf32>,
            %mul3A_901 = arith.mulf %neg3A_873, %mul3A_888 : vector<16xf32>
            %swap3A_902 = arith.constant 0 : i32
            %swap3A_903 = arith.constant 0 : i32
            %swap3A_904 = arith.constant 0 : i32
            %swap3A_905 = tpu.memref_slice %run_scoped3A_25[%rem3A_268, %swap3A_903, %swap3A_904] : memref<2x24x1536xf32, #tpu.memory_space<vmem>> -> memref<1x24x1536xf32, #tpu.memory_space<vmem>>
            %swap3A_906 = tpu.memref_squeeze %swap3A_905 : memref<1x24x1536xf32, #tpu.memory_space<vmem>> -> memref<24x1536xf32, #tpu.memory_space<vmem>>
            %swap3A_907 = arith.index_cast %swap3A_902 : i32 to index
            %swap3A_908 = arith.index_cast %add3A_771 : i32 to index
            %swap3A_909 = tpu.vector_load %swap3A_906[%swap3A_907, %swap3A_908] {strides = array<i32>} : memref<24x1536xf32, #tpu.memory_space<vmem>>, vector<16xf32>,
            tpu.vector_store %swap3A_906[%swap3A_907, %swap3A_908], %mul3A_901 {strides = array<i32>} : memref<24x1536xf32, #tpu.memory_space<vmem>>, vector<16xf32>,
            %mul3A_910 = arith.mulf %neg3A_876, %mul3A_884 : vector<16xf32>
            %swap3A_911 = arith.constant 8 : i32
            %swap3A_912 = arith.constant 0 : i32
            %swap3A_913 = arith.constant 0 : i32
            %swap3A_914 = tpu.memref_slice %run_scoped3A_25[%rem3A_268, %swap3A_912, %swap3A_913] : memref<2x24x1536xf32, #tpu.memory_space<vmem>> -> memref<1x24x1536xf32, #tpu.memory_space<vmem>>
            %swap3A_915 = tpu.memref_squeeze %swap3A_914 : memref<1x24x1536xf32, #tpu.memory_space<vmem>> -> memref<24x1536xf32, #tpu.memory_space<vmem>>
            %swap3A_916 = arith.index_cast %swap3A_911 : i32 to index
            %swap3A_917 = arith.index_cast %add3A_771 : i32 to index
            %swap3A_918 = tpu.vector_load %swap3A_915[%swap3A_916, %swap3A_917] {strides = array<i32>} : memref<24x1536xf32, #tpu.memory_space<vmem>>, vector<16xf32>,
            tpu.vector_store %swap3A_915[%swap3A_916, %swap3A_917], %mul3A_910 {strides = array<i32>} : memref<24x1536xf32, #tpu.memory_space<vmem>>, vector<16xf32>,
            %mul3A_919 = arith.mulf %neg3A_879, %mul3A_880 : vector<16xf32>
            %swap3A_920 = arith.constant 16 : i32
            %swap3A_921 = arith.constant 0 : i32
            %swap3A_922 = arith.constant 0 : i32
            %swap3A_923 = tpu.memref_slice %run_scoped3A_25[%rem3A_268, %swap3A_921, %swap3A_922] : memref<2x24x1536xf32, #tpu.memory_space<vmem>> -> memref<1x24x1536xf32, #tpu.memory_space<vmem>>
            %swap3A_924 = tpu.memref_squeeze %swap3A_923 : memref<1x24x1536xf32, #tpu.memory_space<vmem>> -> memref<24x1536xf32, #tpu.memory_space<vmem>>
            %swap3A_925 = arith.index_cast %swap3A_920 : i32 to index
            %swap3A_926 = arith.index_cast %add3A_771 : i32 to index
            %swap3A_927 = tpu.vector_load %swap3A_924[%swap3A_925, %swap3A_926] {strides = array<i32>} : memref<24x1536xf32, #tpu.memory_space<vmem>>, vector<16xf32>,
            tpu.vector_store %swap3A_924[%swap3A_925, %swap3A_926], %mul3A_919 {strides = array<i32>} : memref<24x1536xf32, #tpu.memory_space<vmem>>, vector<16xf32>,
            %mul3A_928 = arith.mulf %mul3A_880, %sub3A_813 : vector<16xf32>
            %swap3A_929 = arith.constant 1 : i32
            %swap3A_930 = arith.constant 0 : i32
            %swap3A_931 = arith.constant 0 : i32
            %swap3A_932 = tpu.memref_slice %run_scoped3A_23[%rem3A_266, %swap3A_930, %swap3A_931] : memref<2x8x1536xf32, #tpu.memory_space<vmem>> -> memref<1x8x1536xf32, #tpu.memory_space<vmem>>
            %swap3A_933 = tpu.memref_squeeze %swap3A_932 : memref<1x8x1536xf32, #tpu.memory_space<vmem>> -> memref<8x1536xf32, #tpu.memory_space<vmem>>
            %swap3A_934 = arith.index_cast %swap3A_929 : i32 to index
            %swap3A_935 = arith.index_cast %add3A_771 : i32 to index
            %swap3A_936 = tpu.vector_load %swap3A_933[%swap3A_934, %swap3A_935] {strides = array<i32>} : memref<8x1536xf32, #tpu.memory_space<vmem>>, vector<16xf32>,
            tpu.vector_store %swap3A_933[%swap3A_934, %swap3A_935], %mul3A_928 {strides = array<i32>} : memref<8x1536xf32, #tpu.memory_space<vmem>>, vector<16xf32>,
            %mul3A_937 = arith.mulf %neg3A_873, %mul3A_889 : vector<16xf32>
            %swap3A_938 = arith.constant 1 : i32
            %swap3A_939 = arith.constant 0 : i32
            %swap3A_940 = arith.constant 0 : i32
            %swap3A_941 = tpu.memref_slice %run_scoped3A_25[%rem3A_268, %swap3A_939, %swap3A_940] : memref<2x24x1536xf32, #tpu.memory_space<vmem>> -> memref<1x24x1536xf32, #tpu.memory_space<vmem>>
            %swap3A_942 = tpu.memref_squeeze %swap3A_941 : memref<1x24x1536xf32, #tpu.memory_space<vmem>> -> memref<24x1536xf32, #tpu.memory_space<vmem>>
            %swap3A_943 = arith.index_cast %swap3A_938 : i32 to index
            %swap3A_944 = arith.index_cast %add3A_771 : i32 to index
            %swap3A_945 = tpu.vector_load %swap3A_942[%swap3A_943, %swap3A_944] {strides = array<i32>} : memref<24x1536xf32, #tpu.memory_space<vmem>>, vector<16xf32>,
            tpu.vector_store %swap3A_942[%swap3A_943, %swap3A_944], %mul3A_937 {strides = array<i32>} : memref<24x1536xf32, #tpu.memory_space<vmem>>, vector<16xf32>,
            %mul3A_946 = arith.mulf %neg3A_876, %mul3A_885 : vector<16xf32>
            %swap3A_947 = arith.constant 9 : i32
            %swap3A_948 = arith.constant 0 : i32
            %swap3A_949 = arith.constant 0 : i32
            %swap3A_950 = tpu.memref_slice %run_scoped3A_25[%rem3A_268, %swap3A_948, %swap3A_949] : memref<2x24x1536xf32, #tpu.memory_space<vmem>> -> memref<1x24x1536xf32, #tpu.memory_space<vmem>>
            %swap3A_951 = tpu.memref_squeeze %swap3A_950 : memref<1x24x1536xf32, #tpu.memory_space<vmem>> -> memref<24x1536xf32, #tpu.memory_space<vmem>>
            %swap3A_952 = arith.index_cast %swap3A_947 : i32 to index
            %swap3A_953 = arith.index_cast %add3A_771 : i32 to index
            %swap3A_954 = tpu.vector_load %swap3A_951[%swap3A_952, %swap3A_953] {strides = array<i32>} : memref<24x1536xf32, #tpu.memory_space<vmem>>, vector<16xf32>,
            tpu.vector_store %swap3A_951[%swap3A_952, %swap3A_953], %mul3A_946 {strides = array<i32>} : memref<24x1536xf32, #tpu.memory_space<vmem>>, vector<16xf32>,
            %mul3A_955 = arith.mulf %mul3A_870, %mul3A_880 : vector<16xf32>
            %swap3A_956 = arith.constant 17 : i32
            %swap3A_957 = arith.constant 0 : i32
            %swap3A_958 = arith.constant 0 : i32
            %swap3A_959 = tpu.memref_slice %run_scoped3A_25[%rem3A_268, %swap3A_957, %swap3A_958] : memref<2x24x1536xf32, #tpu.memory_space<vmem>> -> memref<1x24x1536xf32, #tpu.memory_space<vmem>>
            %swap3A_960 = tpu.memref_squeeze %swap3A_959 : memref<1x24x1536xf32, #tpu.memory_space<vmem>> -> memref<24x1536xf32, #tpu.memory_space<vmem>>
            %swap3A_961 = arith.index_cast %swap3A_956 : i32 to index
            %swap3A_962 = arith.index_cast %add3A_771 : i32 to index
            %swap3A_963 = tpu.vector_load %swap3A_960[%swap3A_961, %swap3A_962] {strides = array<i32>} : memref<24x1536xf32, #tpu.memory_space<vmem>>, vector<16xf32>,
            tpu.vector_store %swap3A_960[%swap3A_961, %swap3A_962], %mul3A_955 {strides = array<i32>} : memref<24x1536xf32, #tpu.memory_space<vmem>>, vector<16xf32>,
            %mul3A_964 = arith.mulf %mul3A_881, %sub3A_822 : vector<16xf32>
            %swap3A_965 = arith.constant 2 : i32
            %swap3A_966 = arith.constant 0 : i32
            %swap3A_967 = arith.constant 0 : i32
            %swap3A_968 = tpu.memref_slice %run_scoped3A_23[%rem3A_266, %swap3A_966, %swap3A_967] : memref<2x8x1536xf32, #tpu.memory_space<vmem>> -> memref<1x8x1536xf32, #tpu.memory_space<vmem>>
            %swap3A_969 = tpu.memref_squeeze %swap3A_968 : memref<1x8x1536xf32, #tpu.memory_space<vmem>> -> memref<8x1536xf32, #tpu.memory_space<vmem>>
            %swap3A_970 = arith.index_cast %swap3A_965 : i32 to index
            %swap3A_971 = arith.index_cast %add3A_771 : i32 to index
            %swap3A_972 = tpu.vector_load %swap3A_969[%swap3A_970, %swap3A_971] {strides = array<i32>} : memref<8x1536xf32, #tpu.memory_space<vmem>>, vector<16xf32>,
            tpu.vector_store %swap3A_969[%swap3A_970, %swap3A_971], %mul3A_964 {strides = array<i32>} : memref<8x1536xf32, #tpu.memory_space<vmem>>, vector<16xf32>,
            %mul3A_973 = arith.mulf %neg3A_873, %mul3A_890 : vector<16xf32>
            %swap3A_974 = arith.constant 2 : i32
            %swap3A_975 = arith.constant 0 : i32
            %swap3A_976 = arith.constant 0 : i32
            %swap3A_977 = tpu.memref_slice %run_scoped3A_25[%rem3A_268, %swap3A_975, %swap3A_976] : memref<2x24x1536xf32, #tpu.memory_space<vmem>> -> memref<1x24x1536xf32, #tpu.memory_space<vmem>>
            %swap3A_978 = tpu.memref_squeeze %swap3A_977 : memref<1x24x1536xf32, #tpu.memory_space<vmem>> -> memref<24x1536xf32, #tpu.memory_space<vmem>>
            %swap3A_979 = arith.index_cast %swap3A_974 : i32 to index
            %swap3A_980 = arith.index_cast %add3A_771 : i32 to index
            %swap3A_981 = tpu.vector_load %swap3A_978[%swap3A_979, %swap3A_980] {strides = array<i32>} : memref<24x1536xf32, #tpu.memory_space<vmem>>, vector<16xf32>,
            tpu.vector_store %swap3A_978[%swap3A_979, %swap3A_980], %mul3A_973 {strides = array<i32>} : memref<24x1536xf32, #tpu.memory_space<vmem>>, vector<16xf32>,
            %mul3A_982 = arith.mulf %mul3A_854, %mul3A_884 : vector<16xf32>
            %swap3A_983 = arith.constant 10 : i32
            %swap3A_984 = arith.constant 0 : i32
            %swap3A_985 = arith.constant 0 : i32
            %swap3A_986 = tpu.memref_slice %run_scoped3A_25[%rem3A_268, %swap3A_984, %swap3A_985] : memref<2x24x1536xf32, #tpu.memory_space<vmem>> -> memref<1x24x1536xf32, #tpu.memory_space<vmem>>
            %swap3A_987 = tpu.memref_squeeze %swap3A_986 : memref<1x24x1536xf32, #tpu.memory_space<vmem>> -> memref<24x1536xf32, #tpu.memory_space<vmem>>
            %swap3A_988 = arith.index_cast %swap3A_983 : i32 to index
            %swap3A_989 = arith.index_cast %add3A_771 : i32 to index
            %swap3A_990 = tpu.vector_load %swap3A_987[%swap3A_988, %swap3A_989] {strides = array<i32>} : memref<24x1536xf32, #tpu.memory_space<vmem>>, vector<16xf32>,
            tpu.vector_store %swap3A_987[%swap3A_988, %swap3A_989], %mul3A_982 {strides = array<i32>} : memref<24x1536xf32, #tpu.memory_space<vmem>>, vector<16xf32>,
            %mul3A_991 = arith.mulf %neg3A_879, %mul3A_881 : vector<16xf32>
            %swap3A_992 = arith.constant 18 : i32
            %swap3A_993 = arith.constant 0 : i32
            %swap3A_994 = arith.constant 0 : i32
            %swap3A_995 = tpu.memref_slice %run_scoped3A_25[%rem3A_268, %swap3A_993, %swap3A_994] : memref<2x24x1536xf32, #tpu.memory_space<vmem>> -> memref<1x24x1536xf32, #tpu.memory_space<vmem>>
            %swap3A_996 = tpu.memref_squeeze %swap3A_995 : memref<1x24x1536xf32, #tpu.memory_space<vmem>> -> memref<24x1536xf32, #tpu.memory_space<vmem>>
            %swap3A_997 = arith.index_cast %swap3A_992 : i32 to index
            %swap3A_998 = arith.index_cast %add3A_771 : i32 to index
            %swap3A_999 = tpu.vector_load %swap3A_996[%swap3A_997, %swap3A_998] {strides = array<i32>} : memref<24x1536xf32, #tpu.memory_space<vmem>>, vector<16xf32>,
            tpu.vector_store %swap3A_996[%swap3A_997, %swap3A_998], %mul3A_991 {strides = array<i32>} : memref<24x1536xf32, #tpu.memory_space<vmem>>, vector<16xf32>,
            %mul3A_1000 = arith.mulf %mul3A_881, %sub3A_813 : vector<16xf32>
            %swap3A_1001 = arith.constant 3 : i32
            %swap3A_1002 = arith.constant 0 : i32
            %swap3A_1003 = arith.constant 0 : i32
            %swap3A_1004 = tpu.memref_slice %run_scoped3A_23[%rem3A_266, %swap3A_1002, %swap3A_1003] : memref<2x8x1536xf32, #tpu.memory_space<vmem>> -> memref<1x8x1536xf32, #tpu.memory_space<vmem>>
            %swap3A_1005 = tpu.memref_squeeze %swap3A_1004 : memref<1x8x1536xf32, #tpu.memory_space<vmem>> -> memref<8x1536xf32, #tpu.memory_space<vmem>>
            %swap3A_1006 = arith.index_cast %swap3A_1001 : i32 to index
            %swap3A_1007 = arith.index_cast %add3A_771 : i32 to index
            %swap3A_1008 = tpu.vector_load %swap3A_1005[%swap3A_1006, %swap3A_1007] {strides = array<i32>} : memref<8x1536xf32, #tpu.memory_space<vmem>>, vector<16xf32>,
            tpu.vector_store %swap3A_1005[%swap3A_1006, %swap3A_1007], %mul3A_1000 {strides = array<i32>} : memref<8x1536xf32, #tpu.memory_space<vmem>>, vector<16xf32>,
            %mul3A_1009 = arith.mulf %neg3A_873, %mul3A_891 : vector<16xf32>
            %swap3A_1010 = arith.constant 3 : i32
            %swap3A_1011 = arith.constant 0 : i32
            %swap3A_1012 = arith.constant 0 : i32
            %swap3A_1013 = tpu.memref_slice %run_scoped3A_25[%rem3A_268, %swap3A_1011, %swap3A_1012] : memref<2x24x1536xf32, #tpu.memory_space<vmem>> -> memref<1x24x1536xf32, #tpu.memory_space<vmem>>
            %swap3A_1014 = tpu.memref_squeeze %swap3A_1013 : memref<1x24x1536xf32, #tpu.memory_space<vmem>> -> memref<24x1536xf32, #tpu.memory_space<vmem>>
            %swap3A_1015 = arith.index_cast %swap3A_1010 : i32 to index
            %swap3A_1016 = arith.index_cast %add3A_771 : i32 to index
            %swap3A_1017 = tpu.vector_load %swap3A_1014[%swap3A_1015, %swap3A_1016] {strides = array<i32>} : memref<24x1536xf32, #tpu.memory_space<vmem>>, vector<16xf32>,
            tpu.vector_store %swap3A_1014[%swap3A_1015, %swap3A_1016], %mul3A_1009 {strides = array<i32>} : memref<24x1536xf32, #tpu.memory_space<vmem>>, vector<16xf32>,
            %mul3A_1018 = arith.mulf %mul3A_854, %mul3A_885 : vector<16xf32>
            %swap3A_1019 = arith.constant 11 : i32
            %swap3A_1020 = arith.constant 0 : i32
            %swap3A_1021 = arith.constant 0 : i32
            %swap3A_1022 = tpu.memref_slice %run_scoped3A_25[%rem3A_268, %swap3A_1020, %swap3A_1021] : memref<2x24x1536xf32, #tpu.memory_space<vmem>> -> memref<1x24x1536xf32, #tpu.memory_space<vmem>>
            %swap3A_1023 = tpu.memref_squeeze %swap3A_1022 : memref<1x24x1536xf32, #tpu.memory_space<vmem>> -> memref<24x1536xf32, #tpu.memory_space<vmem>>
            %swap3A_1024 = arith.index_cast %swap3A_1019 : i32 to index
            %swap3A_1025 = arith.index_cast %add3A_771 : i32 to index
            %swap3A_1026 = tpu.vector_load %swap3A_1023[%swap3A_1024, %swap3A_1025] {strides = array<i32>} : memref<24x1536xf32, #tpu.memory_space<vmem>>, vector<16xf32>,
            tpu.vector_store %swap3A_1023[%swap3A_1024, %swap3A_1025], %mul3A_1018 {strides = array<i32>} : memref<24x1536xf32, #tpu.memory_space<vmem>>, vector<16xf32>,
            %mul3A_1027 = arith.mulf %mul3A_870, %mul3A_881 : vector<16xf32>
            %swap3A_1028 = arith.constant 19 : i32
            %swap3A_1029 = arith.constant 0 : i32
            %swap3A_1030 = arith.constant 0 : i32
            %swap3A_1031 = tpu.memref_slice %run_scoped3A_25[%rem3A_268, %swap3A_1029, %swap3A_1030] : memref<2x24x1536xf32, #tpu.memory_space<vmem>> -> memref<1x24x1536xf32, #tpu.memory_space<vmem>>
            %swap3A_1032 = tpu.memref_squeeze %swap3A_1031 : memref<1x24x1536xf32, #tpu.memory_space<vmem>> -> memref<24x1536xf32, #tpu.memory_space<vmem>>
            %swap3A_1033 = arith.index_cast %swap3A_1028 : i32 to index
            %swap3A_1034 = arith.index_cast %add3A_771 : i32 to index
            %swap3A_1035 = tpu.vector_load %swap3A_1032[%swap3A_1033, %swap3A_1034] {strides = array<i32>} : memref<24x1536xf32, #tpu.memory_space<vmem>>, vector<16xf32>,
            tpu.vector_store %swap3A_1032[%swap3A_1033, %swap3A_1034], %mul3A_1027 {strides = array<i32>} : memref<24x1536xf32, #tpu.memory_space<vmem>>, vector<16xf32>,
            %mul3A_1036 = arith.mulf %mul3A_882, %sub3A_822 : vector<16xf32>
            %swap3A_1037 = arith.constant 4 : i32
            %swap3A_1038 = arith.constant 0 : i32
            %swap3A_1039 = arith.constant 0 : i32
            %swap3A_1040 = tpu.memref_slice %run_scoped3A_23[%rem3A_266, %swap3A_1038, %swap3A_1039] : memref<2x8x1536xf32, #tpu.memory_space<vmem>> -> memref<1x8x1536xf32, #tpu.memory_space<vmem>>
            %swap3A_1041 = tpu.memref_squeeze %swap3A_1040 : memref<1x8x1536xf32, #tpu.memory_space<vmem>> -> memref<8x1536xf32, #tpu.memory_space<vmem>>
            %swap3A_1042 = arith.index_cast %swap3A_1037 : i32 to index
            %swap3A_1043 = arith.index_cast %add3A_771 : i32 to index
            %swap3A_1044 = tpu.vector_load %swap3A_1041[%swap3A_1042, %swap3A_1043] {strides = array<i32>} : memref<8x1536xf32, #tpu.memory_space<vmem>>, vector<16xf32>,
            tpu.vector_store %swap3A_1041[%swap3A_1042, %swap3A_1043], %mul3A_1036 {strides = array<i32>} : memref<8x1536xf32, #tpu.memory_space<vmem>>, vector<16xf32>,
            %mul3A_1045 = arith.mulf %mul3A_838, %mul3A_888 : vector<16xf32>
            %swap3A_1046 = arith.constant 4 : i32
            %swap3A_1047 = arith.constant 0 : i32
            %swap3A_1048 = arith.constant 0 : i32
            %swap3A_1049 = tpu.memref_slice %run_scoped3A_25[%rem3A_268, %swap3A_1047, %swap3A_1048] : memref<2x24x1536xf32, #tpu.memory_space<vmem>> -> memref<1x24x1536xf32, #tpu.memory_space<vmem>>
            %swap3A_1050 = tpu.memref_squeeze %swap3A_1049 : memref<1x24x1536xf32, #tpu.memory_space<vmem>> -> memref<24x1536xf32, #tpu.memory_space<vmem>>
            %swap3A_1051 = arith.index_cast %swap3A_1046 : i32 to index
            %swap3A_1052 = arith.index_cast %add3A_771 : i32 to index
            %swap3A_1053 = tpu.vector_load %swap3A_1050[%swap3A_1051, %swap3A_1052] {strides = array<i32>} : memref<24x1536xf32, #tpu.memory_space<vmem>>, vector<16xf32>,
            tpu.vector_store %swap3A_1050[%swap3A_1051, %swap3A_1052], %mul3A_1045 {strides = array<i32>} : memref<24x1536xf32, #tpu.memory_space<vmem>>, vector<16xf32>,
            %mul3A_1054 = arith.mulf %neg3A_876, %mul3A_886 : vector<16xf32>
            %swap3A_1055 = arith.constant 12 : i32
            %swap3A_1056 = arith.constant 0 : i32
            %swap3A_1057 = arith.constant 0 : i32
            %swap3A_1058 = tpu.memref_slice %run_scoped3A_25[%rem3A_268, %swap3A_1056, %swap3A_1057] : memref<2x24x1536xf32, #tpu.memory_space<vmem>> -> memref<1x24x1536xf32, #tpu.memory_space<vmem>>
            %swap3A_1059 = tpu.memref_squeeze %swap3A_1058 : memref<1x24x1536xf32, #tpu.memory_space<vmem>> -> memref<24x1536xf32, #tpu.memory_space<vmem>>
            %swap3A_1060 = arith.index_cast %swap3A_1055 : i32 to index
            %swap3A_1061 = arith.index_cast %add3A_771 : i32 to index
            %swap3A_1062 = tpu.vector_load %swap3A_1059[%swap3A_1060, %swap3A_1061] {strides = array<i32>} : memref<24x1536xf32, #tpu.memory_space<vmem>>, vector<16xf32>,
            tpu.vector_store %swap3A_1059[%swap3A_1060, %swap3A_1061], %mul3A_1054 {strides = array<i32>} : memref<24x1536xf32, #tpu.memory_space<vmem>>, vector<16xf32>,
            %mul3A_1063 = arith.mulf %neg3A_879, %mul3A_882 : vector<16xf32>
            %swap3A_1064 = arith.constant 20 : i32
            %swap3A_1065 = arith.constant 0 : i32
            %swap3A_1066 = arith.constant 0 : i32
            %swap3A_1067 = tpu.memref_slice %run_scoped3A_25[%rem3A_268, %swap3A_1065, %swap3A_1066] : memref<2x24x1536xf32, #tpu.memory_space<vmem>> -> memref<1x24x1536xf32, #tpu.memory_space<vmem>>
            %swap3A_1068 = tpu.memref_squeeze %swap3A_1067 : memref<1x24x1536xf32, #tpu.memory_space<vmem>> -> memref<24x1536xf32, #tpu.memory_space<vmem>>
            %swap3A_1069 = arith.index_cast %swap3A_1064 : i32 to index
            %swap3A_1070 = arith.index_cast %add3A_771 : i32 to index
            %swap3A_1071 = tpu.vector_load %swap3A_1068[%swap3A_1069, %swap3A_1070] {strides = array<i32>} : memref<24x1536xf32, #tpu.memory_space<vmem>>, vector<16xf32>,
            tpu.vector_store %swap3A_1068[%swap3A_1069, %swap3A_1070], %mul3A_1063 {strides = array<i32>} : memref<24x1536xf32, #tpu.memory_space<vmem>>, vector<16xf32>,
            %mul3A_1072 = arith.mulf %mul3A_882, %sub3A_813 : vector<16xf32>
            %swap3A_1073 = arith.constant 5 : i32
            %swap3A_1074 = arith.constant 0 : i32
            %swap3A_1075 = arith.constant 0 : i32
            %swap3A_1076 = tpu.memref_slice %run_scoped3A_23[%rem3A_266, %swap3A_1074, %swap3A_1075] : memref<2x8x1536xf32, #tpu.memory_space<vmem>> -> memref<1x8x1536xf32, #tpu.memory_space<vmem>>
            %swap3A_1077 = tpu.memref_squeeze %swap3A_1076 : memref<1x8x1536xf32, #tpu.memory_space<vmem>> -> memref<8x1536xf32, #tpu.memory_space<vmem>>
            %swap3A_1078 = arith.index_cast %swap3A_1073 : i32 to index
            %swap3A_1079 = arith.index_cast %add3A_771 : i32 to index
            %swap3A_1080 = tpu.vector_load %swap3A_1077[%swap3A_1078, %swap3A_1079] {strides = array<i32>} : memref<8x1536xf32, #tpu.memory_space<vmem>>, vector<16xf32>,
            tpu.vector_store %swap3A_1077[%swap3A_1078, %swap3A_1079], %mul3A_1072 {strides = array<i32>} : memref<8x1536xf32, #tpu.memory_space<vmem>>, vector<16xf32>,
            %mul3A_1081 = arith.mulf %mul3A_838, %mul3A_889 : vector<16xf32>
            %swap3A_1082 = arith.constant 5 : i32
            %swap3A_1083 = arith.constant 0 : i32
            %swap3A_1084 = arith.constant 0 : i32
            %swap3A_1085 = tpu.memref_slice %run_scoped3A_25[%rem3A_268, %swap3A_1083, %swap3A_1084] : memref<2x24x1536xf32, #tpu.memory_space<vmem>> -> memref<1x24x1536xf32, #tpu.memory_space<vmem>>
            %swap3A_1086 = tpu.memref_squeeze %swap3A_1085 : memref<1x24x1536xf32, #tpu.memory_space<vmem>> -> memref<24x1536xf32, #tpu.memory_space<vmem>>
            %swap3A_1087 = arith.index_cast %swap3A_1082 : i32 to index
            %swap3A_1088 = arith.index_cast %add3A_771 : i32 to index
            %swap3A_1089 = tpu.vector_load %swap3A_1086[%swap3A_1087, %swap3A_1088] {strides = array<i32>} : memref<24x1536xf32, #tpu.memory_space<vmem>>, vector<16xf32>,
            tpu.vector_store %swap3A_1086[%swap3A_1087, %swap3A_1088], %mul3A_1081 {strides = array<i32>} : memref<24x1536xf32, #tpu.memory_space<vmem>>, vector<16xf32>,
            %mul3A_1090 = arith.mulf %neg3A_876, %mul3A_887 : vector<16xf32>
            %swap3A_1091 = arith.constant 13 : i32
            %swap3A_1092 = arith.constant 0 : i32
            %swap3A_1093 = arith.constant 0 : i32
            %swap3A_1094 = tpu.memref_slice %run_scoped3A_25[%rem3A_268, %swap3A_1092, %swap3A_1093] : memref<2x24x1536xf32, #tpu.memory_space<vmem>> -> memref<1x24x1536xf32, #tpu.memory_space<vmem>>
            %swap3A_1095 = tpu.memref_squeeze %swap3A_1094 : memref<1x24x1536xf32, #tpu.memory_space<vmem>> -> memref<24x1536xf32, #tpu.memory_space<vmem>>
            %swap3A_1096 = arith.index_cast %swap3A_1091 : i32 to index
            %swap3A_1097 = arith.index_cast %add3A_771 : i32 to index
            %swap3A_1098 = tpu.vector_load %swap3A_1095[%swap3A_1096, %swap3A_1097] {strides = array<i32>} : memref<24x1536xf32, #tpu.memory_space<vmem>>, vector<16xf32>,
            tpu.vector_store %swap3A_1095[%swap3A_1096, %swap3A_1097], %mul3A_1090 {strides = array<i32>} : memref<24x1536xf32, #tpu.memory_space<vmem>>, vector<16xf32>,
            %mul3A_1099 = arith.mulf %mul3A_870, %mul3A_882 : vector<16xf32>
            %swap3A_1100 = arith.constant 21 : i32
            %swap3A_1101 = arith.constant 0 : i32
            %swap3A_1102 = arith.constant 0 : i32
            %swap3A_1103 = tpu.memref_slice %run_scoped3A_25[%rem3A_268, %swap3A_1101, %swap3A_1102] : memref<2x24x1536xf32, #tpu.memory_space<vmem>> -> memref<1x24x1536xf32, #tpu.memory_space<vmem>>
            %swap3A_1104 = tpu.memref_squeeze %swap3A_1103 : memref<1x24x1536xf32, #tpu.memory_space<vmem>> -> memref<24x1536xf32, #tpu.memory_space<vmem>>
            %swap3A_1105 = arith.index_cast %swap3A_1100 : i32 to index
            %swap3A_1106 = arith.index_cast %add3A_771 : i32 to index
            %swap3A_1107 = tpu.vector_load %swap3A_1104[%swap3A_1105, %swap3A_1106] {strides = array<i32>} : memref<24x1536xf32, #tpu.memory_space<vmem>>, vector<16xf32>,
            tpu.vector_store %swap3A_1104[%swap3A_1105, %swap3A_1106], %mul3A_1099 {strides = array<i32>} : memref<24x1536xf32, #tpu.memory_space<vmem>>, vector<16xf32>,
            %mul3A_1108 = arith.mulf %mul3A_883, %sub3A_822 : vector<16xf32>
            %swap3A_1109 = arith.constant 6 : i32
            %swap3A_1110 = arith.constant 0 : i32
            %swap3A_1111 = arith.constant 0 : i32
            %swap3A_1112 = tpu.memref_slice %run_scoped3A_23[%rem3A_266, %swap3A_1110, %swap3A_1111] : memref<2x8x1536xf32, #tpu.memory_space<vmem>> -> memref<1x8x1536xf32, #tpu.memory_space<vmem>>
            %swap3A_1113 = tpu.memref_squeeze %swap3A_1112 : memref<1x8x1536xf32, #tpu.memory_space<vmem>> -> memref<8x1536xf32, #tpu.memory_space<vmem>>
            %swap3A_1114 = arith.index_cast %swap3A_1109 : i32 to index
            %swap3A_1115 = arith.index_cast %add3A_771 : i32 to index
            %swap3A_1116 = tpu.vector_load %swap3A_1113[%swap3A_1114, %swap3A_1115] {strides = array<i32>} : memref<8x1536xf32, #tpu.memory_space<vmem>>, vector<16xf32>,
            tpu.vector_store %swap3A_1113[%swap3A_1114, %swap3A_1115], %mul3A_1108 {strides = array<i32>} : memref<8x1536xf32, #tpu.memory_space<vmem>>, vector<16xf32>,
            %mul3A_1117 = arith.mulf %mul3A_838, %mul3A_890 : vector<16xf32>
            %swap3A_1118 = arith.constant 6 : i32
            %swap3A_1119 = arith.constant 0 : i32
            %swap3A_1120 = arith.constant 0 : i32
            %swap3A_1121 = tpu.memref_slice %run_scoped3A_25[%rem3A_268, %swap3A_1119, %swap3A_1120] : memref<2x24x1536xf32, #tpu.memory_space<vmem>> -> memref<1x24x1536xf32, #tpu.memory_space<vmem>>
            %swap3A_1122 = tpu.memref_squeeze %swap3A_1121 : memref<1x24x1536xf32, #tpu.memory_space<vmem>> -> memref<24x1536xf32, #tpu.memory_space<vmem>>
            %swap3A_1123 = arith.index_cast %swap3A_1118 : i32 to index
            %swap3A_1124 = arith.index_cast %add3A_771 : i32 to index
            %swap3A_1125 = tpu.vector_load %swap3A_1122[%swap3A_1123, %swap3A_1124] {strides = array<i32>} : memref<24x1536xf32, #tpu.memory_space<vmem>>, vector<16xf32>,
            tpu.vector_store %swap3A_1122[%swap3A_1123, %swap3A_1124], %mul3A_1117 {strides = array<i32>} : memref<24x1536xf32, #tpu.memory_space<vmem>>, vector<16xf32>,
            %mul3A_1126 = arith.mulf %mul3A_854, %mul3A_886 : vector<16xf32>
            %swap3A_1127 = arith.constant 14 : i32
            %swap3A_1128 = arith.constant 0 : i32
            %swap3A_1129 = arith.constant 0 : i32
            %swap3A_1130 = tpu.memref_slice %run_scoped3A_25[%rem3A_268, %swap3A_1128, %swap3A_1129] : memref<2x24x1536xf32, #tpu.memory_space<vmem>> -> memref<1x24x1536xf32, #tpu.memory_space<vmem>>
            %swap3A_1131 = tpu.memref_squeeze %swap3A_1130 : memref<1x24x1536xf32, #tpu.memory_space<vmem>> -> memref<24x1536xf32, #tpu.memory_space<vmem>>
            %swap3A_1132 = arith.index_cast %swap3A_1127 : i32 to index
            %swap3A_1133 = arith.index_cast %add3A_771 : i32 to index
            %swap3A_1134 = tpu.vector_load %swap3A_1131[%swap3A_1132, %swap3A_1133] {strides = array<i32>} : memref<24x1536xf32, #tpu.memory_space<vmem>>, vector<16xf32>,
            tpu.vector_store %swap3A_1131[%swap3A_1132, %swap3A_1133], %mul3A_1126 {strides = array<i32>} : memref<24x1536xf32, #tpu.memory_space<vmem>>, vector<16xf32>,
            %mul3A_1135 = arith.mulf %neg3A_879, %mul3A_883 : vector<16xf32>
            %swap3A_1136 = arith.constant 22 : i32
            %swap3A_1137 = arith.constant 0 : i32
            %swap3A_1138 = arith.constant 0 : i32
            %swap3A_1139 = tpu.memref_slice %run_scoped3A_25[%rem3A_268, %swap3A_1137, %swap3A_1138] : memref<2x24x1536xf32, #tpu.memory_space<vmem>> -> memref<1x24x1536xf32, #tpu.memory_space<vmem>>
            %swap3A_1140 = tpu.memref_squeeze %swap3A_1139 : memref<1x24x1536xf32, #tpu.memory_space<vmem>> -> memref<24x1536xf32, #tpu.memory_space<vmem>>
            %swap3A_1141 = arith.index_cast %swap3A_1136 : i32 to index
            %swap3A_1142 = arith.index_cast %add3A_771 : i32 to index
            %swap3A_1143 = tpu.vector_load %swap3A_1140[%swap3A_1141, %swap3A_1142] {strides = array<i32>} : memref<24x1536xf32, #tpu.memory_space<vmem>>, vector<16xf32>,
            tpu.vector_store %swap3A_1140[%swap3A_1141, %swap3A_1142], %mul3A_1135 {strides = array<i32>} : memref<24x1536xf32, #tpu.memory_space<vmem>>, vector<16xf32>,
            %mul3A_1144 = arith.mulf %mul3A_883, %sub3A_813 : vector<16xf32>
            %swap3A_1145 = arith.constant 7 : i32
            %swap3A_1146 = arith.constant 0 : i32
            %swap3A_1147 = arith.constant 0 : i32
            %swap3A_1148 = tpu.memref_slice %run_scoped3A_23[%rem3A_266, %swap3A_1146, %swap3A_1147] : memref<2x8x1536xf32, #tpu.memory_space<vmem>> -> memref<1x8x1536xf32, #tpu.memory_space<vmem>>
            %swap3A_1149 = tpu.memref_squeeze %swap3A_1148 : memref<1x8x1536xf32, #tpu.memory_space<vmem>> -> memref<8x1536xf32, #tpu.memory_space<vmem>>
            %swap3A_1150 = arith.index_cast %swap3A_1145 : i32 to index
            %swap3A_1151 = arith.index_cast %add3A_771 : i32 to index
            %swap3A_1152 = tpu.vector_load %swap3A_1149[%swap3A_1150, %swap3A_1151] {strides = array<i32>} : memref<8x1536xf32, #tpu.memory_space<vmem>>, vector<16xf32>,
            tpu.vector_store %swap3A_1149[%swap3A_1150, %swap3A_1151], %mul3A_1144 {strides = array<i32>} : memref<8x1536xf32, #tpu.memory_space<vmem>>, vector<16xf32>,
            %mul3A_1153 = arith.mulf %mul3A_838, %mul3A_891 : vector<16xf32>
            %swap3A_1154 = arith.constant 7 : i32
            %swap3A_1155 = arith.constant 0 : i32
            %swap3A_1156 = arith.constant 0 : i32
            %swap3A_1157 = tpu.memref_slice %run_scoped3A_25[%rem3A_268, %swap3A_1155, %swap3A_1156] : memref<2x24x1536xf32, #tpu.memory_space<vmem>> -> memref<1x24x1536xf32, #tpu.memory_space<vmem>>
            %swap3A_1158 = tpu.memref_squeeze %swap3A_1157 : memref<1x24x1536xf32, #tpu.memory_space<vmem>> -> memref<24x1536xf32, #tpu.memory_space<vmem>>
            %swap3A_1159 = arith.index_cast %swap3A_1154 : i32 to index
            %swap3A_1160 = arith.index_cast %add3A_771 : i32 to index
            %swap3A_1161 = tpu.vector_load %swap3A_1158[%swap3A_1159, %swap3A_1160] {strides = array<i32>} : memref<24x1536xf32, #tpu.memory_space<vmem>>, vector<16xf32>,
            tpu.vector_store %swap3A_1158[%swap3A_1159, %swap3A_1160], %mul3A_1153 {strides = array<i32>} : memref<24x1536xf32, #tpu.memory_space<vmem>>, vector<16xf32>,
            %mul3A_1162 = arith.mulf %mul3A_854, %mul3A_887 : vector<16xf32>
            %swap3A_1163 = arith.constant 15 : i32
            %swap3A_1164 = arith.constant 0 : i32
            %swap3A_1165 = arith.constant 0 : i32
            %swap3A_1166 = tpu.memref_slice %run_scoped3A_25[%rem3A_268, %swap3A_1164, %swap3A_1165] : memref<2x24x1536xf32, #tpu.memory_space<vmem>> -> memref<1x24x1536xf32, #tpu.memory_space<vmem>>
            %swap3A_1167 = tpu.memref_squeeze %swap3A_1166 : memref<1x24x1536xf32, #tpu.memory_space<vmem>> -> memref<24x1536xf32, #tpu.memory_space<vmem>>
            %swap3A_1168 = arith.index_cast %swap3A_1163 : i32 to index
            %swap3A_1169 = arith.index_cast %add3A_771 : i32 to index
            %swap3A_1170 = tpu.vector_load %swap3A_1167[%swap3A_1168, %swap3A_1169] {strides = array<i32>} : memref<24x1536xf32, #tpu.memory_space<vmem>>, vector<16xf32>,
            tpu.vector_store %swap3A_1167[%swap3A_1168, %swap3A_1169], %mul3A_1162 {strides = array<i32>} : memref<24x1536xf32, #tpu.memory_space<vmem>>, vector<16xf32>,
            %mul3A_1171 = arith.mulf %mul3A_870, %mul3A_883 : vector<16xf32>
            %swap3A_1172 = arith.constant 23 : i32
            %swap3A_1173 = arith.constant 0 : i32
            %swap3A_1174 = arith.constant 0 : i32
            %swap3A_1175 = tpu.memref_slice %run_scoped3A_25[%rem3A_268, %swap3A_1173, %swap3A_1174] : memref<2x24x1536xf32, #tpu.memory_space<vmem>> -> memref<1x24x1536xf32, #tpu.memory_space<vmem>>
            %swap3A_1176 = tpu.memref_squeeze %swap3A_1175 : memref<1x24x1536xf32, #tpu.memory_space<vmem>> -> memref<24x1536xf32, #tpu.memory_space<vmem>>
            %swap3A_1177 = arith.index_cast %swap3A_1172 : i32 to index
            %swap3A_1178 = arith.index_cast %add3A_771 : i32 to index
            %swap3A_1179 = tpu.vector_load %swap3A_1176[%swap3A_1177, %swap3A_1178] {strides = array<i32>} : memref<24x1536xf32, #tpu.memory_space<vmem>>, vector<16xf32>,
            tpu.vector_store %swap3A_1176[%swap3A_1177, %swap3A_1178], %mul3A_1171 {strides = array<i32>} : memref<24x1536xf32, #tpu.memory_space<vmem>>, vector<16xf32>,
          }
          %scan3A_272 = arith.constant 48 : i32
          "tpu.trace_stop"() : () -> ()
          %ne3A_273 = arith.cmpi ne, %add3A_179, %add3A_197 : i32
          %or3A_274 = arith.constant false
          %or3A_275 = arith.ori %or3A_274, %ne3A_273 : i1
          %or3A_276 = arith.ori %or3A_275, %eq3A_178 : i1
          %convert_element_type3A_277 = arith.extui %or3A_276 : i1 to i32
          %cond3A_278 = arith.constant 0 : i32
          %cond3A_279 = arith.cmpi ne, %convert_element_type3A_277, %cond3A_278 : i32
          scf.if %cond3A_279 {
          } else {
          }
          %and3A_280 = arith.constant false
          %and3A_281 = arith.andi %or3A_276, %and3A_280 : i1
          %ne3A_282 = arith.cmpi ne, %add3A_179, %add3A_197 : i32
          %or3A_283 = arith.constant false
          %or3A_284 = arith.ori %or3A_283, %ne3A_282 : i1
          %or3A_285 = arith.ori %or3A_284, %eq3A_178 : i1
          %convert_element_type3A_286 = arith.extui %or3A_285 : i1 to i32
          %cond3A_287 = arith.constant 0 : i32
          %cond3A_288 = arith.cmpi ne, %convert_element_type3A_286, %cond3A_287 : i32
          scf.if %cond3A_288 {
            "tpu.trace_start"() <{level = 10 : i32, message = "ep_copy_out"}> : () -> ()
            %rem3A_359 = arith.constant 2 : i32
            %rem3A_360 = arith.remui %while3A_167, %rem3A_359 : i32
            %mul3A_361 = arith.constant 1536 : i32
            %mul3A_362 = arith.muli %mul3A_361, %add3A_179 : i32
            %eq3A_363 = arith.constant 651 : i32
            %eq3A_364 = arith.cmpi eq, %add3A_179, %eq3A_363 : i32
            %jit3A_365 = arith.constant 128 : i32
            %jit3A_366 = arith.constant 1536 : i32
            %select_n3A_367 = arith.select %eq3A_364, %jit3A_365, %jit3A_366 : i32
            %multiple_of3A_368 = tpu.assume_multiple %select_n3A_367, 128 : i32
            %mul3A_369 = arith.constant 1536 : i32
            %mul3A_370 = arith.muli %add3A_179, %mul3A_369 : i32
            %dma_start3A_371 = arith.constant 0 : i32
            %dma_start3A_372 = arith.constant 0 : i32
            %dma_start3A_373 = tpu.memref_slice %run_scoped3A_23[%rem3A_360, %dma_start3A_371, %dma_start3A_372] <%multiple_of3A_368> : memref<2x8x1536xf32, #tpu.memory_space<vmem>> -> memref<1x8x?xf32, #tpu.memory_space<vmem>>
            %dma_start3A_374 = tpu.memref_squeeze %dma_start3A_373 : memref<1x8x?xf32, #tpu.memory_space<vmem>> -> memref<8x?xf32, #tpu.memory_space<vmem>>
            %dma_start3A_375 = arith.constant 0 : i32
            %dma_start3A_376 = tpu.memref_slice %arg3[%dma_start3A_375, %mul3A_370] <%multiple_of3A_368> : memref<8x1000000xf32, #tpu.memory_space<hbm>> -> memref<8x?xf32, #tpu.memory_space<hbm>>
            %dma_start3A_377 = tpu.memref_slice %run_scoped3A_24[%rem3A_360] : memref<2x!tpu.dma_semaphore, #tpu.memory_space<semaphore_mem>> -> memref<1x!tpu.dma_semaphore, #tpu.memory_space<semaphore_mem>>
            %dma_start3A_378 = tpu.memref_squeeze %dma_start3A_377 : memref<1x!tpu.dma_semaphore, #tpu.memory_space<semaphore_mem>> -> memref<!tpu.dma_semaphore, #tpu.memory_space<semaphore_mem>>
            %dma_start3A_379 = arith.constant 0 : i32
            %dma_start3A_380 = tpu.memref_slice %arg3[%dma_start3A_379, %mul3A_370] <%multiple_of3A_368> : memref<8x1000000xf32, #tpu.memory_space<hbm>> -> memref<8x?xf32, #tpu.memory_space<hbm>>
            %dma_start3A_381 = arith.constant 0 : i32
            %dma_start3A_382 = arith.constant 0 : i32
            %dma_start3A_383 = tpu.memref_slice %run_scoped3A_23[%rem3A_360, %dma_start3A_381, %dma_start3A_382] <%multiple_of3A_368> : memref<2x8x1536xf32, #tpu.memory_space<vmem>> -> memref<1x8x?xf32, #tpu.memory_space<vmem>>
            %dma_start3A_384 = tpu.memref_squeeze %dma_start3A_383 : memref<1x8x?xf32, #tpu.memory_space<vmem>> -> memref<8x?xf32, #tpu.memory_space<vmem>>
            tpu.enqueue_dma source(%dma_start3A_384 : memref<8x?xf32, #tpu.memory_space<vmem>>) target(%dma_start3A_380 : memref<8x?xf32, #tpu.memory_space<hbm>>) target_semaphore(%dma_start3A_378 : memref<!tpu.dma_semaphore, #tpu.memory_space<semaphore_mem>>)
            "tpu.trace_stop"() : () -> ()
          } else {
          }
          %and3A_289 = arith.constant true
          %and3A_290 = arith.andi %or3A_285, %and3A_289 : i1
          %add3A_291 = arith.constant 1 : i32
          %add3A_292 = arith.addi %while3A_167, %add3A_291 : i32
          %select_n3A_293 = arith.select %and3A_290, %add3A_292, %while3A_167 : i32
          %ne3A_294 = arith.cmpi ne, %add3A_179, %add3A_197 : i32
          %or3A_295 = arith.constant false
          %or3A_296 = arith.ori %or3A_295, %ne3A_294 : i1
          %or3A_297 = arith.ori %or3A_296, %eq3A_178 : i1
          %convert_element_type3A_298 = arith.extui %or3A_297 : i1 to i32
          %cond3A_299 = arith.constant 0 : i32
          %cond3A_300 = arith.cmpi ne, %convert_element_type3A_298, %cond3A_299 : i32
          scf.if %cond3A_300 {
            "tpu.trace_start"() <{level = 10 : i32, message = "ep_copy_out"}> : () -> ()
            %rem3A_359 = arith.constant 2 : i32
            %rem3A_360 = arith.remui %while3A_169, %rem3A_359 : i32
            %mul3A_361 = arith.constant 1536 : i32
            %mul3A_362 = arith.muli %mul3A_361, %add3A_179 : i32
            %eq3A_363 = arith.constant 651 : i32
            %eq3A_364 = arith.cmpi eq, %add3A_179, %eq3A_363 : i32
            %jit3A_365 = arith.constant 128 : i32
            %jit3A_366 = arith.constant 1536 : i32
            %select_n3A_367 = arith.select %eq3A_364, %jit3A_365, %jit3A_366 : i32
            %multiple_of3A_368 = tpu.assume_multiple %select_n3A_367, 128 : i32
            %mul3A_369 = arith.constant 1536 : i32
            %mul3A_370 = arith.muli %add3A_179, %mul3A_369 : i32
            %dma_start3A_371 = arith.constant 0 : i32
            %dma_start3A_372 = arith.constant 0 : i32
            %dma_start3A_373 = tpu.memref_slice %run_scoped3A_25[%rem3A_360, %dma_start3A_371, %dma_start3A_372] <%multiple_of3A_368> : memref<2x24x1536xf32, #tpu.memory_space<vmem>> -> memref<1x24x?xf32, #tpu.memory_space<vmem>>
            %dma_start3A_374 = tpu.memref_squeeze %dma_start3A_373 : memref<1x24x?xf32, #tpu.memory_space<vmem>> -> memref<24x?xf32, #tpu.memory_space<vmem>>
            %dma_start3A_375 = arith.constant 0 : i32
            %dma_start3A_376 = tpu.memref_slice %arg4[%dma_start3A_375, %mul3A_370] <%multiple_of3A_368> : memref<24x1000000xf32, #tpu.memory_space<hbm>> -> memref<24x?xf32, #tpu.memory_space<hbm>>
            %dma_start3A_377 = tpu.memref_slice %run_scoped3A_26[%rem3A_360] : memref<2x!tpu.dma_semaphore, #tpu.memory_space<semaphore_mem>> -> memref<1x!tpu.dma_semaphore, #tpu.memory_space<semaphore_mem>>
            %dma_start3A_378 = tpu.memref_squeeze %dma_start3A_377 : memref<1x!tpu.dma_semaphore, #tpu.memory_space<semaphore_mem>> -> memref<!tpu.dma_semaphore, #tpu.memory_space<semaphore_mem>>
            %dma_start3A_379 = arith.constant 0 : i32
            %dma_start3A_380 = tpu.memref_slice %arg4[%dma_start3A_379, %mul3A_370] <%multiple_of3A_368> : memref<24x1000000xf32, #tpu.memory_space<hbm>> -> memref<24x?xf32, #tpu.memory_space<hbm>>
            %dma_start3A_381 = arith.constant 0 : i32
            %dma_start3A_382 = arith.constant 0 : i32
            %dma_start3A_383 = tpu.memref_slice %run_scoped3A_25[%rem3A_360, %dma_start3A_381, %dma_start3A_382] <%multiple_of3A_368> : memref<2x24x1536xf32, #tpu.memory_space<vmem>> -> memref<1x24x?xf32, #tpu.memory_space<vmem>>
            %dma_start3A_384 = tpu.memref_squeeze %dma_start3A_383 : memref<1x24x?xf32, #tpu.memory_space<vmem>> -> memref<24x?xf32, #tpu.memory_space<vmem>>
            tpu.enqueue_dma source(%dma_start3A_384 : memref<24x?xf32, #tpu.memory_space<vmem>>) target(%dma_start3A_380 : memref<24x?xf32, #tpu.memory_space<hbm>>) target_semaphore(%dma_start3A_378 : memref<!tpu.dma_semaphore, #tpu.memory_space<semaphore_mem>>)
            "tpu.trace_stop"() : () -> ()
          } else {
          }
          %and3A_301 = arith.constant true
          %and3A_302 = arith.andi %or3A_297, %and3A_301 : i1
          %add3A_303 = arith.constant 1 : i32
          %add3A_304 = arith.addi %while3A_169, %add3A_303 : i32
          %select_n3A_305 = arith.select %and3A_302, %add3A_304, %while3A_169 : i32
          %ne3A_306 = arith.cmpi ne, %add3A_179, %add3A_189 : i32
          %or3A_307 = arith.constant false
          %or3A_308 = arith.ori %or3A_307, %ne3A_306 : i1
          %not3A_309 = arith.constant true
          %not3A_310 = arith.xori %eq3A_175, %not3A_309 : i1
          %and3A_311 = arith.andi %or3A_308, %not3A_310 : i1
          %convert_element_type3A_312 = arith.extui %and3A_311 : i1 to i32
          %cond3A_313 = arith.constant 0 : i32
          %cond3A_314 = arith.cmpi ne, %convert_element_type3A_312, %cond3A_313 : i32
          scf.if %cond3A_314 {
          } else {
          }
          %and3A_315 = arith.constant false
          %and3A_316 = arith.andi %and3A_311, %and3A_315 : i1
          %ne3A_317 = arith.cmpi ne, %add3A_179, %add3A_189 : i32
          %or3A_318 = arith.constant false
          %or3A_319 = arith.ori %or3A_318, %ne3A_317 : i1
          %not3A_320 = arith.constant true
          %not3A_321 = arith.xori %eq3A_175, %not3A_320 : i1
          %and3A_322 = arith.andi %or3A_319, %not3A_321 : i1
          %convert_element_type3A_323 = arith.extui %and3A_322 : i1 to i32
          %cond3A_324 = arith.constant 0 : i32
          %cond3A_325 = arith.cmpi ne, %convert_element_type3A_323, %cond3A_324 : i32
          scf.if %cond3A_325 {
            "tpu.trace_start"() <{level = 10 : i32, message = "ep_wait_out"}> : () -> ()
            %rem3A_359 = arith.constant 2 : i32
            %rem3A_360 = arith.remui %while3A_168, %rem3A_359 : i32
            %mul3A_361 = arith.constant 1536 : i32
            %mul3A_362 = arith.muli %mul3A_361, %add3A_189 : i32
            %eq3A_363 = arith.constant 651 : i32
            %eq3A_364 = arith.cmpi eq, %add3A_189, %eq3A_363 : i32
            %jit3A_365 = arith.constant 128 : i32
            %jit3A_366 = arith.constant 1536 : i32
            %select_n3A_367 = arith.select %eq3A_364, %jit3A_365, %jit3A_366 : i32
            %multiple_of3A_368 = tpu.assume_multiple %select_n3A_367, 128 : i32
            %mul3A_369 = arith.constant 1536 : i32
            %mul3A_370 = arith.muli %add3A_189, %mul3A_369 : i32
            %dma_wait3A = arith.constant 0 : i32
            %dma_wait3A_371 = arith.constant 0 : i32
            %dma_wait3A_372 = tpu.memref_slice %run_scoped3A_23[%rem3A_360, %dma_wait3A, %dma_wait3A_371] <%multiple_of3A_368> : memref<2x8x1536xf32, #tpu.memory_space<vmem>> -> memref<1x8x?xf32, #tpu.memory_space<vmem>>
            %dma_wait3A_373 = tpu.memref_squeeze %dma_wait3A_372 : memref<1x8x?xf32, #tpu.memory_space<vmem>> -> memref<8x?xf32, #tpu.memory_space<vmem>>
            %dma_wait3A_374 = arith.constant 0 : i32
            %dma_wait3A_375 = tpu.memref_slice %arg3[%dma_wait3A_374, %mul3A_370] <%multiple_of3A_368> : memref<8x1000000xf32, #tpu.memory_space<hbm>> -> memref<8x?xf32, #tpu.memory_space<hbm>>
            %dma_wait3A_376 = tpu.memref_slice %run_scoped3A_24[%rem3A_360] : memref<2x!tpu.dma_semaphore, #tpu.memory_space<semaphore_mem>> -> memref<1x!tpu.dma_semaphore, #tpu.memory_space<semaphore_mem>>
            %dma_wait3A_377 = tpu.memref_squeeze %dma_wait3A_376 : memref<1x!tpu.dma_semaphore, #tpu.memory_space<semaphore_mem>> -> memref<!tpu.dma_semaphore, #tpu.memory_space<semaphore_mem>>
            %dma_wait3A_378 = arith.constant 0 : i32
            %dma_wait3A_379 = tpu.memref_slice %arg3[%dma_wait3A_378, %mul3A_370] <%multiple_of3A_368> : memref<8x1000000xf32, #tpu.memory_space<hbm>> -> memref<8x?xf32, #tpu.memory_space<hbm>>
            %dma_wait3A_380 = arith.constant 0 : i32
            %dma_wait3A_381 = arith.constant 0 : i32
            %dma_wait3A_382 = tpu.memref_slice %run_scoped3A_23[%rem3A_360, %dma_wait3A_380, %dma_wait3A_381] <%multiple_of3A_368> : memref<2x8x1536xf32, #tpu.memory_space<vmem>> -> memref<1x8x?xf32, #tpu.memory_space<vmem>>
            %dma_wait3A_383 = tpu.memref_squeeze %dma_wait3A_382 : memref<1x8x?xf32, #tpu.memory_space<vmem>> -> memref<8x?xf32, #tpu.memory_space<vmem>>
            tpu.wait_dma2 semaphore(%dma_wait3A_377 : memref<!tpu.dma_semaphore, #tpu.memory_space<semaphore_mem>>) src(%dma_wait3A_383 : memref<8x?xf32, #tpu.memory_space<vmem>>) dst(%dma_wait3A_379 : memref<8x?xf32, #tpu.memory_space<hbm>>)
            "tpu.trace_stop"() : () -> ()
          } else {
          }
          %and3A_326 = arith.constant true
          %and3A_327 = arith.andi %and3A_322, %and3A_326 : i1
          %add3A_328 = arith.constant 1 : i32
          %add3A_329 = arith.addi %while3A_168, %add3A_328 : i32
          %select_n3A_330 = arith.select %and3A_327, %add3A_329, %while3A_168 : i32
          %ne3A_331 = arith.cmpi ne, %add3A_179, %add3A_189 : i32
          %or3A_332 = arith.constant false
          %or3A_333 = arith.ori %or3A_332, %ne3A_331 : i1
          %not3A_334 = arith.constant true
          %not3A_335 = arith.xori %eq3A_175, %not3A_334 : i1
          %and3A_336 = arith.andi %or3A_333, %not3A_335 : i1
          %convert_element_type3A_337 = arith.extui %and3A_336 : i1 to i32
          %cond3A_338 = arith.constant 0 : i32
          %cond3A_339 = arith.cmpi ne, %convert_element_type3A_337, %cond3A_338 : i32
          scf.if %cond3A_339 {
            "tpu.trace_start"() <{level = 10 : i32, message = "ep_wait_out"}> : () -> ()
            %rem3A_359 = arith.constant 2 : i32
            %rem3A_360 = arith.remui %while3A_170, %rem3A_359 : i32
            %mul3A_361 = arith.constant 1536 : i32
            %mul3A_362 = arith.muli %mul3A_361, %add3A_189 : i32
            %eq3A_363 = arith.constant 651 : i32
            %eq3A_364 = arith.cmpi eq, %add3A_189, %eq3A_363 : i32
            %jit3A_365 = arith.constant 128 : i32
            %jit3A_366 = arith.constant 1536 : i32
            %select_n3A_367 = arith.select %eq3A_364, %jit3A_365, %jit3A_366 : i32
            %multiple_of3A_368 = tpu.assume_multiple %select_n3A_367, 128 : i32
            %mul3A_369 = arith.constant 1536 : i32
            %mul3A_370 = arith.muli %add3A_189, %mul3A_369 : i32
            %dma_wait3A = arith.constant 0 : i32
            %dma_wait3A_371 = arith.constant 0 : i32
            %dma_wait3A_372 = tpu.memref_slice %run_scoped3A_25[%rem3A_360, %dma_wait3A, %dma_wait3A_371] <%multiple_of3A_368> : memref<2x24x1536xf32, #tpu.memory_space<vmem>> -> memref<1x24x?xf32, #tpu.memory_space<vmem>>
            %dma_wait3A_373 = tpu.memref_squeeze %dma_wait3A_372 : memref<1x24x?xf32, #tpu.memory_space<vmem>> -> memref<24x?xf32, #tpu.memory_space<vmem>>
            %dma_wait3A_374 = arith.constant 0 : i32
            %dma_wait3A_375 = tpu.memref_slice %arg4[%dma_wait3A_374, %mul3A_370] <%multiple_of3A_368> : memref<24x1000000xf32, #tpu.memory_space<hbm>> -> memref<24x?xf32, #tpu.memory_space<hbm>>
            %dma_wait3A_376 = tpu.memref_slice %run_scoped3A_26[%rem3A_360] : memref<2x!tpu.dma_semaphore, #tpu.memory_space<semaphore_mem>> -> memref<1x!tpu.dma_semaphore, #tpu.memory_space<semaphore_mem>>
            %dma_wait3A_377 = tpu.memref_squeeze %dma_wait3A_376 : memref<1x!tpu.dma_semaphore, #tpu.memory_space<semaphore_mem>> -> memref<!tpu.dma_semaphore, #tpu.memory_space<semaphore_mem>>
            %dma_wait3A_378 = arith.constant 0 : i32
            %dma_wait3A_379 = tpu.memref_slice %arg4[%dma_wait3A_378, %mul3A_370] <%multiple_of3A_368> : memref<24x1000000xf32, #tpu.memory_space<hbm>> -> memref<24x?xf32, #tpu.memory_space<hbm>>
            %dma_wait3A_380 = arith.constant 0 : i32
            %dma_wait3A_381 = arith.constant 0 : i32
            %dma_wait3A_382 = tpu.memref_slice %run_scoped3A_25[%rem3A_360, %dma_wait3A_380, %dma_wait3A_381] <%multiple_of3A_368> : memref<2x24x1536xf32, #tpu.memory_space<vmem>> -> memref<1x24x?xf32, #tpu.memory_space<vmem>>
            %dma_wait3A_383 = tpu.memref_squeeze %dma_wait3A_382 : memref<1x24x?xf32, #tpu.memory_space<vmem>> -> memref<24x?xf32, #tpu.memory_space<vmem>>
            tpu.wait_dma2 semaphore(%dma_wait3A_377 : memref<!tpu.dma_semaphore, #tpu.memory_space<semaphore_mem>>) src(%dma_wait3A_383 : memref<24x?xf32, #tpu.memory_space<vmem>>) dst(%dma_wait3A_379 : memref<24x?xf32, #tpu.memory_space<hbm>>)
            "tpu.trace_stop"() : () -> ()
          } else {
          }
          %and3A_340 = arith.constant true
          %and3A_341 = arith.andi %and3A_336, %and3A_340 : i1
          %add3A_342 = arith.constant 1 : i32
          %add3A_343 = arith.addi %while3A_170, %add3A_342 : i32
          %select_n3A_344 = arith.select %and3A_341, %add3A_343, %while3A_170 : i32
          %ne3A_345 = arith.cmpi ne, %add3A_179, %add3A_197 : i32
          %or3A_346 = arith.constant false
          %or3A_347 = arith.ori %or3A_346, %ne3A_345 : i1
          %or3A_348 = arith.ori %or3A_347, %eq3A_178 : i1
          %add3A_349 = arith.constant 1 : i32
          %add3A_350 = arith.addi %while3A_166, %add3A_349 : i32
          %select_n3A_351 = arith.select %or3A_348, %add3A_350, %while3A_166 : i32
          %add3A_352 = arith.constant 1 : i32
          %add3A_353 = arith.addi %while3A_171, %add3A_352 : i32
          %select_n3A_354 = arith.constant true
          %select_n3A_355 = arith.select %select_n3A_354, %add3A_353, %while3A_171 : i32
          %eq3A_356 = arith.cmpi eq, %select_n3A_355, %select_n3A : i32
          %select_n3A_357 = arith.constant 0 : i32
          %select_n3A_358 = arith.select %eq3A_356, %select_n3A_357, %select_n3A_355 : i32
          scf.yield %select_n3A_219, %select_n3A_351, %select_n3A_293, %select_n3A_330, %select_n3A_305, %select_n3A_344, %select_n3A_358 : i32, i32, i32, i32, i32, i32, i32
        }
        %sub3A_110 = arith.constant 1 : i32
        %sub3A_111 = arith.subi %while3A_109#6, %sub3A_110 : i32
        %select_n3A_112 = arith.constant true
        %select_n3A_113 = arith.select %select_n3A_112, %sub3A_111, %while3A_109#6 : i32
        %eq3A_114 = arith.constant -1 : i32
        %eq3A_115 = arith.cmpi eq, %select_n3A_113, %eq3A_114 : i32
        %sub3A_116 = arith.constant 1 : i32
        %sub3A_117 = arith.subi %select_n3A, %sub3A_116 : i32
        %select_n3A_118 = arith.select %eq3A_115, %sub3A_117, %select_n3A_113 : i32
        %sub3A_119 = arith.constant 1 : i32
        %sub3A_120 = arith.subi %mul3A_16, %sub3A_119 : i32
        %mul3A_121 = arith.constant 1 : i32
        %mul3A_122 = arith.muli %mul3A_121, %select_n3A : i32
        %eq3A_123 = arith.constant 0 : i32
        %eq3A_124 = arith.cmpi eq, %sub3A_120, %eq3A_123 : i32
        %sub3A_125 = arith.constant 1 : i32
        %sub3A_126 = arith.subi %mul3A_122, %sub3A_125 : i32
        %eq3A_127 = arith.cmpi eq, %sub3A_120, %sub3A_126 : i32
        %add3A_128 = arith.addi %select_n3A_118, %select_n3A_14 : i32
        %sub3A_129 = arith.constant 1 : i32
        %sub3A_130 = arith.subi %select_n3A_118, %sub3A_129 : i32
        %select_n3A_131 = arith.constant true
        %select_n3A_132 = arith.select %select_n3A_131, %sub3A_130, %select_n3A_118 : i32
        %eq3A_133 = arith.constant -1 : i32
        %eq3A_134 = arith.cmpi eq, %select_n3A_132, %eq3A_133 : i32
        %sub3A_135 = arith.constant 1 : i32
        %sub3A_136 = arith.subi %select_n3A, %sub3A_135 : i32
        %select_n3A_137 = arith.select %eq3A_134, %sub3A_136, %select_n3A_132 : i32
        %add3A_138 = arith.addi %select_n3A_137, %select_n3A_14 : i32
        %add3A_139 = arith.constant 1 : i32
        %add3A_140 = arith.addi %select_n3A_118, %add3A_139 : i32
        %select_n3A_141 = arith.constant true
        %select_n3A_142 = arith.select %select_n3A_141, %add3A_140, %select_n3A_118 : i32
        %eq3A_143 = arith.cmpi eq, %select_n3A_142, %select_n3A : i32
        %select_n3A_144 = arith.constant 0 : i32
        %select_n3A_145 = arith.select %eq3A_143, %select_n3A_144, %select_n3A_142 : i32
        %add3A_146 = arith.addi %select_n3A_145, %select_n3A_14 : i32
        %add3A_147 = arith.constant 1 : i32
        %add3A_148 = arith.addi %select_n3A_145, %add3A_147 : i32
        %select_n3A_149 = arith.constant true
        %select_n3A_150 = arith.select %select_n3A_149, %add3A_148, %select_n3A_145 : i32
        %eq3A_151 = arith.cmpi eq, %select_n3A_150, %select_n3A : i32
        %select_n3A_152 = arith.constant 0 : i32
        %select_n3A_153 = arith.select %eq3A_151, %select_n3A_152, %select_n3A_150 : i32
        %add3A_154 = arith.addi %select_n3A_153, %select_n3A_14 : i32
        %convert_element_type3A_155 = arith.extui %eq3A_127 : i1 to i32
        %cond3A_156 = arith.constant 0 : i32
        %cond3A_157 = arith.cmpi ne, %convert_element_type3A_155, %cond3A_156 : i32
        scf.if %cond3A_157 {
        } else {
        }
        %convert_element_type3A_158 = arith.extui %eq3A_127 : i1 to i32
        %cond3A_159 = arith.constant 0 : i32
        %cond3A_160 = arith.cmpi ne, %convert_element_type3A_158, %cond3A_159 : i32
        scf.if %cond3A_160 {
          "tpu.trace_start"() <{level = 10 : i32, message = "ep_finalize"}> : () -> ()
          %rem3A_164 = arith.constant 2 : i32
          %rem3A_165 = arith.remui %while3A_109#3, %rem3A_164 : i32
          %mul3A_166 = arith.constant 1536 : i32
          %mul3A_167 = arith.muli %mul3A_166, %add3A_128 : i32
          %eq3A_168 = arith.constant 651 : i32
          %eq3A_169 = arith.cmpi eq, %add3A_128, %eq3A_168 : i32
          %jit3A_170 = arith.constant 128 : i32
          %jit3A_171 = arith.constant 1536 : i32
          %select_n3A_172 = arith.select %eq3A_169, %jit3A_170, %jit3A_171 : i32
          %multiple_of3A_173 = tpu.assume_multiple %select_n3A_172, 128 : i32
          %mul3A_174 = arith.constant 1536 : i32
          %mul3A_175 = arith.muli %add3A_128, %mul3A_174 : i32
          %dma_wait3A = arith.constant 0 : i32
          %dma_wait3A_176 = arith.constant 0 : i32
          %dma_wait3A_177 = tpu.memref_slice %run_scoped3A_23[%rem3A_165, %dma_wait3A, %dma_wait3A_176] <%multiple_of3A_173> : memref<2x8x1536xf32, #tpu.memory_space<vmem>> -> memref<1x8x?xf32, #tpu.memory_space<vmem>>
          %dma_wait3A_178 = tpu.memref_squeeze %dma_wait3A_177 : memref<1x8x?xf32, #tpu.memory_space<vmem>> -> memref<8x?xf32, #tpu.memory_space<vmem>>
          %dma_wait3A_179 = arith.constant 0 : i32
          %dma_wait3A_180 = tpu.memref_slice %arg3[%dma_wait3A_179, %mul3A_175] <%multiple_of3A_173> : memref<8x1000000xf32, #tpu.memory_space<hbm>> -> memref<8x?xf32, #tpu.memory_space<hbm>>
          %dma_wait3A_181 = tpu.memref_slice %run_scoped3A_24[%rem3A_165] : memref<2x!tpu.dma_semaphore, #tpu.memory_space<semaphore_mem>> -> memref<1x!tpu.dma_semaphore, #tpu.memory_space<semaphore_mem>>
          %dma_wait3A_182 = tpu.memref_squeeze %dma_wait3A_181 : memref<1x!tpu.dma_semaphore, #tpu.memory_space<semaphore_mem>> -> memref<!tpu.dma_semaphore, #tpu.memory_space<semaphore_mem>>
          %dma_wait3A_183 = arith.constant 0 : i32
          %dma_wait3A_184 = tpu.memref_slice %arg3[%dma_wait3A_183, %mul3A_175] <%multiple_of3A_173> : memref<8x1000000xf32, #tpu.memory_space<hbm>> -> memref<8x?xf32, #tpu.memory_space<hbm>>
          %dma_wait3A_185 = arith.constant 0 : i32
          %dma_wait3A_186 = arith.constant 0 : i32
          %dma_wait3A_187 = tpu.memref_slice %run_scoped3A_23[%rem3A_165, %dma_wait3A_185, %dma_wait3A_186] <%multiple_of3A_173> : memref<2x8x1536xf32, #tpu.memory_space<vmem>> -> memref<1x8x?xf32, #tpu.memory_space<vmem>>
          %dma_wait3A_188 = tpu.memref_squeeze %dma_wait3A_187 : memref<1x8x?xf32, #tpu.memory_space<vmem>> -> memref<8x?xf32, #tpu.memory_space<vmem>>
          tpu.wait_dma2 semaphore(%dma_wait3A_182 : memref<!tpu.dma_semaphore, #tpu.memory_space<semaphore_mem>>) src(%dma_wait3A_188 : memref<8x?xf32, #tpu.memory_space<vmem>>) dst(%dma_wait3A_184 : memref<8x?xf32, #tpu.memory_space<hbm>>)
          "tpu.trace_stop"() : () -> ()
        } else {
        }
        %convert_element_type3A_161 = arith.extui %eq3A_127 : i1 to i32
        %cond3A_162 = arith.constant 0 : i32
        %cond3A_163 = arith.cmpi ne, %convert_element_type3A_161, %cond3A_162 : i32
        scf.if %cond3A_163 {
          "tpu.trace_start"() <{level = 10 : i32, message = "ep_finalize"}> : () -> ()
          %rem3A_164 = arith.constant 2 : i32
          %rem3A_165 = arith.remui %while3A_109#5, %rem3A_164 : i32
          %mul3A_166 = arith.constant 1536 : i32
          %mul3A_167 = arith.muli %mul3A_166, %add3A_128 : i32
          %eq3A_168 = arith.constant 651 : i32
          %eq3A_169 = arith.cmpi eq, %add3A_128, %eq3A_168 : i32
          %jit3A_170 = arith.constant 128 : i32
          %jit3A_171 = arith.constant 1536 : i32
          %select_n3A_172 = arith.select %eq3A_169, %jit3A_170, %jit3A_171 : i32
          %multiple_of3A_173 = tpu.assume_multiple %select_n3A_172, 128 : i32
          %mul3A_174 = arith.constant 1536 : i32
          %mul3A_175 = arith.muli %add3A_128, %mul3A_174 : i32
          %dma_wait3A = arith.constant 0 : i32
          %dma_wait3A_176 = arith.constant 0 : i32
          %dma_wait3A_177 = tpu.memref_slice %run_scoped3A_25[%rem3A_165, %dma_wait3A, %dma_wait3A_176] <%multiple_of3A_173> : memref<2x24x1536xf32, #tpu.memory_space<vmem>> -> memref<1x24x?xf32, #tpu.memory_space<vmem>>
          %dma_wait3A_178 = tpu.memref_squeeze %dma_wait3A_177 : memref<1x24x?xf32, #tpu.memory_space<vmem>> -> memref<24x?xf32, #tpu.memory_space<vmem>>
          %dma_wait3A_179 = arith.constant 0 : i32
          %dma_wait3A_180 = tpu.memref_slice %arg4[%dma_wait3A_179, %mul3A_175] <%multiple_of3A_173> : memref<24x1000000xf32, #tpu.memory_space<hbm>> -> memref<24x?xf32, #tpu.memory_space<hbm>>
          %dma_wait3A_181 = tpu.memref_slice %run_scoped3A_26[%rem3A_165] : memref<2x!tpu.dma_semaphore, #tpu.memory_space<semaphore_mem>> -> memref<1x!tpu.dma_semaphore, #tpu.memory_space<semaphore_mem>>
          %dma_wait3A_182 = tpu.memref_squeeze %dma_wait3A_181 : memref<1x!tpu.dma_semaphore, #tpu.memory_space<semaphore_mem>> -> memref<!tpu.dma_semaphore, #tpu.memory_space<semaphore_mem>>
          %dma_wait3A_183 = arith.constant 0 : i32
          %dma_wait3A_184 = tpu.memref_slice %arg4[%dma_wait3A_183, %mul3A_175] <%multiple_of3A_173> : memref<24x1000000xf32, #tpu.memory_space<hbm>> -> memref<24x?xf32, #tpu.memory_space<hbm>>
          %dma_wait3A_185 = arith.constant 0 : i32
          %dma_wait3A_186 = arith.constant 0 : i32
          %dma_wait3A_187 = tpu.memref_slice %run_scoped3A_25[%rem3A_165, %dma_wait3A_185, %dma_wait3A_186] <%multiple_of3A_173> : memref<2x24x1536xf32, #tpu.memory_space<vmem>> -> memref<1x24x?xf32, #tpu.memory_space<vmem>>
          %dma_wait3A_188 = tpu.memref_squeeze %dma_wait3A_187 : memref<1x24x?xf32, #tpu.memory_space<vmem>> -> memref<24x?xf32, #tpu.memory_space<vmem>>
          tpu.wait_dma2 semaphore(%dma_wait3A_182 : memref<!tpu.dma_semaphore, #tpu.memory_space<semaphore_mem>>) src(%dma_wait3A_188 : memref<24x?xf32, #tpu.memory_space<vmem>>) dst(%dma_wait3A_184 : memref<24x?xf32, #tpu.memory_space<hbm>>)
          "tpu.trace_stop"() : () -> ()
        } else {
        }
      } else {
      }
      tpu.yield
    }) : () -> ()
    %mul3A_17 = arith.constant 2 : i32
    %mul3A_18 = arith.muli %arg1, %mul3A_17 : i32
    %add3A_19 = arith.addi %mul3A_18, %arg0 : i32
    %eq3A = arith.constant 0 : i32
    %eq3A_20 = arith.cmpi eq, %add3A_19, %eq3A : i32
    %convert_element_type3A = arith.extui %eq3A_20 : i1 to i32
    %cond3A = arith.constant 0 : i32
    %cond3A_21 = arith.cmpi ne, %convert_element_type3A, %cond3A : i32
    scf.if %cond3A_21 {
      "tpu.region"() ({
        %run_scoped3A = tpu.sem_alloc : memref<!tpu.dma_semaphore, #tpu.memory_space<semaphore_mem>>
        %dma_start3A = arith.constant 0 : i32
        %dma_start3A_26 = arith.constant 999936 : i32
        %dma_start3A_27 = tpu.memref_slice %arg2[%dma_start3A, %dma_start3A_26] : memref<3x1000000xf32, #tpu.memory_space<hbm>> -> memref<3x64xf32, #tpu.memory_space<hbm>>
        %dma_start3A_28 = arith.constant 0 : i32
        %dma_start3A_29 = arith.constant 999936 : i32
        %dma_start3A_30 = tpu.memref_slice %arg2[%dma_start3A_28, %dma_start3A_29] : memref<3x1000000xf32, #tpu.memory_space<hbm>> -> memref<3x64xf32, #tpu.memory_space<hbm>>
        tpu.enqueue_dma source(%dma_start3A_30 : memref<3x64xf32, #tpu.memory_space<hbm>>) target(%arg5 : memref<3x64xf32, #tpu.memory_space<vmem>>) target_semaphore(%run_scoped3A : memref<!tpu.dma_semaphore, #tpu.memory_space<semaphore_mem>>)
        %dma_wait3A = arith.constant 0 : i32
        %dma_wait3A_31 = arith.constant 999936 : i32
        %dma_wait3A_32 = tpu.memref_slice %arg2[%dma_wait3A, %dma_wait3A_31] : memref<3x1000000xf32, #tpu.memory_space<hbm>> -> memref<3x64xf32, #tpu.memory_space<hbm>>
        %dma_wait3A_33 = arith.constant 0 : i32
        %dma_wait3A_34 = arith.constant 999936 : i32
        %dma_wait3A_35 = tpu.memref_slice %arg2[%dma_wait3A_33, %dma_wait3A_34] : memref<3x1000000xf32, #tpu.memory_space<hbm>> -> memref<3x64xf32, #tpu.memory_space<hbm>>
        tpu.wait_dma2 semaphore(%run_scoped3A : memref<!tpu.dma_semaphore, #tpu.memory_space<semaphore_mem>>) src(%dma_wait3A_35 : memref<3x64xf32, #tpu.memory_space<hbm>>) dst(%arg5 : memref<3x64xf32, #tpu.memory_space<vmem>>)
        tpu.yield
      }) : () -> ()
      %scan3A = arith.constant 0 : i32
      %scan3A_22 = arith.constant 4 : i32
      %scan3A_23 = arith.addi %scan3A, %scan3A_22 : i32
      %scan3A_24 = arith.constant 1 : i32
      scf.for %scan3A_26 = %scan3A to %scan3A_23 step %scan3A_24  : i32 {
        %mul3A_27 = arith.constant 16 : i32
        %mul3A_28 = arith.muli %scan3A_26, %mul3A_27 : i32
        %add3A_29 = arith.constant 0 : i32
        %add3A_30 = arith.addi %add3A_29, %mul3A_28 : i32
        %get3A = arith.constant 0 : i32
        %get3A_31 = arith.index_cast %get3A : i32 to index
        %get3A_32 = arith.index_cast %add3A_30 : i32 to index
        %get3A_33 = tpu.vector_load %arg5[%get3A_31, %get3A_32] {strides = array<i32>} : memref<3x64xf32, #tpu.memory_space<vmem>>, vector<16xf32>,
        %get3A_34 = arith.constant 1 : i32
        %get3A_35 = arith.index_cast %get3A_34 : i32 to index
        %get3A_36 = arith.index_cast %add3A_30 : i32 to index
        %get3A_37 = tpu.vector_load %arg5[%get3A_35, %get3A_36] {strides = array<i32>} : memref<3x64xf32, #tpu.memory_space<vmem>>, vector<16xf32>,
        %get3A_38 = arith.constant 2 : i32
        %get3A_39 = arith.index_cast %get3A_38 : i32 to index
        %get3A_40 = arith.index_cast %add3A_30 : i32 to index
        %get3A_41 = tpu.vector_load %arg5[%get3A_39, %get3A_40] {strides = array<i32>} : memref<3x64xf32, #tpu.memory_space<vmem>>, vector<16xf32>,
        %mul3A_42 = arith.constant 6.400000e+01 : f32
        %mul3A_43 = vector.broadcast %mul3A_42 : f32 to vector<16xf32>
        %mul3A_44 = arith.mulf %get3A_33, %mul3A_43 : vector<16xf32>
        %mul3A_45 = arith.constant 6.400000e+01 : f32
        %mul3A_46 = vector.broadcast %mul3A_45 : f32 to vector<16xf32>
        %mul3A_47 = arith.mulf %get3A_37, %mul3A_46 : vector<16xf32>
        %mul3A_48 = arith.constant 6.400000e+01 : f32
        %mul3A_49 = vector.broadcast %mul3A_48 : f32 to vector<16xf32>
        %mul3A_50 = arith.mulf %get3A_41, %mul3A_49 : vector<16xf32>
        %convert_element_type3A_51 = arith.fptosi %mul3A_44 : vector<16xf32> to vector<16xi32>
        %convert_element_type3A_52 = arith.sitofp %convert_element_type3A_51 : vector<16xi32> to vector<16xf32>
        %sub3A = arith.subf %mul3A_44, %convert_element_type3A_52 : vector<16xf32>
        %convert_element_type3A_53 = arith.fptosi %mul3A_47 : vector<16xf32> to vector<16xi32>
        %convert_element_type3A_54 = arith.sitofp %convert_element_type3A_53 : vector<16xi32> to vector<16xf32>
        %sub3A_55 = arith.subf %mul3A_47, %convert_element_type3A_54 : vector<16xf32>
        %convert_element_type3A_56 = arith.fptosi %mul3A_50 : vector<16xf32> to vector<16xi32>
        %convert_element_type3A_57 = arith.sitofp %convert_element_type3A_56 : vector<16xi32> to vector<16xf32>
        %sub3A_58 = arith.subf %mul3A_50, %convert_element_type3A_57 : vector<16xf32>
        %sub3A_59 = arith.constant 1.000000e+00 : f32
        %sub3A_60 = vector.broadcast %sub3A_59 : f32 to vector<16xf32>
        %sub3A_61 = arith.subf %sub3A_60, %sub3A : vector<16xf32>
        %sub3A_62 = arith.constant 1.000000e+00 : f32
        %sub3A_63 = vector.broadcast %sub3A_62 : f32 to vector<16xf32>
        %sub3A_64 = arith.subf %sub3A_63, %sub3A_55 : vector<16xf32>
        %sub3A_65 = arith.constant 1.000000e+00 : f32
        %sub3A_66 = vector.broadcast %sub3A_65 : f32 to vector<16xf32>
        %sub3A_67 = arith.subf %sub3A_66, %sub3A_58 : vector<16xf32>
        %sign3A = tpu.bitcast %sub3A : vector<16xf32> -> vector<16xi32>
        %sign3A_68 = arith.constant -2147483648 : i32
        %sign3A_69 = vector.broadcast %sign3A_68 : i32 to vector<16xi32>
        %sign3A_70 = arith.andi %sign3A, %sign3A_69 : vector<16xi32>
        %sign3A_71 = arith.constant 1065353216 : i32
        %sign3A_72 = vector.broadcast %sign3A_71 : i32 to vector<16xi32>
        %sign3A_73 = arith.ori %sign3A_72, %sign3A_70 : vector<16xi32>
        %sign3A_74 = tpu.bitcast %sign3A_73 : vector<16xi32> -> vector<16xf32>
        %sign3A_75 = math.absf %sub3A : vector<16xf32>
        %sign3A_76 = arith.constant 0.000000e+00 : f32
        %sign3A_77 = vector.broadcast %sign3A_76 : f32 to vector<16xf32>
        %sign3A_78 = arith.cmpf ogt, %sign3A_75, %sign3A_77 : vector<16xf32>
        %sign3A_79 = arith.select %sign3A_78, %sign3A_74, %sub3A : vector<16xi1>, vector<16xf32>
        %mul3A_80 = arith.constant 6.400000e+01 : f32
        %mul3A_81 = vector.broadcast %mul3A_80 : f32 to vector<16xf32>
        %mul3A_82 = arith.mulf %sign3A_79, %mul3A_81 : vector<16xf32>
        %sign3A_83 = tpu.bitcast %sub3A_55 : vector<16xf32> -> vector<16xi32>
        %sign3A_84 = arith.constant -2147483648 : i32
        %sign3A_85 = vector.broadcast %sign3A_84 : i32 to vector<16xi32>
        %sign3A_86 = arith.andi %sign3A_83, %sign3A_85 : vector<16xi32>
        %sign3A_87 = arith.constant 1065353216 : i32
        %sign3A_88 = vector.broadcast %sign3A_87 : i32 to vector<16xi32>
        %sign3A_89 = arith.ori %sign3A_88, %sign3A_86 : vector<16xi32>
        %sign3A_90 = tpu.bitcast %sign3A_89 : vector<16xi32> -> vector<16xf32>
        %sign3A_91 = math.absf %sub3A_55 : vector<16xf32>
        %sign3A_92 = arith.constant 0.000000e+00 : f32
        %sign3A_93 = vector.broadcast %sign3A_92 : f32 to vector<16xf32>
        %sign3A_94 = arith.cmpf ogt, %sign3A_91, %sign3A_93 : vector<16xf32>
        %sign3A_95 = arith.select %sign3A_94, %sign3A_90, %sub3A_55 : vector<16xi1>, vector<16xf32>
        %mul3A_96 = arith.constant 6.400000e+01 : f32
        %mul3A_97 = vector.broadcast %mul3A_96 : f32 to vector<16xf32>
        %mul3A_98 = arith.mulf %sign3A_95, %mul3A_97 : vector<16xf32>
        %sign3A_99 = tpu.bitcast %sub3A_58 : vector<16xf32> -> vector<16xi32>
        %sign3A_100 = arith.constant -2147483648 : i32
        %sign3A_101 = vector.broadcast %sign3A_100 : i32 to vector<16xi32>
        %sign3A_102 = arith.andi %sign3A_99, %sign3A_101 : vector<16xi32>
        %sign3A_103 = arith.constant 1065353216 : i32
        %sign3A_104 = vector.broadcast %sign3A_103 : i32 to vector<16xi32>
        %sign3A_105 = arith.ori %sign3A_104, %sign3A_102 : vector<16xi32>
        %sign3A_106 = tpu.bitcast %sign3A_105 : vector<16xi32> -> vector<16xf32>
        %sign3A_107 = math.absf %sub3A_58 : vector<16xf32>
        %sign3A_108 = arith.constant 0.000000e+00 : f32
        %sign3A_109 = vector.broadcast %sign3A_108 : f32 to vector<16xf32>
        %sign3A_110 = arith.cmpf ogt, %sign3A_107, %sign3A_109 : vector<16xf32>
        %sign3A_111 = arith.select %sign3A_110, %sign3A_106, %sub3A_58 : vector<16xi1>, vector<16xf32>
        %mul3A_112 = arith.constant 6.400000e+01 : f32
        %mul3A_113 = vector.broadcast %mul3A_112 : f32 to vector<16xf32>
        %mul3A_114 = arith.mulf %sign3A_111, %mul3A_113 : vector<16xf32>
        %neg3A = arith.constant 0.000000e+00 : f32
        %neg3A_115 = vector.broadcast %neg3A : f32 to vector<16xf32>
        %neg3A_116 = arith.subf %neg3A_115, %mul3A_82 : vector<16xf32>
        %neg3A_117 = arith.constant 0.000000e+00 : f32
        %neg3A_118 = vector.broadcast %neg3A_117 : f32 to vector<16xf32>
        %neg3A_119 = arith.subf %neg3A_118, %mul3A_98 : vector<16xf32>
        %neg3A_120 = arith.constant 0.000000e+00 : f32
        %neg3A_121 = vector.broadcast %neg3A_120 : f32 to vector<16xf32>
        %neg3A_122 = arith.subf %neg3A_121, %mul3A_114 : vector<16xf32>
        %mul3A_123 = arith.mulf %sub3A_61, %sub3A_64 : vector<16xf32>
        %mul3A_124 = arith.mulf %sub3A_61, %sub3A_55 : vector<16xf32>
        %mul3A_125 = arith.mulf %sub3A, %sub3A_64 : vector<16xf32>
        %mul3A_126 = arith.mulf %sub3A, %sub3A_55 : vector<16xf32>
        %mul3A_127 = arith.mulf %sub3A_61, %sub3A_67 : vector<16xf32>
        %mul3A_128 = arith.mulf %sub3A_61, %sub3A_58 : vector<16xf32>
        %mul3A_129 = arith.mulf %sub3A, %sub3A_67 : vector<16xf32>
        %mul3A_130 = arith.mulf %sub3A, %sub3A_58 : vector<16xf32>
        %mul3A_131 = arith.mulf %sub3A_64, %sub3A_67 : vector<16xf32>
        %mul3A_132 = arith.mulf %sub3A_64, %sub3A_58 : vector<16xf32>
        %mul3A_133 = arith.mulf %sub3A_55, %sub3A_67 : vector<16xf32>
        %mul3A_134 = arith.mulf %sub3A_55, %sub3A_58 : vector<16xf32>
        %mul3A_135 = arith.mulf %mul3A_123, %sub3A_67 : vector<16xf32>
        %swap3A = arith.constant 0 : i32
        %swap3A_136 = arith.index_cast %swap3A : i32 to index
        %swap3A_137 = arith.index_cast %add3A_30 : i32 to index
        %swap3A_138 = tpu.vector_load %arg6[%swap3A_136, %swap3A_137] {strides = array<i32>} : memref<8x64xf32, #tpu.memory_space<vmem>>, vector<16xf32>,
        tpu.vector_store %arg6[%swap3A_136, %swap3A_137], %mul3A_135 {strides = array<i32>} : memref<8x64xf32, #tpu.memory_space<vmem>>, vector<16xf32>,
        %mul3A_139 = arith.mulf %neg3A_116, %mul3A_131 : vector<16xf32>
        %swap3A_140 = arith.constant 0 : i32
        %swap3A_141 = arith.index_cast %swap3A_140 : i32 to index
        %swap3A_142 = arith.index_cast %add3A_30 : i32 to index
        %swap3A_143 = tpu.vector_load %arg7[%swap3A_141, %swap3A_142] {strides = array<i32>} : memref<24x64xf32, #tpu.memory_space<vmem>>, vector<16xf32>,
        tpu.vector_store %arg7[%swap3A_141, %swap3A_142], %mul3A_139 {strides = array<i32>} : memref<24x64xf32, #tpu.memory_space<vmem>>, vector<16xf32>,
        %mul3A_144 = arith.mulf %neg3A_119, %mul3A_127 : vector<16xf32>
        %swap3A_145 = arith.constant 8 : i32
        %swap3A_146 = arith.index_cast %swap3A_145 : i32 to index
        %swap3A_147 = arith.index_cast %add3A_30 : i32 to index
        %swap3A_148 = tpu.vector_load %arg7[%swap3A_146, %swap3A_147] {strides = array<i32>} : memref<24x64xf32, #tpu.memory_space<vmem>>, vector<16xf32>,
        tpu.vector_store %arg7[%swap3A_146, %swap3A_147], %mul3A_144 {strides = array<i32>} : memref<24x64xf32, #tpu.memory_space<vmem>>, vector<16xf32>,
        %mul3A_149 = arith.mulf %neg3A_122, %mul3A_123 : vector<16xf32>
        %swap3A_150 = arith.constant 16 : i32
        %swap3A_151 = arith.index_cast %swap3A_150 : i32 to index
        %swap3A_152 = arith.index_cast %add3A_30 : i32 to index
        %swap3A_153 = tpu.vector_load %arg7[%swap3A_151, %swap3A_152] {strides = array<i32>} : memref<24x64xf32, #tpu.memory_space<vmem>>, vector<16xf32>,
        tpu.vector_store %arg7[%swap3A_151, %swap3A_152], %mul3A_149 {strides = array<i32>} : memref<24x64xf32, #tpu.memory_space<vmem>>, vector<16xf32>,
        %mul3A_154 = arith.mulf %mul3A_123, %sub3A_58 : vector<16xf32>
        %swap3A_155 = arith.constant 1 : i32
        %swap3A_156 = arith.index_cast %swap3A_155 : i32 to index
        %swap3A_157 = arith.index_cast %add3A_30 : i32 to index
        %swap3A_158 = tpu.vector_load %arg6[%swap3A_156, %swap3A_157] {strides = array<i32>} : memref<8x64xf32, #tpu.memory_space<vmem>>, vector<16xf32>,
        tpu.vector_store %arg6[%swap3A_156, %swap3A_157], %mul3A_154 {strides = array<i32>} : memref<8x64xf32, #tpu.memory_space<vmem>>, vector<16xf32>,
        %mul3A_159 = arith.mulf %neg3A_116, %mul3A_132 : vector<16xf32>
        %swap3A_160 = arith.constant 1 : i32
        %swap3A_161 = arith.index_cast %swap3A_160 : i32 to index
        %swap3A_162 = arith.index_cast %add3A_30 : i32 to index
        %swap3A_163 = tpu.vector_load %arg7[%swap3A_161, %swap3A_162] {strides = array<i32>} : memref<24x64xf32, #tpu.memory_space<vmem>>, vector<16xf32>,
        tpu.vector_store %arg7[%swap3A_161, %swap3A_162], %mul3A_159 {strides = array<i32>} : memref<24x64xf32, #tpu.memory_space<vmem>>, vector<16xf32>,
        %mul3A_164 = arith.mulf %neg3A_119, %mul3A_128 : vector<16xf32>
        %swap3A_165 = arith.constant 9 : i32
        %swap3A_166 = arith.index_cast %swap3A_165 : i32 to index
        %swap3A_167 = arith.index_cast %add3A_30 : i32 to index
        %swap3A_168 = tpu.vector_load %arg7[%swap3A_166, %swap3A_167] {strides = array<i32>} : memref<24x64xf32, #tpu.memory_space<vmem>>, vector<16xf32>,
        tpu.vector_store %arg7[%swap3A_166, %swap3A_167], %mul3A_164 {strides = array<i32>} : memref<24x64xf32, #tpu.memory_space<vmem>>, vector<16xf32>,
        %mul3A_169 = arith.mulf %mul3A_114, %mul3A_123 : vector<16xf32>
        %swap3A_170 = arith.constant 17 : i32
        %swap3A_171 = arith.index_cast %swap3A_170 : i32 to index
        %swap3A_172 = arith.index_cast %add3A_30 : i32 to index
        %swap3A_173 = tpu.vector_load %arg7[%swap3A_171, %swap3A_172] {strides = array<i32>} : memref<24x64xf32, #tpu.memory_space<vmem>>, vector<16xf32>,
        tpu.vector_store %arg7[%swap3A_171, %swap3A_172], %mul3A_169 {strides = array<i32>} : memref<24x64xf32, #tpu.memory_space<vmem>>, vector<16xf32>,
        %mul3A_174 = arith.mulf %mul3A_124, %sub3A_67 : vector<16xf32>
        %swap3A_175 = arith.constant 2 : i32
        %swap3A_176 = arith.index_cast %swap3A_175 : i32 to index
        %swap3A_177 = arith.index_cast %add3A_30 : i32 to index
        %swap3A_178 = tpu.vector_load %arg6[%swap3A_176, %swap3A_177] {strides = array<i32>} : memref<8x64xf32, #tpu.memory_space<vmem>>, vector<16xf32>,
        tpu.vector_store %arg6[%swap3A_176, %swap3A_177], %mul3A_174 {strides = array<i32>} : memref<8x64xf32, #tpu.memory_space<vmem>>, vector<16xf32>,
        %mul3A_179 = arith.mulf %neg3A_116, %mul3A_133 : vector<16xf32>
        %swap3A_180 = arith.constant 2 : i32
        %swap3A_181 = arith.index_cast %swap3A_180 : i32 to index
        %swap3A_182 = arith.index_cast %add3A_30 : i32 to index
        %swap3A_183 = tpu.vector_load %arg7[%swap3A_181, %swap3A_182] {strides = array<i32>} : memref<24x64xf32, #tpu.memory_space<vmem>>, vector<16xf32>,
        tpu.vector_store %arg7[%swap3A_181, %swap3A_182], %mul3A_179 {strides = array<i32>} : memref<24x64xf32, #tpu.memory_space<vmem>>, vector<16xf32>,
        %mul3A_184 = arith.mulf %mul3A_98, %mul3A_127 : vector<16xf32>
        %swap3A_185 = arith.constant 10 : i32
        %swap3A_186 = arith.index_cast %swap3A_185 : i32 to index
        %swap3A_187 = arith.index_cast %add3A_30 : i32 to index
        %swap3A_188 = tpu.vector_load %arg7[%swap3A_186, %swap3A_187] {strides = array<i32>} : memref<24x64xf32, #tpu.memory_space<vmem>>, vector<16xf32>,
        tpu.vector_store %arg7[%swap3A_186, %swap3A_187], %mul3A_184 {strides = array<i32>} : memref<24x64xf32, #tpu.memory_space<vmem>>, vector<16xf32>,
        %mul3A_189 = arith.mulf %neg3A_122, %mul3A_124 : vector<16xf32>
        %swap3A_190 = arith.constant 18 : i32
        %swap3A_191 = arith.index_cast %swap3A_190 : i32 to index
        %swap3A_192 = arith.index_cast %add3A_30 : i32 to index
        %swap3A_193 = tpu.vector_load %arg7[%swap3A_191, %swap3A_192] {strides = array<i32>} : memref<24x64xf32, #tpu.memory_space<vmem>>, vector<16xf32>,
        tpu.vector_store %arg7[%swap3A_191, %swap3A_192], %mul3A_189 {strides = array<i32>} : memref<24x64xf32, #tpu.memory_space<vmem>>, vector<16xf32>,
        %mul3A_194 = arith.mulf %mul3A_124, %sub3A_58 : vector<16xf32>
        %swap3A_195 = arith.constant 3 : i32
        %swap3A_196 = arith.index_cast %swap3A_195 : i32 to index
        %swap3A_197 = arith.index_cast %add3A_30 : i32 to index
        %swap3A_198 = tpu.vector_load %arg6[%swap3A_196, %swap3A_197] {strides = array<i32>} : memref<8x64xf32, #tpu.memory_space<vmem>>, vector<16xf32>,
        tpu.vector_store %arg6[%swap3A_196, %swap3A_197], %mul3A_194 {strides = array<i32>} : memref<8x64xf32, #tpu.memory_space<vmem>>, vector<16xf32>,
        %mul3A_199 = arith.mulf %neg3A_116, %mul3A_134 : vector<16xf32>
        %swap3A_200 = arith.constant 3 : i32
        %swap3A_201 = arith.index_cast %swap3A_200 : i32 to index
        %swap3A_202 = arith.index_cast %add3A_30 : i32 to index
        %swap3A_203 = tpu.vector_load %arg7[%swap3A_201, %swap3A_202] {strides = array<i32>} : memref<24x64xf32, #tpu.memory_space<vmem>>, vector<16xf32>,
        tpu.vector_store %arg7[%swap3A_201, %swap3A_202], %mul3A_199 {strides = array<i32>} : memref<24x64xf32, #tpu.memory_space<vmem>>, vector<16xf32>,
        %mul3A_204 = arith.mulf %mul3A_98, %mul3A_128 : vector<16xf32>
        %swap3A_205 = arith.constant 11 : i32
        %swap3A_206 = arith.index_cast %swap3A_205 : i32 to index
        %swap3A_207 = arith.index_cast %add3A_30 : i32 to index
        %swap3A_208 = tpu.vector_load %arg7[%swap3A_206, %swap3A_207] {strides = array<i32>} : memref<24x64xf32, #tpu.memory_space<vmem>>, vector<16xf32>,
        tpu.vector_store %arg7[%swap3A_206, %swap3A_207], %mul3A_204 {strides = array<i32>} : memref<24x64xf32, #tpu.memory_space<vmem>>, vector<16xf32>,
        %mul3A_209 = arith.mulf %mul3A_114, %mul3A_124 : vector<16xf32>
        %swap3A_210 = arith.constant 19 : i32
        %swap3A_211 = arith.index_cast %swap3A_210 : i32 to index
        %swap3A_212 = arith.index_cast %add3A_30 : i32 to index
        %swap3A_213 = tpu.vector_load %arg7[%swap3A_211, %swap3A_212] {strides = array<i32>} : memref<24x64xf32, #tpu.memory_space<vmem>>, vector<16xf32>,
        tpu.vector_store %arg7[%swap3A_211, %swap3A_212], %mul3A_209 {strides = array<i32>} : memref<24x64xf32, #tpu.memory_space<vmem>>, vector<16xf32>,
        %mul3A_214 = arith.mulf %mul3A_125, %sub3A_67 : vector<16xf32>
        %swap3A_215 = arith.constant 4 : i32
        %swap3A_216 = arith.index_cast %swap3A_215 : i32 to index
        %swap3A_217 = arith.index_cast %add3A_30 : i32 to index
        %swap3A_218 = tpu.vector_load %arg6[%swap3A_216, %swap3A_217] {strides = array<i32>} : memref<8x64xf32, #tpu.memory_space<vmem>>, vector<16xf32>,
        tpu.vector_store %arg6[%swap3A_216, %swap3A_217], %mul3A_214 {strides = array<i32>} : memref<8x64xf32, #tpu.memory_space<vmem>>, vector<16xf32>,
        %mul3A_219 = arith.mulf %mul3A_82, %mul3A_131 : vector<16xf32>
        %swap3A_220 = arith.constant 4 : i32
        %swap3A_221 = arith.index_cast %swap3A_220 : i32 to index
        %swap3A_222 = arith.index_cast %add3A_30 : i32 to index
        %swap3A_223 = tpu.vector_load %arg7[%swap3A_221, %swap3A_222] {strides = array<i32>} : memref<24x64xf32, #tpu.memory_space<vmem>>, vector<16xf32>,
        tpu.vector_store %arg7[%swap3A_221, %swap3A_222], %mul3A_219 {strides = array<i32>} : memref<24x64xf32, #tpu.memory_space<vmem>>, vector<16xf32>,
        %mul3A_224 = arith.mulf %neg3A_119, %mul3A_129 : vector<16xf32>
        %swap3A_225 = arith.constant 12 : i32
        %swap3A_226 = arith.index_cast %swap3A_225 : i32 to index
        %swap3A_227 = arith.index_cast %add3A_30 : i32 to index
        %swap3A_228 = tpu.vector_load %arg7[%swap3A_226, %swap3A_227] {strides = array<i32>} : memref<24x64xf32, #tpu.memory_space<vmem>>, vector<16xf32>,
        tpu.vector_store %arg7[%swap3A_226, %swap3A_227], %mul3A_224 {strides = array<i32>} : memref<24x64xf32, #tpu.memory_space<vmem>>, vector<16xf32>,
        %mul3A_229 = arith.mulf %neg3A_122, %mul3A_125 : vector<16xf32>
        %swap3A_230 = arith.constant 20 : i32
        %swap3A_231 = arith.index_cast %swap3A_230 : i32 to index
        %swap3A_232 = arith.index_cast %add3A_30 : i32 to index
        %swap3A_233 = tpu.vector_load %arg7[%swap3A_231, %swap3A_232] {strides = array<i32>} : memref<24x64xf32, #tpu.memory_space<vmem>>, vector<16xf32>,
        tpu.vector_store %arg7[%swap3A_231, %swap3A_232], %mul3A_229 {strides = array<i32>} : memref<24x64xf32, #tpu.memory_space<vmem>>, vector<16xf32>,
        %mul3A_234 = arith.mulf %mul3A_125, %sub3A_58 : vector<16xf32>
        %swap3A_235 = arith.constant 5 : i32
        %swap3A_236 = arith.index_cast %swap3A_235 : i32 to index
        %swap3A_237 = arith.index_cast %add3A_30 : i32 to index
        %swap3A_238 = tpu.vector_load %arg6[%swap3A_236, %swap3A_237] {strides = array<i32>} : memref<8x64xf32, #tpu.memory_space<vmem>>, vector<16xf32>,
        tpu.vector_store %arg6[%swap3A_236, %swap3A_237], %mul3A_234 {strides = array<i32>} : memref<8x64xf32, #tpu.memory_space<vmem>>, vector<16xf32>,
        %mul3A_239 = arith.mulf %mul3A_82, %mul3A_132 : vector<16xf32>
        %swap3A_240 = arith.constant 5 : i32
        %swap3A_241 = arith.index_cast %swap3A_240 : i32 to index
        %swap3A_242 = arith.index_cast %add3A_30 : i32 to index
        %swap3A_243 = tpu.vector_load %arg7[%swap3A_241, %swap3A_242] {strides = array<i32>} : memref<24x64xf32, #tpu.memory_space<vmem>>, vector<16xf32>,
        tpu.vector_store %arg7[%swap3A_241, %swap3A_242], %mul3A_239 {strides = array<i32>} : memref<24x64xf32, #tpu.memory_space<vmem>>, vector<16xf32>,
        %mul3A_244 = arith.mulf %neg3A_119, %mul3A_130 : vector<16xf32>
        %swap3A_245 = arith.constant 13 : i32
        %swap3A_246 = arith.index_cast %swap3A_245 : i32 to index
        %swap3A_247 = arith.index_cast %add3A_30 : i32 to index
        %swap3A_248 = tpu.vector_load %arg7[%swap3A_246, %swap3A_247] {strides = array<i32>} : memref<24x64xf32, #tpu.memory_space<vmem>>, vector<16xf32>,
        tpu.vector_store %arg7[%swap3A_246, %swap3A_247], %mul3A_244 {strides = array<i32>} : memref<24x64xf32, #tpu.memory_space<vmem>>, vector<16xf32>,
        %mul3A_249 = arith.mulf %mul3A_114, %mul3A_125 : vector<16xf32>
        %swap3A_250 = arith.constant 21 : i32
        %swap3A_251 = arith.index_cast %swap3A_250 : i32 to index
        %swap3A_252 = arith.index_cast %add3A_30 : i32 to index
        %swap3A_253 = tpu.vector_load %arg7[%swap3A_251, %swap3A_252] {strides = array<i32>} : memref<24x64xf32, #tpu.memory_space<vmem>>, vector<16xf32>,
        tpu.vector_store %arg7[%swap3A_251, %swap3A_252], %mul3A_249 {strides = array<i32>} : memref<24x64xf32, #tpu.memory_space<vmem>>, vector<16xf32>,
        %mul3A_254 = arith.mulf %mul3A_126, %sub3A_67 : vector<16xf32>
        %swap3A_255 = arith.constant 6 : i32
        %swap3A_256 = arith.index_cast %swap3A_255 : i32 to index
        %swap3A_257 = arith.index_cast %add3A_30 : i32 to index
        %swap3A_258 = tpu.vector_load %arg6[%swap3A_256, %swap3A_257] {strides = array<i32>} : memref<8x64xf32, #tpu.memory_space<vmem>>, vector<16xf32>,
        tpu.vector_store %arg6[%swap3A_256, %swap3A_257], %mul3A_254 {strides = array<i32>} : memref<8x64xf32, #tpu.memory_space<vmem>>, vector<16xf32>,
        %mul3A_259 = arith.mulf %mul3A_82, %mul3A_133 : vector<16xf32>
        %swap3A_260 = arith.constant 6 : i32
        %swap3A_261 = arith.index_cast %swap3A_260 : i32 to index
        %swap3A_262 = arith.index_cast %add3A_30 : i32 to index
        %swap3A_263 = tpu.vector_load %arg7[%swap3A_261, %swap3A_262] {strides = array<i32>} : memref<24x64xf32, #tpu.memory_space<vmem>>, vector<16xf32>,
        tpu.vector_store %arg7[%swap3A_261, %swap3A_262], %mul3A_259 {strides = array<i32>} : memref<24x64xf32, #tpu.memory_space<vmem>>, vector<16xf32>,
        %mul3A_264 = arith.mulf %mul3A_98, %mul3A_129 : vector<16xf32>
        %swap3A_265 = arith.constant 14 : i32
        %swap3A_266 = arith.index_cast %swap3A_265 : i32 to index
        %swap3A_267 = arith.index_cast %add3A_30 : i32 to index
        %swap3A_268 = tpu.vector_load %arg7[%swap3A_266, %swap3A_267] {strides = array<i32>} : memref<24x64xf32, #tpu.memory_space<vmem>>, vector<16xf32>,
        tpu.vector_store %arg7[%swap3A_266, %swap3A_267], %mul3A_264 {strides = array<i32>} : memref<24x64xf32, #tpu.memory_space<vmem>>, vector<16xf32>,
        %mul3A_269 = arith.mulf %neg3A_122, %mul3A_126 : vector<16xf32>
        %swap3A_270 = arith.constant 22 : i32
        %swap3A_271 = arith.index_cast %swap3A_270 : i32 to index
        %swap3A_272 = arith.index_cast %add3A_30 : i32 to index
        %swap3A_273 = tpu.vector_load %arg7[%swap3A_271, %swap3A_272] {strides = array<i32>} : memref<24x64xf32, #tpu.memory_space<vmem>>, vector<16xf32>,
        tpu.vector_store %arg7[%swap3A_271, %swap3A_272], %mul3A_269 {strides = array<i32>} : memref<24x64xf32, #tpu.memory_space<vmem>>, vector<16xf32>,
        %mul3A_274 = arith.mulf %mul3A_126, %sub3A_58 : vector<16xf32>
        %swap3A_275 = arith.constant 7 : i32
        %swap3A_276 = arith.index_cast %swap3A_275 : i32 to index
        %swap3A_277 = arith.index_cast %add3A_30 : i32 to index
        %swap3A_278 = tpu.vector_load %arg6[%swap3A_276, %swap3A_277] {strides = array<i32>} : memref<8x64xf32, #tpu.memory_space<vmem>>, vector<16xf32>,
        tpu.vector_store %arg6[%swap3A_276, %swap3A_277], %mul3A_274 {strides = array<i32>} : memref<8x64xf32, #tpu.memory_space<vmem>>, vector<16xf32>,
        %mul3A_279 = arith.mulf %mul3A_82, %mul3A_134 : vector<16xf32>
        %swap3A_280 = arith.constant 7 : i32
        %swap3A_281 = arith.index_cast %swap3A_280 : i32 to index
        %swap3A_282 = arith.index_cast %add3A_30 : i32 to index
        %swap3A_283 = tpu.vector_load %arg7[%swap3A_281, %swap3A_282] {strides = array<i32>} : memref<24x64xf32, #tpu.memory_space<vmem>>, vector<16xf32>,
        tpu.vector_store %arg7[%swap3A_281, %swap3A_282], %mul3A_279 {strides = array<i32>} : memref<24x64xf32, #tpu.memory_space<vmem>>, vector<16xf32>,
        %mul3A_284 = arith.mulf %mul3A_98, %mul3A_130 : vector<16xf32>
        %swap3A_285 = arith.constant 15 : i32
        %swap3A_286 = arith.index_cast %swap3A_285 : i32 to index
        %swap3A_287 = arith.index_cast %add3A_30 : i32 to index
        %swap3A_288 = tpu.vector_load %arg7[%swap3A_286, %swap3A_287] {strides = array<i32>} : memref<24x64xf32, #tpu.memory_space<vmem>>, vector<16xf32>,
        tpu.vector_store %arg7[%swap3A_286, %swap3A_287], %mul3A_284 {strides = array<i32>} : memref<24x64xf32, #tpu.memory_space<vmem>>, vector<16xf32>,
        %mul3A_289 = arith.mulf %mul3A_114, %mul3A_126 : vector<16xf32>
        %swap3A_290 = arith.constant 23 : i32
        %swap3A_291 = arith.index_cast %swap3A_290 : i32 to index
        %swap3A_292 = arith.index_cast %add3A_30 : i32 to index
        %swap3A_293 = tpu.vector_load %arg7[%swap3A_291, %swap3A_292] {strides = array<i32>} : memref<24x64xf32, #tpu.memory_space<vmem>>, vector<16xf32>,
        tpu.vector_store %arg7[%swap3A_291, %swap3A_292], %mul3A_289 {strides = array<i32>} : memref<24x64xf32, #tpu.memory_space<vmem>>, vector<16xf32>,
      }
      %scan3A_25 = arith.constant 4 : i32
      "tpu.region"() ({
        %run_scoped3A = tpu.sem_alloc : memref<!tpu.dma_semaphore, #tpu.memory_space<semaphore_mem>>
        %dma_start3A = arith.constant 0 : i32
        %dma_start3A_26 = arith.constant 999936 : i32
        %dma_start3A_27 = tpu.memref_slice %arg3[%dma_start3A, %dma_start3A_26] : memref<8x1000000xf32, #tpu.memory_space<hbm>> -> memref<8x64xf32, #tpu.memory_space<hbm>>
        %dma_start3A_28 = arith.constant 0 : i32
        %dma_start3A_29 = arith.constant 999936 : i32
        %dma_start3A_30 = tpu.memref_slice %arg3[%dma_start3A_28, %dma_start3A_29] : memref<8x1000000xf32, #tpu.memory_space<hbm>> -> memref<8x64xf32, #tpu.memory_space<hbm>>
        tpu.enqueue_dma source(%arg6 : memref<8x64xf32, #tpu.memory_space<vmem>>) target(%dma_start3A_30 : memref<8x64xf32, #tpu.memory_space<hbm>>) target_semaphore(%run_scoped3A : memref<!tpu.dma_semaphore, #tpu.memory_space<semaphore_mem>>)
        %dma_wait3A = arith.constant 0 : i32
        %dma_wait3A_31 = arith.constant 999936 : i32
        %dma_wait3A_32 = tpu.memref_slice %arg3[%dma_wait3A, %dma_wait3A_31] : memref<8x1000000xf32, #tpu.memory_space<hbm>> -> memref<8x64xf32, #tpu.memory_space<hbm>>
        %dma_wait3A_33 = arith.constant 0 : i32
        %dma_wait3A_34 = arith.constant 999936 : i32
        %dma_wait3A_35 = tpu.memref_slice %arg3[%dma_wait3A_33, %dma_wait3A_34] : memref<8x1000000xf32, #tpu.memory_space<hbm>> -> memref<8x64xf32, #tpu.memory_space<hbm>>
        tpu.wait_dma2 semaphore(%run_scoped3A : memref<!tpu.dma_semaphore, #tpu.memory_space<semaphore_mem>>) src(%arg6 : memref<8x64xf32, #tpu.memory_space<vmem>>) dst(%dma_wait3A_35 : memref<8x64xf32, #tpu.memory_space<hbm>>)
        tpu.yield
      }) : () -> ()
      "tpu.region"() ({
        %run_scoped3A = tpu.sem_alloc : memref<!tpu.dma_semaphore, #tpu.memory_space<semaphore_mem>>
        %dma_start3A = arith.constant 0 : i32
        %dma_start3A_26 = arith.constant 999936 : i32
        %dma_start3A_27 = tpu.memref_slice %arg4[%dma_start3A, %dma_start3A_26] : memref<24x1000000xf32, #tpu.memory_space<hbm>> -> memref<24x64xf32, #tpu.memory_space<hbm>>
        %dma_start3A_28 = arith.constant 0 : i32
        %dma_start3A_29 = arith.constant 999936 : i32
        %dma_start3A_30 = tpu.memref_slice %arg4[%dma_start3A_28, %dma_start3A_29] : memref<24x1000000xf32, #tpu.memory_space<hbm>> -> memref<24x64xf32, #tpu.memory_space<hbm>>
        tpu.enqueue_dma source(%arg7 : memref<24x64xf32, #tpu.memory_space<vmem>>) target(%dma_start3A_30 : memref<24x64xf32, #tpu.memory_space<hbm>>) target_semaphore(%run_scoped3A : memref<!tpu.dma_semaphore, #tpu.memory_space<semaphore_mem>>)
        %dma_wait3A = arith.constant 0 : i32
        %dma_wait3A_31 = arith.constant 999936 : i32
        %dma_wait3A_32 = tpu.memref_slice %arg4[%dma_wait3A, %dma_wait3A_31] : memref<24x1000000xf32, #tpu.memory_space<hbm>> -> memref<24x64xf32, #tpu.memory_space<hbm>>
        %dma_wait3A_33 = arith.constant 0 : i32
        %dma_wait3A_34 = arith.constant 999936 : i32
        %dma_wait3A_35 = tpu.memref_slice %arg4[%dma_wait3A_33, %dma_wait3A_34] : memref<24x1000000xf32, #tpu.memory_space<hbm>> -> memref<24x64xf32, #tpu.memory_space<hbm>>
        tpu.wait_dma2 semaphore(%run_scoped3A : memref<!tpu.dma_semaphore, #tpu.memory_space<semaphore_mem>>) src(%arg7 : memref<24x64xf32, #tpu.memory_space<vmem>>) dst(%dma_wait3A_35 : memref<24x64xf32, #tpu.memory_space<hbm>>)
        tpu.yield
      }) : () -> ()
    } else {
    }
    return
  }
}

</mosaic_0001>

<sc_bundles>
// kernel: kernel.3.cloned.1.call-start
scs
__scs_entry_jumppad:
0x0: {  	(pc) =	sbr.rel $0x88, $3  }
0x1: {  	(tag) =	ssettag $0x0;
	lr =	simm.s32 $0x1  }
0x2: {  	[smem:$0x3FA0] =	sst lr;
	_ =	strace $0xD0000000  }
0x3: {  	_ = 	snop  }
0x4: {  	_ = 	snop  }
0x5: {  	_ = 	snop  }
0x6: {  	_ = 	snop  }
0x7: {  	_ = 	snop  }
__scs_overlays_trampoline_lowered:
0x8: {  	[smem:$0x3FAF] =	sst s0  }
0x9: {  	[smem:$0x3FB0] =	sst s1  }
0xa: {  	[smem:$0x3FB1] =	sst s2  }
0xb: {  	[smem:$0x3FB2] =	sst s3  }
0xc: {  	[smem:$0x3FB3] =	sst s4  }
0xd: {  	[smem:$0x3FB4] =	sst s5  }
0xe: {  	[smem:$0x3FB5] =	sst s6  }
0xf: {  	[smem:$0x3FB6] =	sst s7  }
0x10: {  	[smem:$0x3FB7] =	sst s8  }
0x11: {  	[smem:$0x3FB8] =	sst s9;
	s0 =	simm.s32 @!p0 $0x0  }
0x12: {  	s1 =	sld [smem:$0x3F9E];
	s0 =	simm.s32 @p0 $0x1  }
0x13: {  	[smem:$0x3FB9] =	sst s0;
	s0 =	simm.s32 @!p1 $0x0  }
0x14: {  	s2 =	sld [smem:$0x3F9D];
	s0 =	simm.s32 @p1 $0x1  }
0x15: {  	[smem:$0x3FBA] =	sst s0;
	s0 =	simm.s32 @!p2 $0x0  }
0x16: {  	s3 =	sld [smem:$0x3FDB];
	s0 =	simm.s32 @p2 $0x1  }
0x17: {  	s4 =	simm.s32 $0x1BF5;
	[smem:$0x3FBC] =	sst s0  }
0x18: {  	s0 =	sld [smem:$0x3F9F];
	_ =	swait.ge [sflag:s4], $0x0  }
0x19: {  	s7 =	sld [smem:$0x3FA0]  }
0x1a: {  	s8 =	sadd.s32 $0xFFFFE003, lr  }
0x1b: {  	s9 =	sadd.s32 $0xFFFFFEF7, lr;
	s5 =	simm.s32 $0xFFFFFFFF;
	p2 =	slt.u32 s8, $0xFFFFF086  }
0x1c: {  	p1 =	slt.u32 s9, $0xF7A;
	s5 =	simm.s32 @!p2 $0x0  }
0x1d: {  	s5 =	simm.s32 @p1 $0x1;
	p0 =	seq.s32 s7, s2  }
0x1e: {  	s7 =	smul.u32 @!p0 $0xF7A, s2;
	p2 =	seq.s32 @!p0 s5, $0x0  }
0x1f: {  	s9 =	smul.u32 $0xF7A, s1;
	s8 =	simm.s32 @!p0 $0x1BF5;
	p2 =	por !p2, p0  }
0x20: {  	[sflag:s8] =	ssyncset.s32 @!p0 $0xFFFFF086;
	s6 =	sadd.s32 @!p0 s3, s7;
	s7 =	simm.s32 @!p0 $0x108  }
0x21: {  	s3 =	sadd.s32 s3, s9;
	s6 =	sadd.s32 @!p0 $0x88, s6;
	s7 =	simm.s32 @p2 $0x1082  }
0x22: {  	[simem:s7], [sflag:s8] =	dma.local @!p0 [hbm:s6], $0xF7A  }
0x23: {  	s9 =	sor.u32 $0xD0000000, s2;
	s6 =	simm.s32 $0x108;
	_ =	swait.ge @!p0 [sflag:s8], $0x0  }
0x24: {  	s3 =	sadd.s32 $0x88, s3;
	s6 =	simm.s32 @!p1 $0x1082;
	[sflag:s4] =	ssyncset.s32 $0xFFFFF086  }
0x25: {  	[simem:s6], [sflag:s4] =	dma.local [hbm:s3], $0xF7A  }
0x26: {  	[smem:$0x3FA0] =	sst s1;
	(tag) =	ssettag s2;
	_ =	strace s9  }
0x27: {  	s1 =	sld [smem:$0x3FB0]  }
0x28: {  	s2 =	sld [smem:$0x3FB1]  }
0x29: {  	s4 =	sld [smem:$0x3FB3]  }
0x2a: {  	p0 =	seq.s32 s5, $0x0;
	s5 =	sld [smem:$0x3FB4]  }
0x2b: {  	s6 =	sld [smem:$0x3FB5]  }
0x2c: {  	s7 =	sld [smem:$0x3FB6]  }
0x2d: {  	s3 =	simm.s32 $0x108;
	s8 =	sld [smem:$0x3FB7]  }
0x2e: {  	s3 =	simm.s32 @!p0 $0x1082;
	s9 =	sld [smem:$0x3FB8]  }
0x2f: {  	lr =	sadd.s32 s0, s3;
	s0 =	sld [smem:$0x3FAF]  }
0x30: {  	s3 =	sld [smem:$0x3FB2]  }
0x31: {  	[smem:$0x3FBB] =	sst s10  }
0x32: {  	s10 =	sld [smem:$0x3FB9];
	_ =	sdelay $0x3  }
0x33: {  	p0 =	seq.s32 s10, $0x1;
	s10 =	sld [smem:$0x3FBB];
	_ =	sdelay $0x3  }
0x34: {  	[smem:$0x3FBB] =	sst s10  }
0x35: {  	s10 =	sld [smem:$0x3FBA];
	_ =	sdelay $0x3  }
0x36: {  	p1 =	seq.s32 s10, $0x1;
	s10 =	sld [smem:$0x3FBB];
	_ =	sdelay $0x3  }
0x37: {  	[smem:$0x3FBB] =	sst s10  }
0x38: {  	s10 =	sld [smem:$0x3FBC]  }
0x39: {  	_ = 	snop;
	(pc) =	sbr.ind lr, $3  }
0x3a: {  	_ = 	snop  }
0x3b: {  	_ = 	snop  }
0x3c: {  	p2 =	seq.s32 s10, $0x1;
	s10 =	sld [smem:$0x3FBB]  }
0x3d: {  	_ =	shalt  }
0x3e: {  	_ =	shalt  }
0x3f: {  	_ =	shalt  }
0x40: {  	_ =	shalt  }
0x41: {  	_ =	shalt  }
0x42: {  	_ =	shalt  }
0x43: {  	_ =	shalt  }
0x44: {  	_ =	shalt  }
0x45: {  	_ =	shalt  }
0x46: {  	_ =	shalt  }
0x47: {  	_ =	shalt  }
0x48: {  	_ =	shalt  }
0x49: {  	_ =	shalt  }
0x4a: {  	_ =	shalt  }
0x4b: {  	_ =	shalt  }
0x4c: {  	_ =	shalt  }
0x4d: {  	_ =	shalt  }
0x4e: {  	_ =	shalt  }
0x4f: {  	_ =	shalt  }
0x50: {  	_ =	shalt  }
0x51: {  	_ =	shalt  }
0x52: {  	_ =	shalt  }
0x53: {  	_ =	shalt  }
0x54: {  	_ =	shalt  }
0x55: {  	_ =	shalt  }
0x56: {  	_ =	shalt  }
0x57: {  	_ =	shalt  }
0x58: {  	_ =	shalt  }
0x59: {  	_ =	shalt  }
0x5a: {  	_ =	shalt  }
0x5b: {  	_ =	shalt  }
0x5c: {  	_ =	shalt  }
0x5d: {  	_ =	shalt  }
0x5e: {  	_ =	shalt  }
0x5f: {  	_ =	shalt  }
0x60: {  	_ =	shalt  }
0x61: {  	_ =	shalt  }
0x62: {  	_ =	shalt  }
0x63: {  	_ =	shalt  }
0x64: {  	_ =	shalt  }
0x65: {  	_ =	shalt  }
0x66: {  	_ =	shalt  }
0x67: {  	_ =	shalt  }
0x68: {  	_ =	shalt  }
0x69: {  	_ =	shalt  }
0x6a: {  	_ =	shalt  }
0x6b: {  	_ =	shalt  }
0x6c: {  	_ =	shalt  }
0x6d: {  	_ =	shalt  }
0x6e: {  	_ =	shalt  }
0x6f: {  	_ =	shalt  }
0x70: {  	_ =	shalt  }
0x71: {  	_ =	shalt  }
0x72: {  	_ =	shalt  }
0x73: {  	_ =	shalt  }
0x74: {  	_ =	shalt  }
0x75: {  	_ =	shalt  }
0x76: {  	_ =	shalt  }
0x77: {  	_ =	shalt  }
0x78: {  	_ =	shalt  }
0x79: {  	_ =	shalt  }
0x7a: {  	_ =	shalt  }
0x7b: {  	_ =	shalt  }
0x7c: {  	_ =	shalt  }
0x7d: {  	_ =	shalt  }
0x7e: {  	_ =	shalt  }
0x7f: {  	_ =	shalt  }
0x80: {  	_ =	shalt  }
0x81: {  	_ =	shalt  }
0x82: {  	_ =	shalt  }
0x83: {  	_ =	shalt  }
0x84: {  	_ =	shalt  }
0x85: {  	_ =	shalt  }
0x86: {  	_ =	shalt  }
0x87: {  	_ =	shalt  }
.Lfunc_end0:
.L_simem_size_0:
called_computation_lowered:
.L_overlay_start_0:
0x88: {  	s2 =	sld [smem:$0x3FD9]  }
0x89: {  	s3 =	sld [smem:$0x3FFE];
	_ =	sdelay $0x1  }
0x8a: {  	s1 =	srdreg.scid  }
0x8b: {  	s0 =	sand.u32 $0x1, s1  }
0x8c: {  	s15 =	sshll.u32 s0, $0xA;
	s2 =	sadd.s32 s3, s2  }
0x8d: {  	s2 =	sadd.s32 s2, s15  }
0x8e: {  	[smem:$0x3FC7] =	sst s2  }
0x8f: {  	_ = 	snop  }
0x90: {  	s2 =	sld [smem:$0x3FD0];
	_ =	sdelay $0x2  }
0x91: {  	s4 =	simm.s32 $0xA;
	s5 =	simm.s32 $0x10;
	s16 =	sld [smem:$0x3FC9]  }
0x92: {  	[smem:s5], [sflag:s4] =	dma.local [hbm:s2], $0x1  }
0x93: {  	_ =	swait.eq [sflag:s4], $0x1  }
0x94: {  	[sflag:s4] =	ssyncset.done $0x0  }
0x95: {  	s17 =	sld [smem:$0x10];
	[sflag:s4] =	ssyncadd.s32 $0xFFFFFFFF  }
0x96: {  	s18 =	sld [smem:$0x11];
	(tm) =	ssettm $0x1  }
0x97: {  	s19 =	sld [smem:$0x3FFB];
	_ =	sdelay $0x3  }
0x98: {  	_ =	strace s19  }
0x99: {  	s5 =	sld [smem:$0x3FFC];
	_ =	sdelay $0x3  }
0x9a: {  	_ =	strace s5  }
0x9b: {  	s5 =	sld [smem:$0x3FFD];
	_ =	sdelay $0x3  }
0x9c: {  	_ =	strace s5  }
0x9d: {  	_ =	strace $0x8FFFFFFF  }
0x9e: {  	s20 =	sld [smem:$0x3FDB];
	_ =	sdelay $0x1  }
0x9f: {  	s6 =	simm.s32 $_scs_section_size  }
0xa0: {  	s7 =	simm.s32 $_size__tile_overlayer_lowered;
	s8 =	simm.s32 $_tile_overlayer_lowered  }
0xa1: {  	s23 =	simm.s32 $0x1BFF;
	s22 =	sshll.u32 s8, $0x1;
	s5 =	sadd.s32 s6, s20  }
0xa2: {  	s9 =	simm.s32 $0x0;
	s21 =	sshll.u32 s7, $0x1;
	s7 =	sadd.s32 s22, s5  }
0xa3: {  	[timem:s9], [sflag:s23] =	dma.local [hbm:s7], s21  }
0xa4: {  	_ =	swait.ge [sflag:s23], s21  }
0xa5: {  	s6 =	ssub.s32 $0x0, s21;
	[sflag:s23] =	ssyncset.done $0x0  }
0xa6: {  	[sflag:s23] =	ssyncadd.s32 s6;
	_ =	sdelay $0x1  }
0xa7: {  	s24 =	simm.s32 $0x1B8B  }
0xa8: {  	_ =	swait.ge [sflag:s24], $0x1  }
0xa9: {  	[sflag:s24] =	ssyncset.done $0x0  }
0xaa: {  	s25 =	simm.s32 $0x1B8E;
	[sflag:s24] =	ssyncadd.s32 $0xFFFFFFFF  }
0xab: {  	s26 =	simm.s32 $execute0_lowered;
	[smem:$0x3FD2] =	sst s25  }
0xac: {  	s6 =	sshll.u32 s26, $0x1;
	_ =	strace $0x80000046;
	[dreg:$0x1] =	wrdreg $0xFFFFFFFF  }
0xad: {  	s28 =	simm.s32 $_size_execute0_lowered;
	s5 =	sadd.s32 s5, s6;
	[dreg:$0x0] =	wrdreg $0x0  }
0xae: {  	s6 =	sshll.u32 s28, $0x1;
	[dreg:$0x2] =	wrdreg s5  }
0xaf: {  	[dreg:$0x3] =	wrdreg s6  }
0xb0: {  	[dreg:$0x4] =	wrdreg $0xC0  }
0xb1: {  	_ =	task [dreg:s9], $0x5FFFF  }
0xb2: {  	[dreg:$0x1] =	wrdreg $0xFFFFFFFF  }
0xb3: {  	[dreg:$0x0] =	wrdreg $0x60  }
0xb4: {  	[dreg:$0x2] =	wrdreg s16  }
0xb5: {  	[dreg:$0x3] =	wrdreg s17  }
0xb6: {  	[dreg:$0x4] =	wrdreg s18  }
0xb7: {  	[dreg:$0x5] =	wrdreg $0x9  }
0xb8: {  	_ =	task.clear_ibuf [dreg:s9], $0x6FFFF;
	_ =	strace $0x90000046  }
0xb9: {  	s29 =	simm.s32 $0x9;
	_ =	strace $0x80000052  }
0xba: {  	_ =	swait.ge [sflag:s29], $0x1  }
0xbb: {  	[sflag:s29] =	ssyncadd.s32 $0xFFFFFFFF  }
0xbc: {  	_ =	strace $0x90000052  }
0xbd: {  	_ =	sfence  }
0xbe: {  	s30 =	sld [smem:$0x0];
	_ =	sdelay $0x2  }
0xbf: {  	s31 =	sshll.u32 s1, $0xD;
	s1 =	sshrl.u32 s1, $0x2  }
0xc0: {  	s3 =	sand.u32 $0x4000, s31;
	s1 =	sadd.s32 s1, s30  }
0xc1: {  	s0 =	sor.u32 s3, s0;
	s1 =	sshll.u32 s1, $0x11  }
0xc2: {  	s0 =	sor.u32 s1, s0  }
0xc3: {  	s0 =	sadd.s32 $0x8F2B, s0  }
0xc4: {  	[sflag:s0] =	ssyncadd.remote.s32 $0x1  }
0xc5: {  	_ =	sfence.sel $0xFFFF  }
0xc6: {  	[dreg:$0x0] =	wrdreg $0xFFFFFFFF;
	(pc) =	sbr.abs _section_cstart, $3  }
0xc7: {  	[dreg:$0x1] =	wrdreg $0xFFFFFFFF  }
0xc8: {  	_ =	task.clear_ibuf [dreg:s9], $0x2FFFF;
	_ =	strace $0x9FFFFFFF  }
0xc9: {  	(tm) =	ssettm $0x7FFFFFFF  }
tec
execute0_lowered:
.L_overlay_start_1:
0x0: {  	(tag) =	ssettag $0x1  }
0x1: {  	s5 =	rddreg [dreg:$0x0]  }
0x2: {  	s6 =	rddreg [dreg:$0x1]  }
0x3: {  	s0 =	srdreg.scid;
	s7 =	rddreg [dreg:$0x2];
	s8 =	simm.s32 $0x0  }
0x4: {  	s4 =	stileid.u32;
	s0 =	sand.u32 $0x1, s0;
	[smem:$0x7FF] =	sst s8  }
0x5: {  	s8 =	simm.s32 $0x15;
	s29 =	sadd.s32 $0x7A100, s5;
	s30 =	sadd.s32 $0xF4200, s6  }
0x6: {  	s31 =	sadd.s32 $0xF4200, s7;
	s1 =	sshll.u32 s0, $0x4;
	s23 =	ssub.s32 $0x2, s0  }
0x7: {  	_ =	strace $0x80000047;
	[dreg:$0xb] =	wrdreg s29;
	s1 =	sor.u32 s4, s1  }
0x8: {  	[dreg:$0xc] =	wrdreg s30;
	s24 =	sshrl.u32 s23, $0x1;
	s2 =	smul.u32 $0x14, s1  }
0x9: {  	s3 =	smul.u32 $0x15, s1;
	p0 =	slt.u32 s1, $0xB;
	s1 =	ssub.s32 s23, s24  }
0xa: {  	[dreg:$0xd] =	wrdreg s31;
	s1 =	smax.u32 s1, $0x1;
	s21 =	sadd.s32 $0xB, s2  }
0xb: {  	s8 =	simm.s32 @!p0 $0x14;
	[dreg:$0xe] =	wrdreg s1;
	s21 =	smov.u32 @p0 s3  }
0xc: {  	s9 =	sadd.s32 $0xFFFFFFFF, s8;
	[dreg:$0x6] =	wrdreg s8;
	s3 =	smul.u32 $0x300, s21  }
.Ltmp0:
0xd: {  	s2 =	simm.s32 $0x200;
	[dreg:$0x9] =	wrdreg s9;
	(pc) =	sbr.rel .LBB2_1-.Ltmp0, $4  }
0xe: {  	p0 =	seq.s32 s21, $0x28B;
	s26 =	sadd.s32 $0xFFFFFFFF, s21;
	[dreg:$0x5] =	wrdreg s21  }
0xf: {  	s28 =	sshll.u32 s4, $0x1;
	s2 =	simm.s32 @!p0 $0x1800;
	[dreg:$0xa] =	wrdreg s26  }
0x10: {  	v0 =	vimm.f32 $1.000000000e+00;
	s0 =	ssub.s32 $0x0, s0;
	s25 =	sadd.s32 s5, s3;
	[dreg:$0x8] =	wrdreg s2  }
0x11: {  	v0 =	vand.u32 $0x7FFFFFFF, v0;
	s1 =	simm.s32 $0x0;
	p0 =	sne.s32 s28, s0;
	[dreg:$0x7] =	wrdreg s25  }
.LBB2_14:
0x12: {  	s1 =	sadd.s32 $0x1, s1;
	s0 =	rddreg [dreg:$0xe]  }
0x13: {  	p1 =	sne.s32 s1, s0  }
.Ltmp1:
0x14: {  	_ = 	snop;
	(pc) =	sbr.rel @!p1 .LBB2_15-.Ltmp1, $1  }
0x15: {  	_ =	sdelay $0x3  }
.LBB2_1:
0x16: {  	[dreg:$0xf] =	wrdreg s1;
	s0 =	simm.s32 $0x0  }
0x17: {  	s3 =	simm.s32 $0x1200;
	s29 =	simm.s32 $0x0;
	s6 =	simm.s32 $0x0  }
.Ltmp2:
0x18: {  	s10 =	simm.s32 $0x0;
	_ =	strace $0x80000048;
	(pc) =	sbr.rel .LBB2_2-.Ltmp2, $4  }
0x19: {  	s30 =	simm.s32 $0x0;
	s11 =	simm.s32 $0x0;
	s26 =	rddreg [dreg:$0x7]  }
0x1a: {  	s28 =	simm.s32 $0x1;
	s31 =	simm.s32 $0x0;
	s2 =	rddreg [dreg:$0x8]  }
0x1b: {  	[tilespmem:s3], [sflag:$0x1] =	stream.linear.gather [hbm4b:s26+s0], s2, $0x200038;
	[tilespmem:$0x1C200] =	vst v63  }
0x1c: {  	s2 =	simm.s32 $0x0;
	_ =	strace $0x90000048;
	[dreg:$0x12] =	wrdreg s30  }
.LBB2_8:
0x1d: {  	s3 =	rddreg [dreg:$0x15];
	_ =	strace $0x8000004C  }
0x1e: {  	s1 =	smul.u32 $0x3000, s3;
	s4 =	rddreg [dreg:$0x17]  }
0x1f: {  	s7 =	simm.s32 $0x0;
	p3 =	seq.s32 s3, $0x28B;
	s5 =	rddreg [dreg:$0x1]  }
0x20: {  	s3 =	simm.s32 $0x400;
	s6 =	rddreg [dreg:$0x19];
	s1 =	sshrl.u32 s1, $0x3  }
0x21: {  	s4 =	sadd.s32 $0x3, s4;
	s3 =	simm.s32 @!p3 $0x3000;
	s5 =	sadd.s32 s5, s1  }
0x22: {  	[hbm4b:s5+s7] =	stream.linear.scatter [tilespmem:s6], [sflag:s4], s3, $0x200038;
	[tilespmem:$0x1C200] =	vst v63  }
0x23: {  	_ =	strace $0x9000004C  }
0x24: {  	_ =	strace $0x8000004D  }
0x25: {  	s24 =	rddreg [dreg:$0x16]  }
0x26: {  	s25 =	rddreg [dreg:$0x2]  }
0x27: {  	s8 =	rddreg [dreg:$0x18];
	s4 =	sadd.s32 $0x5, s24;
	s1 =	sadd.s32 s25, s1  }
0x28: {  	[hbm4b:s1+s7] =	stream.linear.scatter [tilespmem:s10], [sflag:s4], s3, $0x200038;
	[tilespmem:$0x1C200] =	vst v63  }
0x29: {  	s26 =	sadd.s32 $0xD200, s8;
	s28 =	sadd.s32 $0xF4280, s1  }
0x2a: {  	[hbm4b:s28+s7] =	stream.linear.scatter [tilespmem:s26], [sflag:s4], s3, $0x200038;
	[tilespmem:$0x1C200] =	vst v63  }
0x2b: {  	s30 =	rddreg [dreg:$0x12];
	s29 =	sadd.s32 $0x10200, s8;
	s1 =	sadd.s32 $0x1E8500, s1  }
0x2c: {  	[hbm4b:s1+s7] =	stream.linear.scatter [tilespmem:s29], [sflag:s4], s3, $0x200038;
	[tilespmem:$0x1C200] =	vst v63  }
0x2d: {  	s1 =	sadd.s32 $0x1, s30  }
0x2e: {  	[dreg:$0x12] =	wrdreg s1  }
0x2f: {  	_ =	strace $0x9000004D  }
0x30: {  	s21 =	rddreg [dreg:$0x5]  }
0x31: {  	s8 =	rddreg [dreg:$0x6]  }
0x32: {  	s6 =	rddreg [dreg:$0x10]  }
0x33: {  	s10 =	rddreg [dreg:$0x11]  }
0x34: {  	s11 =	rddreg [dreg:$0x13]  }
0x35: {  	s1 =	simm.s32 $0x1;
	s3 =	rddreg [dreg:$0x1a]  }
.LBB2_9:
0x36: {  	p3 =	por p2, p1  }
0x37: {  	p4 =	seq.s32 @!p3 s3, $0x28B  }
0x38: {  	p4 =	por @!p1 !p4, p2  }
0x39: {  	s3 =	sand.u32 @!p3 $0x1, s2;
	s4 =	simm.s32 @!p3 $0x400;
	p4 =	por !p4, p1  }
0x3a: {  	_ =	strace @!p3 $0x8000004E;
	s3 =	sadd.s32 @!p3 $0x3, s3;
	s4 =	simm.s32 @!p4 $0x3000  }
0x3b: {  	s5 =	simm.s32 @!p3 $0xFFFFFC00;
	_ =	swait.ge @!p3 [sflag:s3], s4  }
0x3c: {  	s5 =	simm.s32 @!p4 $0xFFFFD000;
	[sflag:s3] =	ssyncset.done @!p3 $0x0  }
0x3d: {  	[sflag:s3] =	ssyncadd.s32 @!p3 s5  }
0x3e: {  	s4 =	simm.s32 @!p3 $0xC00;
	s3 =	sand.u32 @!p3 $0x1, s6;
	_ =	strace @!p3 $0x9000004E  }
0x3f: {  	s4 =	simm.s32 @!p4 $0x9000;
	s3 =	sadd.s32 @!p3 $0x5, s3;
	_ =	strace @!p3 $0x8000004F  }
0x40: {  	p2 =	por !p2, p1;
	s5 =	simm.s32 @!p3 $0xFFFFF400;
	_ =	swait.ge @!p3 [sflag:s3], s4  }
0x41: {  	s5 =	simm.s32 @!p4 $0xFFFF7000;
	s4 =	sadd.s32 @!p3 $0x1, s2;
	[sflag:s3] =	ssyncset.done @!p3 $0x0  }
0x42: {  	[sflag:s3] =	ssyncadd.s32 @!p3 s5;
	s3 =	smov.u32 s2;
	s5 =	simm.s32 $0x0  }
0x43: {  	s31 =	sadd.s32 $0x1, s31;
	s3 =	smov.u32 @p2 s4;
	s5 =	simm.s32 @p2 $0x1  }
0x44: {  	s3 =	smov.u32 @p1 s2;
	s5 =	simm.s32 @p1 $0x0;
	p1 =	sne.s32 s31, s8  }
.Ltmp3:
0x45: {  	_ = 	snop;
	(pc) =	sbr.rel @!p1 .LBB2_10-.Ltmp3, $4  }
0x46: {  	_ = 	snop  }
0x47: {  	s10 =	sadd.s32 s10, s1  }
0x48: {  	s11 =	sadd.s32 s11, s1;
	s29 =	smov.u32 s0;
	_ =	strace @!p3 $0x9000004F  }
0x49: {  	s28 =	rddreg [dreg:$0x14];
	s6 =	sadd.s32 s6, s5;
	s2 =	smov.u32 s3  }
.LBB2_2:
0x4a: {  	s0 =	sadd.s32 $0x1, s29  }
0x4b: {  	p1 =	seq.s32 s0, s8  }
0x4c: {  	s0 =	simm.s32 @p1 $0x0  }
0x4d: {  	p2 =	slt.u32 s31, s9;
	p1 =	sne.s32 s29, s0  }
0x4e: {  	p1 =	por !p2, !p1  }
0x4f: {  	p3 =	por !p1, !p1  }
0x50: {  	[dreg:$0x10] =	wrdreg s6;
	s6 =	sadd.s32 $0xFFFFFFFF, s29;
	s4 =	sadd.s32 @p3 s21, s0  }
0x51: {  	p1 =	seq.s32 s29, $0x0;
	s1 =	sand.u32 @p3 $0x1, s28;
	s5 =	smul.u32 @p3 $0x1800, s4  }
0x52: {  	s6 =	smov.u32 @p1 s9;
	p1 =	seq.s32 s31, $0x0;
	p2 =	seq.s32 @p3 s4, $0x28B  }
0x53: {  	p2 =	por !p2, !p3;
	s4 =	sshrl.u32 @p3 s5, $0x3;
	s5 =	simm.s32 @p3 $0x200  }
0x54: {  	s3 =	smul.u32 @p3 $0x6000, s1;
	s5 =	simm.s32 @p2 $0x1800;
	p2 =	seq.s32 @!p1 s29, s6  }
0x55: {  	_ =	strace @p3 $0x80000049;
	s1 =	sadd.s32 @p3 $0x1, s1;
	p4 =	por p1, !p2  }
.Ltmp4:
0x56: {  	s7 =	rddreg [dreg:$0x0];
	s3 =	sshrl.u32 @p3 s3, $0x2;
	(pc) =	sbr.rel @!p4 .LBB2_4-.Ltmp4, $4  }
0x57: {  	s3 =	sadd.s32 @p3 $0x1200, s3;
	s4 =	sadd.s32 @p3 s7, s4;
	s7 =	simm.s32 @p3 $0x0  }
0x58: {  	[tilespmem:s3], [sflag:s1] =	stream.linear.gather @p3 [hbm4b:s4+s7], s5, $0x200038;
	[tilespmem:$0x1C200] =	vst v63  }
0x59: {  	s7 =	sadd.s32 s21, s29  }
0x5a: {  	s1 =	sand.u32 $0x1, s11;
	_ =	strace @p3 $0x90000049;
	[dreg:$0x13] =	wrdreg s11  }
0x5b: {  	p4 =	seq.s32 s7, $0x28B;
	s3 =	simm.s32 $0x200  }
0x5c: {  	_ =	strace $0x8000004A;
	s4 =	sadd.s32 $0x1, s1;
	s3 =	simm.s32 @!p4 $0x1800  }
0x5d: {  	s5 =	simm.s32 $0xFFFFFE00;
	_ =	swait.ge [sflag:s4], s3  }
0x5e: {  	s5 =	simm.s32 @!p4 $0xFFFFE800;
	[sflag:s4] =	ssyncset.done $0x0  }
0x5f: {  	[sflag:s4] =	ssyncadd.s32 s5  }
0x60: {  	_ =	strace $0x9000004A  }
.LBB2_4:
0x61: {  	p4 =	seq.s32 s1, $0x1;
	s1 =	simm.s32 $0x2A00  }
0x62: {  	[dreg:$0x15] =	wrdreg s7;
	s1 =	simm.s32 @!p4 $0x1200  }
0x63: {  	s3 =	simm.s32 $0x0;
	_ =	strace $0x8000004B;
	[dreg:$0x4] =	wrdreg s1  }
0x64: {  	s14 =	simm.s32 $0x0;
	s3 =	sand.u32 $0x3FFFFE00, s3;
	s1 =	rddreg [dreg:$0x4]  }
0x65: {  	s5 =	sand.u32 $0x60, s14;
	s7 =	sadd.s32 s3, s1  }
0x66: {  	s1 =	sadd.s32 s5, s7  }
0x67: {  	v1 =	vld [tilespmem:s1+$0x100]  }
0x68: {  	v2 =	vld [tilespmem:s1+$0x80]  }
0x69: {  	v3 =	vld [tilespmem:s1+$0x0];
	_ =	sdelay $0x3  }
0x6a: {  	v1 =	vmul.f32 $6.400000000e+01, v1  }
0x6b: {  	v2 =	vmul.f32 $6.400000000e+01, v2;
	v4 =	vmul.f32 $6.400000000e+01, v3  }
0x6c: {  	v3 =	vtrunc.f32 v1  }
0x6d: {  	s12 =	sand.u32 $0x1, s10;
	s11 =	rddreg [dreg:$0x12];
	v5 =	vtrunc.f32 v2;
	v6 =	vtrunc.f32 v4  }
0x6e: {  	s3 =	smul.u32 $0x24000, s12;
	s1 =	sand.u32 $0x1, s11;
	v3 =	vcvt.f32.s32 v3;
	v5 =	vcvt.f32.s32 v5  }
0x6f: {  	[dreg:$0x17] =	wrdreg s1;
	s1 =	smul.u32 $0xC000, s1;
	v6 =	vcvt.f32.s32 v6  }
0x70: {  	v3 =	vcvt.s32.f32 v3;
	v5 =	vcvt.s32.f32 v5  }
0x71: {  	s3 =	sshrl.u32 s3, $0x2;
	s1 =	sshrl.u32 s1, $0x2;
	v6 =	vcvt.s32.f32 v6  }
0x72: {  	[dreg:$0x11] =	wrdreg s10;
	s10 =	sadd.s32 $0xA200, s3;
	s1 =	sor.u32 $0x4200, s1;
	v3 =	vsub.f32 v1, v3;
	v5 =	vsub.f32 v2, v5  }
0x73: {  	v2 =	vmov s1;
	v1 =	vmov s10;
	v4 =	vsub.f32 v4, v6  }
0x74: {  	v7 =	vsub.f32 $1.000000000e+00, v3;
	vm0 =	vlt.f32 v5, $0.0e+00;
	vm1 =	vgt.f32 v5, $0.0e+00  }
0x75: {  	v6 =	vand.u32 $0x80000000, v3;
	v8 =	vand.u32 $0x80000000, v5;
	v9 =	vsub.f32 $1.000000000e+00, v4  }
0x76: {  	v10 =	vand.u32 $0x80000000, v4;
	vm2 =	vgt.f32 v4, $0.0e+00;
	vm3 =	vlt.f32 v4, $0.0e+00  }
0x77: {  	v11 =	vsub.f32 $1.000000000e+00, v5;
	vm0 =	vmor vm1, vm0;
	v8 =	vor.u32 v8, v0  }
0x78: {  	vm1 =	vlt.f32 v3, $0.0e+00;
	v10 =	vor.u32 v10, v0;
	vm2 =	vmor vm2, vm3  }
0x79: {  	vm3 =	vgt.f32 v3, $0.0e+00;
	v6 =	vor.u32 v6, v0;
	v10 =	vsel vm2, v10, v4  }
0x7a: {  	vm1 =	vmor vm3, vm1;
	v8 =	vsel vm0, v8, v5;
	v10 =	vmul.f32 $6.400000000e+01, v10  }
0x7b: {  	v12 =	vmul.f32 v11, v9;
	v6 =	vsel vm1, v6, v3;
	v8 =	vmul.f32 $6.400000000e+01, v8  }
0x7c: {  	s13 =	simm.s32 $0x0;
	v14 =	vmul.f32 v7, v11;
	v6 =	vmul.f32 $6.400000000e+01, v6;
	v13 =	vsub.f32 $0.0e+00, v10  }
0x7d: {  	s16 =	sand.u32 $0xFFFFFC00, s13;
	v16 =	vmul.f32 v7, v9;
	v15 =	vmul.f32 v7, v12;
	v17 =	vsub.f32 $0.0e+00, v8  }
0x7e: {  	s11 =	sor.u32 s5, s16;
	s8 =	sadd.s32 s16, s10;
	v18 =	vsub.f32 $0.0e+00, v6;
	v19 =	vmul.f32 v14, v13  }
0x7f: {  	[dreg:$0x16] =	wrdreg s12;
	s12 =	sadd.s32 $0x3000, s8;
	[tilespmem:v2+s11+$0x0 ss:$0x1] =	vst.idx.msk $0xffff, v15;
	v45 =	vmul.f32 v17, v16  }
0x80: {  	s13 =	sadd.s32 $0x6000, s8;
	s15 =	sadd.s32 s5, s12;
	v21 =	vmul.f32 v3, v11;
	v20 =	vmul.f32 v18, v12;
	[tilespmem:v1+s11+$0x0 ss:$0x1] =	vst.idx.msk $0xffff, v19  }
0x81: {  	s17 =	sadd.s32 s5, s13;
	v46 =	vmul.f32 v3, v9;
	v22 =	vmul.f32 v12, v3;
	[tilespmem:s15+$0x0] =	vst v45  }
0x82: {  	s18 =	sor.u32 $0x80, s11;
	v47 =	vmul.f32 v13, v21;
	[tilespmem:s17+$0x0] =	vst v20  }
0x83: {  	s9 =	sadd.s32 $0x3080, s8;
	v9 =	vmul.f32 v5, v9;
	v48 =	vmul.f32 v17, v46;
	[tilespmem:v2+s18+$0x0 ss:$0x1] =	vst.idx.msk $0xffff, v22  }
0x84: {  	s19 =	sadd.s32 s5, s9;
	v49 =	vmul.f32 v7, v5;
	v12 =	vmul.f32 v6, v12;
	[tilespmem:v1+s18+$0x0 ss:$0x1] =	vst.idx.msk $0xffff, v47;
	s18 =	sadd.s32 $0x6080, s8  }
0x85: {  	v50 =	vmul.f32 v7, v9;
	[tilespmem:s19+$0x0] =	vst v48;
	s20 =	sadd.s32 s5, s18  }
0x86: {  	s22 =	sor.u32 $0x100, s11;
	v51 =	vmul.f32 v49, v13;
	[tilespmem:s20+$0x0] =	vst v12  }
0x87: {  	[dreg:$0x18] =	wrdreg s3;
	s3 =	sadd.s32 $0x3100, s8;
	v52 =	vmul.f32 v16, v8;
	[tilespmem:v2+s22+$0x0 ss:$0x1] =	vst.idx.msk $0xffff, v50  }
0x88: {  	s4 =	sadd.s32 $0x6100, s8;
	s23 =	sadd.s32 s5, s3;
	v53 =	vmul.f32 v3, v5;
	v54 =	vmul.f32 v18, v9;
	[tilespmem:v1+s22+$0x0 ss:$0x1] =	vst.idx.msk $0xffff, v51  }
0x89: {  	s24 =	sadd.s32 s5, s4;
	v55 =	vmul.f32 v3, v9;
	[tilespmem:s23+$0x0] =	vst v52  }
0x8a: {  	s25 =	sor.u32 $0x180, s11;
	v56 =	vmul.f32 v13, v53;
	[tilespmem:s24+$0x0] =	vst v54  }
0x8b: {  	v11 =	vmul.f32 v11, v4;
	v57 =	vmul.f32 v8, v46;
	s15 =	sadd.s32 $0x3180, s8;
	[tilespmem:v2+s25+$0x0 ss:$0x1] =	vst.idx.msk $0xffff, v55  }
0x8c: {  	v9 =	vmul.f32 v6, v9;
	s17 =	sadd.s32 s5, s15;
	s19 =	sadd.s32 $0x6180, s8;
	[tilespmem:v1+s25+$0x0 ss:$0x1] =	vst.idx.msk $0xffff, v56  }
0x8d: {  	v59 =	vmul.f32 v7, v4;
	v58 =	vmul.f32 v7, v11;
	s26 =	sadd.s32 s5, s19;
	[tilespmem:s17+$0x0] =	vst v57  }
0x8e: {  	s30 =	sor.u32 $0x200, s11;
	v60 =	vmul.f32 v14, v10;
	[tilespmem:s26+$0x0] =	vst v9  }
0x8f: {  	s20 =	sadd.s32 $0x3200, s8;
	v9 =	vmul.f32 v17, v59;
	[tilespmem:v2+s30+$0x0 ss:$0x1] =	vst.idx.msk $0xffff, v58  }
0x90: {  	v61 =	vmul.f32 v18, v11;
	s22 =	sadd.s32 $0x6200, s8;
	s17 =	sadd.s32 s5, s20;
	[tilespmem:v1+s30+$0x0 ss:$0x1] =	vst.idx.msk $0xffff, v60  }
0x91: {  	v63 =	vmul.f32 v3, v4;
	v62 =	vmul.f32 v11, v3;
	s23 =	sadd.s32 s5, s22;
	[tilespmem:s17+$0x0] =	vst v9  }
0x92: {  	s24 =	sor.u32 $0x280, s11;
	v9 =	vmul.f32 v21, v10;
	[tilespmem:s23+$0x0] =	vst v61  }
0x93: {  	v4 =	vmul.f32 v5, v4;
	v5 =	vmul.f32 v17, v63;
	s26 =	sadd.s32 $0x3280, s8;
	[tilespmem:v2+s24+$0x0 ss:$0x1] =	vst.idx.msk $0xffff, v62  }
0x94: {  	v11 =	vmul.f32 v6, v11;
	s25 =	sadd.s32 s5, s26;
	s23 =	sadd.s32 $0x6280, s8;
	[tilespmem:v1+s24+$0x0 ss:$0x1] =	vst.idx.msk $0xffff, v9  }
0x95: {  	v7 =	vmul.f32 v7, v4;
	s30 =	sadd.s32 s5, s23;
	[tilespmem:s25+$0x0] =	vst v5  }
0x96: {  	s17 =	sor.u32 $0x300, s11;
	v5 =	vmul.f32 v49, v10;
	[tilespmem:s30+$0x0] =	vst v11  }
0x97: {  	v9 =	vmul.f32 v59, v8;
	s30 =	sadd.s32 $0x3300, s8;
	[tilespmem:v2+s17+$0x0 ss:$0x1] =	vst.idx.msk $0xffff, v7  }
0x98: {  	[dreg:$0x19] =	wrdreg s1;
	s1 =	sadd.s32 $0x6300, s8;
	s24 =	sadd.s32 s5, s30;
	[tilespmem:v1+s17+$0x0 ss:$0x1] =	vst.idx.msk $0xffff, v5;
	v5 =	vmul.f32 v18, v4  }
0x99: {  	v3 =	vmul.f32 v3, v4;
	s25 =	sadd.s32 s5, s1;
	[tilespmem:s24+$0x0] =	vst v9  }
0x9a: {  	s11 =	sor.u32 $0x380, s11;
	[tilespmem:s25+$0x0] =	vst v5;
	v5 =	vmul.f32 v53, v10  }
0x9b: {  	v7 =	vmul.f32 v8, v63;
	s24 =	sadd.s32 $0x3380, s8;
	[tilespmem:v2+s11+$0x0 ss:$0x1] =	vst.idx.msk $0xffff, v3  }
0x9c: {  	s25 =	sadd.s32 $0x6380, s8;
	v3 =	vmul.f32 v6, v4;
	[tilespmem:v1+s11+$0x0 ss:$0x1] =	vst.idx.msk $0xffff, v5;
	s11 =	sadd.s32 s5, s24  }
0x9d: {  	s17 =	sadd.s32 s5, s25;
	s5 =	sor.u32 $0x10, s5;
	[tilespmem:s11+$0x0] =	vst v7  }
0x9e: {  	[tilespmem:s17+$0x0] =	vst v3;
	s7 =	sadd.s32 s5, s7  }
0x9f: {  	v3 =	vld [tilespmem:s7+$0x100]  }
0xa0: {  	v4 =	vld [tilespmem:s7+$0x0]  }
0xa1: {  	v5 =	vld [tilespmem:s7+$0x80];
	_ =	sdelay $0x2  }
0xa2: {  	v3 =	vmul.f32 $6.400000000e+01, v3  }
0xa3: {  	v4 =	vmul.f32 $6.400000000e+01, v4  }
0xa4: {  	v5 =	vmul.f32 $6.400000000e+01, v5;
	v6 =	vtrunc.f32 v3  }
0xa5: {  	v7 =	vtrunc.f32 v4;
	v6 =	vcvt.f32.s32 v6  }
0xa6: {  	v7 =	vcvt.f32.s32 v7  }
0xa7: {  	v8 =	vtrunc.f32 v5;
	v6 =	vcvt.s32.f32 v6  }
0xa8: {  	v8 =	vcvt.f32.s32 v8;
	v7 =	vcvt.s32.f32 v7  }
0xa9: {  	s6 =	sadd.s32 s21, s6;
	v3 =	vsub.f32 v3, v6  }
0xaa: {  	[dreg:$0x1a] =	wrdreg s6;
	s8 =	simm.s32 $0x1;
	v4 =	vsub.f32 v4, v7;
	v6 =	vcvt.s32.f32 v8  }
0xab: {  	s17 =	sadd.s32 s5, s15;
	s21 =	sadd.s32 s5, s19;
	s7 =	simm.s32 $0x1;
	v8 =	vand.u32 $0x80000000, v3;
	vm0 =	vlt.f32 v3, $0.0e+00;
	vm1 =	vgt.f32 v3, $0.0e+00  }
0xac: {  	s20 =	sadd.s32 s5, s20;
	s19 =	sadd.s32 s5, s22;
	s7 =	simm.s32 @!p3 $0x0;
	v6 =	vsub.f32 v5, v6;
	v5 =	vsub.f32 $1.000000000e+00, v3;
	v9 =	vand.u32 $0x80000000, v4  }
0xad: {  	s11 =	sadd.s32 s5, s26;
	s6 =	sadd.s32 s5, s30;
	s28 =	sadd.s32 s7, s28;
	v7 =	vsub.f32 $1.000000000e+00, v4;
	vm2 =	vgt.f32 v4, $0.0e+00;
	vm4 =	vlt.f32 v4, $0.0e+00  }
0xae: {  	s26 =	sadd.s32 s5, s24;
	s7 =	sadd.s32 s5, s25;
	[dreg:$0x14] =	wrdreg s28;
	v9 =	vor.u32 v9, v0;
	v10 =	vand.u32 $0x80000000, v6;
	vm3 =	vlt.f32 v6, $0.0e+00  }
.LBB2_5:
0xaf: {  	v11 =	vsub.f32 $1.000000000e+00, v6  }
0xb0: {  	vm2 =	vmor vm2, vm4;
	vm4 =	vgt.f32 v6, $0.0e+00;
	v10 =	vor.u32 v10, v0  }
0xb1: {  	v8 =	vor.u32 v8, v0;
	vm3 =	vmor vm4, vm3;
	v9 =	vsel vm2, v9, v4  }
0xb2: {  	vm0 =	vmor vm1, vm0;
	v10 =	vsel vm3, v10, v6;
	v9 =	vmul.f32 $6.400000000e+01, v9  }
0xb3: {  	v8 =	vsel vm0, v8, v3;
	v12 =	vmul.f32 v11, v7;
	v10 =	vmul.f32 $6.400000000e+01, v10  }
0xb4: {  	v14 =	vmul.f32 v5, v11;
	v8 =	vmul.f32 $6.400000000e+01, v8;
	v18 =	vsub.f32 $0.0e+00, v9  }
0xb5: {  	v13 =	vmul.f32 v5, v7;
	v15 =	vmul.f32 v5, v12;
	v16 =	vsub.f32 $0.0e+00, v10  }
0xb6: {  	s16 =	sor.u32 s16, s5;
	v21 =	vmul.f32 v3, v7;
	v20 =	vsub.f32 $0.0e+00, v8;
	v22 =	vmul.f32 v14, v18  }
0xb7: {  	v28 =	vmul.f32 v13, v10;
	[tilespmem:v2+s16+$0x0 ss:$0x1] =	vst.idx.msk $0xffff, v15;
	v13 =	vmul.f32 v16, v13  }
0xb8: {  	s12 =	sadd.s32 s5, s12;
	v17 =	vmul.f32 v3, v11;
	v29 =	vmul.f32 v20, v12;
	[tilespmem:v1+s16+$0x0 ss:$0x1] =	vst.idx.msk $0xffff, v22  }
0xb9: {  	s13 =	sadd.s32 s5, s13;
	v23 =	vmul.f32 v8, v12;
	v12 =	vmul.f32 v12, v3;
	[tilespmem:s12+$0x0] =	vst v13  }
0xba: {  	s22 =	sor.u32 $0x80, s16;
	v32 =	vmul.f32 v18, v17;
	[tilespmem:s13+$0x0] =	vst v29  }
0xbb: {  	v7 =	vmul.f32 v6, v7;
	v24 =	vmul.f32 v16, v21;
	[tilespmem:v2+s22+$0x0 ss:$0x1] =	vst.idx.msk $0xffff, v12  }
0xbc: {  	s9 =	sadd.s32 s5, s9;
	v19 =	vmul.f32 v5, v6;
	[tilespmem:v1+s22+$0x0 ss:$0x1] =	vst.idx.msk $0xffff, v32  }
0xbd: {  	s24 =	sadd.s32 s5, s18;
	v34 =	vmul.f32 v5, v7;
	[tilespmem:s9+$0x0] =	vst v24  }
0xbe: {  	s25 =	sor.u32 $0x100, s16;
	v36 =	vmul.f32 v19, v18;
	[tilespmem:s24+$0x0] =	vst v23  }
0xbf: {  	v31 =	vmul.f32 v3, v6;
	v35 =	vmul.f32 v8, v7;
	[tilespmem:v2+s25+$0x0 ss:$0x1] =	vst.idx.msk $0xffff, v34  }
0xc0: {  	s3 =	sadd.s32 s5, s3;
	v25 =	vmul.f32 v3, v7;
	v7 =	vmul.f32 v20, v7;
	[tilespmem:v1+s25+$0x0 ss:$0x1] =	vst.idx.msk $0xffff, v36  }
0xc1: {  	s28 =	sadd.s32 s5, s4;
	v33 =	vmul.f32 v5, v4;
	[tilespmem:s3+$0x0] =	vst v28  }
0xc2: {  	s30 =	sor.u32 $0x180, s16;
	v11 =	vmul.f32 v11, v4;
	[tilespmem:s28+$0x0] =	vst v7;
	v7 =	vmul.f32 v18, v31  }
0xc3: {  	v6 =	vmul.f32 v6, v4;
	v30 =	vmul.f32 v10, v21;
	[tilespmem:v2+s30+$0x0 ss:$0x1] =	vst.idx.msk $0xffff, v25  }
0xc4: {  	v4 =	vmul.f32 v3, v4;
	v37 =	vmul.f32 v5, v11;
	[tilespmem:v1+s30+$0x0 ss:$0x1] =	vst.idx.msk $0xffff, v7  }
0xc5: {  	v26 =	vmul.f32 v8, v11;
	v40 =	vmul.f32 v33, v10;
	[tilespmem:s17+$0x0] =	vst v30  }
0xc6: {  	s4 =	sor.u32 $0x200, s16;
	v14 =	vmul.f32 v14, v9;
	v7 =	vmul.f32 v8, v6;
	[tilespmem:s21+$0x0] =	vst v35  }
0xc7: {  	v8 =	vmul.f32 v10, v4;
	v10 =	vmul.f32 v16, v33;
	[tilespmem:v2+s4+$0x0 ss:$0x1] =	vst.idx.msk $0xffff, v37  }
0xc8: {  	v38 =	vmul.f32 v11, v3;
	v11 =	vmul.f32 v20, v11;
	[tilespmem:v1+s4+$0x0 ss:$0x1] =	vst.idx.msk $0xffff, v14  }
0xc9: {  	[tilespmem:s20+$0x0] =	vst v10  }
0xca: {  	v17 =	vmul.f32 v17, v9;
	s9 =	sor.u32 $0x280, s16;
	[tilespmem:s19+$0x0] =	vst v11  }
0xcb: {  	v4 =	vmul.f32 v16, v4;
	[tilespmem:v2+s9+$0x0 ss:$0x1] =	vst.idx.msk $0xffff, v38  }
0xcc: {  	[tilespmem:v1+s9+$0x0 ss:$0x1] =	vst.idx.msk $0xffff, v17  }
0xcd: {  	s18 =	sadd.s32 s5, s23;
	v5 =	vmul.f32 v5, v6;
	[tilespmem:s11+$0x0] =	vst v4  }
0xce: {  	v39 =	vmul.f32 v19, v9;
	s20 =	sor.u32 $0x300, s16;
	[tilespmem:s18+$0x0] =	vst v26  }
0xcf: {  	[tilespmem:v2+s20+$0x0 ss:$0x1] =	vst.idx.msk $0xffff, v5  }
0xd0: {  	v4 =	vmul.f32 v20, v6;
	[tilespmem:v1+s20+$0x0 ss:$0x1] =	vst.idx.msk $0xffff, v39  }
0xd1: {  	s1 =	sadd.s32 s5, s1;
	v3 =	vmul.f32 v3, v6;
	[tilespmem:s6+$0x0] =	vst v40  }
0xd2: {  	s15 =	smov.u32 s8;
	v9 =	vmul.f32 v31, v9;
	s21 =	sor.u32 $0x380, s16;
	[tilespmem:s1+$0x0] =	vst v4  }
0xd3: {  	s13 =	sshll.u32 s15, $0x7;
	[tilespmem:v2+s21+$0x0 ss:$0x1] =	vst.idx.msk $0xffff, v3  }
0xd4: {  	s14 =	sadd.s32 $0x20, s14;
	s12 =	rddreg [dreg:$0x4];
	s17 =	sand.u32 $0x3FFFFE00, s13;
	[tilespmem:v1+s21+$0x0 ss:$0x1] =	vst.idx.msk $0xffff, v9  }
0xd5: {  	s19 =	sand.u32 $0x60, s14;
	s11 =	sadd.s32 s17, s12;
	[tilespmem:s26+$0x0] =	vst v8  }
0xd6: {  	s4 =	sadd.s32 s19, s11;
	[tilespmem:s7+$0x0] =	vst v7  }
0xd7: {  	v3 =	vld [tilespmem:s4+$0x0]  }
0xd8: {  	v4 =	vld [tilespmem:s4+$0x100]  }
0xd9: {  	v5 =	vld [tilespmem:s4+$0x80];
	_ =	sdelay $0x3  }
0xda: {  	v4 =	vmul.f32 $6.400000000e+01, v4  }
0xdb: {  	v6 =	vmul.f32 $6.400000000e+01, v3;
	v3 =	vmul.f32 $6.400000000e+01, v5  }
0xdc: {  	v5 =	vtrunc.f32 v4  }
0xdd: {  	v7 =	vtrunc.f32 v3;
	v8 =	vtrunc.f32 v6  }
0xde: {  	v5 =	vcvt.f32.s32 v5;
	v7 =	vcvt.f32.s32 v7  }
0xdf: {  	v8 =	vcvt.f32.s32 v8  }
0xe0: {  	v5 =	vcvt.s32.f32 v5;
	v7 =	vcvt.s32.f32 v7  }
0xe1: {  	v8 =	vcvt.s32.f32 v8  }
0xe2: {  	v7 =	vsub.f32 v3, v7;
	v3 =	vsub.f32 v4, v5  }
0xe3: {  	v6 =	vsub.f32 v6, v8  }
0xe4: {  	v5 =	vsub.f32 $1.000000000e+00, v3;
	vm0 =	vlt.f32 v7, $0.0e+00;
	vm1 =	vgt.f32 v7, $0.0e+00  }
0xe5: {  	v4 =	vand.u32 $0x80000000, v3;
	v8 =	vand.u32 $0x80000000, v7;
	v11 =	vsub.f32 $1.000000000e+00, v6  }
0xe6: {  	v41 =	vsub.f32 $1.000000000e+00, v7;
	v42 =	vand.u32 $0x80000000, v6;
	vm2 =	vgt.f32 v6, $0.0e+00  }
0xe7: {  	vm3 =	vlt.f32 v6, $0.0e+00;
	vm4 =	vgt.f32 v3, $0.0e+00;
	vm0 =	vmor vm1, vm0  }
0xe8: {  	v8 =	vor.u32 v8, v0;
	v13 =	vor.u32 v42, v0;
	vm2 =	vmor vm2, vm3  }
0xe9: {  	vm1 =	vlt.f32 v3, $0.0e+00;
	v4 =	vor.u32 v4, v0;
	v13 =	vsel vm2, v13, v6  }
0xea: {  	vm1 =	vmor vm4, vm1;
	v8 =	vsel vm0, v8, v7;
	v13 =	vmul.f32 $6.400000000e+01, v13  }
0xeb: {  	v43 =	vmul.f32 v41, v11;
	v4 =	vsel vm1, v4, v3;
	v8 =	vmul.f32 $6.400000000e+01, v8  }
0xec: {  	s22 =	sshll.u32 s15, $0x8;
	v51 =	vmul.f32 v5, v41;
	v44 =	vmul.f32 $6.400000000e+01, v4;
	v50 =	vsub.f32 $0.0e+00, v13  }
0xed: {  	s16 =	sand.u32 $0xFFFFFC00, s22;
	v48 =	vmul.f32 v5, v11;
	v46 =	vmul.f32 v5, v43;
	v52 =	vsub.f32 $0.0e+00, v8  }
0xee: {  	s15 =	sor.u32 s19, s16;
	s5 =	sadd.s32 s16, s10;
	v10 =	vmul.f32 v3, v7;
	v4 =	vsub.f32 $0.0e+00, v44;
	v54 =	vmul.f32 v51, v50  }
0xef: {  	s12 =	sadd.s32 $0x3000, s5;
	v30 =	vmul.f32 v3, v6;
	[tilespmem:v2+s15+$0x0 ss:$0x1] =	vst.idx.msk $0xffff, v46;
	v55 =	vmul.f32 v52, v48  }
0xf0: {  	s13 =	sadd.s32 $0x6000, s5;
	s23 =	sadd.s32 s19, s12;
	v27 =	vmul.f32 v3, v41;
	v14 =	vmul.f32 v4, v43;
	[tilespmem:v1+s15+$0x0 ss:$0x1] =	vst.idx.msk $0xffff, v54  }
0xf1: {  	s25 =	sadd.s32 s19, s13;
	v45 =	vmul.f32 v3, v11;
	v47 =	vmul.f32 v43, v3;
	[tilespmem:s23+$0x0] =	vst v55  }
0xf2: {  	s24 =	sor.u32 $0x80, s15;
	v9 =	vmul.f32 v5, v7;
	v59 =	vmul.f32 v50, v27;
	[tilespmem:s25+$0x0] =	vst v14  }
0xf3: {  	s9 =	sadd.s32 $0x3080, s5;
	v11 =	vmul.f32 v7, v11;
	v16 =	vmul.f32 v52, v45;
	[tilespmem:v2+s24+$0x0 ss:$0x1] =	vst.idx.msk $0xffff, v47  }
0xf4: {  	s28 =	sadd.s32 s19, s9;
	s18 =	sadd.s32 $0x6080, s5;
	v12 =	vmul.f32 v41, v6;
	v49 =	vmul.f32 v44, v43;
	[tilespmem:v1+s24+$0x0 ss:$0x1] =	vst.idx.msk $0xffff, v59  }
0xf5: {  	s4 =	sadd.s32 s19, s18;
	v29 =	vmul.f32 v5, v6;
	v56 =	vmul.f32 v5, v11;
	[tilespmem:s28+$0x0] =	vst v16  }
0xf6: {  	v62 =	vmul.f32 v9, v13;
	v9 =	vmul.f32 v9, v50;
	s24 =	sor.u32 $0x100, s15;
	[tilespmem:s4+$0x0] =	vst v49  }
0xf7: {  	s3 =	sadd.s32 $0x3100, s5;
	v6 =	vmul.f32 v7, v6;
	v19 =	vmul.f32 v48, v8;
	[tilespmem:v2+s24+$0x0 ss:$0x1] =	vst.idx.msk $0xffff, v56  }
0xf8: {  	v57 =	vmul.f32 v3, v11;
	s4 =	sadd.s32 $0x6100, s5;
	[tilespmem:v1+s24+$0x0 ss:$0x1] =	vst.idx.msk $0xffff, v9;
	s24 =	sadd.s32 s19, s3;
	v9 =	vmul.f32 v4, v11  }
0xf9: {  	v53 =	vmul.f32 v8, v45;
	v63 =	vmul.f32 v29, v8;
	s25 =	sadd.s32 s19, s4;
	[tilespmem:s24+$0x0] =	vst v19  }
0xfa: {  	v7 =	vmul.f32 v8, v30;
	v8 =	vmul.f32 v50, v10;
	s28 =	sor.u32 $0x180, s15;
	[tilespmem:s25+$0x0] =	vst v9  }
0xfb: {  	s6 =	sadd.s32 $0x3180, s5;
	[tilespmem:v2+s28+$0x0 ss:$0x1] =	vst.idx.msk $0xffff, v57  }
0xfc: {  	s7 =	sadd.s32 $0x6180, s5;
	v58 =	vmul.f32 v44, v11;
	s23 =	sadd.s32 s19, s6;
	[tilespmem:v1+s28+$0x0 ss:$0x1] =	vst.idx.msk $0xffff, v8  }
0xfd: {  	s21 =	sadd.s32 s19, s7;
	v60 =	vmul.f32 v5, v12;
	[tilespmem:s23+$0x0] =	vst v53  }
0xfe: {  	v22 =	vmul.f32 v51, v13;
	s25 =	sor.u32 $0x200, s15;
	[tilespmem:s21+$0x0] =	vst v58  }
0xff: {  	s24 =	sadd.s32 $0x3200, s5;
	v9 =	vmul.f32 v52, v29;
	[tilespmem:v2+s25+$0x0 ss:$0x1] =	vst.idx.msk $0xffff, v60  }
0x100: {  	v11 =	vmul.f32 v10, v13;
	v10 =	vmul.f32 v4, v12;
	s28 =	sadd.s32 s19, s24;
	[tilespmem:v1+s25+$0x0 ss:$0x1] =	vst.idx.msk $0xffff, v22;
	s25 =	sadd.s32 $0x6200, s5  }
0x101: {  	v61 =	vmul.f32 v12, v3;
	[tilespmem:s28+$0x0] =	vst v9;
	s23 =	sadd.s32 s19, s25  }
0x102: {  	v27 =	vmul.f32 v27, v13;
	s28 =	sor.u32 $0x280, s15;
	[tilespmem:s23+$0x0] =	vst v10  }
0x103: {  	s30 =	sadd.s32 $0x3280, s5;
	v9 =	vmul.f32 v52, v30;
	[tilespmem:v2+s28+$0x0 ss:$0x1] =	vst.idx.msk $0xffff, v61  }
0x104: {  	s1 =	sadd.s32 s19, s30;
	v28 =	vmul.f32 v44, v12;
	s23 =	sadd.s32 $0x6280, s5;
	[tilespmem:v1+s28+$0x0 ss:$0x1] =	vst.idx.msk $0xffff, v27  }
0x105: {  	v5 =	vmul.f32 v5, v6;
	s21 =	sadd.s32 s19, s23;
	[tilespmem:s1+$0x0] =	vst v9  }
0x106: {  	s28 =	sor.u32 $0x300, s15;
	[tilespmem:s21+$0x0] =	vst v28  }
0x107: {  	s26 =	sadd.s32 $0x3300, s5;
	[tilespmem:v2+s28+$0x0 ss:$0x1] =	vst.idx.msk $0xffff, v5  }
0x108: {  	s20 =	sadd.s32 s19, s26;
	v4 =	vmul.f32 v4, v6;
	s1 =	sadd.s32 $0x6300, s5;
	[tilespmem:v1+s28+$0x0 ss:$0x1] =	vst.idx.msk $0xffff, v62  }
0x109: {  	v3 =	vmul.f32 v3, v6;
	s21 =	sadd.s32 s19, s1;
	[tilespmem:s20+$0x0] =	vst v63  }
0x10a: {  	s15 =	sor.u32 $0x380, s15;
	[tilespmem:s21+$0x0] =	vst v4  }
0x10b: {  	s22 =	sadd.s32 $0x3380, s5;
	[tilespmem:v2+s15+$0x0 ss:$0x1] =	vst.idx.msk $0xffff, v3  }
0x10c: {  	s17 =	sadd.s32 s19, s22;
	v8 =	vmul.f32 v44, v6;
	[tilespmem:v1+s15+$0x0 ss:$0x1] =	vst.idx.msk $0xffff, v11;
	s15 =	sadd.s32 $0x6380, s5  }
0x10d: {  	s5 =	sor.u32 $0x10, s19;
	[tilespmem:s17+$0x0] =	vst v7;
	s28 =	sadd.s32 s19, s15  }
0x10e: {  	[tilespmem:s28+$0x0] =	vst v8;
	s28 =	sadd.s32 s5, s11  }
0x10f: {  	v3 =	vld [tilespmem:s28+$0x100]  }
0x110: {  	v4 =	vld [tilespmem:s28+$0x0]  }
0x111: {  	v5 =	vld [tilespmem:s28+$0x80];
	_ =	sdelay $0x2  }
0x112: {  	v3 =	vmul.f32 $6.400000000e+01, v3  }
0x113: {  	v4 =	vmul.f32 $6.400000000e+01, v4  }
0x114: {  	v5 =	vmul.f32 $6.400000000e+01, v5;
	v6 =	vtrunc.f32 v3  }
0x115: {  	v7 =	vtrunc.f32 v4;
	v6 =	vcvt.f32.s32 v6  }
0x116: {  	v7 =	vcvt.f32.s32 v7  }
0x117: {  	v8 =	vtrunc.f32 v5;
	v6 =	vcvt.s32.f32 v6  }
0x118: {  	v8 =	vcvt.f32.s32 v8;
	v7 =	vcvt.s32.f32 v7  }
0x119: {  	p3 =	sne.s32 s8, $0x2F;
	v3 =	vsub.f32 v3, v6  }
.Ltmp5:
0x11a: {  	v4 =	vsub.f32 v4, v7;
	v6 =	vcvt.s32.f32 v8;
	(pc) =	sbr.rel @p3 .LBB2_5-.Ltmp5, $4  }
0x11b: {  	v8 =	vand.u32 $0x80000000, v3;
	vm0 =	vlt.f32 v3, $0.0e+00;
	vm1 =	vgt.f32 v3, $0.0e+00  }
0x11c: {  	s8 =	sadd.s32 $0x1, s8;
	s17 =	sadd.s32 s5, s6;
	s21 =	sadd.s32 s5, s7;
	v6 =	vsub.f32 v5, v6;
	v5 =	vsub.f32 $1.000000000e+00, v3;
	v9 =	vand.u32 $0x80000000, v4  }
0x11d: {  	s20 =	sadd.s32 s5, s24;
	s19 =	sadd.s32 s5, s25;
	s6 =	sadd.s32 s5, s26;
	v7 =	vsub.f32 $1.000000000e+00, v4;
	vm2 =	vgt.f32 v4, $0.0e+00;
	vm4 =	vlt.f32 v4, $0.0e+00  }
0x11e: {  	s26 =	sadd.s32 s5, s22;
	s7 =	sadd.s32 s5, s15;
	s11 =	sadd.s32 s5, s30;
	v9 =	vor.u32 v9, v0;
	v10 =	vand.u32 $0x80000000, v6;
	vm3 =	vlt.f32 v6, $0.0e+00  }
0x11f: {  	v11 =	vsub.f32 $1.000000000e+00, v6  }
0x120: {  	vm2 =	vmor vm2, vm4;
	vm15 =	vgt.f32 v6, $0.0e+00;
	v10 =	vor.u32 v10, v0  }
0x121: {  	v8 =	vor.u32 v8, v0;
	vm3 =	vmor vm15, vm3;
	v9 =	vsel vm2, v9, v4  }
0x122: {  	vm0 =	vmor vm1, vm0;
	v10 =	vsel vm3, v10, v6;
	v9 =	vmul.f32 $6.400000000e+01, v9  }
0x123: {  	v8 =	vsel vm0, v8, v3;
	v12 =	vmul.f32 v11, v7;
	v10 =	vmul.f32 $6.400000000e+01, v10  }
0x124: {  	v13 =	vmul.f32 v5, v11;
	v8 =	vmul.f32 $6.400000000e+01, v8;
	v14 =	vsub.f32 $0.0e+00, v9  }
0x125: {  	v15 =	vmul.f32 v5, v7;
	v16 =	vmul.f32 v5, v12;
	v17 =	vsub.f32 $0.0e+00, v10  }
0x126: {  	s8 =	sor.u32 s16, s5;
	v18 =	vsub.f32 $0.0e+00, v8;
	v19 =	vmul.f32 v13, v14  }
0x127: {  	[tilespmem:v2+s8+$0x0 ss:$0x1] =	vst.idx.msk $0xffff, v16;
	v36 =	vmul.f32 v17, v15  }
0x128: {  	s12 =	sadd.s32 s5, s12;
	v20 =	vmul.f32 v3, v11;
	v37 =	vmul.f32 v18, v12;
	[tilespmem:v1+s8+$0x0 ss:$0x1] =	vst.idx.msk $0xffff, v19  }
0x129: {  	v21 =	vmul.f32 v3, v7;
	s30 =	sadd.s32 s5, s13;
	v38 =	vmul.f32 v12, v3;
	[tilespmem:s12+$0x0] =	vst v36  }
0x12a: {  	s13 =	sor.u32 $0x80, s8;
	v39 =	vmul.f32 v14, v20;
	[tilespmem:s30+$0x0] =	vst v37  }
0x12b: {  	v40 =	vmul.f32 v6, v7;
	v22 =	vmul.f32 v17, v21;
	[tilespmem:v2+s13+$0x0 ss:$0x1] =	vst.idx.msk $0xffff, v38  }
0x12c: {  	v41 =	vmul.f32 v5, v6;
	s9 =	sadd.s32 s5, s9;
	v12 =	vmul.f32 v8, v12;
	[tilespmem:v1+s13+$0x0 ss:$0x1] =	vst.idx.msk $0xffff, v39  }
0x12d: {  	s14 =	sadd.s32 s5, s18;
	v42 =	vmul.f32 v5, v40;
	[tilespmem:s9+$0x0] =	vst v22  }
0x12e: {  	s15 =	sor.u32 $0x100, s8;
	v43 =	vmul.f32 v41, v14;
	[tilespmem:s14+$0x0] =	vst v12  }
0x12f: {  	v15 =	vmul.f32 v15, v10;
	[tilespmem:v2+s15+$0x0 ss:$0x1] =	vst.idx.msk $0xffff, v42  }
0x130: {  	v44 =	vmul.f32 v3, v6;
	s3 =	sadd.s32 s5, s3;
	v45 =	vmul.f32 v18, v40;
	[tilespmem:v1+s15+$0x0 ss:$0x1] =	vst.idx.msk $0xffff, v43  }
0x131: {  	s16 =	sadd.s32 s5, s4;
	v46 =	vmul.f32 v3, v40;
	[tilespmem:s3+$0x0] =	vst v15  }
0x132: {  	s18 =	sor.u32 $0x180, s8;
	v47 =	vmul.f32 v14, v44;
	[tilespmem:s16+$0x0] =	vst v45  }
0x133: {  	v11 =	vmul.f32 v11, v4;
	v48 =	vmul.f32 v10, v21;
	[tilespmem:v2+s18+$0x0 ss:$0x1] =	vst.idx.msk $0xffff, v46  }
0x134: {  	v7 =	vmul.f32 v8, v40;
	[tilespmem:v1+s18+$0x0 ss:$0x1] =	vst.idx.msk $0xffff, v47  }
0x135: {  	v49 =	vmul.f32 v5, v4;
	v50 =	vmul.f32 v5, v11;
	[tilespmem:s17+$0x0] =	vst v48  }
0x136: {  	s22 =	sor.u32 $0x200, s8;
	v13 =	vmul.f32 v13, v9;
	[tilespmem:s21+$0x0] =	vst v7  }
0x137: {  	v51 =	vmul.f32 v17, v49;
	[tilespmem:v2+s22+$0x0 ss:$0x1] =	vst.idx.msk $0xffff, v50  }
0x138: {  	v52 =	vmul.f32 v18, v11;
	[tilespmem:v1+s22+$0x0 ss:$0x1] =	vst.idx.msk $0xffff, v13  }
0x139: {  	v54 =	vmul.f32 v3, v4;
	v53 =	vmul.f32 v11, v3;
	[tilespmem:s20+$0x0] =	vst v51  }
0x13a: {  	s24 =	sor.u32 $0x280, s8;
	v55 =	vmul.f32 v20, v9;
	[tilespmem:s19+$0x0] =	vst v52  }
0x13b: {  	v56 =	vmul.f32 v6, v4;
	v57 =	vmul.f32 v17, v54;
	[tilespmem:v2+s24+$0x0 ss:$0x1] =	vst.idx.msk $0xffff, v53  }
0x13c: {  	v11 =	vmul.f32 v8, v11;
	[tilespmem:v1+s24+$0x0 ss:$0x1] =	vst.idx.msk $0xffff, v55  }
0x13d: {  	s25 =	sadd.s32 s5, s23;
	v58 =	vmul.f32 v5, v56;
	[tilespmem:s11+$0x0] =	vst v57  }
0x13e: {  	s28 =	sor.u32 $0x300, s8;
	v59 =	vmul.f32 v41, v9;
	[tilespmem:s25+$0x0] =	vst v11  }
0x13f: {  	v60 =	vmul.f32 v49, v10;
	s9 =	rddreg [dreg:$0x9];
	[tilespmem:v2+s28+$0x0 ss:$0x1] =	vst.idx.msk $0xffff, v58  }
0x140: {  	v61 =	vmul.f32 v18, v56;
	p3 =	seq.s32 s31, s9;
	[tilespmem:v1+s28+$0x0 ss:$0x1] =	vst.idx.msk $0xffff, v59  }
0x141: {  	s1 =	sadd.s32 s5, s1;
	v3 =	vmul.f32 v3, v56;
	p4 =	seq.s32 @!p3 s29, s0;
	[tilespmem:s6+$0x0] =	vst v60  }
0x142: {  	v62 =	vmul.f32 v44, v9;
	s30 =	sor.u32 $0x380, s8;
	p3 =	por p3, !p4;
	[tilespmem:s1+$0x0] =	vst v61  }
.Ltmp6:
0x143: {  	v63 =	vmul.f32 v10, v54;
	[tilespmem:v2+s30+$0x0 ss:$0x1] =	vst.idx.msk $0xffff, v3;
	(pc) =	sbr.rel @p3 .LBB2_8-.Ltmp6, $4  }
0x144: {  	v2 =	vmul.f32 v8, v56;
	[tilespmem:v1+s30+$0x0 ss:$0x1] =	vst.idx.msk $0xffff, v62  }
0x145: {  	[tilespmem:s26+$0x0] =	vst v63  }
0x146: {  	[tilespmem:s7+$0x0] =	vst v2  }
0x147: {  	s1 =	simm.s32 $0x0;
	_ =	strace $0x9000004B  }
0x148: {  	s21 =	rddreg [dreg:$0x5]  }
.Ltmp7:
0x149: {  	s8 =	rddreg [dreg:$0x6];
	(pc) =	sbr.rel .LBB2_9-.Ltmp7, $4  }
0x14a: {  	s6 =	rddreg [dreg:$0x10]  }
0x14b: {  	s10 =	rddreg [dreg:$0x11]  }
0x14c: {  	s11 =	rddreg [dreg:$0x13]  }
0x14d: {  	s3 =	rddreg [dreg:$0x1a]  }
.LBB2_10:
0x14e: {  	p1 =	seq.s32 s0, $0x0  }
0x14f: {  	s1 =	rddreg [dreg:$0xa];
	s0 =	smov.u32 @p1 s8  }
0x150: {  	s0 =	sadd.s32 s0, s1  }
0x151: {  	p1 =	seq.s32 s0, $0x28B;
	s0 =	simm.s32 $0x1  }
0x152: {  	s30 =	sand.u32 $0x1, s3;
	s0 =	simm.s32 @!p1 $0xC  }
0x153: {  	_ =	strace $0x80000050;
	s1 =	sadd.s32 $0x3, s30;
	s2 =	sshll.u32 s0, $0xA  }
0x154: {  	_ =	swait.ge [sflag:s1], s2  }
0x155: {  	s2 =	ssub.s32 $0x0, s2;
	[sflag:s1] =	ssyncset.done $0x0  }
0x156: {  	[sflag:s1] =	ssyncadd.s32 s2  }
0x157: {  	s31 =	sand.u32 $0x1, s6;
	s0 =	smul.u32 $0xC00, s0;
	_ =	strace $0x90000050  }
0x158: {  	s1 =	sadd.s32 $0x5, s31;
	_ =	strace $0x80000051  }
.Ltmp8:
0x159: {  	_ =	swait.ge [sflag:s1], s0;
	(pc) =	sbr.rel @p0 .LBB2_14-.Ltmp8, $4  }
0x15a: {  	s0 =	ssub.s32 $0x0, s0;
	[sflag:s1] =	ssyncset.done $0x0  }
0x15b: {  	[sflag:s1] =	ssyncadd.s32 s0  }
0x15c: {  	_ =	strace $0x90000051  }
0x15d: {  	s1 =	rddreg [dreg:$0xf]  }
0x15e: {  	s0 =	simm.s32 $0x0  }
0x15f: {  	s1 =	simm.s32 $0x200;
	s2 =	rddreg [dreg:$0xb];
	s3 =	simm.s32 $0x3D0A00  }
0x160: {  	[tilespmem:s0], [sflag:$0x1] =	stream.strided.gather [hbm4b:s2+s1], $0x0, s3, s1, $0x38;
	[tilespmem:$0x1C200] =	vst v63  }
0x161: {  	s31 =	simm.s32 $0x1  }
0x162: {  	[tilespmem:s0], [sflag:$0x1] =	stream.linear.gather [hbm4b:s2+s0], $0x180, $0x38;
	[tilespmem:$0x1C200] =	vst v63  }
0x163: {  	_ =	swait.ge [sflag:s31], $0x180  }
0x164: {  	[sflag:s31] =	ssyncset.done $0x0  }
0x165: {  	s1 =	simm.s32 $0x0;
	[sflag:s31] =	ssyncadd.s32 $0xFFFFFE80  }
0x166: {  	v1 =	vld [tilespmem:s1+$0x100];
	_ =	sdelay $0x2  }
0x167: {  	v2 =	vld [tilespmem:s1+$0x80];
	_ =	sdelay $0x1  }
0x168: {  	v1 =	vmul.f32 $6.400000000e+01, v1  }
0x169: {  	v3 =	vld [tilespmem:s1+$0x0]  }
0x16a: {  	v4 =	vtrunc.f32 v1  }
0x16b: {  	v2 =	vmul.f32 $6.400000000e+01, v2;
	v4 =	vcvt.f32.s32 v4;
	_ =	sdelay $0x1  }
0x16c: {  	v5 =	vtrunc.f32 v2;
	v4 =	vcvt.s32.f32 v4  }
0x16d: {  	v3 =	vmul.f32 $6.400000000e+01, v3;
	v5 =	vcvt.f32.s32 v5  }
0x16e: {  	v4 =	vsub.f32 v1, v4  }
0x16f: {  	v1 =	vcvt.s32.f32 v5;
	v5 =	vtrunc.f32 v3  }
0x170: {  	v5 =	vcvt.f32.s32 v5;
	v6 =	vsub.f32 $1.000000000e+00, v4  }
0x171: {  	v7 =	vand.u32 $0x80000000, v4;
	v1 =	vsub.f32 v2, v1;
	vm0 =	vlt.f32 v4, $0.0e+00  }
0x172: {  	vm1 =	vgt.f32 v4, $0.0e+00;
	v2 =	vcvt.s32.f32 v5;
	v5 =	vor.u32 v7, v0  }
0x173: {  	vm0 =	vmor vm1, vm0;
	v7 =	vsub.f32 $1.000000000e+00, v1;
	v8 =	vand.u32 $0x80000000, v1  }
0x174: {  	vm8 =	vgt.f32 v1, $0.0e+00;
	v10 =	vmul.f32 v4, v1;
	vm2 =	vlt.f32 v1, $0.0e+00  }
0x175: {  	v13 =	vmul.f32 v6, v1;
	v2 =	vsub.f32 v3, v2;
	v3 =	vsel vm0, v5, v4  }
0x176: {  	v5 =	vor.u32 v8, v0;
	vm1 =	vmor vm8, vm2;
	v14 =	vmul.f32 v4, v7  }
0x177: {  	v15 =	vmul.f32 v6, v7;
	v5 =	vsel vm1, v5, v1;
	v3 =	vmul.f32 $6.400000000e+01, v3  }
0x178: {  	v8 =	vand.u32 $0x80000000, v2;
	v9 =	vmul.f32 v7, v2;
	vm9 =	vlt.f32 v2, $0.0e+00  }
0x179: {  	v11 =	vmul.f32 v1, v2;
	v17 =	vmul.f32 v6, v2;
	v12 =	vsub.f32 $1.000000000e+00, v2  }
0x17a: {  	vm3 =	vgt.f32 v2, $0.0e+00;
	v18 =	vmul.f32 v4, v2;
	v5 =	vmul.f32 $6.400000000e+01, v5  }
0x17b: {  	v8 =	vor.u32 v8, v0;
	v16 =	vmul.f32 v6, v9;
	v20 =	vmul.f32 v6, v12  }
0x17c: {  	s0 =	simm.s32 $0x10;
	vm0 =	vmor vm3, vm9;
	v21 =	vmul.f32 v4, v12;
	v23 =	vmul.f32 v9, v4  }
0x17d: {  	v27 =	vld [tilespmem:s0+$0x80];
	v22 =	vsub.f32 $0.0e+00, v3;
	v24 =	vmul.f32 v17, v5;
	v26 =	vmul.f32 v3, v9  }
0x17e: {  	v2 =	vsel vm0, v8, v2;
	v1 =	vmul.f32 v1, v12;
	v57 =	vmul.f32 v3, v11  }
0x17f: {  	v7 =	vmul.f32 v7, v12;
	v28 =	vmul.f32 $6.400000000e+01, v2  }
0x180: {  	v19 =	vld [tilespmem:s0+$0x100];
	v2 =	vmul.f32 v22, v11;
	v9 =	vmul.f32 v22, v9  }
0x181: {  	v8 =	vld [tilespmem:s0+$0x0];
	v25 =	vmul.f32 v20, v5;
	[tilespmem:s1+$0x400] =	vst v16;
	v16 =	vmul.f32 v5, v21  }
0x182: {  	v60 =	vsub.f32 $0.0e+00, v5;
	v12 =	vmul.f32 v4, v1;
	[tilespmem:s1+$0x480] =	vst v23;
	v23 =	vmul.f32 $6.400000000e+01, v27  }
0x183: {  	[tilespmem:s1+$0x1080] =	vst v26;
	v58 =	vmul.f32 v3, v7;
	v59 =	vmul.f32 v7, v4  }
0x184: {  	v3 =	vmul.f32 v3, v1;
	[tilespmem:s1+$0x1180] =	vst v57;
	v62 =	vmul.f32 v60, v18  }
0x185: {  	v21 =	vmul.f32 v60, v21;
	[tilespmem:s1+$0x1000] =	vst v9;
	v9 =	vmul.f32 $6.400000000e+01, v19  }
0x186: {  	v19 =	vmul.f32 v22, v1;
	v22 =	vmul.f32 v22, v7;
	[tilespmem:s1+$0x1100] =	vst v2  }
0x187: {  	v7 =	vmul.f32 v6, v7;
	[tilespmem:s1+$0x380] =	vst v12;
	v12 =	vtrunc.f32 v23  }
0x188: {  	v29 =	vsub.f32 $0.0e+00, v28;
	[tilespmem:s1+$0xF80] =	vst v3;
	v3 =	vmul.f32 v14, v28;
	v2 =	vtrunc.f32 v9  }
0x189: {  	[tilespmem:s1+$0xF00] =	vst v19;
	v12 =	vcvt.f32.s32 v12;
	v19 =	vmul.f32 v6, v1  }
0x18a: {  	[tilespmem:s1+$0xB80] =	vst v16;
	v8 =	vmul.f32 $6.400000000e+01, v8;
	v16 =	vmul.f32 v29, v10  }
0x18b: {  	[tilespmem:s1+$0x200] =	vst v7;
	v7 =	vmul.f32 v15, v28;
	v10 =	vmul.f32 v10, v28  }
0x18c: {  	[tilespmem:s1+$0xD00] =	vst v24;
	v15 =	vmul.f32 v15, v29;
	v2 =	vcvt.f32.s32 v2  }
0x18d: {  	[tilespmem:s1+$0xE00] =	vst v22;
	v12 =	vcvt.s32.f32 v12;
	v22 =	vtrunc.f32 v8  }
0x18e: {  	[tilespmem:s1+$0x800] =	vst v7;
	v7 =	vmul.f32 v6, v11;
	v2 =	vcvt.s32.f32 v2  }
0x18f: {  	[tilespmem:s1+$0xB00] =	vst v25;
	v11 =	vmul.f32 v4, v11;
	v22 =	vcvt.f32.s32 v22;
	v12 =	vsub.f32 v23, v12  }
0x190: {  	[tilespmem:s1+$0x600] =	vst v15;
	v15 =	vmul.f32 v60, v17;
	v1 =	vsub.f32 v9, v2;
	v9 =	vmul.f32 v13, v29  }
0x191: {  	[tilespmem:s1+$0x300] =	vst v19;
	v19 =	vcvt.s32.f32 v22;
	v22 =	vmul.f32 v5, v18;
	v5 =	vand.u32 $0x80000000, v12  }
0x192: {  	[tilespmem:s1+$0xE80] =	vst v58;
	vm12 =	vgt.f32 v12, $0.0e+00;
	vm14 =	vlt.f32 v12, $0.0e+00;
	v2 =	vsub.f32 $1.000000000e+00, v1  }
0x193: {  	[tilespmem:s1+$0x880] =	vst v3;
	v61 =	vand.u32 $0x80000000, v1;
	vm10 =	vlt.f32 v1, $0.0e+00;
	vm11 =	vgt.f32 v1, $0.0e+00  }
0x194: {  	[tilespmem:s1+$0x700] =	vst v9;
	v9 =	vmul.f32 v13, v28;
	v13 =	vsub.f32 $1.000000000e+00, v12;
	v23 =	vsub.f32 v8, v19  }
0x195: {  	v6 =	vor.u32 v5, v0;
	[tilespmem:s1+$0xD80] =	vst v22;
	vm1 =	vmor vm12, vm14;
	v22 =	vmul.f32 v60, v20  }
0x196: {  	[tilespmem:s1+$0x580] =	vst v11;
	v26 =	vor.u32 v61, v0;
	vm0 =	vmor vm11, vm10;
	v11 =	vsel vm1, v6, v12  }
0x197: {  	[tilespmem:s1+$0x780] =	vst v16;
	v26 =	vsel vm0, v26, v1;
	v3 =	vmul.f32 v1, v13;
	v16 =	vmul.f32 v13, v23  }
0x198: {  	[tilespmem:s1+$0x900] =	vst v9;
	v19 =	vand.u32 $0x80000000, v23;
	v9 =	vmul.f32 v1, v12;
	v8 =	vmul.f32 v12, v23  }
0x199: {  	[tilespmem:s1+$0x280] =	vst v59;
	vm13 =	vlt.f32 v23, $0.0e+00;
	v5 =	vmul.f32 v2, v13;
	v4 =	vmul.f32 v2, v23  }
0x19a: {  	[tilespmem:s1+$0x980] =	vst v10;
	vm15 =	vgt.f32 v23, $0.0e+00;
	v10 =	vmul.f32 v2, v12;
	v6 =	vmul.f32 v1, v23  }
0x19b: {  	[tilespmem:s1+$0xC80] =	vst v62;
	v11 =	vmul.f32 $6.400000000e+01, v11;
	v18 =	vsub.f32 $1.000000000e+00, v23;
	v63 =	vor.u32 v19, v0  }
0x19c: {  	[tilespmem:s1+$0x500] =	vst v7;
	vm0 =	vmor vm15, vm13;
	v17 =	vmul.f32 $6.400000000e+01, v26;
	v19 =	vmul.f32 v2, v16  }
0x19d: {  	s2 =	simm.s32 $0x80;
	[tilespmem:s1+$0xC00] =	vst v15;
	v7 =	vsub.f32 $0.0e+00, v11;
	v20 =	vsel vm0, v63, v23;
	v23 =	vmul.f32 v29, v14  }
.LBB2_12:
0x19e: {  	s3 =	sshra.s32 s2, $0x2;
	p1 =	sne.s32 s2, $0xC0;
	s2 =	sadd.s32 $0x40, s2;
	v14 =	vmul.f32 v2, v18;
	v15 =	vmul.f32 v1, v18;
	[tilespmem:s1+$0xA00] =	vst v22  }
0x19f: {  	v25 =	vmul.f32 v16, v1;
	v26 =	vmul.f32 v4, v11;
	v22 =	vld [tilespmem:s3+$0x100];
	v24 =	vsub.f32 $0.0e+00, v17;
	[tilespmem:s1+$0x680] =	vst v23  }
0x1a0: {  	v28 =	vmul.f32 v17, v16;
	v23 =	vld [tilespmem:s3+$0x0];
	v27 =	vmul.f32 v14, v11;
	[tilespmem:s1+$0xA80] =	vst v21;
	s1 =	smov.u32 s0;
	s0 =	smov.u32 s3  }
0x1a1: {  	v20 =	vmul.f32 $6.400000000e+01, v20;
	v21 =	vld [tilespmem:s0+$0x80];
	[tilespmem:s1+$0x400] =	vst v19;
	v19 =	vmul.f32 v24, v8  }
0x1a2: {  	v12 =	vmul.f32 v12, v18;
	v16 =	vmul.f32 v24, v16;
	[tilespmem:s1+$0x1080] =	vst v28  }
0x1a3: {  	v28 =	vmul.f32 v17, v8;
	[tilespmem:s1+$0xB00] =	vst v27;
	v27 =	vmul.f32 v11, v15  }
0x1a4: {  	v13 =	vmul.f32 v13, v18;
	v18 =	vmul.f32 v1, v12;
	[tilespmem:s1+$0x1000] =	vst v16  }
0x1a5: {  	v16 =	vmul.f32 $6.400000000e+01, v22;
	v22 =	vmul.f32 v24, v12;
	[tilespmem:s1+$0x480] =	vst v25  }
0x1a6: {  	v24 =	vmul.f32 v24, v13;
	v25 =	vsub.f32 $0.0e+00, v20;
	v21 =	vmul.f32 $6.400000000e+01, v21;
	[tilespmem:s1+$0x1100] =	vst v19  }
0x1a7: {  	v29 =	vmul.f32 v17, v13;
	v19 =	vtrunc.f32 v16;
	[tilespmem:s1+$0xF00] =	vst v22  }
0x1a8: {  	v19 =	vcvt.f32.s32 v19;
	v22 =	vmul.f32 v13, v1;
	[tilespmem:s1+$0x380] =	vst v18  }
0x1a9: {  	v17 =	vmul.f32 v17, v12;
	v18 =	vtrunc.f32 v21  }
0x1aa: {  	v13 =	vmul.f32 v2, v13;
	v19 =	vcvt.s32.f32 v19;
	[tilespmem:s1+$0xE80] =	vst v29  }
0x1ab: {  	v18 =	vcvt.f32.s32 v18;
	[tilespmem:s1+$0xE00] =	vst v24;
	v24 =	vmul.f32 v2, v12  }
0x1ac: {  	v23 =	vmul.f32 $6.400000000e+01, v23;
	v19 =	vsub.f32 v16, v19;
	v12 =	vmul.f32 v10, v25;
	[tilespmem:s1+$0xB80] =	vst v27  }
0x1ad: {  	v16 =	vcvt.s32.f32 v18;
	v18 =	vmul.f32 v25, v9;
	[tilespmem:s1+$0x1180] =	vst v28  }
0x1ae: {  	v29 =	vmul.f32 v5, v20;
	v27 =	vtrunc.f32 v23;
	v28 =	vsub.f32 $1.000000000e+00, v19;
	[tilespmem:s1+$0x200] =	vst v13  }
0x1af: {  	vm0 =	vlt.f32 v19, $0.0e+00;
	v13 =	vand.u32 $0x80000000, v19;
	[tilespmem:s1+$0xF80] =	vst v17;
	v17 =	vmul.f32 v3, v20  }
0x1b0: {  	v27 =	vcvt.f32.s32 v27;
	vm1 =	vgt.f32 v19, $0.0e+00;
	v30 =	vor.u32 v13, v0;
	[tilespmem:s1+$0x700] =	vst v12  }
0x1b1: {  	v10 =	vmul.f32 v10, v20;
	v20 =	vmul.f32 v9, v20;
	v12 =	vsub.f32 v21, v16;
	[tilespmem:s1+$0x300] =	vst v24  }
0x1b2: {  	v11 =	vmul.f32 v11, v6;
	vm0 =	vmor vm1, vm0;
	v9 =	vcvt.s32.f32 v27;
	[tilespmem:s1+$0x780] =	vst v18  }
0x1b3: {  	v13 =	vsub.f32 $1.000000000e+00, v12;
	v16 =	vand.u32 $0x80000000, v12;
	v18 =	vmul.f32 v2, v8;
	v2 =	vmovc v28;
	[tilespmem:s1+$0x800] =	vst v29  }
0x1b4: {  	v23 =	vsub.f32 v23, v9;
	v24 =	vsel vm0, v30, v19;
	vm1 =	vgt.f32 v12, $0.0e+00;
	[tilespmem:s1+$0x880] =	vst v17  }
0x1b5: {  	v21 =	vmul.f32 v1, v8;
	v17 =	vor.u32 v16, v0;
	v27 =	vmul.f32 v19, v13;
	[tilespmem:s1+$0x900] =	vst v10  }
0x1b6: {  	v1 =	vmovc v19;
	v9 =	vmul.f32 v19, v12;
	v28 =	vand.u32 $0x80000000, v23;
	v16 =	vmul.f32 v13, v23;
	[tilespmem:s1+$0x980] =	vst v20  }
0x1b7: {  	vm2 =	vlt.f32 v12, $0.0e+00;
	vm0 =	vlt.f32 v23, $0.0e+00;
	v8 =	vmul.f32 v12, v23;
	[tilespmem:s1+$0xD00] =	vst v26  }
0x1b8: {  	vm3 =	vgt.f32 v23, $0.0e+00;
	v20 =	vmul.f32 v5, v25;
	v5 =	vmul.f32 v2, v13;
	[tilespmem:s1+$0xD80] =	vst v11  }
0x1b9: {  	vm1 =	vmor vm1, vm2;
	v10 =	vmul.f32 v2, v12;
	v26 =	vmul.f32 v2, v23;
	[tilespmem:s1+$0x580] =	vst v21  }
.Ltmp9:
0x1ba: {  	v11 =	vsel vm1, v17, v12;
	v17 =	vmul.f32 v7, v6;
	v6 =	vmul.f32 v1, v23;
	[tilespmem:s1+$0x500] =	vst v18;
	(pc) =	sbr.rel @p1 .LBB2_12-.Ltmp9, $4  }
0x1bb: {  	v28 =	vor.u32 v28, v0;
	v19 =	vmul.f32 v2, v16;
	v11 =	vmul.f32 $6.400000000e+01, v11;
	[tilespmem:s1+$0x600] =	vst v20  }
0x1bc: {  	v29 =	vmul.f32 v7, v4;
	vm0 =	vmor vm3, vm0;
	v4 =	vmovc v26;
	v18 =	vsub.f32 $1.000000000e+00, v23;
	[tilespmem:s1+$0x280] =	vst v22  }
0x1bd: {  	v21 =	vmul.f32 v7, v15;
	v22 =	vmul.f32 v7, v14;
	v7 =	vsub.f32 $0.0e+00, v11;
	[tilespmem:s1+$0xC80] =	vst v17  }
0x1be: {  	v20 =	vsel vm0, v28, v23;
	v23 =	vmul.f32 v25, v3;
	v3 =	vmovc v27;
	v17 =	vmul.f32 $6.400000000e+01, v24;
	[tilespmem:s1+$0xC00] =	vst v29  }
0x1bf: {  	[tilespmem:s1+$0xA00] =	vst v22  }
0x1c0: {  	[tilespmem:s1+$0xA80] =	vst v21  }
0x1c1: {  	v41 =	vmul.f32 v16, v1;
	[tilespmem:s1+$0x680] =	vst v23  }
0x1c2: {  	v59 =	vmul.f32 v4, v11;
	[tilespmem:s0+$0x400] =	vst v19  }
0x1c3: {  	v60 =	vmul.f32 v11, v6;
	[tilespmem:s0+$0x480] =	vst v41  }
0x1c4: {  	v61 =	vmul.f32 v1, v8;
	[tilespmem:s0+$0xD00] =	vst v59  }
0x1c5: {  	v14 =	vmul.f32 v2, v18;
	v38 =	vmul.f32 v17, v16;
	[tilespmem:s0+$0xD80] =	vst v60  }
0x1c6: {  	v12 =	vmul.f32 v12, v18;
	v49 =	vmul.f32 v17, v8;
	[tilespmem:s0+$0x580] =	vst v61  }
0x1c7: {  	v13 =	vmul.f32 v13, v18;
	v39 =	vmul.f32 v14, v11;
	[tilespmem:s0+$0x1080] =	vst v38  }
0x1c8: {  	v45 =	vmul.f32 v1, v18;
	v44 =	vmul.f32 v1, v12;
	[tilespmem:s0+$0x1180] =	vst v49  }
0x1c9: {  	v46 =	vmul.f32 v17, v13;
	[tilespmem:s0+$0xB00] =	vst v39  }
0x1ca: {  	v48 =	vmul.f32 v11, v45;
	[tilespmem:s0+$0x380] =	vst v44  }
0x1cb: {  	v47 =	vmul.f32 $6.400000000e+01, v20;
	v51 =	vmul.f32 v2, v13;
	[tilespmem:s0+$0xE80] =	vst v46  }
0x1cc: {  	v52 =	vmul.f32 v17, v12;
	[tilespmem:s0+$0xB80] =	vst v48  }
0x1cd: {  	v55 =	vmul.f32 v5, v47;
	[tilespmem:s0+$0x200] =	vst v51  }
0x1ce: {  	v56 =	vmul.f32 v3, v47;
	[tilespmem:s0+$0xF80] =	vst v52  }
0x1cf: {  	v57 =	vmul.f32 v10, v47;
	[tilespmem:s0+$0x800] =	vst v55  }
0x1d0: {  	v58 =	vmul.f32 v9, v47;
	[tilespmem:s0+$0x880] =	vst v56  }
0x1d1: {  	v15 =	vsub.f32 $0.0e+00, v17;
	v1 =	vmul.f32 v13, v1;
	[tilespmem:s0+$0x900] =	vst v57  }
0x1d2: {  	v63 =	vmul.f32 v7, v14;
	[tilespmem:s0+$0x980] =	vst v58  }
0x1d3: {  	v40 =	vmul.f32 v15, v16;
	[tilespmem:s0+$0x280] =	vst v1  }
0x1d4: {  	v42 =	vmul.f32 v15, v8;
	[tilespmem:s0+$0xA00] =	vst v63  }
0x1d5: {  	v43 =	vmul.f32 v15, v12;
	[tilespmem:s0+$0x1000] =	vst v40  }
0x1d6: {  	v15 =	vmul.f32 v15, v13;
	[tilespmem:s0+$0x1100] =	vst v42  }
0x1d7: {  	v50 =	vsub.f32 $0.0e+00, v47;
	v12 =	vmul.f32 v2, v12;
	[tilespmem:s0+$0xF00] =	vst v43  }
0x1d8: {  	v2 =	vmul.f32 v2, v8;
	[tilespmem:s0+$0xE00] =	vst v15  }
0x1d9: {  	v53 =	vmul.f32 v10, v50;
	[tilespmem:s0+$0x300] =	vst v12  }
0x1da: {  	v54 =	vmul.f32 v50, v9;
	[tilespmem:s0+$0x500] =	vst v2  }
0x1db: {  	v62 =	vmul.f32 v5, v50;
	[tilespmem:s0+$0x700] =	vst v53  }
0x1dc: {  	v1 =	vmul.f32 v7, v4;
	[tilespmem:s0+$0x780] =	vst v54  }
0x1dd: {  	v2 =	vmul.f32 v7, v6;
	[tilespmem:s0+$0x600] =	vst v62  }
0x1de: {  	[tilespmem:s0+$0xC00] =	vst v1;
	v1 =	vmul.f32 v7, v45  }
0x1df: {  	[tilespmem:s0+$0xC80] =	vst v2;
	v2 =	vmul.f32 v50, v3  }
0x1e0: {  	s26 =	simm.s32 $0x0;
	[tilespmem:s0+$0xA80] =	vst v1  }
0x1e1: {  	s28 =	simm.s32 $0x200;
	s2 =	rddreg [dreg:$0xc];
	s29 =	simm.s32 $0x1;
	[tilespmem:s0+$0x680] =	vst v2  }
0x1e2: {  	[hbm4b:s2+s26] =	stream.linear.scatter [tilespmem:s28], [sflag:$0x1], $0x400, $0x38;
	[tilespmem:$0x1C200] =	vst v63  }
0x1e3: {  	s31 =	simm.s32 $0x400;
	_ =	swait.ge [sflag:s29], $0x400  }
0x1e4: {  	s3 =	simm.s32 $0x7A1400;
	s4 =	simm.s32 $0x600;
	[sflag:s29] =	ssyncset.done $0x0  }
.Ltmp10:
0x1e5: {  	s30 =	rddreg [dreg:$0xd];
	[sflag:s29] =	ssyncadd.s32 $0xFFFFFC00;
	(pc) =	sbr.rel .LBB2_14-.Ltmp10, $4  }
0x1e6: {  	[hbm4b:s30+s31] =	stream.strided.scatter [tilespmem:s4], [sflag:$0x1], $0xC00, s3, s31, $0x38;
	[tilespmem:$0x1C200] =	vst v63  }
0x1e7: {  	_ =	swait.ge [sflag:s29], $0xC00  }
0x1e8: {  	[sflag:s29] =	ssyncset.done $0x0  }
0x1e9: {  	s1 =	rddreg [dreg:$0xf];
	[sflag:s29] =	ssyncadd.s32 $0xFFFFF400  }
.LBB2_15:
0x1ea: {  	_ =	sfence.sel $0x180000  }
0x1eb: {  	[bflag:$0x0] =	sbarrier.arrive $0xFFFF  }
0x1ec: {  	_ =	strace $0x90000047  }
0x1ed: {  	s0 =	stileid.u32;
	[bflag:$0x2] =	sbarrier.arrive $0xFFFF  }
0x1ee: {  	p0 =	sne.s32 s0, $0x0;
	s0 =	rddreg [dreg:$0x3]  }
0x1ef: {  	s0 =	sadd.s32 @!p0 $0x100000, s0  }
0x1f0: {  	[sflag:s0] =	ssyncadd.tile.s32 @!p0 $0x1;
	_ =	shalt  }
.Lfunc_end2:
_tile_overlayer_lowered:
.L_overlay_start_2:
0x1f1: {  	(tag) =	ssettag $0x2  }
0x1f2: {  	s0 =	rddreg [dreg:$0x0];
	s2 =	stileid.u32  }
0x1f3: {  	s1 =	rddreg [dreg:$0x1];
	p0 =	sne.s32 s2, $0x0  }
0x1f4: {  	s3 =	rddreg [dreg:$0x2];
	[bflag:$0x3] =	sbarrier.arrive $0xFFFF;
	s2 =	simm.s32 @!p0 $0x1C01  }
0x1f5: {  	[timem:s3], [sflag:s2] =	dma.local @!p0 [hbm:s0], s1  }
0x1f6: {  	s0 =	simm.s32 @!p0 $0x1  }
0x1f7: {  	_ =	swait.ge @!p0 [sflag:s0], s1  }
0x1f8: {  	s1 =	ssub.s32 @!p0 $0x0, s1;
	[sflag:s0] =	ssyncset.done @!p0 $0x0  }
0x1f9: {  	[sflag:s0] =	ssyncadd.s32 @!p0 s1  }
0x1fa: {  	[bflag:$0x3] =	sbarrier.arrive $0xFFFF  }
0x1fb: {  	_ =	shalt  }

</sc_bundles>
